<compile_context>
chip_gen: v7x
topology: tpu7x:2x2x1
jax: 0.10.2.dev20260603
libtpu: 0.0.44.dev20260713+nightly
codegen_flags: <defaults>
</compile_context>

<pallas_src>
import functools

import jax
import jax.numpy as jnp
from jax import lax
from jax.experimental import pallas as pl
from jax.experimental.pallas import tpu as pltpu
from jax.experimental.pallas import tpu_sc as plsc

_N = 10000
_D = 128
_NPAD = 10112
_E = 320000
_NC = 2
_NS = 16
_NW = _NC * _NS
_EPW = 10240
_EPAD = _NW * _EPW
_K = 128
_NCHUNK = _EPW // _K
_RPS = _NPAD // _NS
_DEGW = 16
_SLICES = ((0, 128), (128, 128), (256, 128), (384, 128), (512, 120))


def _deg_body(dst_hbm, out_hbm, ones_v, zb_v, idx_v, deg_sh, sem):
    cid = lax.axis_index("c")
    sid = lax.axis_index("s")
    wid = sid * _NC + cid

    def zset(j, carry):
        zb_v[pl.ds(j * 16, 16)] = jnp.zeros((16,), jnp.float32)
        return carry

    lax.fori_loop(0, 40, zset, 0)
    for j in range(_K // 16):
        ones_v[pl.ds(j * 16, 16)] = jnp.ones((16,), jnp.float32)
    pltpu.sync_copy(zb_v.at[pl.ds(0, _RPS)],
                    deg_sh.at[pl.ds(sid * _RPS, _RPS)])
    pltpu.sync_copy(dst_hbm.at[wid], idx_v)
    plsc.subcore_barrier()

    def chunk(j, carry):
        pltpu.async_copy(ones_v, deg_sh.at[idx_v.at[j]], sem, add=True)
        return carry

    lax.fori_loop(0, _NCHUNK, chunk, 0)

    def drain(j, carry):
        pltpu.make_async_copy(ones_v, deg_sh.at[idx_v.at[0]], sem).wait()
        return carry

    lax.fori_loop(0, _NCHUNK, drain, 0)
    plsc.subcore_barrier()
    pltpu.sync_copy(deg_sh.at[pl.ds(sid * _RPS, _RPS)],
                    zb_v.at[pl.ds(0, _RPS)])
    pltpu.sync_copy(zb_v.at[pl.ds(0, _RPS)],
                    out_hbm.at[pl.ds(cid * _NPAD + sid * _RPS, _RPS)])


def _scatter_body(xs_hbm, src_hbm, dst_hbm, zrow_hbm, out_hbm, rows0_v,
                  rows1_v, sidx_v, didx_v, acc_sh, sem0, sem1):
    cid = lax.axis_index("c")
    sid = lax.axis_index("s")
    wid = sid * _NC + cid
    pltpu.sync_copy(zrow_hbm, rows0_v)
    for off, sz in _SLICES:
        pltpu.sync_copy(rows0_v.at[pl.ds(0, sz)],
                        acc_sh.at[pl.ds(sid * _RPS + off, sz)])
    plsc.subcore_barrier()

    def gather(j, rows_v, semg):
        pltpu.async_copy(xs_hbm.at[sidx_v.at[j]], rows_v, semg)

    def gwait(rows_v, semg):
        pltpu.make_async_copy(xs_hbm.at[sidx_v.at[0]], rows_v, semg).wait()

    def scat(j, rows_v):
        pltpu.sync_copy(rows_v, acc_sh.at[didx_v.at[j]], add=True)

    nh = _NCHUNK // 2
    for h in range(2):
        pltpu.sync_copy(src_hbm.at[wid, pl.ds(h * nh, nh)], sidx_v)
        pltpu.sync_copy(dst_hbm.at[wid, pl.ds(h * nh, nh)], didx_v)
        gather(0, rows0_v, sem0)

        def step(t, carry):
            j0 = 2 * t
            gather(j0 + 1, rows1_v, sem1)
            gwait(rows0_v, sem0)
            scat(j0, rows0_v)

            @pl.when(t < nh // 2 - 1)
            def _():
                gather(j0 + 2, rows0_v, sem0)

            gwait(rows1_v, sem1)
            scat(j0 + 1, rows1_v)
            return carry

        lax.fori_loop(0, nh // 2, step, 0)
    plsc.subcore_barrier()
    wb = ((rows0_v, sem0), (rows1_v, sem1))
    for i, (off, sz) in enumerate(_SLICES):
        buf, sem = wb[i % 2]
        if i >= 2:
            poff, psz = _SLICES[i - 2]
            pltpu.make_async_copy(
                buf.at[pl.ds(0, psz)],
                out_hbm.at[cid, pl.ds(sid * _RPS + poff, psz)], sem).wait()
        pltpu.sync_copy(acc_sh.at[pl.ds(sid * _RPS + off, sz)],
                        buf.at[pl.ds(0, sz)])
        pltpu.async_copy(buf.at[pl.ds(0, sz)],
                         out_hbm.at[cid, pl.ds(sid * _RPS + off, sz)], sem)
    for i in (len(_SLICES) - 2, len(_SLICES) - 1):
        off, sz = _SLICES[i]
        buf, sem = wb[i % 2]
        pltpu.make_async_copy(
            buf.at[pl.ds(0, sz)],
            out_hbm.at[cid, pl.ds(sid * _RPS + off, sz)], sem).wait()


def _sc_deg(dst_p):
    mesh = plsc.VectorSubcoreMesh(core_axis_name="c", subcore_axis_name="s",
                                  num_cores=_NC, num_subcores=_NS)
    f = functools.partial(
        pl.kernel, mesh=mesh,
        out_type=jax.ShapeDtypeStruct((_NC * _NPAD,), jnp.float32),
        scratch_types=[
            pltpu.VMEM((_K,), jnp.float32),
            pltpu.VMEM((640,), jnp.float32),
            pltpu.VMEM((_NCHUNK, _K), jnp.int32),
            pltpu.VMEM_SHARED((_NPAD,), jnp.float32),
            pltpu.SemaphoreType.DMA,
        ],
    )(_deg_body)
    return f(dst_p)


def _sc_scatter(xs, src_p, dst_p, zrow_in):
    mesh = plsc.VectorSubcoreMesh(core_axis_name="c", subcore_axis_name="s",
                                  num_cores=_NC, num_subcores=_NS)
    f = functools.partial(
        pl.kernel, mesh=mesh,
        out_type=jax.ShapeDtypeStruct((_NC, _NPAD, _D), jnp.float32),
        scratch_types=[
            pltpu.VMEM((_K, _D), jnp.float32),
            pltpu.VMEM((_K, _D), jnp.float32),
            pltpu.VMEM((_NCHUNK // 2, _K), jnp.int32),
            pltpu.VMEM((_NCHUNK // 2, _K), jnp.int32),
            pltpu.VMEM_SHARED((_NPAD, _D), jnp.float32),
            pltpu.SemaphoreType.DMA,
            pltpu.SemaphoreType.DMA,
        ],
    )(_scatter_body)
    return f(xs, src_p, dst_p, zrow_in)


def _dinv_from_deg(deg_col):
    rows = lax.broadcasted_iota(jnp.int32, (_NPAD, 1), 0)
    return jnp.where(rows < _N, lax.rsqrt(deg_col + 1.0), 0.0)


def _prep_body(x_ref, w_ref, deg_ref, xs_ref):
    dinv = _dinv_from_deg(deg_ref[...])
    xw = jnp.dot(x_ref[...], w_ref[...], preferred_element_type=jnp.float32)
    xs_ref[0:_N] = xw * dinv[0:_N]
    xs_ref[_N:_NPAD] = jnp.zeros((_NPAD - _N, _D), jnp.float32)


def _bn_relu(pre, rows):
    h = jnp.where(rows < _N, jnp.maximum(pre, 0.0), 0.0)
    mean = jnp.sum(h, axis=0, keepdims=True) * (1.0 / _N)
    d = jnp.where(rows < _N, h - mean, 0.0)
    var = jnp.sum(d * d, axis=0, keepdims=True) * (1.0 / _N)
    return d * lax.rsqrt(var + 1e-5)


def _mid_body(xs_ref, acc_ref, deg_ref, b_ref, g_ref, be_ref, w2_ref,
              out_ref):
    dinv = _dinv_from_deg(deg_ref[...])
    rows = lax.broadcasted_iota(jnp.int32, (_NPAD, 1), 0)
    pre = dinv * (xs_ref[...] + acc_ref[0] + acc_ref[1]) + b_ref[...]
    hn = _bn_relu(pre, rows) * g_ref[...] + be_ref[...]
    out_ref[...] = jnp.dot(hn, w2_ref[...],
                           preferred_element_type=jnp.float32) * dinv


_NBLK = 32
_BLKR = _NPAD // _NBLK


def _fin_body(xs_ref, acc_ref, deg_ref, b_ref, g_ref, be_ref, ib_ref,
              bounds_ref, out_ref):
    dinv = _dinv_from_deg(deg_ref[...])
    rows = lax.broadcasted_iota(jnp.int32, (_NPAD, 1), 0)
    pre = dinv * (xs_ref[...] + acc_ref[0] + acc_ref[1]) + b_ref[...]
    h2 = _bn_relu(pre, rows) * g_ref[...] + be_ref[...]
    ib = ib_ref[...]

    out_ref[...] = jnp.full((64, _D), -jnp.inf, jnp.float32)
    for b in range(_NBLK):
        blk = h2[b * _BLKR:(b + 1) * _BLKR]
        ibb = ib[b * _BLKR:(b + 1) * _BLKR]

        def seg(g, carry):
            m = jnp.max(jnp.where(ibb == g, blk, -jnp.inf), axis=0,
                        keepdims=True)
            out_ref[pl.ds(g, 1), :] = jnp.maximum(out_ref[pl.ds(g, 1), :], m)
            return carry

        lax.fori_loop(bounds_ref[b, 0], bounds_ref[b, 1] + 1, seg, 0)


def kernel(drug_feature, drug_adj, ibatch, W1, b1, W2, b2, bn1_w, bn1_b,
           bn2_w, bn2_b):
    f32 = jnp.float32
    pad_ids = (jnp.arange(_EPAD - _E, dtype=jnp.int32) % (_NPAD - _N)) + _N
    src_p = jnp.concatenate([drug_adj[0], pad_ids]).reshape(_NW, _NCHUNK, _K)
    dst_p = jnp.concatenate([drug_adj[1], pad_ids]).reshape(_NW, _NCHUNK, _K)
    ib = jnp.pad(ibatch, (0, _NPAD - _N),
                 constant_values=jnp.int32(1 << 30)).reshape(_NPAD, 1)
    zrow_in = jnp.zeros((_K, _D), f32)
    b1r, b2r = b1.reshape(1, _D), b2.reshape(1, _D)
    g1r, be1r = bn1_w.reshape(1, _D), bn1_b.reshape(1, _D)
    g2r, be2r = bn2_w.reshape(1, _D), bn2_b.reshape(1, _D)

    degp = _sc_deg(dst_p)
    deg_col = (degp[:_NPAD] + degp[_NPAD:]).reshape(_NPAD, 1)

    xs1 = pl.pallas_call(
        _prep_body,
        out_shape=jax.ShapeDtypeStruct((_NPAD, _D), f32),
    )(drug_feature, W1, deg_col)

    acc1 = _sc_scatter(xs1, src_p, dst_p, zrow_in)

    xs2 = pl.pallas_call(
        _mid_body,
        out_shape=jax.ShapeDtypeStruct((_NPAD, _D), f32),
    )(xs1, acc1, deg_col, b1r, g1r, be1r, W2)

    acc2 = _sc_scatter(xs2, src_p, dst_p, zrow_in)

    bidx = jnp.arange(0, _N, _BLKR, dtype=jnp.int32)
    bounds = jnp.stack(
        [ibatch[bidx], ibatch[jnp.minimum(bidx + _BLKR - 1, _N - 1)]], axis=1)

    vspec = pl.BlockSpec(memory_space=pltpu.VMEM)
    pooled = pl.pallas_call(
        _fin_body,
        out_shape=jax.ShapeDtypeStruct((64, _D), f32),
        in_specs=[vspec] * 7 + [pl.BlockSpec(memory_space=pltpu.SMEM)],
    )(xs2, acc2, deg_col, b2r, g2r, be2r, ib, bounds)

    return pooled

# --- scband reference (transcript-rebuilt; emitter-appended) ---
"""Pipeline reference for scband-gcn-64948495450570 (READ-ONLY COPY).

The authoritative reference and input builder live on the scoring server;
editing this copy changes nothing except your own understanding.
"""

import jax, jax.numpy as jnp
import numpy as np

N = 10000
E = 320000
D_IN = 128
D_HID = 128
D_OUT = 128
N_GRAPHS = 64


def setup_inputs(seed: int = 0) -> dict:
    key = jax.random.key(seed)
    ks = jax.random.split(key, 8)
    drug_feature = jax.random.normal(ks[0], (N, D_IN), dtype=jnp.float32)
    drug_adj = jax.random.randint(ks[1], (2, E), 0, N, dtype=jnp.int32)
    ibatch = jnp.sort(jax.random.randint(ks[2], (N,), 0, N_GRAPHS, dtype=jnp.int32))
    W1 = jax.random.normal(ks[3], (D_IN, D_HID), dtype=jnp.float32) * 0.05
    b1 = jnp.zeros((D_HID,), dtype=jnp.float32)
    W2 = jax.random.normal(ks[4], (D_HID, D_OUT), dtype=jnp.float32) * 0.05
    b2 = jnp.zeros((D_OUT,), dtype=jnp.float32)
    bn1_w = jnp.ones((D_HID,), dtype=jnp.float32)
    bn1_b = jnp.zeros((D_HID,), dtype=jnp.float32)
    bn2_w = jnp.ones((D_OUT,), dtype=jnp.float32)
    bn2_b = jnp.zeros((D_OUT,), dtype=jnp.float32)
    return {"drug_feature": drug_feature, "drug_adj": drug_adj, "ibatch": ibatch,
            "W1": W1, "b1": b1, "W2": W2, "b2": b2,
            "bn1_w": bn1_w, "bn1_b": bn1_b, "bn2_w": bn2_w, "bn2_b": bn2_b}


def gcn_conv(x, edge_index, W, b):
    # PyG-style GCNConv: add self-loops, symmetric deg^-1/2 normalization, scatter-add
    n = x.shape[0]
    loop = jnp.arange(n, dtype=edge_index.dtype)
    src = jnp.concatenate([edge_index[0], loop])
    dst = jnp.concatenate([edge_index[1], loop])
    deg = jnp.zeros((n,), dtype=x.dtype).at[dst].add(1.0)
    deg_inv_sqrt = jnp.where(deg > 0, 1.0 / jnp.sqrt(deg), 0.0)
    norm = deg_inv_sqrt[src] * deg_inv_sqrt[dst]
    xw = x @ W
    msg = xw[src] * norm[:, None]
    out = jnp.zeros((n, W.shape[1]), dtype=x.dtype).at[dst].add(msg)
    return out + b


def batchnorm1d(x, w, b, eps=1e-5):
    # training-mode batch statistics, weight=1 bias=0 as in reset_parameters
    mean = jnp.mean(x, axis=0)
    var = jnp.var(x, axis=0)
    return (x - mean) / jnp.sqrt(var + eps) * w + b


def reference(drug_feature, drug_adj, ibatch, W1, b1, W2, b2, bn1_w, bn1_b, bn2_w, bn2_b):
    h = gcn_conv(drug_feature, drug_adj, W1, b1)
    h = batchnorm1d(jax.nn.relu(h), bn1_w, bn1_b)
    # dropout is identity in eval mode
    h = gcn_conv(h, drug_adj, W2, b2)
    h = batchnorm1d(jax.nn.relu(h), bn2_w, bn2_b)
    # use_GMP=True -> global_max_pool over ibatch segments
    pooled = jax.ops.segment_max(h, ibatch, num_segments=N_GRAPHS)
    return pooled

if __name__ == "__main__":
    import jax
    _d = setup_inputs()
    print(jax.jit(kernel)(*tuple(_d.values())))

</pallas_src>

<mosaic_0001>
#map = affine_map<(d0, d1) -> (0, 0, 0)>
#map1 = affine_map<(d0, d1) -> (0)>
module attributes {stable_mosaic.version = 14 : i64} {
  func.func @_deg_body(%arg0: i32, %arg1: i32, %arg2: memref<32x80x128xi32, #tpu.memory_space<hbm>>, %arg3: memref<20224xf32, #tpu.memory_space<hbm>>, %arg4: memref<128xf32, #tpu.memory_space<vmem>>, %arg5: memref<640xf32, #tpu.memory_space<vmem>>, %arg6: memref<80x128xi32, #tpu.memory_space<vmem>>, %arg7: memref<10112xf32, #tpu.memory_space<vmem_shared>>, %arg8: memref<!tpu.dma_semaphore, #tpu.memory_space<semaphore_mem>>) attributes {dimension_semantics = [#tpu.dimension_semantics<core_parallel>, #tpu.dimension_semantics<subcore_parallel>], iteration_bounds = array<i64: 2, 16>, scalar_prefetch = 0 : i64, scratch_operands = 5 : i64, tpu.core_type = #tpu.core_type<sc_vector_subcore>, window_params = [{transform_indices = #map}, {transform_indices = #map1}]} {
    %mul3A = arith.constant 2 : i32
    %mul3A_0 = arith.muli %arg1, %mul3A : i32
    %add3A = arith.addi %mul3A_0, %arg0 : i32
    %scan3A = arith.constant 0 : i32
    %scan3A_1 = arith.constant 0 : i32
    %scan3A_2 = arith.constant 40 : i32
    %scan3A_3 = arith.addi %scan3A_1, %scan3A_2 : i32
    %scan3A_4 = arith.constant 1 : i32
    scf.for %scan3A_74 = %scan3A_1 to %scan3A_3 step %scan3A_4  : i32 {
      %broadcast_in_dim3A_75 = arith.constant 0.000000e+00 : f32
      %broadcast_in_dim3A_76 = vector.broadcast %broadcast_in_dim3A_75 : f32 to vector<16xf32>
      %mul3A_77 = arith.constant 16 : i32
      %mul3A_78 = arith.muli %scan3A_74, %mul3A_77 : i32
      %swap3A_79 = arith.index_cast %mul3A_78 : i32 to index
      %swap3A_80 = tpu.vector_load %arg5[%swap3A_79] {strides = array<i32>} : memref<640xf32, #tpu.memory_space<vmem>>, vector<16xf32>,
      %swap3A_81 = vector.shape_cast %swap3A_80 : vector<16xf32> to vector<16xf32>
      %swap3A_82 = vector.shape_cast %broadcast_in_dim3A_76 : vector<16xf32> to vector<16xf32>
      tpu.vector_store %arg5[%swap3A_79], %swap3A_82 {strides = array<i32>} : memref<640xf32, #tpu.memory_space<vmem>>, vector<16xf32>,
    }
    %scan3A_5 = arith.constant 40 : i32
    %broadcast_in_dim3A = arith.constant 1.000000e+00 : f32
    %broadcast_in_dim3A_6 = vector.broadcast %broadcast_in_dim3A : f32 to vector<16xf32>
    %swap3A = arith.constant 0 : index
    %swap3A_7 = tpu.vector_load %arg4[%swap3A] {strides = array<i32>} : memref<128xf32, #tpu.memory_space<vmem>>, vector<16xf32>,
    %swap3A_8 = vector.shape_cast %swap3A_7 : vector<16xf32> to vector<16xf32>
    %swap3A_9 = vector.shape_cast %broadcast_in_dim3A_6 : vector<16xf32> to vector<16xf32>
    tpu.vector_store %arg4[%swap3A], %swap3A_9 {strides = array<i32>} : memref<128xf32, #tpu.memory_space<vmem>>, vector<16xf32>,
    %broadcast_in_dim3A_10 = arith.constant 1.000000e+00 : f32
    %broadcast_in_dim3A_11 = vector.broadcast %broadcast_in_dim3A_10 : f32 to vector<16xf32>
    %swap3A_12 = arith.constant 16 : index
    %swap3A_13 = tpu.vector_load %arg4[%swap3A_12] {strides = array<i32>} : memref<128xf32, #tpu.memory_space<vmem>>, vector<16xf32>,
    %swap3A_14 = vector.shape_cast %swap3A_13 : vector<16xf32> to vector<16xf32>
    %swap3A_15 = vector.shape_cast %broadcast_in_dim3A_11 : vector<16xf32> to vector<16xf32>
    tpu.vector_store %arg4[%swap3A_12], %swap3A_15 {strides = array<i32>} : memref<128xf32, #tpu.memory_space<vmem>>, vector<16xf32>,
    %broadcast_in_dim3A_16 = arith.constant 1.000000e+00 : f32
    %broadcast_in_dim3A_17 = vector.broadcast %broadcast_in_dim3A_16 : f32 to vector<16xf32>
    %swap3A_18 = arith.constant 32 : index
    %swap3A_19 = tpu.vector_load %arg4[%swap3A_18] {strides = array<i32>} : memref<128xf32, #tpu.memory_space<vmem>>, vector<16xf32>,
    %swap3A_20 = vector.shape_cast %swap3A_19 : vector<16xf32> to vector<16xf32>
    %swap3A_21 = vector.shape_cast %broadcast_in_dim3A_17 : vector<16xf32> to vector<16xf32>
    tpu.vector_store %arg4[%swap3A_18], %swap3A_21 {strides = array<i32>} : memref<128xf32, #tpu.memory_space<vmem>>, vector<16xf32>,
    %broadcast_in_dim3A_22 = arith.constant 1.000000e+00 : f32
    %broadcast_in_dim3A_23 = vector.broadcast %broadcast_in_dim3A_22 : f32 to vector<16xf32>
    %swap3A_24 = arith.constant 48 : index
    %swap3A_25 = tpu.vector_load %arg4[%swap3A_24] {strides = array<i32>} : memref<128xf32, #tpu.memory_space<vmem>>, vector<16xf32>,
    %swap3A_26 = vector.shape_cast %swap3A_25 : vector<16xf32> to vector<16xf32>
    %swap3A_27 = vector.shape_cast %broadcast_in_dim3A_23 : vector<16xf32> to vector<16xf32>
    tpu.vector_store %arg4[%swap3A_24], %swap3A_27 {strides = array<i32>} : memref<128xf32, #tpu.memory_space<vmem>>, vector<16xf32>,
    %broadcast_in_dim3A_28 = arith.constant 1.000000e+00 : f32
    %broadcast_in_dim3A_29 = vector.broadcast %broadcast_in_dim3A_28 : f32 to vector<16xf32>
    %swap3A_30 = arith.constant 64 : index
    %swap3A_31 = tpu.vector_load %arg4[%swap3A_30] {strides = array<i32>} : memref<128xf32, #tpu.memory_space<vmem>>, vector<16xf32>,
    %swap3A_32 = vector.shape_cast %swap3A_31 : vector<16xf32> to vector<16xf32>
    %swap3A_33 = vector.shape_cast %broadcast_in_dim3A_29 : vector<16xf32> to vector<16xf32>
    tpu.vector_store %arg4[%swap3A_30], %swap3A_33 {strides = array<i32>} : memref<128xf32, #tpu.memory_space<vmem>>, vector<16xf32>,
    %broadcast_in_dim3A_34 = arith.constant 1.000000e+00 : f32
    %broadcast_in_dim3A_35 = vector.broadcast %broadcast_in_dim3A_34 : f32 to vector<16xf32>
    %swap3A_36 = arith.constant 80 : index
    %swap3A_37 = tpu.vector_load %arg4[%swap3A_36] {strides = array<i32>} : memref<128xf32, #tpu.memory_space<vmem>>, vector<16xf32>,
    %swap3A_38 = vector.shape_cast %swap3A_37 : vector<16xf32> to vector<16xf32>
    %swap3A_39 = vector.shape_cast %broadcast_in_dim3A_35 : vector<16xf32> to vector<16xf32>
    tpu.vector_store %arg4[%swap3A_36], %swap3A_39 {strides = array<i32>} : memref<128xf32, #tpu.memory_space<vmem>>, vector<16xf32>,
    %broadcast_in_dim3A_40 = arith.constant 1.000000e+00 : f32
    %broadcast_in_dim3A_41 = vector.broadcast %broadcast_in_dim3A_40 : f32 to vector<16xf32>
    %swap3A_42 = arith.constant 96 : index
    %swap3A_43 = tpu.vector_load %arg4[%swap3A_42] {strides = array<i32>} : memref<128xf32, #tpu.memory_space<vmem>>, vector<16xf32>,
    %swap3A_44 = vector.shape_cast %swap3A_43 : vector<16xf32> to vector<16xf32>
    %swap3A_45 = vector.shape_cast %broadcast_in_dim3A_41 : vector<16xf32> to vector<16xf32>
    tpu.vector_store %arg4[%swap3A_42], %swap3A_45 {strides = array<i32>} : memref<128xf32, #tpu.memory_space<vmem>>, vector<16xf32>,
    %broadcast_in_dim3A_46 = arith.constant 1.000000e+00 : f32
    %broadcast_in_dim3A_47 = vector.broadcast %broadcast_in_dim3A_46 : f32 to vector<16xf32>
    %swap3A_48 = arith.constant 112 : index
    %swap3A_49 = tpu.vector_load %arg4[%swap3A_48] {strides = array<i32>} : memref<128xf32, #tpu.memory_space<vmem>>, vector<16xf32>,
    %swap3A_50 = vector.shape_cast %swap3A_49 : vector<16xf32> to vector<16xf32>
    %swap3A_51 = vector.shape_cast %broadcast_in_dim3A_47 : vector<16xf32> to vector<16xf32>
    tpu.vector_store %arg4[%swap3A_48], %swap3A_51 {strides = array<i32>} : memref<128xf32, #tpu.memory_space<vmem>>, vector<16xf32>,
    %mul3A_52 = arith.constant 632 : i32
    %mul3A_53 = arith.muli %arg1, %mul3A_52 : i32
    "tpu.region"() ({
      %run_scoped3A = tpu.sem_alloc : memref<!tpu.dma_semaphore, #tpu.memory_space<semaphore_mem>>
      %dma_start3A = arith.constant 0 : i32
      %dma_start3A_74 = tpu.memref_slice %arg5[%dma_start3A] : memref<640xf32, #tpu.memory_space<vmem>> -> memref<632xf32, #tpu.memory_space<vmem>>
      %dma_start3A_75 = tpu.memref_slice %arg7[%mul3A_53] : memref<10112xf32, #tpu.memory_space<vmem_shared>> -> memref<632xf32, #tpu.memory_space<vmem_shared>>
      %dma_start3A_76 = tpu.memref_slice %arg7[%mul3A_53] : memref<10112xf32, #tpu.memory_space<vmem_shared>> -> memref<632xf32, #tpu.memory_space<vmem_shared>>
      %dma_start3A_77 = arith.constant 0 : i32
      %dma_start3A_78 = tpu.memref_slice %arg5[%dma_start3A_77] : memref<640xf32, #tpu.memory_space<vmem>> -> memref<632xf32, #tpu.memory_space<vmem>>
      tpu.enqueue_dma source(%dma_start3A_78 : memref<632xf32, #tpu.memory_space<vmem>>) target(%dma_start3A_76 : memref<632xf32, #tpu.memory_space<vmem_shared>>) target_semaphore(%run_scoped3A : memref<!tpu.dma_semaphore, #tpu.memory_space<semaphore_mem>>)
      %dma_wait3A = arith.constant 0 : i32
      %dma_wait3A_79 = tpu.memref_slice %arg5[%dma_wait3A] : memref<640xf32, #tpu.memory_space<vmem>> -> memref<632xf32, #tpu.memory_space<vmem>>
      %dma_wait3A_80 = tpu.memref_slice %arg7[%mul3A_53] : memref<10112xf32, #tpu.memory_space<vmem_shared>> -> memref<632xf32, #tpu.memory_space<vmem_shared>>
      %dma_wait3A_81 = tpu.memref_slice %arg7[%mul3A_53] : memref<10112xf32, #tpu.memory_space<vmem_shared>> -> memref<632xf32, #tpu.memory_space<vmem_shared>>
      %dma_wait3A_82 = arith.constant 0 : i32
      %dma_wait3A_83 = tpu.memref_slice %arg5[%dma_wait3A_82] : memref<640xf32, #tpu.memory_space<vmem>> -> memref<632xf32, #tpu.memory_space<vmem>>
      tpu.wait_dma2 semaphore(%run_scoped3A : memref<!tpu.dma_semaphore, #tpu.memory_space<semaphore_mem>>) src(%dma_wait3A_83 : memref<632xf32, #tpu.memory_space<vmem>>) dst(%dma_wait3A_81 : memref<632xf32, #tpu.memory_space<vmem_shared>>)
      tpu.yield
    }) : () -> ()
    "tpu.region"() ({
      %run_scoped3A = tpu.sem_alloc : memref<!tpu.dma_semaphore, #tpu.memory_space<semaphore_mem>>
      %dma_start3A = arith.constant 0 : i32
      %dma_start3A_74 = arith.constant 0 : i32
      %dma_start3A_75 = tpu.memref_slice %arg2[%add3A, %dma_start3A, %dma_start3A_74] : memref<32x80x128xi32, #tpu.memory_space<hbm>> -> memref<1x80x128xi32, #tpu.memory_space<hbm>>
      %dma_start3A_76 = tpu.memref_squeeze %dma_start3A_75 : memref<1x80x128xi32, #tpu.memory_space<hbm>> -> memref<80x128xi32, #tpu.memory_space<hbm>>
      %dma_start3A_77 = arith.constant 0 : i32
      %dma_start3A_78 = arith.constant 0 : i32
      %dma_start3A_79 = tpu.memref_slice %arg2[%add3A, %dma_start3A_77, %dma_start3A_78] : memref<32x80x128xi32, #tpu.memory_space<hbm>> -> memref<1x80x128xi32, #tpu.memory_space<hbm>>
      %dma_start3A_80 = tpu.memref_squeeze %dma_start3A_79 : memref<1x80x128xi32, #tpu.memory_space<hbm>> -> memref<80x128xi32, #tpu.memory_space<hbm>>
      tpu.enqueue_dma source(%dma_start3A_80 : memref<80x128xi32, #tpu.memory_space<hbm>>) target(%arg6 : memref<80x128xi32, #tpu.memory_space<vmem>>) target_semaphore(%run_scoped3A : memref<!tpu.dma_semaphore, #tpu.memory_space<semaphore_mem>>)
      %dma_wait3A = arith.constant 0 : i32
      %dma_wait3A_81 = arith.constant 0 : i32
      %dma_wait3A_82 = tpu.memref_slice %arg2[%add3A, %dma_wait3A, %dma_wait3A_81] : memref<32x80x128xi32, #tpu.memory_space<hbm>> -> memref<1x80x128xi32, #tpu.memory_space<hbm>>
      %dma_wait3A_83 = tpu.memref_squeeze %dma_wait3A_82 : memref<1x80x128xi32, #tpu.memory_space<hbm>> -> memref<80x128xi32, #tpu.memory_space<hbm>>
      %dma_wait3A_84 = arith.constant 0 : i32
      %dma_wait3A_85 = arith.constant 0 : i32
      %dma_wait3A_86 = tpu.memref_slice %arg2[%add3A, %dma_wait3A_84, %dma_wait3A_85] : memref<32x80x128xi32, #tpu.memory_space<hbm>> -> memref<1x80x128xi32, #tpu.memory_space<hbm>>
      %dma_wait3A_87 = tpu.memref_squeeze %dma_wait3A_86 : memref<1x80x128xi32, #tpu.memory_space<hbm>> -> memref<80x128xi32, #tpu.memory_space<hbm>>
      tpu.wait_dma2 semaphore(%run_scoped3A : memref<!tpu.dma_semaphore, #tpu.memory_space<semaphore_mem>>) src(%dma_wait3A_87 : memref<80x128xi32, #tpu.memory_space<hbm>>) dst(%arg6 : memref<80x128xi32, #tpu.memory_space<vmem>>)
      tpu.yield
    }) : () -> ()
    %barrier3A = arith.constant 0 : index
    tpu.barrier barrier_id(%barrier3A)
    %scan3A_54 = arith.constant 0 : i32
    %scan3A_55 = arith.constant 0 : i32
    %scan3A_56 = arith.constant 80 : i32
    %scan3A_57 = arith.addi %scan3A_55, %scan3A_56 : i32
    %scan3A_58 = arith.constant 1 : i32
    scf.for %scan3A_74 = %scan3A_55 to %scan3A_57 step %scan3A_58  : i32 {
      %dma_start3A = arith.constant 0 : i32
      %dma_start3A_75 = tpu.memref_slice %arg6[%scan3A_74, %dma_start3A] : memref<80x128xi32, #tpu.memory_space<vmem>> -> memref<1x128xi32, #tpu.memory_space<vmem>>
      %dma_start3A_76 = tpu.memref_squeeze %dma_start3A_75 : memref<1x128xi32, #tpu.memory_space<vmem>> -> memref<128xi32, #tpu.memory_space<vmem>>
      %dma_start3A_77 = arith.constant 0 : i32
      %dma_start3A_78 = tpu.memref_slice %arg7[%dma_start3A_77] : memref<10112xf32, #tpu.memory_space<vmem_shared>> -> memref<10112xf32, #tpu.memory_space<vmem_shared>>
      tpu.enqueue_indirect_dma source(%arg4 : memref<128xf32, #tpu.memory_space<vmem>>) target(%dma_start3A_78 : memref<10112xf32, #tpu.memory_space<vmem_shared>>) offsets(%dma_start3A_76 : memref<128xi32, #tpu.memory_space<vmem>>) semaphore(%arg8 : memref<!tpu.dma_semaphore, #tpu.memory_space<semaphore_mem>>) {add = true}
    }
    %scan3A_59 = arith.constant 80 : i32
    %scan3A_60 = arith.constant 0 : i32
    %scan3A_61 = arith.constant 0 : i32
    %scan3A_62 = arith.constant 80 : i32
    %scan3A_63 = arith.addi %scan3A_61, %scan3A_62 : i32
    %scan3A_64 = arith.constant 1 : i32
    scf.for %scan3A_74 = %scan3A_61 to %scan3A_63 step %scan3A_64  : i32 {
      %dma_wait3A = arith.constant 0 : i32
      %dma_wait3A_75 = arith.constant 0 : i32
      %dma_wait3A_76 = tpu.memref_slice %arg6[%dma_wait3A, %dma_wait3A_75] : memref<80x128xi32, #tpu.memory_space<vmem>> -> memref<1x128xi32, #tpu.memory_space<vmem>>
      %dma_wait3A_77 = tpu.memref_squeeze %dma_wait3A_76 : memref<1x128xi32, #tpu.memory_space<vmem>> -> memref<128xi32, #tpu.memory_space<vmem>>
      %dma_wait3A_78 = arith.constant 0 : i32
      %dma_wait3A_79 = tpu.memref_slice %arg7[%dma_wait3A_78] : memref<10112xf32, #tpu.memory_space<vmem_shared>> -> memref<10112xf32, #tpu.memory_space<vmem_shared>>
      tpu.wait_indirect_dma semaphore(%arg8 : memref<!tpu.dma_semaphore, #tpu.memory_space<semaphore_mem>>) src(%arg4 : memref<128xf32, #tpu.memory_space<vmem>>) dst(%dma_wait3A_79 : memref<10112xf32, #tpu.memory_space<vmem_shared>>)
    }
    %scan3A_65 = arith.constant 80 : i32
    %barrier3A_66 = arith.constant 0 : index
    tpu.barrier barrier_id(%barrier3A_66)
    %mul3A_67 = arith.constant 632 : i32
    %mul3A_68 = arith.muli %arg1, %mul3A_67 : i32
    "tpu.region"() ({
      %run_scoped3A = tpu.sem_alloc : memref<!tpu.dma_semaphore, #tpu.memory_space<semaphore_mem>>
      %dma_start3A = arith.constant 0 : i32
      %dma_start3A_74 = tpu.memref_slice %arg5[%dma_start3A] : memref<640xf32, #tpu.memory_space<vmem>> -> memref<632xf32, #tpu.memory_space<vmem>>
      %dma_start3A_75 = tpu.memref_slice %arg7[%mul3A_68] : memref<10112xf32, #tpu.memory_space<vmem_shared>> -> memref<632xf32, #tpu.memory_space<vmem_shared>>
      %dma_start3A_76 = arith.constant 0 : i32
      %dma_start3A_77 = tpu.memref_slice %arg5[%dma_start3A_76] : memref<640xf32, #tpu.memory_space<vmem>> -> memref<632xf32, #tpu.memory_space<vmem>>
      %dma_start3A_78 = tpu.memref_slice %arg7[%mul3A_68] : memref<10112xf32, #tpu.memory_space<vmem_shared>> -> memref<632xf32, #tpu.memory_space<vmem_shared>>
      tpu.enqueue_dma source(%dma_start3A_78 : memref<632xf32, #tpu.memory_space<vmem_shared>>) target(%dma_start3A_77 : memref<632xf32, #tpu.memory_space<vmem>>) target_semaphore(%run_scoped3A : memref<!tpu.dma_semaphore, #tpu.memory_space<semaphore_mem>>)
      %dma_wait3A = arith.constant 0 : i32
      %dma_wait3A_79 = tpu.memref_slice %arg5[%dma_wait3A] : memref<640xf32, #tpu.memory_space<vmem>> -> memref<632xf32, #tpu.memory_space<vmem>>
      %dma_wait3A_80 = tpu.memref_slice %arg7[%mul3A_68] : memref<10112xf32, #tpu.memory_space<vmem_shared>> -> memref<632xf32, #tpu.memory_space<vmem_shared>>
      %dma_wait3A_81 = arith.constant 0 : i32
      %dma_wait3A_82 = tpu.memref_slice %arg5[%dma_wait3A_81] : memref<640xf32, #tpu.memory_space<vmem>> -> memref<632xf32, #tpu.memory_space<vmem>>
      %dma_wait3A_83 = tpu.memref_slice %arg7[%mul3A_68] : memref<10112xf32, #tpu.memory_space<vmem_shared>> -> memref<632xf32, #tpu.memory_space<vmem_shared>>
      tpu.wait_dma2 semaphore(%run_scoped3A : memref<!tpu.dma_semaphore, #tpu.memory_space<semaphore_mem>>) src(%dma_wait3A_83 : memref<632xf32, #tpu.memory_space<vmem_shared>>) dst(%dma_wait3A_82 : memref<632xf32, #tpu.memory_space<vmem>>)
      tpu.yield
    }) : () -> ()
    %mul3A_69 = arith.constant 10112 : i32
    %mul3A_70 = arith.muli %arg0, %mul3A_69 : i32
    %mul3A_71 = arith.constant 632 : i32
    %mul3A_72 = arith.muli %arg1, %mul3A_71 : i32
    %add3A_73 = arith.addi %mul3A_70, %mul3A_72 : i32
    "tpu.region"() ({
      %run_scoped3A = tpu.sem_alloc : memref<!tpu.dma_semaphore, #tpu.memory_space<semaphore_mem>>
      %dma_start3A = arith.constant 0 : i32
      %dma_start3A_74 = tpu.memref_slice %arg5[%dma_start3A] : memref<640xf32, #tpu.memory_space<vmem>> -> memref<632xf32, #tpu.memory_space<vmem>>
      %dma_start3A_75 = tpu.memref_slice %arg3[%add3A_73] : memref<20224xf32, #tpu.memory_space<hbm>> -> memref<632xf32, #tpu.memory_space<hbm>>
      %dma_start3A_76 = tpu.memref_slice %arg3[%add3A_73] : memref<20224xf32, #tpu.memory_space<hbm>> -> memref<632xf32, #tpu.memory_space<hbm>>
      %dma_start3A_77 = arith.constant 0 : i32
      %dma_start3A_78 = tpu.memref_slice %arg5[%dma_start3A_77] : memref<640xf32, #tpu.memory_space<vmem>> -> memref<632xf32, #tpu.memory_space<vmem>>
      tpu.enqueue_dma source(%dma_start3A_78 : memref<632xf32, #tpu.memory_space<vmem>>) target(%dma_start3A_76 : memref<632xf32, #tpu.memory_space<hbm>>) target_semaphore(%run_scoped3A : memref<!tpu.dma_semaphore, #tpu.memory_space<semaphore_mem>>)
      %dma_wait3A = arith.constant 0 : i32
      %dma_wait3A_79 = tpu.memref_slice %arg5[%dma_wait3A] : memref<640xf32, #tpu.memory_space<vmem>> -> memref<632xf32, #tpu.memory_space<vmem>>
      %dma_wait3A_80 = tpu.memref_slice %arg3[%add3A_73] : memref<20224xf32, #tpu.memory_space<hbm>> -> memref<632xf32, #tpu.memory_space<hbm>>
      %dma_wait3A_81 = tpu.memref_slice %arg3[%add3A_73] : memref<20224xf32, #tpu.memory_space<hbm>> -> memref<632xf32, #tpu.memory_space<hbm>>
      %dma_wait3A_82 = arith.constant 0 : i32
      %dma_wait3A_83 = tpu.memref_slice %arg5[%dma_wait3A_82] : memref<640xf32, #tpu.memory_space<vmem>> -> memref<632xf32, #tpu.memory_space<vmem>>
      tpu.wait_dma2 semaphore(%run_scoped3A : memref<!tpu.dma_semaphore, #tpu.memory_space<semaphore_mem>>) src(%dma_wait3A_83 : memref<632xf32, #tpu.memory_space<vmem>>) dst(%dma_wait3A_81 : memref<632xf32, #tpu.memory_space<hbm>>)
      tpu.yield
    }) : () -> ()
    return
  }
}

#map = affine_map<(d0, d1) -> (0, 0)>
#map1 = affine_map<(d0, d1) -> (0, 0, 0)>
module attributes {stable_mosaic.version = 14 : i64} {
  func.func @_scatter_body(%arg0: i32, %arg1: i32, %arg2: memref<10112x128xf32, #tpu.memory_space<hbm>>, %arg3: memref<32x80x128xi32, #tpu.memory_space<hbm>>, %arg4: memref<32x80x128xi32, #tpu.memory_space<hbm>>, %arg5: memref<128x128xf32, #tpu.memory_space<hbm>>, %arg6: memref<2x10112x128xf32, #tpu.memory_space<hbm>>, %arg7: memref<128x128xf32, #tpu.memory_space<vmem>>, %arg8: memref<128x128xf32, #tpu.memory_space<vmem>>, %arg9: memref<40x128xi32, #tpu.memory_space<vmem>>, %arg10: memref<40x128xi32, #tpu.memory_space<vmem>>, %arg11: memref<10112x128xf32, #tpu.memory_space<vmem_shared>>, %arg12: memref<!tpu.dma_semaphore, #tpu.memory_space<semaphore_mem>>, %arg13: memref<!tpu.dma_semaphore, #tpu.memory_space<semaphore_mem>>) attributes {dimension_semantics = [#tpu.dimension_semantics<core_parallel>, #tpu.dimension_semantics<subcore_parallel>], iteration_bounds = array<i64: 2, 16>, scalar_prefetch = 0 : i64, scratch_operands = 7 : i64, tpu.core_type = #tpu.core_type<sc_vector_subcore>, window_params = [{transform_indices = #map}, {transform_indices = #map1}, {transform_indices = #map1}, {transform_indices = #map}, {transform_indices = #map1}]} {
    %mul3A = arith.constant 2 : i32
    %mul3A_0 = arith.muli %arg1, %mul3A : i32
    %add3A = arith.addi %mul3A_0, %arg0 : i32
    "tpu.region"() ({
      %run_scoped3A = tpu.sem_alloc : memref<!tpu.dma_semaphore, #tpu.memory_space<semaphore_mem>>
      tpu.enqueue_dma source(%arg5 : memref<128x128xf32, #tpu.memory_space<hbm>>) target(%arg7 : memref<128x128xf32, #tpu.memory_space<vmem>>) target_semaphore(%run_scoped3A : memref<!tpu.dma_semaphore, #tpu.memory_space<semaphore_mem>>)
      tpu.wait_dma2 semaphore(%run_scoped3A : memref<!tpu.dma_semaphore, #tpu.memory_space<semaphore_mem>>) src(%arg5 : memref<128x128xf32, #tpu.memory_space<hbm>>) dst(%arg7 : memref<128x128xf32, #tpu.memory_space<vmem>>)
      tpu.yield
    }) : () -> ()
    %mul3A_1 = arith.constant 632 : i32
    %mul3A_2 = arith.muli %arg1, %mul3A_1 : i32
    %add3A_3 = arith.constant 0 : i32
    %add3A_4 = arith.addi %mul3A_2, %add3A_3 : i32
    "tpu.region"() ({
      %run_scoped3A = tpu.sem_alloc : memref<!tpu.dma_semaphore, #tpu.memory_space<semaphore_mem>>
      %dma_start3A_225 = arith.constant 0 : i32
      %dma_start3A_226 = arith.constant 0 : i32
      %dma_start3A_227 = tpu.memref_slice %arg7[%dma_start3A_225, %dma_start3A_226] : memref<128x128xf32, #tpu.memory_space<vmem>> -> memref<128x128xf32, #tpu.memory_space<vmem>>
      %dma_start3A_228 = arith.constant 0 : i32
      %dma_start3A_229 = tpu.memref_slice %arg11[%add3A_4, %dma_start3A_228] : memref<10112x128xf32, #tpu.memory_space<vmem_shared>> -> memref<128x128xf32, #tpu.memory_space<vmem_shared>>
      %dma_start3A_230 = arith.constant 0 : i32
      %dma_start3A_231 = tpu.memref_slice %arg11[%add3A_4, %dma_start3A_230] : memref<10112x128xf32, #tpu.memory_space<vmem_shared>> -> memref<128x128xf32, #tpu.memory_space<vmem_shared>>
      %dma_start3A_232 = arith.constant 0 : i32
      %dma_start3A_233 = arith.constant 0 : i32
      %dma_start3A_234 = tpu.memref_slice %arg7[%dma_start3A_232, %dma_start3A_233] : memref<128x128xf32, #tpu.memory_space<vmem>> -> memref<128x128xf32, #tpu.memory_space<vmem>>
      tpu.enqueue_dma source(%dma_start3A_234 : memref<128x128xf32, #tpu.memory_space<vmem>>) target(%dma_start3A_231 : memref<128x128xf32, #tpu.memory_space<vmem_shared>>) target_semaphore(%run_scoped3A : memref<!tpu.dma_semaphore, #tpu.memory_space<semaphore_mem>>)
      %dma_wait3A_235 = arith.constant 0 : i32
      %dma_wait3A_236 = arith.constant 0 : i32
      %dma_wait3A_237 = tpu.memref_slice %arg7[%dma_wait3A_235, %dma_wait3A_236] : memref<128x128xf32, #tpu.memory_space<vmem>> -> memref<128x128xf32, #tpu.memory_space<vmem>>
      %dma_wait3A_238 = arith.constant 0 : i32
      %dma_wait3A_239 = tpu.memref_slice %arg11[%add3A_4, %dma_wait3A_238] : memref<10112x128xf32, #tpu.memory_space<vmem_shared>> -> memref<128x128xf32, #tpu.memory_space<vmem_shared>>
      %dma_wait3A_240 = arith.constant 0 : i32
      %dma_wait3A_241 = tpu.memref_slice %arg11[%add3A_4, %dma_wait3A_240] : memref<10112x128xf32, #tpu.memory_space<vmem_shared>> -> memref<128x128xf32, #tpu.memory_space<vmem_shared>>
      %dma_wait3A_242 = arith.constant 0 : i32
      %dma_wait3A_243 = arith.constant 0 : i32
      %dma_wait3A_244 = tpu.memref_slice %arg7[%dma_wait3A_242, %dma_wait3A_243] : memref<128x128xf32, #tpu.memory_space<vmem>> -> memref<128x128xf32, #tpu.memory_space<vmem>>
      tpu.wait_dma2 semaphore(%run_scoped3A : memref<!tpu.dma_semaphore, #tpu.memory_space<semaphore_mem>>) src(%dma_wait3A_244 : memref<128x128xf32, #tpu.memory_space<vmem>>) dst(%dma_wait3A_241 : memref<128x128xf32, #tpu.memory_space<vmem_shared>>)
      tpu.yield
    }) : () -> ()
    %mul3A_5 = arith.constant 632 : i32
    %mul3A_6 = arith.muli %arg1, %mul3A_5 : i32
    %add3A_7 = arith.constant 128 : i32
    %add3A_8 = arith.addi %mul3A_6, %add3A_7 : i32
    "tpu.region"() ({
      %run_scoped3A = tpu.sem_alloc : memref<!tpu.dma_semaphore, #tpu.memory_space<semaphore_mem>>
      %dma_start3A_225 = arith.constant 0 : i32
      %dma_start3A_226 = arith.constant 0 : i32
      %dma_start3A_227 = tpu.memref_slice %arg7[%dma_start3A_225, %dma_start3A_226] : memref<128x128xf32, #tpu.memory_space<vmem>> -> memref<128x128xf32, #tpu.memory_space<vmem>>
      %dma_start3A_228 = arith.constant 0 : i32
      %dma_start3A_229 = tpu.memref_slice %arg11[%add3A_8, %dma_start3A_228] : memref<10112x128xf32, #tpu.memory_space<vmem_shared>> -> memref<128x128xf32, #tpu.memory_space<vmem_shared>>
      %dma_start3A_230 = arith.constant 0 : i32
      %dma_start3A_231 = tpu.memref_slice %arg11[%add3A_8, %dma_start3A_230] : memref<10112x128xf32, #tpu.memory_space<vmem_shared>> -> memref<128x128xf32, #tpu.memory_space<vmem_shared>>
      %dma_start3A_232 = arith.constant 0 : i32
      %dma_start3A_233 = arith.constant 0 : i32
      %dma_start3A_234 = tpu.memref_slice %arg7[%dma_start3A_232, %dma_start3A_233] : memref<128x128xf32, #tpu.memory_space<vmem>> -> memref<128x128xf32, #tpu.memory_space<vmem>>
      tpu.enqueue_dma source(%dma_start3A_234 : memref<128x128xf32, #tpu.memory_space<vmem>>) target(%dma_start3A_231 : memref<128x128xf32, #tpu.memory_space<vmem_shared>>) target_semaphore(%run_scoped3A : memref<!tpu.dma_semaphore, #tpu.memory_space<semaphore_mem>>)
      %dma_wait3A_235 = arith.constant 0 : i32
      %dma_wait3A_236 = arith.constant 0 : i32
      %dma_wait3A_237 = tpu.memref_slice %arg7[%dma_wait3A_235, %dma_wait3A_236] : memref<128x128xf32, #tpu.memory_space<vmem>> -> memref<128x128xf32, #tpu.memory_space<vmem>>
      %dma_wait3A_238 = arith.constant 0 : i32
      %dma_wait3A_239 = tpu.memref_slice %arg11[%add3A_8, %dma_wait3A_238] : memref<10112x128xf32, #tpu.memory_space<vmem_shared>> -> memref<128x128xf32, #tpu.memory_space<vmem_shared>>
      %dma_wait3A_240 = arith.constant 0 : i32
      %dma_wait3A_241 = tpu.memref_slice %arg11[%add3A_8, %dma_wait3A_240] : memref<10112x128xf32, #tpu.memory_space<vmem_shared>> -> memref<128x128xf32, #tpu.memory_space<vmem_shared>>
      %dma_wait3A_242 = arith.constant 0 : i32
      %dma_wait3A_243 = arith.constant 0 : i32
      %dma_wait3A_244 = tpu.memref_slice %arg7[%dma_wait3A_242, %dma_wait3A_243] : memref<128x128xf32, #tpu.memory_space<vmem>> -> memref<128x128xf32, #tpu.memory_space<vmem>>
      tpu.wait_dma2 semaphore(%run_scoped3A : memref<!tpu.dma_semaphore, #tpu.memory_space<semaphore_mem>>) src(%dma_wait3A_244 : memref<128x128xf32, #tpu.memory_space<vmem>>) dst(%dma_wait3A_241 : memref<128x128xf32, #tpu.memory_space<vmem_shared>>)
      tpu.yield
    }) : () -> ()
    %mul3A_9 = arith.constant 632 : i32
    %mul3A_10 = arith.muli %arg1, %mul3A_9 : i32
    %add3A_11 = arith.constant 256 : i32
    %add3A_12 = arith.addi %mul3A_10, %add3A_11 : i32
    "tpu.region"() ({
      %run_scoped3A = tpu.sem_alloc : memref<!tpu.dma_semaphore, #tpu.memory_space<semaphore_mem>>
      %dma_start3A_225 = arith.constant 0 : i32
      %dma_start3A_226 = arith.constant 0 : i32
      %dma_start3A_227 = tpu.memref_slice %arg7[%dma_start3A_225, %dma_start3A_226] : memref<128x128xf32, #tpu.memory_space<vmem>> -> memref<128x128xf32, #tpu.memory_space<vmem>>
      %dma_start3A_228 = arith.constant 0 : i32
      %dma_start3A_229 = tpu.memref_slice %arg11[%add3A_12, %dma_start3A_228] : memref<10112x128xf32, #tpu.memory_space<vmem_shared>> -> memref<128x128xf32, #tpu.memory_space<vmem_shared>>
      %dma_start3A_230 = arith.constant 0 : i32
      %dma_start3A_231 = tpu.memref_slice %arg11[%add3A_12, %dma_start3A_230] : memref<10112x128xf32, #tpu.memory_space<vmem_shared>> -> memref<128x128xf32, #tpu.memory_space<vmem_shared>>
      %dma_start3A_232 = arith.constant 0 : i32
      %dma_start3A_233 = arith.constant 0 : i32
      %dma_start3A_234 = tpu.memref_slice %arg7[%dma_start3A_232, %dma_start3A_233] : memref<128x128xf32, #tpu.memory_space<vmem>> -> memref<128x128xf32, #tpu.memory_space<vmem>>
      tpu.enqueue_dma source(%dma_start3A_234 : memref<128x128xf32, #tpu.memory_space<vmem>>) target(%dma_start3A_231 : memref<128x128xf32, #tpu.memory_space<vmem_shared>>) target_semaphore(%run_scoped3A : memref<!tpu.dma_semaphore, #tpu.memory_space<semaphore_mem>>)
      %dma_wait3A_235 = arith.constant 0 : i32
      %dma_wait3A_236 = arith.constant 0 : i32
      %dma_wait3A_237 = tpu.memref_slice %arg7[%dma_wait3A_235, %dma_wait3A_236] : memref<128x128xf32, #tpu.memory_space<vmem>> -> memref<128x128xf32, #tpu.memory_space<vmem>>
      %dma_wait3A_238 = arith.constant 0 : i32
      %dma_wait3A_239 = tpu.memref_slice %arg11[%add3A_12, %dma_wait3A_238] : memref<10112x128xf32, #tpu.memory_space<vmem_shared>> -> memref<128x128xf32, #tpu.memory_space<vmem_shared>>
      %dma_wait3A_240 = arith.constant 0 : i32
      %dma_wait3A_241 = tpu.memref_slice %arg11[%add3A_12, %dma_wait3A_240] : memref<10112x128xf32, #tpu.memory_space<vmem_shared>> -> memref<128x128xf32, #tpu.memory_space<vmem_shared>>
      %dma_wait3A_242 = arith.constant 0 : i32
      %dma_wait3A_243 = arith.constant 0 : i32
      %dma_wait3A_244 = tpu.memref_slice %arg7[%dma_wait3A_242, %dma_wait3A_243] : memref<128x128xf32, #tpu.memory_space<vmem>> -> memref<128x128xf32, #tpu.memory_space<vmem>>
      tpu.wait_dma2 semaphore(%run_scoped3A : memref<!tpu.dma_semaphore, #tpu.memory_space<semaphore_mem>>) src(%dma_wait3A_244 : memref<128x128xf32, #tpu.memory_space<vmem>>) dst(%dma_wait3A_241 : memref<128x128xf32, #tpu.memory_space<vmem_shared>>)
      tpu.yield
    }) : () -> ()
    %mul3A_13 = arith.constant 632 : i32
    %mul3A_14 = arith.muli %arg1, %mul3A_13 : i32
    %add3A_15 = arith.constant 384 : i32
    %add3A_16 = arith.addi %mul3A_14, %add3A_15 : i32
    "tpu.region"() ({
      %run_scoped3A = tpu.sem_alloc : memref<!tpu.dma_semaphore, #tpu.memory_space<semaphore_mem>>
      %dma_start3A_225 = arith.constant 0 : i32
      %dma_start3A_226 = arith.constant 0 : i32
      %dma_start3A_227 = tpu.memref_slice %arg7[%dma_start3A_225, %dma_start3A_226] : memref<128x128xf32, #tpu.memory_space<vmem>> -> memref<128x128xf32, #tpu.memory_space<vmem>>
      %dma_start3A_228 = arith.constant 0 : i32
      %dma_start3A_229 = tpu.memref_slice %arg11[%add3A_16, %dma_start3A_228] : memref<10112x128xf32, #tpu.memory_space<vmem_shared>> -> memref<128x128xf32, #tpu.memory_space<vmem_shared>>
      %dma_start3A_230 = arith.constant 0 : i32
      %dma_start3A_231 = tpu.memref_slice %arg11[%add3A_16, %dma_start3A_230] : memref<10112x128xf32, #tpu.memory_space<vmem_shared>> -> memref<128x128xf32, #tpu.memory_space<vmem_shared>>
      %dma_start3A_232 = arith.constant 0 : i32
      %dma_start3A_233 = arith.constant 0 : i32
      %dma_start3A_234 = tpu.memref_slice %arg7[%dma_start3A_232, %dma_start3A_233] : memref<128x128xf32, #tpu.memory_space<vmem>> -> memref<128x128xf32, #tpu.memory_space<vmem>>
      tpu.enqueue_dma source(%dma_start3A_234 : memref<128x128xf32, #tpu.memory_space<vmem>>) target(%dma_start3A_231 : memref<128x128xf32, #tpu.memory_space<vmem_shared>>) target_semaphore(%run_scoped3A : memref<!tpu.dma_semaphore, #tpu.memory_space<semaphore_mem>>)
      %dma_wait3A_235 = arith.constant 0 : i32
      %dma_wait3A_236 = arith.constant 0 : i32
      %dma_wait3A_237 = tpu.memref_slice %arg7[%dma_wait3A_235, %dma_wait3A_236] : memref<128x128xf32, #tpu.memory_space<vmem>> -> memref<128x128xf32, #tpu.memory_space<vmem>>
      %dma_wait3A_238 = arith.constant 0 : i32
      %dma_wait3A_239 = tpu.memref_slice %arg11[%add3A_16, %dma_wait3A_238] : memref<10112x128xf32, #tpu.memory_space<vmem_shared>> -> memref<128x128xf32, #tpu.memory_space<vmem_shared>>
      %dma_wait3A_240 = arith.constant 0 : i32
      %dma_wait3A_241 = tpu.memref_slice %arg11[%add3A_16, %dma_wait3A_240] : memref<10112x128xf32, #tpu.memory_space<vmem_shared>> -> memref<128x128xf32, #tpu.memory_space<vmem_shared>>
      %dma_wait3A_242 = arith.constant 0 : i32
      %dma_wait3A_243 = arith.constant 0 : i32
      %dma_wait3A_244 = tpu.memref_slice %arg7[%dma_wait3A_242, %dma_wait3A_243] : memref<128x128xf32, #tpu.memory_space<vmem>> -> memref<128x128xf32, #tpu.memory_space<vmem>>
      tpu.wait_dma2 semaphore(%run_scoped3A : memref<!tpu.dma_semaphore, #tpu.memory_space<semaphore_mem>>) src(%dma_wait3A_244 : memref<128x128xf32, #tpu.memory_space<vmem>>) dst(%dma_wait3A_241 : memref<128x128xf32, #tpu.memory_space<vmem_shared>>)
      tpu.yield
    }) : () -> ()
    %mul3A_17 = arith.constant 632 : i32
    %mul3A_18 = arith.muli %arg1, %mul3A_17 : i32
    %add3A_19 = arith.constant 512 : i32
    %add3A_20 = arith.addi %mul3A_18, %add3A_19 : i32
    "tpu.region"() ({
      %run_scoped3A = tpu.sem_alloc : memref<!tpu.dma_semaphore, #tpu.memory_space<semaphore_mem>>
      %dma_start3A_225 = arith.constant 0 : i32
      %dma_start3A_226 = arith.constant 0 : i32
      %dma_start3A_227 = tpu.memref_slice %arg7[%dma_start3A_225, %dma_start3A_226] : memref<128x128xf32, #tpu.memory_space<vmem>> -> memref<120x128xf32, #tpu.memory_space<vmem>>
      %dma_start3A_228 = arith.constant 0 : i32
      %dma_start3A_229 = tpu.memref_slice %arg11[%add3A_20, %dma_start3A_228] : memref<10112x128xf32, #tpu.memory_space<vmem_shared>> -> memref<120x128xf32, #tpu.memory_space<vmem_shared>>
      %dma_start3A_230 = arith.constant 0 : i32
      %dma_start3A_231 = tpu.memref_slice %arg11[%add3A_20, %dma_start3A_230] : memref<10112x128xf32, #tpu.memory_space<vmem_shared>> -> memref<120x128xf32, #tpu.memory_space<vmem_shared>>
      %dma_start3A_232 = arith.constant 0 : i32
      %dma_start3A_233 = arith.constant 0 : i32
      %dma_start3A_234 = tpu.memref_slice %arg7[%dma_start3A_232, %dma_start3A_233] : memref<128x128xf32, #tpu.memory_space<vmem>> -> memref<120x128xf32, #tpu.memory_space<vmem>>
      tpu.enqueue_dma source(%dma_start3A_234 : memref<120x128xf32, #tpu.memory_space<vmem>>) target(%dma_start3A_231 : memref<120x128xf32, #tpu.memory_space<vmem_shared>>) target_semaphore(%run_scoped3A : memref<!tpu.dma_semaphore, #tpu.memory_space<semaphore_mem>>)
      %dma_wait3A_235 = arith.constant 0 : i32
      %dma_wait3A_236 = arith.constant 0 : i32
      %dma_wait3A_237 = tpu.memref_slice %arg7[%dma_wait3A_235, %dma_wait3A_236] : memref<128x128xf32, #tpu.memory_space<vmem>> -> memref<120x128xf32, #tpu.memory_space<vmem>>
      %dma_wait3A_238 = arith.constant 0 : i32
      %dma_wait3A_239 = tpu.memref_slice %arg11[%add3A_20, %dma_wait3A_238] : memref<10112x128xf32, #tpu.memory_space<vmem_shared>> -> memref<120x128xf32, #tpu.memory_space<vmem_shared>>
      %dma_wait3A_240 = arith.constant 0 : i32
      %dma_wait3A_241 = tpu.memref_slice %arg11[%add3A_20, %dma_wait3A_240] : memref<10112x128xf32, #tpu.memory_space<vmem_shared>> -> memref<120x128xf32, #tpu.memory_space<vmem_shared>>
      %dma_wait3A_242 = arith.constant 0 : i32
      %dma_wait3A_243 = arith.constant 0 : i32
      %dma_wait3A_244 = tpu.memref_slice %arg7[%dma_wait3A_242, %dma_wait3A_243] : memref<128x128xf32, #tpu.memory_space<vmem>> -> memref<120x128xf32, #tpu.memory_space<vmem>>
      tpu.wait_dma2 semaphore(%run_scoped3A : memref<!tpu.dma_semaphore, #tpu.memory_space<semaphore_mem>>) src(%dma_wait3A_244 : memref<120x128xf32, #tpu.memory_space<vmem>>) dst(%dma_wait3A_241 : memref<120x128xf32, #tpu.memory_space<vmem_shared>>)
      tpu.yield
    }) : () -> ()
    %barrier3A = arith.constant 0 : index
    tpu.barrier barrier_id(%barrier3A)
    "tpu.region"() ({
      %run_scoped3A = tpu.sem_alloc : memref<!tpu.dma_semaphore, #tpu.memory_space<semaphore_mem>>
      %dma_start3A_225 = arith.constant 0 : i32
      %dma_start3A_226 = arith.constant 0 : i32
      %dma_start3A_227 = tpu.memref_slice %arg3[%add3A, %dma_start3A_225, %dma_start3A_226] : memref<32x80x128xi32, #tpu.memory_space<hbm>> -> memref<1x40x128xi32, #tpu.memory_space<hbm>>
      %dma_start3A_228 = tpu.memref_squeeze %dma_start3A_227 : memref<1x40x128xi32, #tpu.memory_space<hbm>> -> memref<40x128xi32, #tpu.memory_space<hbm>>
      %dma_start3A_229 = arith.constant 0 : i32
      %dma_start3A_230 = arith.constant 0 : i32
      %dma_start3A_231 = tpu.memref_slice %arg3[%add3A, %dma_start3A_229, %dma_start3A_230] : memref<32x80x128xi32, #tpu.memory_space<hbm>> -> memref<1x40x128xi32, #tpu.memory_space<hbm>>
      %dma_start3A_232 = tpu.memref_squeeze %dma_start3A_231 : memref<1x40x128xi32, #tpu.memory_space<hbm>> -> memref<40x128xi32, #tpu.memory_space<hbm>>
      tpu.enqueue_dma source(%dma_start3A_232 : memref<40x128xi32, #tpu.memory_space<hbm>>) target(%arg9 : memref<40x128xi32, #tpu.memory_space<vmem>>) target_semaphore(%run_scoped3A : memref<!tpu.dma_semaphore, #tpu.memory_space<semaphore_mem>>)
      %dma_wait3A_233 = arith.constant 0 : i32
      %dma_wait3A_234 = arith.constant 0 : i32
      %dma_wait3A_235 = tpu.memref_slice %arg3[%add3A, %dma_wait3A_233, %dma_wait3A_234] : memref<32x80x128xi32, #tpu.memory_space<hbm>> -> memref<1x40x128xi32, #tpu.memory_space<hbm>>
      %dma_wait3A_236 = tpu.memref_squeeze %dma_wait3A_235 : memref<1x40x128xi32, #tpu.memory_space<hbm>> -> memref<40x128xi32, #tpu.memory_space<hbm>>
      %dma_wait3A_237 = arith.constant 0 : i32
      %dma_wait3A_238 = arith.constant 0 : i32
      %dma_wait3A_239 = tpu.memref_slice %arg3[%add3A, %dma_wait3A_237, %dma_wait3A_238] : memref<32x80x128xi32, #tpu.memory_space<hbm>> -> memref<1x40x128xi32, #tpu.memory_space<hbm>>
      %dma_wait3A_240 = tpu.memref_squeeze %dma_wait3A_239 : memref<1x40x128xi32, #tpu.memory_space<hbm>> -> memref<40x128xi32, #tpu.memory_space<hbm>>
      tpu.wait_dma2 semaphore(%run_scoped3A : memref<!tpu.dma_semaphore, #tpu.memory_space<semaphore_mem>>) src(%dma_wait3A_240 : memref<40x128xi32, #tpu.memory_space<hbm>>) dst(%arg9 : memref<40x128xi32, #tpu.memory_space<vmem>>)
      tpu.yield
    }) : () -> ()
    "tpu.region"() ({
      %run_scoped3A = tpu.sem_alloc : memref<!tpu.dma_semaphore, #tpu.memory_space<semaphore_mem>>
      %dma_start3A_225 = arith.constant 0 : i32
      %dma_start3A_226 = arith.constant 0 : i32
      %dma_start3A_227 = tpu.memref_slice %arg4[%add3A, %dma_start3A_225, %dma_start3A_226] : memref<32x80x128xi32, #tpu.memory_space<hbm>> -> memref<1x40x128xi32, #tpu.memory_space<hbm>>
      %dma_start3A_228 = tpu.memref_squeeze %dma_start3A_227 : memref<1x40x128xi32, #tpu.memory_space<hbm>> -> memref<40x128xi32, #tpu.memory_space<hbm>>
      %dma_start3A_229 = arith.constant 0 : i32
      %dma_start3A_230 = arith.constant 0 : i32
      %dma_start3A_231 = tpu.memref_slice %arg4[%add3A, %dma_start3A_229, %dma_start3A_230] : memref<32x80x128xi32, #tpu.memory_space<hbm>> -> memref<1x40x128xi32, #tpu.memory_space<hbm>>
      %dma_start3A_232 = tpu.memref_squeeze %dma_start3A_231 : memref<1x40x128xi32, #tpu.memory_space<hbm>> -> memref<40x128xi32, #tpu.memory_space<hbm>>
      tpu.enqueue_dma source(%dma_start3A_232 : memref<40x128xi32, #tpu.memory_space<hbm>>) target(%arg10 : memref<40x128xi32, #tpu.memory_space<vmem>>) target_semaphore(%run_scoped3A : memref<!tpu.dma_semaphore, #tpu.memory_space<semaphore_mem>>)
      %dma_wait3A_233 = arith.constant 0 : i32
      %dma_wait3A_234 = arith.constant 0 : i32
      %dma_wait3A_235 = tpu.memref_slice %arg4[%add3A, %dma_wait3A_233, %dma_wait3A_234] : memref<32x80x128xi32, #tpu.memory_space<hbm>> -> memref<1x40x128xi32, #tpu.memory_space<hbm>>
      %dma_wait3A_236 = tpu.memref_squeeze %dma_wait3A_235 : memref<1x40x128xi32, #tpu.memory_space<hbm>> -> memref<40x128xi32, #tpu.memory_space<hbm>>
      %dma_wait3A_237 = arith.constant 0 : i32
      %dma_wait3A_238 = arith.constant 0 : i32
      %dma_wait3A_239 = tpu.memref_slice %arg4[%add3A, %dma_wait3A_237, %dma_wait3A_238] : memref<32x80x128xi32, #tpu.memory_space<hbm>> -> memref<1x40x128xi32, #tpu.memory_space<hbm>>
      %dma_wait3A_240 = tpu.memref_squeeze %dma_wait3A_239 : memref<1x40x128xi32, #tpu.memory_space<hbm>> -> memref<40x128xi32, #tpu.memory_space<hbm>>
      tpu.wait_dma2 semaphore(%run_scoped3A : memref<!tpu.dma_semaphore, #tpu.memory_space<semaphore_mem>>) src(%dma_wait3A_240 : memref<40x128xi32, #tpu.memory_space<hbm>>) dst(%arg10 : memref<40x128xi32, #tpu.memory_space<vmem>>)
      tpu.yield
    }) : () -> ()
    %dma_start3A = arith.constant 0 : i32
    %dma_start3A_21 = arith.constant 0 : i32
    %dma_start3A_22 = tpu.memref_slice %arg9[%dma_start3A, %dma_start3A_21] : memref<40x128xi32, #tpu.memory_space<vmem>> -> memref<1x128xi32, #tpu.memory_space<vmem>>
    %dma_start3A_23 = tpu.memref_squeeze %dma_start3A_22 : memref<1x128xi32, #tpu.memory_space<vmem>> -> memref<128xi32, #tpu.memory_space<vmem>>
    %dma_start3A_24 = arith.constant 0 : i32
    %dma_start3A_25 = arith.constant 0 : i32
    %dma_start3A_26 = tpu.memref_slice %arg2[%dma_start3A_24, %dma_start3A_25] : memref<10112x128xf32, #tpu.memory_space<hbm>> -> memref<10112x128xf32, #tpu.memory_space<hbm>>
    tpu.enqueue_indirect_dma source(%dma_start3A_26 : memref<10112x128xf32, #tpu.memory_space<hbm>>) target(%arg7 : memref<128x128xf32, #tpu.memory_space<vmem>>) offsets(%dma_start3A_23 : memref<128xi32, #tpu.memory_space<vmem>>) semaphore(%arg12 : memref<!tpu.dma_semaphore, #tpu.memory_space<semaphore_mem>>)
    %scan3A = arith.constant 0 : i32
    %scan3A_27 = arith.constant 0 : i32
    %scan3A_28 = arith.constant 20 : i32
    %scan3A_29 = arith.addi %scan3A_27, %scan3A_28 : i32
    %scan3A_30 = arith.constant 1 : i32
    scf.for %scan3A_225 = %scan3A_27 to %scan3A_29 step %scan3A_30  : i32 {
      %mul3A_226 = arith.constant 2 : i32
      %mul3A_227 = arith.muli %mul3A_226, %scan3A_225 : i32
      %add3A_228 = arith.constant 1 : i32
      %add3A_229 = arith.addi %mul3A_227, %add3A_228 : i32
      %dma_start3A_230 = arith.constant 0 : i32
      %dma_start3A_231 = tpu.memref_slice %arg9[%add3A_229, %dma_start3A_230] : memref<40x128xi32, #tpu.memory_space<vmem>> -> memref<1x128xi32, #tpu.memory_space<vmem>>
      %dma_start3A_232 = tpu.memref_squeeze %dma_start3A_231 : memref<1x128xi32, #tpu.memory_space<vmem>> -> memref<128xi32, #tpu.memory_space<vmem>>
      %dma_start3A_233 = arith.constant 0 : i32
      %dma_start3A_234 = arith.constant 0 : i32
      %dma_start3A_235 = tpu.memref_slice %arg2[%dma_start3A_233, %dma_start3A_234] : memref<10112x128xf32, #tpu.memory_space<hbm>> -> memref<10112x128xf32, #tpu.memory_space<hbm>>
      tpu.enqueue_indirect_dma source(%dma_start3A_235 : memref<10112x128xf32, #tpu.memory_space<hbm>>) target(%arg8 : memref<128x128xf32, #tpu.memory_space<vmem>>) offsets(%dma_start3A_232 : memref<128xi32, #tpu.memory_space<vmem>>) semaphore(%arg13 : memref<!tpu.dma_semaphore, #tpu.memory_space<semaphore_mem>>)
      %dma_wait3A_236 = arith.constant 0 : i32
      %dma_wait3A_237 = arith.constant 0 : i32
      %dma_wait3A_238 = tpu.memref_slice %arg9[%dma_wait3A_236, %dma_wait3A_237] : memref<40x128xi32, #tpu.memory_space<vmem>> -> memref<1x128xi32, #tpu.memory_space<vmem>>
      %dma_wait3A_239 = tpu.memref_squeeze %dma_wait3A_238 : memref<1x128xi32, #tpu.memory_space<vmem>> -> memref<128xi32, #tpu.memory_space<vmem>>
      %dma_wait3A_240 = arith.constant 0 : i32
      %dma_wait3A_241 = arith.constant 0 : i32
      %dma_wait3A_242 = tpu.memref_slice %arg2[%dma_wait3A_240, %dma_wait3A_241] : memref<10112x128xf32, #tpu.memory_space<hbm>> -> memref<10112x128xf32, #tpu.memory_space<hbm>>
      tpu.wait_indirect_dma semaphore(%arg12 : memref<!tpu.dma_semaphore, #tpu.memory_space<semaphore_mem>>) src(%dma_wait3A_242 : memref<10112x128xf32, #tpu.memory_space<hbm>>) dst(%arg7 : memref<128x128xf32, #tpu.memory_space<vmem>>)
      "tpu.region"() ({
        %run_scoped3A = tpu.sem_alloc : memref<!tpu.dma_semaphore, #tpu.memory_space<semaphore_mem>>
        %dma_start3A_254 = arith.constant 0 : i32
        %dma_start3A_255 = tpu.memref_slice %arg10[%mul3A_227, %dma_start3A_254] : memref<40x128xi32, #tpu.memory_space<vmem>> -> memref<1x128xi32, #tpu.memory_space<vmem>>
        %dma_start3A_256 = tpu.memref_squeeze %dma_start3A_255 : memref<1x128xi32, #tpu.memory_space<vmem>> -> memref<128xi32, #tpu.memory_space<vmem>>
        %dma_start3A_257 = arith.constant 0 : i32
        %dma_start3A_258 = arith.constant 0 : i32
        %dma_start3A_259 = tpu.memref_slice %arg11[%dma_start3A_257, %dma_start3A_258] : memref<10112x128xf32, #tpu.memory_space<vmem_shared>> -> memref<10112x128xf32, #tpu.memory_space<vmem_shared>>
        tpu.enqueue_indirect_dma source(%arg7 : memref<128x128xf32, #tpu.memory_space<vmem>>) target(%dma_start3A_259 : memref<10112x128xf32, #tpu.memory_space<vmem_shared>>) offsets(%dma_start3A_256 : memref<128xi32, #tpu.memory_space<vmem>>) semaphore(%run_scoped3A : memref<!tpu.dma_semaphore, #tpu.memory_space<semaphore_mem>>) {add = true}
        %dma_wait3A_260 = arith.constant 0 : i32
        %dma_wait3A_261 = tpu.memref_slice %arg10[%mul3A_227, %dma_wait3A_260] : memref<40x128xi32, #tpu.memory_space<vmem>> -> memref<1x128xi32, #tpu.memory_space<vmem>>
        %dma_wait3A_262 = tpu.memref_squeeze %dma_wait3A_261 : memref<1x128xi32, #tpu.memory_space<vmem>> -> memref<128xi32, #tpu.memory_space<vmem>>
        %dma_wait3A_263 = arith.constant 0 : i32
        %dma_wait3A_264 = arith.constant 0 : i32
        %dma_wait3A_265 = tpu.memref_slice %arg11[%dma_wait3A_263, %dma_wait3A_264] : memref<10112x128xf32, #tpu.memory_space<vmem_shared>> -> memref<10112x128xf32, #tpu.memory_space<vmem_shared>>
        tpu.wait_indirect_dma semaphore(%run_scoped3A : memref<!tpu.dma_semaphore, #tpu.memory_space<semaphore_mem>>) src(%arg7 : memref<128x128xf32, #tpu.memory_space<vmem>>) dst(%dma_wait3A_265 : memref<10112x128xf32, #tpu.memory_space<vmem_shared>>)
        tpu.yield
      }) : () -> ()
      %lt3A = arith.constant 19 : i32
      %lt3A_243 = arith.cmpi slt, %scan3A_225, %lt3A : i32
      %convert_element_type3A = arith.extui %lt3A_243 : i1 to i32
      %cond3A = arith.constant 0 : i32
      %cond3A_244 = arith.cmpi ne, %convert_element_type3A, %cond3A : i32
      scf.if %cond3A_244 {
        %add3A_254 = arith.constant 2 : i32
        %add3A_255 = arith.addi %mul3A_227, %add3A_254 : i32
        %dma_start3A_256 = arith.constant 0 : i32
        %dma_start3A_257 = tpu.memref_slice %arg9[%add3A_255, %dma_start3A_256] : memref<40x128xi32, #tpu.memory_space<vmem>> -> memref<1x128xi32, #tpu.memory_space<vmem>>
        %dma_start3A_258 = tpu.memref_squeeze %dma_start3A_257 : memref<1x128xi32, #tpu.memory_space<vmem>> -> memref<128xi32, #tpu.memory_space<vmem>>
        %dma_start3A_259 = arith.constant 0 : i32
        %dma_start3A_260 = arith.constant 0 : i32
        %dma_start3A_261 = tpu.memref_slice %arg2[%dma_start3A_259, %dma_start3A_260] : memref<10112x128xf32, #tpu.memory_space<hbm>> -> memref<10112x128xf32, #tpu.memory_space<hbm>>
        tpu.enqueue_indirect_dma source(%dma_start3A_261 : memref<10112x128xf32, #tpu.memory_space<hbm>>) target(%arg7 : memref<128x128xf32, #tpu.memory_space<vmem>>) offsets(%dma_start3A_258 : memref<128xi32, #tpu.memory_space<vmem>>) semaphore(%arg12 : memref<!tpu.dma_semaphore, #tpu.memory_space<semaphore_mem>>)
      } else {
      }
      %dma_wait3A_245 = arith.constant 0 : i32
      %dma_wait3A_246 = arith.constant 0 : i32
      %dma_wait3A_247 = tpu.memref_slice %arg9[%dma_wait3A_245, %dma_wait3A_246] : memref<40x128xi32, #tpu.memory_space<vmem>> -> memref<1x128xi32, #tpu.memory_space<vmem>>
      %dma_wait3A_248 = tpu.memref_squeeze %dma_wait3A_247 : memref<1x128xi32, #tpu.memory_space<vmem>> -> memref<128xi32, #tpu.memory_space<vmem>>
      %dma_wait3A_249 = arith.constant 0 : i32
      %dma_wait3A_250 = arith.constant 0 : i32
      %dma_wait3A_251 = tpu.memref_slice %arg2[%dma_wait3A_249, %dma_wait3A_250] : memref<10112x128xf32, #tpu.memory_space<hbm>> -> memref<10112x128xf32, #tpu.memory_space<hbm>>
      tpu.wait_indirect_dma semaphore(%arg13 : memref<!tpu.dma_semaphore, #tpu.memory_space<semaphore_mem>>) src(%dma_wait3A_251 : memref<10112x128xf32, #tpu.memory_space<hbm>>) dst(%arg8 : memref<128x128xf32, #tpu.memory_space<vmem>>)
      %add3A_252 = arith.constant 1 : i32
      %add3A_253 = arith.addi %mul3A_227, %add3A_252 : i32
      "tpu.region"() ({
        %run_scoped3A = tpu.sem_alloc : memref<!tpu.dma_semaphore, #tpu.memory_space<semaphore_mem>>
        %dma_start3A_254 = arith.constant 0 : i32
        %dma_start3A_255 = tpu.memref_slice %arg10[%add3A_253, %dma_start3A_254] : memref<40x128xi32, #tpu.memory_space<vmem>> -> memref<1x128xi32, #tpu.memory_space<vmem>>
        %dma_start3A_256 = tpu.memref_squeeze %dma_start3A_255 : memref<1x128xi32, #tpu.memory_space<vmem>> -> memref<128xi32, #tpu.memory_space<vmem>>
        %dma_start3A_257 = arith.constant 0 : i32
        %dma_start3A_258 = arith.constant 0 : i32
        %dma_start3A_259 = tpu.memref_slice %arg11[%dma_start3A_257, %dma_start3A_258] : memref<10112x128xf32, #tpu.memory_space<vmem_shared>> -> memref<10112x128xf32, #tpu.memory_space<vmem_shared>>
        tpu.enqueue_indirect_dma source(%arg8 : memref<128x128xf32, #tpu.memory_space<vmem>>) target(%dma_start3A_259 : memref<10112x128xf32, #tpu.memory_space<vmem_shared>>) offsets(%dma_start3A_256 : memref<128xi32, #tpu.memory_space<vmem>>) semaphore(%run_scoped3A : memref<!tpu.dma_semaphore, #tpu.memory_space<semaphore_mem>>) {add = true}
        %dma_wait3A_260 = arith.constant 0 : i32
        %dma_wait3A_261 = tpu.memref_slice %arg10[%add3A_253, %dma_wait3A_260] : memref<40x128xi32, #tpu.memory_space<vmem>> -> memref<1x128xi32, #tpu.memory_space<vmem>>
        %dma_wait3A_262 = tpu.memref_squeeze %dma_wait3A_261 : memref<1x128xi32, #tpu.memory_space<vmem>> -> memref<128xi32, #tpu.memory_space<vmem>>
        %dma_wait3A_263 = arith.constant 0 : i32
        %dma_wait3A_264 = arith.constant 0 : i32
        %dma_wait3A_265 = tpu.memref_slice %arg11[%dma_wait3A_263, %dma_wait3A_264] : memref<10112x128xf32, #tpu.memory_space<vmem_shared>> -> memref<10112x128xf32, #tpu.memory_space<vmem_shared>>
        tpu.wait_indirect_dma semaphore(%run_scoped3A : memref<!tpu.dma_semaphore, #tpu.memory_space<semaphore_mem>>) src(%arg8 : memref<128x128xf32, #tpu.memory_space<vmem>>) dst(%dma_wait3A_265 : memref<10112x128xf32, #tpu.memory_space<vmem_shared>>)
        tpu.yield
      }) : () -> ()
    }
    %scan3A_31 = arith.constant 20 : i32
    "tpu.region"() ({
      %run_scoped3A = tpu.sem_alloc : memref<!tpu.dma_semaphore, #tpu.memory_space<semaphore_mem>>
      %dma_start3A_225 = arith.constant 40 : i32
      %dma_start3A_226 = arith.constant 0 : i32
      %dma_start3A_227 = tpu.memref_slice %arg3[%add3A, %dma_start3A_225, %dma_start3A_226] : memref<32x80x128xi32, #tpu.memory_space<hbm>> -> memref<1x40x128xi32, #tpu.memory_space<hbm>>
      %dma_start3A_228 = tpu.memref_squeeze %dma_start3A_227 : memref<1x40x128xi32, #tpu.memory_space<hbm>> -> memref<40x128xi32, #tpu.memory_space<hbm>>
      %dma_start3A_229 = arith.constant 40 : i32
      %dma_start3A_230 = arith.constant 0 : i32
      %dma_start3A_231 = tpu.memref_slice %arg3[%add3A, %dma_start3A_229, %dma_start3A_230] : memref<32x80x128xi32, #tpu.memory_space<hbm>> -> memref<1x40x128xi32, #tpu.memory_space<hbm>>
      %dma_start3A_232 = tpu.memref_squeeze %dma_start3A_231 : memref<1x40x128xi32, #tpu.memory_space<hbm>> -> memref<40x128xi32, #tpu.memory_space<hbm>>
      tpu.enqueue_dma source(%dma_start3A_232 : memref<40x128xi32, #tpu.memory_space<hbm>>) target(%arg9 : memref<40x128xi32, #tpu.memory_space<vmem>>) target_semaphore(%run_scoped3A : memref<!tpu.dma_semaphore, #tpu.memory_space<semaphore_mem>>)
      %dma_wait3A_233 = arith.constant 40 : i32
      %dma_wait3A_234 = arith.constant 0 : i32
      %dma_wait3A_235 = tpu.memref_slice %arg3[%add3A, %dma_wait3A_233, %dma_wait3A_234] : memref<32x80x128xi32, #tpu.memory_space<hbm>> -> memref<1x40x128xi32, #tpu.memory_space<hbm>>
      %dma_wait3A_236 = tpu.memref_squeeze %dma_wait3A_235 : memref<1x40x128xi32, #tpu.memory_space<hbm>> -> memref<40x128xi32, #tpu.memory_space<hbm>>
      %dma_wait3A_237 = arith.constant 40 : i32
      %dma_wait3A_238 = arith.constant 0 : i32
      %dma_wait3A_239 = tpu.memref_slice %arg3[%add3A, %dma_wait3A_237, %dma_wait3A_238] : memref<32x80x128xi32, #tpu.memory_space<hbm>> -> memref<1x40x128xi32, #tpu.memory_space<hbm>>
      %dma_wait3A_240 = tpu.memref_squeeze %dma_wait3A_239 : memref<1x40x128xi32, #tpu.memory_space<hbm>> -> memref<40x128xi32, #tpu.memory_space<hbm>>
      tpu.wait_dma2 semaphore(%run_scoped3A : memref<!tpu.dma_semaphore, #tpu.memory_space<semaphore_mem>>) src(%dma_wait3A_240 : memref<40x128xi32, #tpu.memory_space<hbm>>) dst(%arg9 : memref<40x128xi32, #tpu.memory_space<vmem>>)
      tpu.yield
    }) : () -> ()
    "tpu.region"() ({
      %run_scoped3A = tpu.sem_alloc : memref<!tpu.dma_semaphore, #tpu.memory_space<semaphore_mem>>
      %dma_start3A_225 = arith.constant 40 : i32
      %dma_start3A_226 = arith.constant 0 : i32
      %dma_start3A_227 = tpu.memref_slice %arg4[%add3A, %dma_start3A_225, %dma_start3A_226] : memref<32x80x128xi32, #tpu.memory_space<hbm>> -> memref<1x40x128xi32, #tpu.memory_space<hbm>>
      %dma_start3A_228 = tpu.memref_squeeze %dma_start3A_227 : memref<1x40x128xi32, #tpu.memory_space<hbm>> -> memref<40x128xi32, #tpu.memory_space<hbm>>
      %dma_start3A_229 = arith.constant 40 : i32
      %dma_start3A_230 = arith.constant 0 : i32
      %dma_start3A_231 = tpu.memref_slice %arg4[%add3A, %dma_start3A_229, %dma_start3A_230] : memref<32x80x128xi32, #tpu.memory_space<hbm>> -> memref<1x40x128xi32, #tpu.memory_space<hbm>>
      %dma_start3A_232 = tpu.memref_squeeze %dma_start3A_231 : memref<1x40x128xi32, #tpu.memory_space<hbm>> -> memref<40x128xi32, #tpu.memory_space<hbm>>
      tpu.enqueue_dma source(%dma_start3A_232 : memref<40x128xi32, #tpu.memory_space<hbm>>) target(%arg10 : memref<40x128xi32, #tpu.memory_space<vmem>>) target_semaphore(%run_scoped3A : memref<!tpu.dma_semaphore, #tpu.memory_space<semaphore_mem>>)
      %dma_wait3A_233 = arith.constant 40 : i32
      %dma_wait3A_234 = arith.constant 0 : i32
      %dma_wait3A_235 = tpu.memref_slice %arg4[%add3A, %dma_wait3A_233, %dma_wait3A_234] : memref<32x80x128xi32, #tpu.memory_space<hbm>> -> memref<1x40x128xi32, #tpu.memory_space<hbm>>
      %dma_wait3A_236 = tpu.memref_squeeze %dma_wait3A_235 : memref<1x40x128xi32, #tpu.memory_space<hbm>> -> memref<40x128xi32, #tpu.memory_space<hbm>>
      %dma_wait3A_237 = arith.constant 40 : i32
      %dma_wait3A_238 = arith.constant 0 : i32
      %dma_wait3A_239 = tpu.memref_slice %arg4[%add3A, %dma_wait3A_237, %dma_wait3A_238] : memref<32x80x128xi32, #tpu.memory_space<hbm>> -> memref<1x40x128xi32, #tpu.memory_space<hbm>>
      %dma_wait3A_240 = tpu.memref_squeeze %dma_wait3A_239 : memref<1x40x128xi32, #tpu.memory_space<hbm>> -> memref<40x128xi32, #tpu.memory_space<hbm>>
      tpu.wait_dma2 semaphore(%run_scoped3A : memref<!tpu.dma_semaphore, #tpu.memory_space<semaphore_mem>>) src(%dma_wait3A_240 : memref<40x128xi32, #tpu.memory_space<hbm>>) dst(%arg10 : memref<40x128xi32, #tpu.memory_space<vmem>>)
      tpu.yield
    }) : () -> ()
    %dma_start3A_32 = arith.constant 0 : i32
    %dma_start3A_33 = arith.constant 0 : i32
    %dma_start3A_34 = tpu.memref_slice %arg9[%dma_start3A_32, %dma_start3A_33] : memref<40x128xi32, #tpu.memory_space<vmem>> -> memref<1x128xi32, #tpu.memory_space<vmem>>
    %dma_start3A_35 = tpu.memref_squeeze %dma_start3A_34 : memref<1x128xi32, #tpu.memory_space<vmem>> -> memref<128xi32, #tpu.memory_space<vmem>>
    %dma_start3A_36 = arith.constant 0 : i32
    %dma_start3A_37 = arith.constant 0 : i32
    %dma_start3A_38 = tpu.memref_slice %arg2[%dma_start3A_36, %dma_start3A_37] : memref<10112x128xf32, #tpu.memory_space<hbm>> -> memref<10112x128xf32, #tpu.memory_space<hbm>>
    tpu.enqueue_indirect_dma source(%dma_start3A_38 : memref<10112x128xf32, #tpu.memory_space<hbm>>) target(%arg7 : memref<128x128xf32, #tpu.memory_space<vmem>>) offsets(%dma_start3A_35 : memref<128xi32, #tpu.memory_space<vmem>>) semaphore(%arg12 : memref<!tpu.dma_semaphore, #tpu.memory_space<semaphore_mem>>)
    %scan3A_39 = arith.constant 0 : i32
    %scan3A_40 = arith.constant 0 : i32
    %scan3A_41 = arith.constant 20 : i32
    %scan3A_42 = arith.addi %scan3A_40, %scan3A_41 : i32
    %scan3A_43 = arith.constant 1 : i32
    scf.for %scan3A_225 = %scan3A_40 to %scan3A_42 step %scan3A_43  : i32 {
      %mul3A_226 = arith.constant 2 : i32
      %mul3A_227 = arith.muli %mul3A_226, %scan3A_225 : i32
      %add3A_228 = arith.constant 1 : i32
      %add3A_229 = arith.addi %mul3A_227, %add3A_228 : i32
      %dma_start3A_230 = arith.constant 0 : i32
      %dma_start3A_231 = tpu.memref_slice %arg9[%add3A_229, %dma_start3A_230] : memref<40x128xi32, #tpu.memory_space<vmem>> -> memref<1x128xi32, #tpu.memory_space<vmem>>
      %dma_start3A_232 = tpu.memref_squeeze %dma_start3A_231 : memref<1x128xi32, #tpu.memory_space<vmem>> -> memref<128xi32, #tpu.memory_space<vmem>>
      %dma_start3A_233 = arith.constant 0 : i32
      %dma_start3A_234 = arith.constant 0 : i32
      %dma_start3A_235 = tpu.memref_slice %arg2[%dma_start3A_233, %dma_start3A_234] : memref<10112x128xf32, #tpu.memory_space<hbm>> -> memref<10112x128xf32, #tpu.memory_space<hbm>>
      tpu.enqueue_indirect_dma source(%dma_start3A_235 : memref<10112x128xf32, #tpu.memory_space<hbm>>) target(%arg8 : memref<128x128xf32, #tpu.memory_space<vmem>>) offsets(%dma_start3A_232 : memref<128xi32, #tpu.memory_space<vmem>>) semaphore(%arg13 : memref<!tpu.dma_semaphore, #tpu.memory_space<semaphore_mem>>)
      %dma_wait3A_236 = arith.constant 0 : i32
      %dma_wait3A_237 = arith.constant 0 : i32
      %dma_wait3A_238 = tpu.memref_slice %arg9[%dma_wait3A_236, %dma_wait3A_237] : memref<40x128xi32, #tpu.memory_space<vmem>> -> memref<1x128xi32, #tpu.memory_space<vmem>>
      %dma_wait3A_239 = tpu.memref_squeeze %dma_wait3A_238 : memref<1x128xi32, #tpu.memory_space<vmem>> -> memref<128xi32, #tpu.memory_space<vmem>>
      %dma_wait3A_240 = arith.constant 0 : i32
      %dma_wait3A_241 = arith.constant 0 : i32
      %dma_wait3A_242 = tpu.memref_slice %arg2[%dma_wait3A_240, %dma_wait3A_241] : memref<10112x128xf32, #tpu.memory_space<hbm>> -> memref<10112x128xf32, #tpu.memory_space<hbm>>
      tpu.wait_indirect_dma semaphore(%arg12 : memref<!tpu.dma_semaphore, #tpu.memory_space<semaphore_mem>>) src(%dma_wait3A_242 : memref<10112x128xf32, #tpu.memory_space<hbm>>) dst(%arg7 : memref<128x128xf32, #tpu.memory_space<vmem>>)
      "tpu.region"() ({
        %run_scoped3A = tpu.sem_alloc : memref<!tpu.dma_semaphore, #tpu.memory_space<semaphore_mem>>
        %dma_start3A_254 = arith.constant 0 : i32
        %dma_start3A_255 = tpu.memref_slice %arg10[%mul3A_227, %dma_start3A_254] : memref<40x128xi32, #tpu.memory_space<vmem>> -> memref<1x128xi32, #tpu.memory_space<vmem>>
        %dma_start3A_256 = tpu.memref_squeeze %dma_start3A_255 : memref<1x128xi32, #tpu.memory_space<vmem>> -> memref<128xi32, #tpu.memory_space<vmem>>
        %dma_start3A_257 = arith.constant 0 : i32
        %dma_start3A_258 = arith.constant 0 : i32
        %dma_start3A_259 = tpu.memref_slice %arg11[%dma_start3A_257, %dma_start3A_258] : memref<10112x128xf32, #tpu.memory_space<vmem_shared>> -> memref<10112x128xf32, #tpu.memory_space<vmem_shared>>
        tpu.enqueue_indirect_dma source(%arg7 : memref<128x128xf32, #tpu.memory_space<vmem>>) target(%dma_start3A_259 : memref<10112x128xf32, #tpu.memory_space<vmem_shared>>) offsets(%dma_start3A_256 : memref<128xi32, #tpu.memory_space<vmem>>) semaphore(%run_scoped3A : memref<!tpu.dma_semaphore, #tpu.memory_space<semaphore_mem>>) {add = true}
        %dma_wait3A_260 = arith.constant 0 : i32
        %dma_wait3A_261 = tpu.memref_slice %arg10[%mul3A_227, %dma_wait3A_260] : memref<40x128xi32, #tpu.memory_space<vmem>> -> memref<1x128xi32, #tpu.memory_space<vmem>>
        %dma_wait3A_262 = tpu.memref_squeeze %dma_wait3A_261 : memref<1x128xi32, #tpu.memory_space<vmem>> -> memref<128xi32, #tpu.memory_space<vmem>>
        %dma_wait3A_263 = arith.constant 0 : i32
        %dma_wait3A_264 = arith.constant 0 : i32
        %dma_wait3A_265 = tpu.memref_slice %arg11[%dma_wait3A_263, %dma_wait3A_264] : memref<10112x128xf32, #tpu.memory_space<vmem_shared>> -> memref<10112x128xf32, #tpu.memory_space<vmem_shared>>
        tpu.wait_indirect_dma semaphore(%run_scoped3A : memref<!tpu.dma_semaphore, #tpu.memory_space<semaphore_mem>>) src(%arg7 : memref<128x128xf32, #tpu.memory_space<vmem>>) dst(%dma_wait3A_265 : memref<10112x128xf32, #tpu.memory_space<vmem_shared>>)
        tpu.yield
      }) : () -> ()
      %lt3A = arith.constant 19 : i32
      %lt3A_243 = arith.cmpi slt, %scan3A_225, %lt3A : i32
      %convert_element_type3A = arith.extui %lt3A_243 : i1 to i32
      %cond3A = arith.constant 0 : i32
      %cond3A_244 = arith.cmpi ne, %convert_element_type3A, %cond3A : i32
      scf.if %cond3A_244 {
        %add3A_254 = arith.constant 2 : i32
        %add3A_255 = arith.addi %mul3A_227, %add3A_254 : i32
        %dma_start3A_256 = arith.constant 0 : i32
        %dma_start3A_257 = tpu.memref_slice %arg9[%add3A_255, %dma_start3A_256] : memref<40x128xi32, #tpu.memory_space<vmem>> -> memref<1x128xi32, #tpu.memory_space<vmem>>
        %dma_start3A_258 = tpu.memref_squeeze %dma_start3A_257 : memref<1x128xi32, #tpu.memory_space<vmem>> -> memref<128xi32, #tpu.memory_space<vmem>>
        %dma_start3A_259 = arith.constant 0 : i32
        %dma_start3A_260 = arith.constant 0 : i32
        %dma_start3A_261 = tpu.memref_slice %arg2[%dma_start3A_259, %dma_start3A_260] : memref<10112x128xf32, #tpu.memory_space<hbm>> -> memref<10112x128xf32, #tpu.memory_space<hbm>>
        tpu.enqueue_indirect_dma source(%dma_start3A_261 : memref<10112x128xf32, #tpu.memory_space<hbm>>) target(%arg7 : memref<128x128xf32, #tpu.memory_space<vmem>>) offsets(%dma_start3A_258 : memref<128xi32, #tpu.memory_space<vmem>>) semaphore(%arg12 : memref<!tpu.dma_semaphore, #tpu.memory_space<semaphore_mem>>)
      } else {
      }
      %dma_wait3A_245 = arith.constant 0 : i32
      %dma_wait3A_246 = arith.constant 0 : i32
      %dma_wait3A_247 = tpu.memref_slice %arg9[%dma_wait3A_245, %dma_wait3A_246] : memref<40x128xi32, #tpu.memory_space<vmem>> -> memref<1x128xi32, #tpu.memory_space<vmem>>
      %dma_wait3A_248 = tpu.memref_squeeze %dma_wait3A_247 : memref<1x128xi32, #tpu.memory_space<vmem>> -> memref<128xi32, #tpu.memory_space<vmem>>
      %dma_wait3A_249 = arith.constant 0 : i32
      %dma_wait3A_250 = arith.constant 0 : i32
      %dma_wait3A_251 = tpu.memref_slice %arg2[%dma_wait3A_249, %dma_wait3A_250] : memref<10112x128xf32, #tpu.memory_space<hbm>> -> memref<10112x128xf32, #tpu.memory_space<hbm>>
      tpu.wait_indirect_dma semaphore(%arg13 : memref<!tpu.dma_semaphore, #tpu.memory_space<semaphore_mem>>) src(%dma_wait3A_251 : memref<10112x128xf32, #tpu.memory_space<hbm>>) dst(%arg8 : memref<128x128xf32, #tpu.memory_space<vmem>>)
      %add3A_252 = arith.constant 1 : i32
      %add3A_253 = arith.addi %mul3A_227, %add3A_252 : i32
      "tpu.region"() ({
        %run_scoped3A = tpu.sem_alloc : memref<!tpu.dma_semaphore, #tpu.memory_space<semaphore_mem>>
        %dma_start3A_254 = arith.constant 0 : i32
        %dma_start3A_255 = tpu.memref_slice %arg10[%add3A_253, %dma_start3A_254] : memref<40x128xi32, #tpu.memory_space<vmem>> -> memref<1x128xi32, #tpu.memory_space<vmem>>
        %dma_start3A_256 = tpu.memref_squeeze %dma_start3A_255 : memref<1x128xi32, #tpu.memory_space<vmem>> -> memref<128xi32, #tpu.memory_space<vmem>>
        %dma_start3A_257 = arith.constant 0 : i32
        %dma_start3A_258 = arith.constant 0 : i32
        %dma_start3A_259 = tpu.memref_slice %arg11[%dma_start3A_257, %dma_start3A_258] : memref<10112x128xf32, #tpu.memory_space<vmem_shared>> -> memref<10112x128xf32, #tpu.memory_space<vmem_shared>>
        tpu.enqueue_indirect_dma source(%arg8 : memref<128x128xf32, #tpu.memory_space<vmem>>) target(%dma_start3A_259 : memref<10112x128xf32, #tpu.memory_space<vmem_shared>>) offsets(%dma_start3A_256 : memref<128xi32, #tpu.memory_space<vmem>>) semaphore(%run_scoped3A : memref<!tpu.dma_semaphore, #tpu.memory_space<semaphore_mem>>) {add = true}
        %dma_wait3A_260 = arith.constant 0 : i32
        %dma_wait3A_261 = tpu.memref_slice %arg10[%add3A_253, %dma_wait3A_260] : memref<40x128xi32, #tpu.memory_space<vmem>> -> memref<1x128xi32, #tpu.memory_space<vmem>>
        %dma_wait3A_262 = tpu.memref_squeeze %dma_wait3A_261 : memref<1x128xi32, #tpu.memory_space<vmem>> -> memref<128xi32, #tpu.memory_space<vmem>>
        %dma_wait3A_263 = arith.constant 0 : i32
        %dma_wait3A_264 = arith.constant 0 : i32
        %dma_wait3A_265 = tpu.memref_slice %arg11[%dma_wait3A_263, %dma_wait3A_264] : memref<10112x128xf32, #tpu.memory_space<vmem_shared>> -> memref<10112x128xf32, #tpu.memory_space<vmem_shared>>
        tpu.wait_indirect_dma semaphore(%run_scoped3A : memref<!tpu.dma_semaphore, #tpu.memory_space<semaphore_mem>>) src(%arg8 : memref<128x128xf32, #tpu.memory_space<vmem>>) dst(%dma_wait3A_265 : memref<10112x128xf32, #tpu.memory_space<vmem_shared>>)
        tpu.yield
      }) : () -> ()
    }
    %scan3A_44 = arith.constant 20 : i32
    %barrier3A_45 = arith.constant 0 : index
    tpu.barrier barrier_id(%barrier3A_45)
    %mul3A_46 = arith.constant 632 : i32
    %mul3A_47 = arith.muli %arg1, %mul3A_46 : i32
    %add3A_48 = arith.constant 0 : i32
    %add3A_49 = arith.addi %mul3A_47, %add3A_48 : i32
    "tpu.region"() ({
      %run_scoped3A = tpu.sem_alloc : memref<!tpu.dma_semaphore, #tpu.memory_space<semaphore_mem>>
      %dma_start3A_225 = arith.constant 0 : i32
      %dma_start3A_226 = arith.constant 0 : i32
      %dma_start3A_227 = tpu.memref_slice %arg7[%dma_start3A_225, %dma_start3A_226] : memref<128x128xf32, #tpu.memory_space<vmem>> -> memref<128x128xf32, #tpu.memory_space<vmem>>
      %dma_start3A_228 = arith.constant 0 : i32
      %dma_start3A_229 = tpu.memref_slice %arg11[%add3A_49, %dma_start3A_228] : memref<10112x128xf32, #tpu.memory_space<vmem_shared>> -> memref<128x128xf32, #tpu.memory_space<vmem_shared>>
      %dma_start3A_230 = arith.constant 0 : i32
      %dma_start3A_231 = arith.constant 0 : i32
      %dma_start3A_232 = tpu.memref_slice %arg7[%dma_start3A_230, %dma_start3A_231] : memref<128x128xf32, #tpu.memory_space<vmem>> -> memref<128x128xf32, #tpu.memory_space<vmem>>
      %dma_start3A_233 = arith.constant 0 : i32
      %dma_start3A_234 = tpu.memref_slice %arg11[%add3A_49, %dma_start3A_233] : memref<10112x128xf32, #tpu.memory_space<vmem_shared>> -> memref<128x128xf32, #tpu.memory_space<vmem_shared>>
      tpu.enqueue_dma source(%dma_start3A_234 : memref<128x128xf32, #tpu.memory_space<vmem_shared>>) target(%dma_start3A_232 : memref<128x128xf32, #tpu.memory_space<vmem>>) target_semaphore(%run_scoped3A : memref<!tpu.dma_semaphore, #tpu.memory_space<semaphore_mem>>)
      %dma_wait3A_235 = arith.constant 0 : i32
      %dma_wait3A_236 = arith.constant 0 : i32
      %dma_wait3A_237 = tpu.memref_slice %arg7[%dma_wait3A_235, %dma_wait3A_236] : memref<128x128xf32, #tpu.memory_space<vmem>> -> memref<128x128xf32, #tpu.memory_space<vmem>>
      %dma_wait3A_238 = arith.constant 0 : i32
      %dma_wait3A_239 = tpu.memref_slice %arg11[%add3A_49, %dma_wait3A_238] : memref<10112x128xf32, #tpu.memory_space<vmem_shared>> -> memref<128x128xf32, #tpu.memory_space<vmem_shared>>
      %dma_wait3A_240 = arith.constant 0 : i32
      %dma_wait3A_241 = arith.constant 0 : i32
      %dma_wait3A_242 = tpu.memref_slice %arg7[%dma_wait3A_240, %dma_wait3A_241] : memref<128x128xf32, #tpu.memory_space<vmem>> -> memref<128x128xf32, #tpu.memory_space<vmem>>
      %dma_wait3A_243 = arith.constant 0 : i32
      %dma_wait3A_244 = tpu.memref_slice %arg11[%add3A_49, %dma_wait3A_243] : memref<10112x128xf32, #tpu.memory_space<vmem_shared>> -> memref<128x128xf32, #tpu.memory_space<vmem_shared>>
      tpu.wait_dma2 semaphore(%run_scoped3A : memref<!tpu.dma_semaphore, #tpu.memory_space<semaphore_mem>>) src(%dma_wait3A_244 : memref<128x128xf32, #tpu.memory_space<vmem_shared>>) dst(%dma_wait3A_242 : memref<128x128xf32, #tpu.memory_space<vmem>>)
      tpu.yield
    }) : () -> ()
    %mul3A_50 = arith.constant 632 : i32
    %mul3A_51 = arith.muli %arg1, %mul3A_50 : i32
    %add3A_52 = arith.constant 0 : i32
    %add3A_53 = arith.addi %mul3A_51, %add3A_52 : i32
    %dma_start3A_54 = arith.constant 0 : i32
    %dma_start3A_55 = arith.constant 0 : i32
    %dma_start3A_56 = tpu.memref_slice %arg7[%dma_start3A_54, %dma_start3A_55] : memref<128x128xf32, #tpu.memory_space<vmem>> -> memref<128x128xf32, #tpu.memory_space<vmem>>
    %dma_start3A_57 = arith.constant 0 : i32
    %dma_start3A_58 = tpu.memref_slice %arg6[%arg0, %add3A_53, %dma_start3A_57] : memref<2x10112x128xf32, #tpu.memory_space<hbm>> -> memref<1x128x128xf32, #tpu.memory_space<hbm>>
    %dma_start3A_59 = tpu.memref_squeeze %dma_start3A_58 : memref<1x128x128xf32, #tpu.memory_space<hbm>> -> memref<128x128xf32, #tpu.memory_space<hbm>>
    %dma_start3A_60 = arith.constant 0 : i32
    %dma_start3A_61 = tpu.memref_slice %arg6[%arg0, %add3A_53, %dma_start3A_60] : memref<2x10112x128xf32, #tpu.memory_space<hbm>> -> memref<1x128x128xf32, #tpu.memory_space<hbm>>
    %dma_start3A_62 = tpu.memref_squeeze %dma_start3A_61 : memref<1x128x128xf32, #tpu.memory_space<hbm>> -> memref<128x128xf32, #tpu.memory_space<hbm>>
    %dma_start3A_63 = arith.constant 0 : i32
    %dma_start3A_64 = arith.constant 0 : i32
    %dma_start3A_65 = tpu.memref_slice %arg7[%dma_start3A_63, %dma_start3A_64] : memref<128x128xf32, #tpu.memory_space<vmem>> -> memref<128x128xf32, #tpu.memory_space<vmem>>
    tpu.enqueue_dma source(%dma_start3A_65 : memref<128x128xf32, #tpu.memory_space<vmem>>) target(%dma_start3A_62 : memref<128x128xf32, #tpu.memory_space<hbm>>) target_semaphore(%arg12 : memref<!tpu.dma_semaphore, #tpu.memory_space<semaphore_mem>>)
    %mul3A_66 = arith.constant 632 : i32
    %mul3A_67 = arith.muli %arg1, %mul3A_66 : i32
    %add3A_68 = arith.constant 128 : i32
    %add3A_69 = arith.addi %mul3A_67, %add3A_68 : i32
    "tpu.region"() ({
      %run_scoped3A = tpu.sem_alloc : memref<!tpu.dma_semaphore, #tpu.memory_space<semaphore_mem>>
      %dma_start3A_225 = arith.constant 0 : i32
      %dma_start3A_226 = arith.constant 0 : i32
      %dma_start3A_227 = tpu.memref_slice %arg8[%dma_start3A_225, %dma_start3A_226] : memref<128x128xf32, #tpu.memory_space<vmem>> -> memref<128x128xf32, #tpu.memory_space<vmem>>
      %dma_start3A_228 = arith.constant 0 : i32
      %dma_start3A_229 = tpu.memref_slice %arg11[%add3A_69, %dma_start3A_228] : memref<10112x128xf32, #tpu.memory_space<vmem_shared>> -> memref<128x128xf32, #tpu.memory_space<vmem_shared>>
      %dma_start3A_230 = arith.constant 0 : i32
      %dma_start3A_231 = arith.constant 0 : i32
      %dma_start3A_232 = tpu.memref_slice %arg8[%dma_start3A_230, %dma_start3A_231] : memref<128x128xf32, #tpu.memory_space<vmem>> -> memref<128x128xf32, #tpu.memory_space<vmem>>
      %dma_start3A_233 = arith.constant 0 : i32
      %dma_start3A_234 = tpu.memref_slice %arg11[%add3A_69, %dma_start3A_233] : memref<10112x128xf32, #tpu.memory_space<vmem_shared>> -> memref<128x128xf32, #tpu.memory_space<vmem_shared>>
      tpu.enqueue_dma source(%dma_start3A_234 : memref<128x128xf32, #tpu.memory_space<vmem_shared>>) target(%dma_start3A_232 : memref<128x128xf32, #tpu.memory_space<vmem>>) target_semaphore(%run_scoped3A : memref<!tpu.dma_semaphore, #tpu.memory_space<semaphore_mem>>)
      %dma_wait3A_235 = arith.constant 0 : i32
      %dma_wait3A_236 = arith.constant 0 : i32
      %dma_wait3A_237 = tpu.memref_slice %arg8[%dma_wait3A_235, %dma_wait3A_236] : memref<128x128xf32, #tpu.memory_space<vmem>> -> memref<128x128xf32, #tpu.memory_space<vmem>>
      %dma_wait3A_238 = arith.constant 0 : i32
      %dma_wait3A_239 = tpu.memref_slice %arg11[%add3A_69, %dma_wait3A_238] : memref<10112x128xf32, #tpu.memory_space<vmem_shared>> -> memref<128x128xf32, #tpu.memory_space<vmem_shared>>
      %dma_wait3A_240 = arith.constant 0 : i32
      %dma_wait3A_241 = arith.constant 0 : i32
      %dma_wait3A_242 = tpu.memref_slice %arg8[%dma_wait3A_240, %dma_wait3A_241] : memref<128x128xf32, #tpu.memory_space<vmem>> -> memref<128x128xf32, #tpu.memory_space<vmem>>
      %dma_wait3A_243 = arith.constant 0 : i32
      %dma_wait3A_244 = tpu.memref_slice %arg11[%add3A_69, %dma_wait3A_243] : memref<10112x128xf32, #tpu.memory_space<vmem_shared>> -> memref<128x128xf32, #tpu.memory_space<vmem_shared>>
      tpu.wait_dma2 semaphore(%run_scoped3A : memref<!tpu.dma_semaphore, #tpu.memory_space<semaphore_mem>>) src(%dma_wait3A_244 : memref<128x128xf32, #tpu.memory_space<vmem_shared>>) dst(%dma_wait3A_242 : memref<128x128xf32, #tpu.memory_space<vmem>>)
      tpu.yield
    }) : () -> ()
    %mul3A_70 = arith.constant 632 : i32
    %mul3A_71 = arith.muli %arg1, %mul3A_70 : i32
    %add3A_72 = arith.constant 128 : i32
    %add3A_73 = arith.addi %mul3A_71, %add3A_72 : i32
    %dma_start3A_74 = arith.constant 0 : i32
    %dma_start3A_75 = arith.constant 0 : i32
    %dma_start3A_76 = tpu.memref_slice %arg8[%dma_start3A_74, %dma_start3A_75] : memref<128x128xf32, #tpu.memory_space<vmem>> -> memref<128x128xf32, #tpu.memory_space<vmem>>
    %dma_start3A_77 = arith.constant 0 : i32
    %dma_start3A_78 = tpu.memref_slice %arg6[%arg0, %add3A_73, %dma_start3A_77] : memref<2x10112x128xf32, #tpu.memory_space<hbm>> -> memref<1x128x128xf32, #tpu.memory_space<hbm>>
    %dma_start3A_79 = tpu.memref_squeeze %dma_start3A_78 : memref<1x128x128xf32, #tpu.memory_space<hbm>> -> memref<128x128xf32, #tpu.memory_space<hbm>>
    %dma_start3A_80 = arith.constant 0 : i32
    %dma_start3A_81 = tpu.memref_slice %arg6[%arg0, %add3A_73, %dma_start3A_80] : memref<2x10112x128xf32, #tpu.memory_space<hbm>> -> memref<1x128x128xf32, #tpu.memory_space<hbm>>
    %dma_start3A_82 = tpu.memref_squeeze %dma_start3A_81 : memref<1x128x128xf32, #tpu.memory_space<hbm>> -> memref<128x128xf32, #tpu.memory_space<hbm>>
    %dma_start3A_83 = arith.constant 0 : i32
    %dma_start3A_84 = arith.constant 0 : i32
    %dma_start3A_85 = tpu.memref_slice %arg8[%dma_start3A_83, %dma_start3A_84] : memref<128x128xf32, #tpu.memory_space<vmem>> -> memref<128x128xf32, #tpu.memory_space<vmem>>
    tpu.enqueue_dma source(%dma_start3A_85 : memref<128x128xf32, #tpu.memory_space<vmem>>) target(%dma_start3A_82 : memref<128x128xf32, #tpu.memory_space<hbm>>) target_semaphore(%arg13 : memref<!tpu.dma_semaphore, #tpu.memory_space<semaphore_mem>>)
    %mul3A_86 = arith.constant 632 : i32
    %mul3A_87 = arith.muli %arg1, %mul3A_86 : i32
    %add3A_88 = arith.constant 0 : i32
    %add3A_89 = arith.addi %mul3A_87, %add3A_88 : i32
    %dma_wait3A = arith.constant 0 : i32
    %dma_wait3A_90 = arith.constant 0 : i32
    %dma_wait3A_91 = tpu.memref_slice %arg7[%dma_wait3A, %dma_wait3A_90] : memref<128x128xf32, #tpu.memory_space<vmem>> -> memref<128x128xf32, #tpu.memory_space<vmem>>
    %dma_wait3A_92 = arith.constant 0 : i32
    %dma_wait3A_93 = tpu.memref_slice %arg6[%arg0, %add3A_89, %dma_wait3A_92] : memref<2x10112x128xf32, #tpu.memory_space<hbm>> -> memref<1x128x128xf32, #tpu.memory_space<hbm>>
    %dma_wait3A_94 = tpu.memref_squeeze %dma_wait3A_93 : memref<1x128x128xf32, #tpu.memory_space<hbm>> -> memref<128x128xf32, #tpu.memory_space<hbm>>
    %dma_wait3A_95 = arith.constant 0 : i32
    %dma_wait3A_96 = tpu.memref_slice %arg6[%arg0, %add3A_89, %dma_wait3A_95] : memref<2x10112x128xf32, #tpu.memory_space<hbm>> -> memref<1x128x128xf32, #tpu.memory_space<hbm>>
    %dma_wait3A_97 = tpu.memref_squeeze %dma_wait3A_96 : memref<1x128x128xf32, #tpu.memory_space<hbm>> -> memref<128x128xf32, #tpu.memory_space<hbm>>
    %dma_wait3A_98 = arith.constant 0 : i32
    %dma_wait3A_99 = arith.constant 0 : i32
    %dma_wait3A_100 = tpu.memref_slice %arg7[%dma_wait3A_98, %dma_wait3A_99] : memref<128x128xf32, #tpu.memory_space<vmem>> -> memref<128x128xf32, #tpu.memory_space<vmem>>
    tpu.wait_dma2 semaphore(%arg12 : memref<!tpu.dma_semaphore, #tpu.memory_space<semaphore_mem>>) src(%dma_wait3A_100 : memref<128x128xf32, #tpu.memory_space<vmem>>) dst(%dma_wait3A_97 : memref<128x128xf32, #tpu.memory_space<hbm>>)
    %mul3A_101 = arith.constant 632 : i32
    %mul3A_102 = arith.muli %arg1, %mul3A_101 : i32
    %add3A_103 = arith.constant 256 : i32
    %add3A_104 = arith.addi %mul3A_102, %add3A_103 : i32
    "tpu.region"() ({
      %run_scoped3A = tpu.sem_alloc : memref<!tpu.dma_semaphore, #tpu.memory_space<semaphore_mem>>
      %dma_start3A_225 = arith.constant 0 : i32
      %dma_start3A_226 = arith.constant 0 : i32
      %dma_start3A_227 = tpu.memref_slice %arg7[%dma_start3A_225, %dma_start3A_226] : memref<128x128xf32, #tpu.memory_space<vmem>> -> memref<128x128xf32, #tpu.memory_space<vmem>>
      %dma_start3A_228 = arith.constant 0 : i32
      %dma_start3A_229 = tpu.memref_slice %arg11[%add3A_104, %dma_start3A_228] : memref<10112x128xf32, #tpu.memory_space<vmem_shared>> -> memref<128x128xf32, #tpu.memory_space<vmem_shared>>
      %dma_start3A_230 = arith.constant 0 : i32
      %dma_start3A_231 = arith.constant 0 : i32
      %dma_start3A_232 = tpu.memref_slice %arg7[%dma_start3A_230, %dma_start3A_231] : memref<128x128xf32, #tpu.memory_space<vmem>> -> memref<128x128xf32, #tpu.memory_space<vmem>>
      %dma_start3A_233 = arith.constant 0 : i32
      %dma_start3A_234 = tpu.memref_slice %arg11[%add3A_104, %dma_start3A_233] : memref<10112x128xf32, #tpu.memory_space<vmem_shared>> -> memref<128x128xf32, #tpu.memory_space<vmem_shared>>
      tpu.enqueue_dma source(%dma_start3A_234 : memref<128x128xf32, #tpu.memory_space<vmem_shared>>) target(%dma_start3A_232 : memref<128x128xf32, #tpu.memory_space<vmem>>) target_semaphore(%run_scoped3A : memref<!tpu.dma_semaphore, #tpu.memory_space<semaphore_mem>>)
      %dma_wait3A_235 = arith.constant 0 : i32
      %dma_wait3A_236 = arith.constant 0 : i32
      %dma_wait3A_237 = tpu.memref_slice %arg7[%dma_wait3A_235, %dma_wait3A_236] : memref<128x128xf32, #tpu.memory_space<vmem>> -> memref<128x128xf32, #tpu.memory_space<vmem>>
      %dma_wait3A_238 = arith.constant 0 : i32
      %dma_wait3A_239 = tpu.memref_slice %arg11[%add3A_104, %dma_wait3A_238] : memref<10112x128xf32, #tpu.memory_space<vmem_shared>> -> memref<128x128xf32, #tpu.memory_space<vmem_shared>>
      %dma_wait3A_240 = arith.constant 0 : i32
      %dma_wait3A_241 = arith.constant 0 : i32
      %dma_wait3A_242 = tpu.memref_slice %arg7[%dma_wait3A_240, %dma_wait3A_241] : memref<128x128xf32, #tpu.memory_space<vmem>> -> memref<128x128xf32, #tpu.memory_space<vmem>>
      %dma_wait3A_243 = arith.constant 0 : i32
      %dma_wait3A_244 = tpu.memref_slice %arg11[%add3A_104, %dma_wait3A_243] : memref<10112x128xf32, #tpu.memory_space<vmem_shared>> -> memref<128x128xf32, #tpu.memory_space<vmem_shared>>
      tpu.wait_dma2 semaphore(%run_scoped3A : memref<!tpu.dma_semaphore, #tpu.memory_space<semaphore_mem>>) src(%dma_wait3A_244 : memref<128x128xf32, #tpu.memory_space<vmem_shared>>) dst(%dma_wait3A_242 : memref<128x128xf32, #tpu.memory_space<vmem>>)
      tpu.yield
    }) : () -> ()
    %mul3A_105 = arith.constant 632 : i32
    %mul3A_106 = arith.muli %arg1, %mul3A_105 : i32
    %add3A_107 = arith.constant 256 : i32
    %add3A_108 = arith.addi %mul3A_106, %add3A_107 : i32
    %dma_start3A_109 = arith.constant 0 : i32
    %dma_start3A_110 = arith.constant 0 : i32
    %dma_start3A_111 = tpu.memref_slice %arg7[%dma_start3A_109, %dma_start3A_110] : memref<128x128xf32, #tpu.memory_space<vmem>> -> memref<128x128xf32, #tpu.memory_space<vmem>>
    %dma_start3A_112 = arith.constant 0 : i32
    %dma_start3A_113 = tpu.memref_slice %arg6[%arg0, %add3A_108, %dma_start3A_112] : memref<2x10112x128xf32, #tpu.memory_space<hbm>> -> memref<1x128x128xf32, #tpu.memory_space<hbm>>
    %dma_start3A_114 = tpu.memref_squeeze %dma_start3A_113 : memref<1x128x128xf32, #tpu.memory_space<hbm>> -> memref<128x128xf32, #tpu.memory_space<hbm>>
    %dma_start3A_115 = arith.constant 0 : i32
    %dma_start3A_116 = tpu.memref_slice %arg6[%arg0, %add3A_108, %dma_start3A_115] : memref<2x10112x128xf32, #tpu.memory_space<hbm>> -> memref<1x128x128xf32, #tpu.memory_space<hbm>>
    %dma_start3A_117 = tpu.memref_squeeze %dma_start3A_116 : memref<1x128x128xf32, #tpu.memory_space<hbm>> -> memref<128x128xf32, #tpu.memory_space<hbm>>
    %dma_start3A_118 = arith.constant 0 : i32
    %dma_start3A_119 = arith.constant 0 : i32
    %dma_start3A_120 = tpu.memref_slice %arg7[%dma_start3A_118, %dma_start3A_119] : memref<128x128xf32, #tpu.memory_space<vmem>> -> memref<128x128xf32, #tpu.memory_space<vmem>>
    tpu.enqueue_dma source(%dma_start3A_120 : memref<128x128xf32, #tpu.memory_space<vmem>>) target(%dma_start3A_117 : memref<128x128xf32, #tpu.memory_space<hbm>>) target_semaphore(%arg12 : memref<!tpu.dma_semaphore, #tpu.memory_space<semaphore_mem>>)
    %mul3A_121 = arith.constant 632 : i32
    %mul3A_122 = arith.muli %arg1, %mul3A_121 : i32
    %add3A_123 = arith.constant 128 : i32
    %add3A_124 = arith.addi %mul3A_122, %add3A_123 : i32
    %dma_wait3A_125 = arith.constant 0 : i32
    %dma_wait3A_126 = arith.constant 0 : i32
    %dma_wait3A_127 = tpu.memref_slice %arg8[%dma_wait3A_125, %dma_wait3A_126] : memref<128x128xf32, #tpu.memory_space<vmem>> -> memref<128x128xf32, #tpu.memory_space<vmem>>
    %dma_wait3A_128 = arith.constant 0 : i32
    %dma_wait3A_129 = tpu.memref_slice %arg6[%arg0, %add3A_124, %dma_wait3A_128] : memref<2x10112x128xf32, #tpu.memory_space<hbm>> -> memref<1x128x128xf32, #tpu.memory_space<hbm>>
    %dma_wait3A_130 = tpu.memref_squeeze %dma_wait3A_129 : memref<1x128x128xf32, #tpu.memory_space<hbm>> -> memref<128x128xf32, #tpu.memory_space<hbm>>
    %dma_wait3A_131 = arith.constant 0 : i32
    %dma_wait3A_132 = tpu.memref_slice %arg6[%arg0, %add3A_124, %dma_wait3A_131] : memref<2x10112x128xf32, #tpu.memory_space<hbm>> -> memref<1x128x128xf32, #tpu.memory_space<hbm>>
    %dma_wait3A_133 = tpu.memref_squeeze %dma_wait3A_132 : memref<1x128x128xf32, #tpu.memory_space<hbm>> -> memref<128x128xf32, #tpu.memory_space<hbm>>
    %dma_wait3A_134 = arith.constant 0 : i32
    %dma_wait3A_135 = arith.constant 0 : i32
    %dma_wait3A_136 = tpu.memref_slice %arg8[%dma_wait3A_134, %dma_wait3A_135] : memref<128x128xf32, #tpu.memory_space<vmem>> -> memref<128x128xf32, #tpu.memory_space<vmem>>
    tpu.wait_dma2 semaphore(%arg13 : memref<!tpu.dma_semaphore, #tpu.memory_space<semaphore_mem>>) src(%dma_wait3A_136 : memref<128x128xf32, #tpu.memory_space<vmem>>) dst(%dma_wait3A_133 : memref<128x128xf32, #tpu.memory_space<hbm>>)
    %mul3A_137 = arith.constant 632 : i32
    %mul3A_138 = arith.muli %arg1, %mul3A_137 : i32
    %add3A_139 = arith.constant 384 : i32
    %add3A_140 = arith.addi %mul3A_138, %add3A_139 : i32
    "tpu.region"() ({
      %run_scoped3A = tpu.sem_alloc : memref<!tpu.dma_semaphore, #tpu.memory_space<semaphore_mem>>
      %dma_start3A_225 = arith.constant 0 : i32
      %dma_start3A_226 = arith.constant 0 : i32
      %dma_start3A_227 = tpu.memref_slice %arg8[%dma_start3A_225, %dma_start3A_226] : memref<128x128xf32, #tpu.memory_space<vmem>> -> memref<128x128xf32, #tpu.memory_space<vmem>>
      %dma_start3A_228 = arith.constant 0 : i32
      %dma_start3A_229 = tpu.memref_slice %arg11[%add3A_140, %dma_start3A_228] : memref<10112x128xf32, #tpu.memory_space<vmem_shared>> -> memref<128x128xf32, #tpu.memory_space<vmem_shared>>
      %dma_start3A_230 = arith.constant 0 : i32
      %dma_start3A_231 = arith.constant 0 : i32
      %dma_start3A_232 = tpu.memref_slice %arg8[%dma_start3A_230, %dma_start3A_231] : memref<128x128xf32, #tpu.memory_space<vmem>> -> memref<128x128xf32, #tpu.memory_space<vmem>>
      %dma_start3A_233 = arith.constant 0 : i32
      %dma_start3A_234 = tpu.memref_slice %arg11[%add3A_140, %dma_start3A_233] : memref<10112x128xf32, #tpu.memory_space<vmem_shared>> -> memref<128x128xf32, #tpu.memory_space<vmem_shared>>
      tpu.enqueue_dma source(%dma_start3A_234 : memref<128x128xf32, #tpu.memory_space<vmem_shared>>) target(%dma_start3A_232 : memref<128x128xf32, #tpu.memory_space<vmem>>) target_semaphore(%run_scoped3A : memref<!tpu.dma_semaphore, #tpu.memory_space<semaphore_mem>>)
      %dma_wait3A_235 = arith.constant 0 : i32
      %dma_wait3A_236 = arith.constant 0 : i32
      %dma_wait3A_237 = tpu.memref_slice %arg8[%dma_wait3A_235, %dma_wait3A_236] : memref<128x128xf32, #tpu.memory_space<vmem>> -> memref<128x128xf32, #tpu.memory_space<vmem>>
      %dma_wait3A_238 = arith.constant 0 : i32
      %dma_wait3A_239 = tpu.memref_slice %arg11[%add3A_140, %dma_wait3A_238] : memref<10112x128xf32, #tpu.memory_space<vmem_shared>> -> memref<128x128xf32, #tpu.memory_space<vmem_shared>>
      %dma_wait3A_240 = arith.constant 0 : i32
      %dma_wait3A_241 = arith.constant 0 : i32
      %dma_wait3A_242 = tpu.memref_slice %arg8[%dma_wait3A_240, %dma_wait3A_241] : memref<128x128xf32, #tpu.memory_space<vmem>> -> memref<128x128xf32, #tpu.memory_space<vmem>>
      %dma_wait3A_243 = arith.constant 0 : i32
      %dma_wait3A_244 = tpu.memref_slice %arg11[%add3A_140, %dma_wait3A_243] : memref<10112x128xf32, #tpu.memory_space<vmem_shared>> -> memref<128x128xf32, #tpu.memory_space<vmem_shared>>
      tpu.wait_dma2 semaphore(%run_scoped3A : memref<!tpu.dma_semaphore, #tpu.memory_space<semaphore_mem>>) src(%dma_wait3A_244 : memref<128x128xf32, #tpu.memory_space<vmem_shared>>) dst(%dma_wait3A_242 : memref<128x128xf32, #tpu.memory_space<vmem>>)
      tpu.yield
    }) : () -> ()
    %mul3A_141 = arith.constant 632 : i32
    %mul3A_142 = arith.muli %arg1, %mul3A_141 : i32
    %add3A_143 = arith.constant 384 : i32
    %add3A_144 = arith.addi %mul3A_142, %add3A_143 : i32
    %dma_start3A_145 = arith.constant 0 : i32
    %dma_start3A_146 = arith.constant 0 : i32
    %dma_start3A_147 = tpu.memref_slice %arg8[%dma_start3A_145, %dma_start3A_146] : memref<128x128xf32, #tpu.memory_space<vmem>> -> memref<128x128xf32, #tpu.memory_space<vmem>>
    %dma_start3A_148 = arith.constant 0 : i32
    %dma_start3A_149 = tpu.memref_slice %arg6[%arg0, %add3A_144, %dma_start3A_148] : memref<2x10112x128xf32, #tpu.memory_space<hbm>> -> memref<1x128x128xf32, #tpu.memory_space<hbm>>
    %dma_start3A_150 = tpu.memref_squeeze %dma_start3A_149 : memref<1x128x128xf32, #tpu.memory_space<hbm>> -> memref<128x128xf32, #tpu.memory_space<hbm>>
    %dma_start3A_151 = arith.constant 0 : i32
    %dma_start3A_152 = tpu.memref_slice %arg6[%arg0, %add3A_144, %dma_start3A_151] : memref<2x10112x128xf32, #tpu.memory_space<hbm>> -> memref<1x128x128xf32, #tpu.memory_space<hbm>>
    %dma_start3A_153 = tpu.memref_squeeze %dma_start3A_152 : memref<1x128x128xf32, #tpu.memory_space<hbm>> -> memref<128x128xf32, #tpu.memory_space<hbm>>
    %dma_start3A_154 = arith.constant 0 : i32
    %dma_start3A_155 = arith.constant 0 : i32
    %dma_start3A_156 = tpu.memref_slice %arg8[%dma_start3A_154, %dma_start3A_155] : memref<128x128xf32, #tpu.memory_space<vmem>> -> memref<128x128xf32, #tpu.memory_space<vmem>>
    tpu.enqueue_dma source(%dma_start3A_156 : memref<128x128xf32, #tpu.memory_space<vmem>>) target(%dma_start3A_153 : memref<128x128xf32, #tpu.memory_space<hbm>>) target_semaphore(%arg13 : memref<!tpu.dma_semaphore, #tpu.memory_space<semaphore_mem>>)
    %mul3A_157 = arith.constant 632 : i32
    %mul3A_158 = arith.muli %arg1, %mul3A_157 : i32
    %add3A_159 = arith.constant 256 : i32
    %add3A_160 = arith.addi %mul3A_158, %add3A_159 : i32
    %dma_wait3A_161 = arith.constant 0 : i32
    %dma_wait3A_162 = arith.constant 0 : i32
    %dma_wait3A_163 = tpu.memref_slice %arg7[%dma_wait3A_161, %dma_wait3A_162] : memref<128x128xf32, #tpu.memory_space<vmem>> -> memref<128x128xf32, #tpu.memory_space<vmem>>
    %dma_wait3A_164 = arith.constant 0 : i32
    %dma_wait3A_165 = tpu.memref_slice %arg6[%arg0, %add3A_160, %dma_wait3A_164] : memref<2x10112x128xf32, #tpu.memory_space<hbm>> -> memref<1x128x128xf32, #tpu.memory_space<hbm>>
    %dma_wait3A_166 = tpu.memref_squeeze %dma_wait3A_165 : memref<1x128x128xf32, #tpu.memory_space<hbm>> -> memref<128x128xf32, #tpu.memory_space<hbm>>
    %dma_wait3A_167 = arith.constant 0 : i32
    %dma_wait3A_168 = tpu.memref_slice %arg6[%arg0, %add3A_160, %dma_wait3A_167] : memref<2x10112x128xf32, #tpu.memory_space<hbm>> -> memref<1x128x128xf32, #tpu.memory_space<hbm>>
    %dma_wait3A_169 = tpu.memref_squeeze %dma_wait3A_168 : memref<1x128x128xf32, #tpu.memory_space<hbm>> -> memref<128x128xf32, #tpu.memory_space<hbm>>
    %dma_wait3A_170 = arith.constant 0 : i32
    %dma_wait3A_171 = arith.constant 0 : i32
    %dma_wait3A_172 = tpu.memref_slice %arg7[%dma_wait3A_170, %dma_wait3A_171] : memref<128x128xf32, #tpu.memory_space<vmem>> -> memref<128x128xf32, #tpu.memory_space<vmem>>
    tpu.wait_dma2 semaphore(%arg12 : memref<!tpu.dma_semaphore, #tpu.memory_space<semaphore_mem>>) src(%dma_wait3A_172 : memref<128x128xf32, #tpu.memory_space<vmem>>) dst(%dma_wait3A_169 : memref<128x128xf32, #tpu.memory_space<hbm>>)
    %mul3A_173 = arith.constant 632 : i32
    %mul3A_174 = arith.muli %arg1, %mul3A_173 : i32
    %add3A_175 = arith.constant 512 : i32
    %add3A_176 = arith.addi %mul3A_174, %add3A_175 : i32
    "tpu.region"() ({
      %run_scoped3A = tpu.sem_alloc : memref<!tpu.dma_semaphore, #tpu.memory_space<semaphore_mem>>
      %dma_start3A_225 = arith.constant 0 : i32
      %dma_start3A_226 = arith.constant 0 : i32
      %dma_start3A_227 = tpu.memref_slice %arg7[%dma_start3A_225, %dma_start3A_226] : memref<128x128xf32, #tpu.memory_space<vmem>> -> memref<120x128xf32, #tpu.memory_space<vmem>>
      %dma_start3A_228 = arith.constant 0 : i32
      %dma_start3A_229 = tpu.memref_slice %arg11[%add3A_176, %dma_start3A_228] : memref<10112x128xf32, #tpu.memory_space<vmem_shared>> -> memref<120x128xf32, #tpu.memory_space<vmem_shared>>
      %dma_start3A_230 = arith.constant 0 : i32
      %dma_start3A_231 = arith.constant 0 : i32
      %dma_start3A_232 = tpu.memref_slice %arg7[%dma_start3A_230, %dma_start3A_231] : memref<128x128xf32, #tpu.memory_space<vmem>> -> memref<120x128xf32, #tpu.memory_space<vmem>>
      %dma_start3A_233 = arith.constant 0 : i32
      %dma_start3A_234 = tpu.memref_slice %arg11[%add3A_176, %dma_start3A_233] : memref<10112x128xf32, #tpu.memory_space<vmem_shared>> -> memref<120x128xf32, #tpu.memory_space<vmem_shared>>
      tpu.enqueue_dma source(%dma_start3A_234 : memref<120x128xf32, #tpu.memory_space<vmem_shared>>) target(%dma_start3A_232 : memref<120x128xf32, #tpu.memory_space<vmem>>) target_semaphore(%run_scoped3A : memref<!tpu.dma_semaphore, #tpu.memory_space<semaphore_mem>>)
      %dma_wait3A_235 = arith.constant 0 : i32
      %dma_wait3A_236 = arith.constant 0 : i32
      %dma_wait3A_237 = tpu.memref_slice %arg7[%dma_wait3A_235, %dma_wait3A_236] : memref<128x128xf32, #tpu.memory_space<vmem>> -> memref<120x128xf32, #tpu.memory_space<vmem>>
      %dma_wait3A_238 = arith.constant 0 : i32
      %dma_wait3A_239 = tpu.memref_slice %arg11[%add3A_176, %dma_wait3A_238] : memref<10112x128xf32, #tpu.memory_space<vmem_shared>> -> memref<120x128xf32, #tpu.memory_space<vmem_shared>>
      %dma_wait3A_240 = arith.constant 0 : i32
      %dma_wait3A_241 = arith.constant 0 : i32
      %dma_wait3A_242 = tpu.memref_slice %arg7[%dma_wait3A_240, %dma_wait3A_241] : memref<128x128xf32, #tpu.memory_space<vmem>> -> memref<120x128xf32, #tpu.memory_space<vmem>>
      %dma_wait3A_243 = arith.constant 0 : i32
      %dma_wait3A_244 = tpu.memref_slice %arg11[%add3A_176, %dma_wait3A_243] : memref<10112x128xf32, #tpu.memory_space<vmem_shared>> -> memref<120x128xf32, #tpu.memory_space<vmem_shared>>
      tpu.wait_dma2 semaphore(%run_scoped3A : memref<!tpu.dma_semaphore, #tpu.memory_space<semaphore_mem>>) src(%dma_wait3A_244 : memref<120x128xf32, #tpu.memory_space<vmem_shared>>) dst(%dma_wait3A_242 : memref<120x128xf32, #tpu.memory_space<vmem>>)
      tpu.yield
    }) : () -> ()
    %mul3A_177 = arith.constant 632 : i32
    %mul3A_178 = arith.muli %arg1, %mul3A_177 : i32
    %add3A_179 = arith.constant 512 : i32
    %add3A_180 = arith.addi %mul3A_178, %add3A_179 : i32
    %dma_start3A_181 = arith.constant 0 : i32
    %dma_start3A_182 = arith.constant 0 : i32
    %dma_start3A_183 = tpu.memref_slice %arg7[%dma_start3A_181, %dma_start3A_182] : memref<128x128xf32, #tpu.memory_space<vmem>> -> memref<120x128xf32, #tpu.memory_space<vmem>>
    %dma_start3A_184 = arith.constant 0 : i32
    %dma_start3A_185 = tpu.memref_slice %arg6[%arg0, %add3A_180, %dma_start3A_184] : memref<2x10112x128xf32, #tpu.memory_space<hbm>> -> memref<1x120x128xf32, #tpu.memory_space<hbm>>
    %dma_start3A_186 = tpu.memref_squeeze %dma_start3A_185 : memref<1x120x128xf32, #tpu.memory_space<hbm>> -> memref<120x128xf32, #tpu.memory_space<hbm>>
    %dma_start3A_187 = arith.constant 0 : i32
    %dma_start3A_188 = tpu.memref_slice %arg6[%arg0, %add3A_180, %dma_start3A_187] : memref<2x10112x128xf32, #tpu.memory_space<hbm>> -> memref<1x120x128xf32, #tpu.memory_space<hbm>>
    %dma_start3A_189 = tpu.memref_squeeze %dma_start3A_188 : memref<1x120x128xf32, #tpu.memory_space<hbm>> -> memref<120x128xf32, #tpu.memory_space<hbm>>
    %dma_start3A_190 = arith.constant 0 : i32
    %dma_start3A_191 = arith.constant 0 : i32
    %dma_start3A_192 = tpu.memref_slice %arg7[%dma_start3A_190, %dma_start3A_191] : memref<128x128xf32, #tpu.memory_space<vmem>> -> memref<120x128xf32, #tpu.memory_space<vmem>>
    tpu.enqueue_dma source(%dma_start3A_192 : memref<120x128xf32, #tpu.memory_space<vmem>>) target(%dma_start3A_189 : memref<120x128xf32, #tpu.memory_space<hbm>>) target_semaphore(%arg12 : memref<!tpu.dma_semaphore, #tpu.memory_space<semaphore_mem>>)
    %mul3A_193 = arith.constant 632 : i32
    %mul3A_194 = arith.muli %arg1, %mul3A_193 : i32
    %add3A_195 = arith.constant 384 : i32
    %add3A_196 = arith.addi %mul3A_194, %add3A_195 : i32
    %dma_wait3A_197 = arith.constant 0 : i32
    %dma_wait3A_198 = arith.constant 0 : i32
    %dma_wait3A_199 = tpu.memref_slice %arg8[%dma_wait3A_197, %dma_wait3A_198] : memref<128x128xf32, #tpu.memory_space<vmem>> -> memref<128x128xf32, #tpu.memory_space<vmem>>
    %dma_wait3A_200 = arith.constant 0 : i32
    %dma_wait3A_201 = tpu.memref_slice %arg6[%arg0, %add3A_196, %dma_wait3A_200] : memref<2x10112x128xf32, #tpu.memory_space<hbm>> -> memref<1x128x128xf32, #tpu.memory_space<hbm>>
    %dma_wait3A_202 = tpu.memref_squeeze %dma_wait3A_201 : memref<1x128x128xf32, #tpu.memory_space<hbm>> -> memref<128x128xf32, #tpu.memory_space<hbm>>
    %dma_wait3A_203 = arith.constant 0 : i32
    %dma_wait3A_204 = tpu.memref_slice %arg6[%arg0, %add3A_196, %dma_wait3A_203] : memref<2x10112x128xf32, #tpu.memory_space<hbm>> -> memref<1x128x128xf32, #tpu.memory_space<hbm>>
    %dma_wait3A_205 = tpu.memref_squeeze %dma_wait3A_204 : memref<1x128x128xf32, #tpu.memory_space<hbm>> -> memref<128x128xf32, #tpu.memory_space<hbm>>
    %dma_wait3A_206 = arith.constant 0 : i32
    %dma_wait3A_207 = arith.constant 0 : i32
    %dma_wait3A_208 = tpu.memref_slice %arg8[%dma_wait3A_206, %dma_wait3A_207] : memref<128x128xf32, #tpu.memory_space<vmem>> -> memref<128x128xf32, #tpu.memory_space<vmem>>
    tpu.wait_dma2 semaphore(%arg13 : memref<!tpu.dma_semaphore, #tpu.memory_space<semaphore_mem>>) src(%dma_wait3A_208 : memref<128x128xf32, #tpu.memory_space<vmem>>) dst(%dma_wait3A_205 : memref<128x128xf32, #tpu.memory_space<hbm>>)
    %mul3A_209 = arith.constant 632 : i32
    %mul3A_210 = arith.muli %arg1, %mul3A_209 : i32
    %add3A_211 = arith.constant 512 : i32
    %add3A_212 = arith.addi %mul3A_210, %add3A_211 : i32
    %dma_wait3A_213 = arith.constant 0 : i32
    %dma_wait3A_214 = arith.constant 0 : i32
    %dma_wait3A_215 = tpu.memref_slice %arg7[%dma_wait3A_213, %dma_wait3A_214] : memref<128x128xf32, #tpu.memory_space<vmem>> -> memref<120x128xf32, #tpu.memory_space<vmem>>
    %dma_wait3A_216 = arith.constant 0 : i32
    %dma_wait3A_217 = tpu.memref_slice %arg6[%arg0, %add3A_212, %dma_wait3A_216] : memref<2x10112x128xf32, #tpu.memory_space<hbm>> -> memref<1x120x128xf32, #tpu.memory_space<hbm>>
    %dma_wait3A_218 = tpu.memref_squeeze %dma_wait3A_217 : memref<1x120x128xf32, #tpu.memory_space<hbm>> -> memref<120x128xf32, #tpu.memory_space<hbm>>
    %dma_wait3A_219 = arith.constant 0 : i32
    %dma_wait3A_220 = tpu.memref_slice %arg6[%arg0, %add3A_212, %dma_wait3A_219] : memref<2x10112x128xf32, #tpu.memory_space<hbm>> -> memref<1x120x128xf32, #tpu.memory_space<hbm>>
    %dma_wait3A_221 = tpu.memref_squeeze %dma_wait3A_220 : memref<1x120x128xf32, #tpu.memory_space<hbm>> -> memref<120x128xf32, #tpu.memory_space<hbm>>
    %dma_wait3A_222 = arith.constant 0 : i32
    %dma_wait3A_223 = arith.constant 0 : i32
    %dma_wait3A_224 = tpu.memref_slice %arg7[%dma_wait3A_222, %dma_wait3A_223] : memref<128x128xf32, #tpu.memory_space<vmem>> -> memref<120x128xf32, #tpu.memory_space<vmem>>
    tpu.wait_dma2 semaphore(%arg12 : memref<!tpu.dma_semaphore, #tpu.memory_space<semaphore_mem>>) src(%dma_wait3A_224 : memref<120x128xf32, #tpu.memory_space<vmem>>) dst(%dma_wait3A_221 : memref<120x128xf32, #tpu.memory_space<hbm>>)
    return
  }
}

#map = affine_map<(d0, d1) -> (0, 0)>
#map1 = affine_map<(d0, d1) -> (0, 0, 0)>
module attributes {stable_mosaic.version = 14 : i64} {
  func.func @_scatter_body(%arg0: i32, %arg1: i32, %arg2: memref<10112x128xf32, #tpu.memory_space<hbm>>, %arg3: memref<32x80x128xi32, #tpu.memory_space<hbm>>, %arg4: memref<32x80x128xi32, #tpu.memory_space<hbm>>, %arg5: memref<128x128xf32, #tpu.memory_space<hbm>>, %arg6: memref<2x10112x128xf32, #tpu.memory_space<hbm>>, %arg7: memref<128x128xf32, #tpu.memory_space<vmem>>, %arg8: memref<128x128xf32, #tpu.memory_space<vmem>>, %arg9: memref<40x128xi32, #tpu.memory_space<vmem>>, %arg10: memref<40x128xi32, #tpu.memory_space<vmem>>, %arg11: memref<10112x128xf32, #tpu.memory_space<vmem_shared>>, %arg12: memref<!tpu.dma_semaphore, #tpu.memory_space<semaphore_mem>>, %arg13: memref<!tpu.dma_semaphore, #tpu.memory_space<semaphore_mem>>) attributes {dimension_semantics = [#tpu.dimension_semantics<core_parallel>, #tpu.dimension_semantics<subcore_parallel>], iteration_bounds = array<i64: 2, 16>, scalar_prefetch = 0 : i64, scratch_operands = 7 : i64, tpu.core_type = #tpu.core_type<sc_vector_subcore>, window_params = [{transform_indices = #map}, {transform_indices = #map1}, {transform_indices = #map1}, {transform_indices = #map}, {transform_indices = #map1}]} {
    %mul3A = arith.constant 2 : i32
    %mul3A_0 = arith.muli %arg1, %mul3A : i32
    %add3A = arith.addi %mul3A_0, %arg0 : i32
    "tpu.region"() ({
      %run_scoped3A = tpu.sem_alloc : memref<!tpu.dma_semaphore, #tpu.memory_space<semaphore_mem>>
      tpu.enqueue_dma source(%arg5 : memref<128x128xf32, #tpu.memory_space<hbm>>) target(%arg7 : memref<128x128xf32, #tpu.memory_space<vmem>>) target_semaphore(%run_scoped3A : memref<!tpu.dma_semaphore, #tpu.memory_space<semaphore_mem>>)
      tpu.wait_dma2 semaphore(%run_scoped3A : memref<!tpu.dma_semaphore, #tpu.memory_space<semaphore_mem>>) src(%arg5 : memref<128x128xf32, #tpu.memory_space<hbm>>) dst(%arg7 : memref<128x128xf32, #tpu.memory_space<vmem>>)
      tpu.yield
    }) : () -> ()
    %mul3A_1 = arith.constant 632 : i32
    %mul3A_2 = arith.muli %arg1, %mul3A_1 : i32
    %add3A_3 = arith.constant 0 : i32
    %add3A_4 = arith.addi %mul3A_2, %add3A_3 : i32
    "tpu.region"() ({
      %run_scoped3A = tpu.sem_alloc : memref<!tpu.dma_semaphore, #tpu.memory_space<semaphore_mem>>
      %dma_start3A_225 = arith.constant 0 : i32
      %dma_start3A_226 = arith.constant 0 : i32
      %dma_start3A_227 = tpu.memref_slice %arg7[%dma_start3A_225, %dma_start3A_226] : memref<128x128xf32, #tpu.memory_space<vmem>> -> memref<128x128xf32, #tpu.memory_space<vmem>>
      %dma_start3A_228 = arith.constant 0 : i32
      %dma_start3A_229 = tpu.memref_slice %arg11[%add3A_4, %dma_start3A_228] : memref<10112x128xf32, #tpu.memory_space<vmem_shared>> -> memref<128x128xf32, #tpu.memory_space<vmem_shared>>
      %dma_start3A_230 = arith.constant 0 : i32
      %dma_start3A_231 = tpu.memref_slice %arg11[%add3A_4, %dma_start3A_230] : memref<10112x128xf32, #tpu.memory_space<vmem_shared>> -> memref<128x128xf32, #tpu.memory_space<vmem_shared>>
      %dma_start3A_232 = arith.constant 0 : i32
      %dma_start3A_233 = arith.constant 0 : i32
      %dma_start3A_234 = tpu.memref_slice %arg7[%dma_start3A_232, %dma_start3A_233] : memref<128x128xf32, #tpu.memory_space<vmem>> -> memref<128x128xf32, #tpu.memory_space<vmem>>
      tpu.enqueue_dma source(%dma_start3A_234 : memref<128x128xf32, #tpu.memory_space<vmem>>) target(%dma_start3A_231 : memref<128x128xf32, #tpu.memory_space<vmem_shared>>) target_semaphore(%run_scoped3A : memref<!tpu.dma_semaphore, #tpu.memory_space<semaphore_mem>>)
      %dma_wait3A_235 = arith.constant 0 : i32
      %dma_wait3A_236 = arith.constant 0 : i32
      %dma_wait3A_237 = tpu.memref_slice %arg7[%dma_wait3A_235, %dma_wait3A_236] : memref<128x128xf32, #tpu.memory_space<vmem>> -> memref<128x128xf32, #tpu.memory_space<vmem>>
      %dma_wait3A_238 = arith.constant 0 : i32
      %dma_wait3A_239 = tpu.memref_slice %arg11[%add3A_4, %dma_wait3A_238] : memref<10112x128xf32, #tpu.memory_space<vmem_shared>> -> memref<128x128xf32, #tpu.memory_space<vmem_shared>>
      %dma_wait3A_240 = arith.constant 0 : i32
      %dma_wait3A_241 = tpu.memref_slice %arg11[%add3A_4, %dma_wait3A_240] : memref<10112x128xf32, #tpu.memory_space<vmem_shared>> -> memref<128x128xf32, #tpu.memory_space<vmem_shared>>
      %dma_wait3A_242 = arith.constant 0 : i32
      %dma_wait3A_243 = arith.constant 0 : i32
      %dma_wait3A_244 = tpu.memref_slice %arg7[%dma_wait3A_242, %dma_wait3A_243] : memref<128x128xf32, #tpu.memory_space<vmem>> -> memref<128x128xf32, #tpu.memory_space<vmem>>
      tpu.wait_dma2 semaphore(%run_scoped3A : memref<!tpu.dma_semaphore, #tpu.memory_space<semaphore_mem>>) src(%dma_wait3A_244 : memref<128x128xf32, #tpu.memory_space<vmem>>) dst(%dma_wait3A_241 : memref<128x128xf32, #tpu.memory_space<vmem_shared>>)
      tpu.yield
    }) : () -> ()
    %mul3A_5 = arith.constant 632 : i32
    %mul3A_6 = arith.muli %arg1, %mul3A_5 : i32
    %add3A_7 = arith.constant 128 : i32
    %add3A_8 = arith.addi %mul3A_6, %add3A_7 : i32
    "tpu.region"() ({
      %run_scoped3A = tpu.sem_alloc : memref<!tpu.dma_semaphore, #tpu.memory_space<semaphore_mem>>
      %dma_start3A_225 = arith.constant 0 : i32
      %dma_start3A_226 = arith.constant 0 : i32
      %dma_start3A_227 = tpu.memref_slice %arg7[%dma_start3A_225, %dma_start3A_226] : memref<128x128xf32, #tpu.memory_space<vmem>> -> memref<128x128xf32, #tpu.memory_space<vmem>>
      %dma_start3A_228 = arith.constant 0 : i32
      %dma_start3A_229 = tpu.memref_slice %arg11[%add3A_8, %dma_start3A_228] : memref<10112x128xf32, #tpu.memory_space<vmem_shared>> -> memref<128x128xf32, #tpu.memory_space<vmem_shared>>
      %dma_start3A_230 = arith.constant 0 : i32
      %dma_start3A_231 = tpu.memref_slice %arg11[%add3A_8, %dma_start3A_230] : memref<10112x128xf32, #tpu.memory_space<vmem_shared>> -> memref<128x128xf32, #tpu.memory_space<vmem_shared>>
      %dma_start3A_232 = arith.constant 0 : i32
      %dma_start3A_233 = arith.constant 0 : i32
      %dma_start3A_234 = tpu.memref_slice %arg7[%dma_start3A_232, %dma_start3A_233] : memref<128x128xf32, #tpu.memory_space<vmem>> -> memref<128x128xf32, #tpu.memory_space<vmem>>
      tpu.enqueue_dma source(%dma_start3A_234 : memref<128x128xf32, #tpu.memory_space<vmem>>) target(%dma_start3A_231 : memref<128x128xf32, #tpu.memory_space<vmem_shared>>) target_semaphore(%run_scoped3A : memref<!tpu.dma_semaphore, #tpu.memory_space<semaphore_mem>>)
      %dma_wait3A_235 = arith.constant 0 : i32
      %dma_wait3A_236 = arith.constant 0 : i32
      %dma_wait3A_237 = tpu.memref_slice %arg7[%dma_wait3A_235, %dma_wait3A_236] : memref<128x128xf32, #tpu.memory_space<vmem>> -> memref<128x128xf32, #tpu.memory_space<vmem>>
      %dma_wait3A_238 = arith.constant 0 : i32
      %dma_wait3A_239 = tpu.memref_slice %arg11[%add3A_8, %dma_wait3A_238] : memref<10112x128xf32, #tpu.memory_space<vmem_shared>> -> memref<128x128xf32, #tpu.memory_space<vmem_shared>>
      %dma_wait3A_240 = arith.constant 0 : i32
      %dma_wait3A_241 = tpu.memref_slice %arg11[%add3A_8, %dma_wait3A_240] : memref<10112x128xf32, #tpu.memory_space<vmem_shared>> -> memref<128x128xf32, #tpu.memory_space<vmem_shared>>
      %dma_wait3A_242 = arith.constant 0 : i32
      %dma_wait3A_243 = arith.constant 0 : i32
      %dma_wait3A_244 = tpu.memref_slice %arg7[%dma_wait3A_242, %dma_wait3A_243] : memref<128x128xf32, #tpu.memory_space<vmem>> -> memref<128x128xf32, #tpu.memory_space<vmem>>
      tpu.wait_dma2 semaphore(%run_scoped3A : memref<!tpu.dma_semaphore, #tpu.memory_space<semaphore_mem>>) src(%dma_wait3A_244 : memref<128x128xf32, #tpu.memory_space<vmem>>) dst(%dma_wait3A_241 : memref<128x128xf32, #tpu.memory_space<vmem_shared>>)
      tpu.yield
    }) : () -> ()
    %mul3A_9 = arith.constant 632 : i32
    %mul3A_10 = arith.muli %arg1, %mul3A_9 : i32
    %add3A_11 = arith.constant 256 : i32
    %add3A_12 = arith.addi %mul3A_10, %add3A_11 : i32
    "tpu.region"() ({
      %run_scoped3A = tpu.sem_alloc : memref<!tpu.dma_semaphore, #tpu.memory_space<semaphore_mem>>
      %dma_start3A_225 = arith.constant 0 : i32
      %dma_start3A_226 = arith.constant 0 : i32
      %dma_start3A_227 = tpu.memref_slice %arg7[%dma_start3A_225, %dma_start3A_226] : memref<128x128xf32, #tpu.memory_space<vmem>> -> memref<128x128xf32, #tpu.memory_space<vmem>>
      %dma_start3A_228 = arith.constant 0 : i32
      %dma_start3A_229 = tpu.memref_slice %arg11[%add3A_12, %dma_start3A_228] : memref<10112x128xf32, #tpu.memory_space<vmem_shared>> -> memref<128x128xf32, #tpu.memory_space<vmem_shared>>
      %dma_start3A_230 = arith.constant 0 : i32
      %dma_start3A_231 = tpu.memref_slice %arg11[%add3A_12, %dma_start3A_230] : memref<10112x128xf32, #tpu.memory_space<vmem_shared>> -> memref<128x128xf32, #tpu.memory_space<vmem_shared>>
      %dma_start3A_232 = arith.constant 0 : i32
      %dma_start3A_233 = arith.constant 0 : i32
      %dma_start3A_234 = tpu.memref_slice %arg7[%dma_start3A_232, %dma_start3A_233] : memref<128x128xf32, #tpu.memory_space<vmem>> -> memref<128x128xf32, #tpu.memory_space<vmem>>
      tpu.enqueue_dma source(%dma_start3A_234 : memref<128x128xf32, #tpu.memory_space<vmem>>) target(%dma_start3A_231 : memref<128x128xf32, #tpu.memory_space<vmem_shared>>) target_semaphore(%run_scoped3A : memref<!tpu.dma_semaphore, #tpu.memory_space<semaphore_mem>>)
      %dma_wait3A_235 = arith.constant 0 : i32
      %dma_wait3A_236 = arith.constant 0 : i32
      %dma_wait3A_237 = tpu.memref_slice %arg7[%dma_wait3A_235, %dma_wait3A_236] : memref<128x128xf32, #tpu.memory_space<vmem>> -> memref<128x128xf32, #tpu.memory_space<vmem>>
      %dma_wait3A_238 = arith.constant 0 : i32
      %dma_wait3A_239 = tpu.memref_slice %arg11[%add3A_12, %dma_wait3A_238] : memref<10112x128xf32, #tpu.memory_space<vmem_shared>> -> memref<128x128xf32, #tpu.memory_space<vmem_shared>>
      %dma_wait3A_240 = arith.constant 0 : i32
      %dma_wait3A_241 = tpu.memref_slice %arg11[%add3A_12, %dma_wait3A_240] : memref<10112x128xf32, #tpu.memory_space<vmem_shared>> -> memref<128x128xf32, #tpu.memory_space<vmem_shared>>
      %dma_wait3A_242 = arith.constant 0 : i32
      %dma_wait3A_243 = arith.constant 0 : i32
      %dma_wait3A_244 = tpu.memref_slice %arg7[%dma_wait3A_242, %dma_wait3A_243] : memref<128x128xf32, #tpu.memory_space<vmem>> -> memref<128x128xf32, #tpu.memory_space<vmem>>
      tpu.wait_dma2 semaphore(%run_scoped3A : memref<!tpu.dma_semaphore, #tpu.memory_space<semaphore_mem>>) src(%dma_wait3A_244 : memref<128x128xf32, #tpu.memory_space<vmem>>) dst(%dma_wait3A_241 : memref<128x128xf32, #tpu.memory_space<vmem_shared>>)
      tpu.yield
    }) : () -> ()
    %mul3A_13 = arith.constant 632 : i32
    %mul3A_14 = arith.muli %arg1, %mul3A_13 : i32
    %add3A_15 = arith.constant 384 : i32
    %add3A_16 = arith.addi %mul3A_14, %add3A_15 : i32
    "tpu.region"() ({
      %run_scoped3A = tpu.sem_alloc : memref<!tpu.dma_semaphore, #tpu.memory_space<semaphore_mem>>
      %dma_start3A_225 = arith.constant 0 : i32
      %dma_start3A_226 = arith.constant 0 : i32
      %dma_start3A_227 = tpu.memref_slice %arg7[%dma_start3A_225, %dma_start3A_226] : memref<128x128xf32, #tpu.memory_space<vmem>> -> memref<128x128xf32, #tpu.memory_space<vmem>>
      %dma_start3A_228 = arith.constant 0 : i32
      %dma_start3A_229 = tpu.memref_slice %arg11[%add3A_16, %dma_start3A_228] : memref<10112x128xf32, #tpu.memory_space<vmem_shared>> -> memref<128x128xf32, #tpu.memory_space<vmem_shared>>
      %dma_start3A_230 = arith.constant 0 : i32
      %dma_start3A_231 = tpu.memref_slice %arg11[%add3A_16, %dma_start3A_230] : memref<10112x128xf32, #tpu.memory_space<vmem_shared>> -> memref<128x128xf32, #tpu.memory_space<vmem_shared>>
      %dma_start3A_232 = arith.constant 0 : i32
      %dma_start3A_233 = arith.constant 0 : i32
      %dma_start3A_234 = tpu.memref_slice %arg7[%dma_start3A_232, %dma_start3A_233] : memref<128x128xf32, #tpu.memory_space<vmem>> -> memref<128x128xf32, #tpu.memory_space<vmem>>
      tpu.enqueue_dma source(%dma_start3A_234 : memref<128x128xf32, #tpu.memory_space<vmem>>) target(%dma_start3A_231 : memref<128x128xf32, #tpu.memory_space<vmem_shared>>) target_semaphore(%run_scoped3A : memref<!tpu.dma_semaphore, #tpu.memory_space<semaphore_mem>>)
      %dma_wait3A_235 = arith.constant 0 : i32
      %dma_wait3A_236 = arith.constant 0 : i32
      %dma_wait3A_237 = tpu.memref_slice %arg7[%dma_wait3A_235, %dma_wait3A_236] : memref<128x128xf32, #tpu.memory_space<vmem>> -> memref<128x128xf32, #tpu.memory_space<vmem>>
      %dma_wait3A_238 = arith.constant 0 : i32
      %dma_wait3A_239 = tpu.memref_slice %arg11[%add3A_16, %dma_wait3A_238] : memref<10112x128xf32, #tpu.memory_space<vmem_shared>> -> memref<128x128xf32, #tpu.memory_space<vmem_shared>>
      %dma_wait3A_240 = arith.constant 0 : i32
      %dma_wait3A_241 = tpu.memref_slice %arg11[%add3A_16, %dma_wait3A_240] : memref<10112x128xf32, #tpu.memory_space<vmem_shared>> -> memref<128x128xf32, #tpu.memory_space<vmem_shared>>
      %dma_wait3A_242 = arith.constant 0 : i32
      %dma_wait3A_243 = arith.constant 0 : i32
      %dma_wait3A_244 = tpu.memref_slice %arg7[%dma_wait3A_242, %dma_wait3A_243] : memref<128x128xf32, #tpu.memory_space<vmem>> -> memref<128x128xf32, #tpu.memory_space<vmem>>
      tpu.wait_dma2 semaphore(%run_scoped3A : memref<!tpu.dma_semaphore, #tpu.memory_space<semaphore_mem>>) src(%dma_wait3A_244 : memref<128x128xf32, #tpu.memory_space<vmem>>) dst(%dma_wait3A_241 : memref<128x128xf32, #tpu.memory_space<vmem_shared>>)
      tpu.yield
    }) : () -> ()
    %mul3A_17 = arith.constant 632 : i32
    %mul3A_18 = arith.muli %arg1, %mul3A_17 : i32
    %add3A_19 = arith.constant 512 : i32
    %add3A_20 = arith.addi %mul3A_18, %add3A_19 : i32
    "tpu.region"() ({
      %run_scoped3A = tpu.sem_alloc : memref<!tpu.dma_semaphore, #tpu.memory_space<semaphore_mem>>
      %dma_start3A_225 = arith.constant 0 : i32
      %dma_start3A_226 = arith.constant 0 : i32
      %dma_start3A_227 = tpu.memref_slice %arg7[%dma_start3A_225, %dma_start3A_226] : memref<128x128xf32, #tpu.memory_space<vmem>> -> memref<120x128xf32, #tpu.memory_space<vmem>>
      %dma_start3A_228 = arith.constant 0 : i32
      %dma_start3A_229 = tpu.memref_slice %arg11[%add3A_20, %dma_start3A_228] : memref<10112x128xf32, #tpu.memory_space<vmem_shared>> -> memref<120x128xf32, #tpu.memory_space<vmem_shared>>
      %dma_start3A_230 = arith.constant 0 : i32
      %dma_start3A_231 = tpu.memref_slice %arg11[%add3A_20, %dma_start3A_230] : memref<10112x128xf32, #tpu.memory_space<vmem_shared>> -> memref<120x128xf32, #tpu.memory_space<vmem_shared>>
      %dma_start3A_232 = arith.constant 0 : i32
      %dma_start3A_233 = arith.constant 0 : i32
      %dma_start3A_234 = tpu.memref_slice %arg7[%dma_start3A_232, %dma_start3A_233] : memref<128x128xf32, #tpu.memory_space<vmem>> -> memref<120x128xf32, #tpu.memory_space<vmem>>
      tpu.enqueue_dma source(%dma_start3A_234 : memref<120x128xf32, #tpu.memory_space<vmem>>) target(%dma_start3A_231 : memref<120x128xf32, #tpu.memory_space<vmem_shared>>) target_semaphore(%run_scoped3A : memref<!tpu.dma_semaphore, #tpu.memory_space<semaphore_mem>>)
      %dma_wait3A_235 = arith.constant 0 : i32
      %dma_wait3A_236 = arith.constant 0 : i32
      %dma_wait3A_237 = tpu.memref_slice %arg7[%dma_wait3A_235, %dma_wait3A_236] : memref<128x128xf32, #tpu.memory_space<vmem>> -> memref<120x128xf32, #tpu.memory_space<vmem>>
      %dma_wait3A_238 = arith.constant 0 : i32
      %dma_wait3A_239 = tpu.memref_slice %arg11[%add3A_20, %dma_wait3A_238] : memref<10112x128xf32, #tpu.memory_space<vmem_shared>> -> memref<120x128xf32, #tpu.memory_space<vmem_shared>>
      %dma_wait3A_240 = arith.constant 0 : i32
      %dma_wait3A_241 = tpu.memref_slice %arg11[%add3A_20, %dma_wait3A_240] : memref<10112x128xf32, #tpu.memory_space<vmem_shared>> -> memref<120x128xf32, #tpu.memory_space<vmem_shared>>
      %dma_wait3A_242 = arith.constant 0 : i32
      %dma_wait3A_243 = arith.constant 0 : i32
      %dma_wait3A_244 = tpu.memref_slice %arg7[%dma_wait3A_242, %dma_wait3A_243] : memref<128x128xf32, #tpu.memory_space<vmem>> -> memref<120x128xf32, #tpu.memory_space<vmem>>
      tpu.wait_dma2 semaphore(%run_scoped3A : memref<!tpu.dma_semaphore, #tpu.memory_space<semaphore_mem>>) src(%dma_wait3A_244 : memref<120x128xf32, #tpu.memory_space<vmem>>) dst(%dma_wait3A_241 : memref<120x128xf32, #tpu.memory_space<vmem_shared>>)
      tpu.yield
    }) : () -> ()
    %barrier3A = arith.constant 0 : index
    tpu.barrier barrier_id(%barrier3A)
    "tpu.region"() ({
      %run_scoped3A = tpu.sem_alloc : memref<!tpu.dma_semaphore, #tpu.memory_space<semaphore_mem>>
      %dma_start3A_225 = arith.constant 0 : i32
      %dma_start3A_226 = arith.constant 0 : i32
      %dma_start3A_227 = tpu.memref_slice %arg3[%add3A, %dma_start3A_225, %dma_start3A_226] : memref<32x80x128xi32, #tpu.memory_space<hbm>> -> memref<1x40x128xi32, #tpu.memory_space<hbm>>
      %dma_start3A_228 = tpu.memref_squeeze %dma_start3A_227 : memref<1x40x128xi32, #tpu.memory_space<hbm>> -> memref<40x128xi32, #tpu.memory_space<hbm>>
      %dma_start3A_229 = arith.constant 0 : i32
      %dma_start3A_230 = arith.constant 0 : i32
      %dma_start3A_231 = tpu.memref_slice %arg3[%add3A, %dma_start3A_229, %dma_start3A_230] : memref<32x80x128xi32, #tpu.memory_space<hbm>> -> memref<1x40x128xi32, #tpu.memory_space<hbm>>
      %dma_start3A_232 = tpu.memref_squeeze %dma_start3A_231 : memref<1x40x128xi32, #tpu.memory_space<hbm>> -> memref<40x128xi32, #tpu.memory_space<hbm>>
      tpu.enqueue_dma source(%dma_start3A_232 : memref<40x128xi32, #tpu.memory_space<hbm>>) target(%arg9 : memref<40x128xi32, #tpu.memory_space<vmem>>) target_semaphore(%run_scoped3A : memref<!tpu.dma_semaphore, #tpu.memory_space<semaphore_mem>>)
      %dma_wait3A_233 = arith.constant 0 : i32
      %dma_wait3A_234 = arith.constant 0 : i32
      %dma_wait3A_235 = tpu.memref_slice %arg3[%add3A, %dma_wait3A_233, %dma_wait3A_234] : memref<32x80x128xi32, #tpu.memory_space<hbm>> -> memref<1x40x128xi32, #tpu.memory_space<hbm>>
      %dma_wait3A_236 = tpu.memref_squeeze %dma_wait3A_235 : memref<1x40x128xi32, #tpu.memory_space<hbm>> -> memref<40x128xi32, #tpu.memory_space<hbm>>
      %dma_wait3A_237 = arith.constant 0 : i32
      %dma_wait3A_238 = arith.constant 0 : i32
      %dma_wait3A_239 = tpu.memref_slice %arg3[%add3A, %dma_wait3A_237, %dma_wait3A_238] : memref<32x80x128xi32, #tpu.memory_space<hbm>> -> memref<1x40x128xi32, #tpu.memory_space<hbm>>
      %dma_wait3A_240 = tpu.memref_squeeze %dma_wait3A_239 : memref<1x40x128xi32, #tpu.memory_space<hbm>> -> memref<40x128xi32, #tpu.memory_space<hbm>>
      tpu.wait_dma2 semaphore(%run_scoped3A : memref<!tpu.dma_semaphore, #tpu.memory_space<semaphore_mem>>) src(%dma_wait3A_240 : memref<40x128xi32, #tpu.memory_space<hbm>>) dst(%arg9 : memref<40x128xi32, #tpu.memory_space<vmem>>)
      tpu.yield
    }) : () -> ()
    "tpu.region"() ({
      %run_scoped3A = tpu.sem_alloc : memref<!tpu.dma_semaphore, #tpu.memory_space<semaphore_mem>>
      %dma_start3A_225 = arith.constant 0 : i32
      %dma_start3A_226 = arith.constant 0 : i32
      %dma_start3A_227 = tpu.memref_slice %arg4[%add3A, %dma_start3A_225, %dma_start3A_226] : memref<32x80x128xi32, #tpu.memory_space<hbm>> -> memref<1x40x128xi32, #tpu.memory_space<hbm>>
      %dma_start3A_228 = tpu.memref_squeeze %dma_start3A_227 : memref<1x40x128xi32, #tpu.memory_space<hbm>> -> memref<40x128xi32, #tpu.memory_space<hbm>>
      %dma_start3A_229 = arith.constant 0 : i32
      %dma_start3A_230 = arith.constant 0 : i32
      %dma_start3A_231 = tpu.memref_slice %arg4[%add3A, %dma_start3A_229, %dma_start3A_230] : memref<32x80x128xi32, #tpu.memory_space<hbm>> -> memref<1x40x128xi32, #tpu.memory_space<hbm>>
      %dma_start3A_232 = tpu.memref_squeeze %dma_start3A_231 : memref<1x40x128xi32, #tpu.memory_space<hbm>> -> memref<40x128xi32, #tpu.memory_space<hbm>>
      tpu.enqueue_dma source(%dma_start3A_232 : memref<40x128xi32, #tpu.memory_space<hbm>>) target(%arg10 : memref<40x128xi32, #tpu.memory_space<vmem>>) target_semaphore(%run_scoped3A : memref<!tpu.dma_semaphore, #tpu.memory_space<semaphore_mem>>)
      %dma_wait3A_233 = arith.constant 0 : i32
      %dma_wait3A_234 = arith.constant 0 : i32
      %dma_wait3A_235 = tpu.memref_slice %arg4[%add3A, %dma_wait3A_233, %dma_wait3A_234] : memref<32x80x128xi32, #tpu.memory_space<hbm>> -> memref<1x40x128xi32, #tpu.memory_space<hbm>>
      %dma_wait3A_236 = tpu.memref_squeeze %dma_wait3A_235 : memref<1x40x128xi32, #tpu.memory_space<hbm>> -> memref<40x128xi32, #tpu.memory_space<hbm>>
      %dma_wait3A_237 = arith.constant 0 : i32
      %dma_wait3A_238 = arith.constant 0 : i32
      %dma_wait3A_239 = tpu.memref_slice %arg4[%add3A, %dma_wait3A_237, %dma_wait3A_238] : memref<32x80x128xi32, #tpu.memory_space<hbm>> -> memref<1x40x128xi32, #tpu.memory_space<hbm>>
      %dma_wait3A_240 = tpu.memref_squeeze %dma_wait3A_239 : memref<1x40x128xi32, #tpu.memory_space<hbm>> -> memref<40x128xi32, #tpu.memory_space<hbm>>
      tpu.wait_dma2 semaphore(%run_scoped3A : memref<!tpu.dma_semaphore, #tpu.memory_space<semaphore_mem>>) src(%dma_wait3A_240 : memref<40x128xi32, #tpu.memory_space<hbm>>) dst(%arg10 : memref<40x128xi32, #tpu.memory_space<vmem>>)
      tpu.yield
    }) : () -> ()
    %dma_start3A = arith.constant 0 : i32
    %dma_start3A_21 = arith.constant 0 : i32
    %dma_start3A_22 = tpu.memref_slice %arg9[%dma_start3A, %dma_start3A_21] : memref<40x128xi32, #tpu.memory_space<vmem>> -> memref<1x128xi32, #tpu.memory_space<vmem>>
    %dma_start3A_23 = tpu.memref_squeeze %dma_start3A_22 : memref<1x128xi32, #tpu.memory_space<vmem>> -> memref<128xi32, #tpu.memory_space<vmem>>
    %dma_start3A_24 = arith.constant 0 : i32
    %dma_start3A_25 = arith.constant 0 : i32
    %dma_start3A_26 = tpu.memref_slice %arg2[%dma_start3A_24, %dma_start3A_25] : memref<10112x128xf32, #tpu.memory_space<hbm>> -> memref<10112x128xf32, #tpu.memory_space<hbm>>
    tpu.enqueue_indirect_dma source(%dma_start3A_26 : memref<10112x128xf32, #tpu.memory_space<hbm>>) target(%arg7 : memref<128x128xf32, #tpu.memory_space<vmem>>) offsets(%dma_start3A_23 : memref<128xi32, #tpu.memory_space<vmem>>) semaphore(%arg12 : memref<!tpu.dma_semaphore, #tpu.memory_space<semaphore_mem>>)
    %scan3A = arith.constant 0 : i32
    %scan3A_27 = arith.constant 0 : i32
    %scan3A_28 = arith.constant 20 : i32
    %scan3A_29 = arith.addi %scan3A_27, %scan3A_28 : i32
    %scan3A_30 = arith.constant 1 : i32
    scf.for %scan3A_225 = %scan3A_27 to %scan3A_29 step %scan3A_30  : i32 {
      %mul3A_226 = arith.constant 2 : i32
      %mul3A_227 = arith.muli %mul3A_226, %scan3A_225 : i32
      %add3A_228 = arith.constant 1 : i32
      %add3A_229 = arith.addi %mul3A_227, %add3A_228 : i32
      %dma_start3A_230 = arith.constant 0 : i32
      %dma_start3A_231 = tpu.memref_slice %arg9[%add3A_229, %dma_start3A_230] : memref<40x128xi32, #tpu.memory_space<vmem>> -> memref<1x128xi32, #tpu.memory_space<vmem>>
      %dma_start3A_232 = tpu.memref_squeeze %dma_start3A_231 : memref<1x128xi32, #tpu.memory_space<vmem>> -> memref<128xi32, #tpu.memory_space<vmem>>
      %dma_start3A_233 = arith.constant 0 : i32
      %dma_start3A_234 = arith.constant 0 : i32
      %dma_start3A_235 = tpu.memref_slice %arg2[%dma_start3A_233, %dma_start3A_234] : memref<10112x128xf32, #tpu.memory_space<hbm>> -> memref<10112x128xf32, #tpu.memory_space<hbm>>
      tpu.enqueue_indirect_dma source(%dma_start3A_235 : memref<10112x128xf32, #tpu.memory_space<hbm>>) target(%arg8 : memref<128x128xf32, #tpu.memory_space<vmem>>) offsets(%dma_start3A_232 : memref<128xi32, #tpu.memory_space<vmem>>) semaphore(%arg13 : memref<!tpu.dma_semaphore, #tpu.memory_space<semaphore_mem>>)
      %dma_wait3A_236 = arith.constant 0 : i32
      %dma_wait3A_237 = arith.constant 0 : i32
      %dma_wait3A_238 = tpu.memref_slice %arg9[%dma_wait3A_236, %dma_wait3A_237] : memref<40x128xi32, #tpu.memory_space<vmem>> -> memref<1x128xi32, #tpu.memory_space<vmem>>
      %dma_wait3A_239 = tpu.memref_squeeze %dma_wait3A_238 : memref<1x128xi32, #tpu.memory_space<vmem>> -> memref<128xi32, #tpu.memory_space<vmem>>
      %dma_wait3A_240 = arith.constant 0 : i32
      %dma_wait3A_241 = arith.constant 0 : i32
      %dma_wait3A_242 = tpu.memref_slice %arg2[%dma_wait3A_240, %dma_wait3A_241] : memref<10112x128xf32, #tpu.memory_space<hbm>> -> memref<10112x128xf32, #tpu.memory_space<hbm>>
      tpu.wait_indirect_dma semaphore(%arg12 : memref<!tpu.dma_semaphore, #tpu.memory_space<semaphore_mem>>) src(%dma_wait3A_242 : memref<10112x128xf32, #tpu.memory_space<hbm>>) dst(%arg7 : memref<128x128xf32, #tpu.memory_space<vmem>>)
      "tpu.region"() ({
        %run_scoped3A = tpu.sem_alloc : memref<!tpu.dma_semaphore, #tpu.memory_space<semaphore_mem>>
        %dma_start3A_254 = arith.constant 0 : i32
        %dma_start3A_255 = tpu.memref_slice %arg10[%mul3A_227, %dma_start3A_254] : memref<40x128xi32, #tpu.memory_space<vmem>> -> memref<1x128xi32, #tpu.memory_space<vmem>>
        %dma_start3A_256 = tpu.memref_squeeze %dma_start3A_255 : memref<1x128xi32, #tpu.memory_space<vmem>> -> memref<128xi32, #tpu.memory_space<vmem>>
        %dma_start3A_257 = arith.constant 0 : i32
        %dma_start3A_258 = arith.constant 0 : i32
        %dma_start3A_259 = tpu.memref_slice %arg11[%dma_start3A_257, %dma_start3A_258] : memref<10112x128xf32, #tpu.memory_space<vmem_shared>> -> memref<10112x128xf32, #tpu.memory_space<vmem_shared>>
        tpu.enqueue_indirect_dma source(%arg7 : memref<128x128xf32, #tpu.memory_space<vmem>>) target(%dma_start3A_259 : memref<10112x128xf32, #tpu.memory_space<vmem_shared>>) offsets(%dma_start3A_256 : memref<128xi32, #tpu.memory_space<vmem>>) semaphore(%run_scoped3A : memref<!tpu.dma_semaphore, #tpu.memory_space<semaphore_mem>>) {add = true}
        %dma_wait3A_260 = arith.constant 0 : i32
        %dma_wait3A_261 = tpu.memref_slice %arg10[%mul3A_227, %dma_wait3A_260] : memref<40x128xi32, #tpu.memory_space<vmem>> -> memref<1x128xi32, #tpu.memory_space<vmem>>
        %dma_wait3A_262 = tpu.memref_squeeze %dma_wait3A_261 : memref<1x128xi32, #tpu.memory_space<vmem>> -> memref<128xi32, #tpu.memory_space<vmem>>
        %dma_wait3A_263 = arith.constant 0 : i32
        %dma_wait3A_264 = arith.constant 0 : i32
        %dma_wait3A_265 = tpu.memref_slice %arg11[%dma_wait3A_263, %dma_wait3A_264] : memref<10112x128xf32, #tpu.memory_space<vmem_shared>> -> memref<10112x128xf32, #tpu.memory_space<vmem_shared>>
        tpu.wait_indirect_dma semaphore(%run_scoped3A : memref<!tpu.dma_semaphore, #tpu.memory_space<semaphore_mem>>) src(%arg7 : memref<128x128xf32, #tpu.memory_space<vmem>>) dst(%dma_wait3A_265 : memref<10112x128xf32, #tpu.memory_space<vmem_shared>>)
        tpu.yield
      }) : () -> ()
      %lt3A = arith.constant 19 : i32
      %lt3A_243 = arith.cmpi slt, %scan3A_225, %lt3A : i32
      %convert_element_type3A = arith.extui %lt3A_243 : i1 to i32
      %cond3A = arith.constant 0 : i32
      %cond3A_244 = arith.cmpi ne, %convert_element_type3A, %cond3A : i32
      scf.if %cond3A_244 {
        %add3A_254 = arith.constant 2 : i32
        %add3A_255 = arith.addi %mul3A_227, %add3A_254 : i32
        %dma_start3A_256 = arith.constant 0 : i32
        %dma_start3A_257 = tpu.memref_slice %arg9[%add3A_255, %dma_start3A_256] : memref<40x128xi32, #tpu.memory_space<vmem>> -> memref<1x128xi32, #tpu.memory_space<vmem>>
        %dma_start3A_258 = tpu.memref_squeeze %dma_start3A_257 : memref<1x128xi32, #tpu.memory_space<vmem>> -> memref<128xi32, #tpu.memory_space<vmem>>
        %dma_start3A_259 = arith.constant 0 : i32
        %dma_start3A_260 = arith.constant 0 : i32
        %dma_start3A_261 = tpu.memref_slice %arg2[%dma_start3A_259, %dma_start3A_260] : memref<10112x128xf32, #tpu.memory_space<hbm>> -> memref<10112x128xf32, #tpu.memory_space<hbm>>
        tpu.enqueue_indirect_dma source(%dma_start3A_261 : memref<10112x128xf32, #tpu.memory_space<hbm>>) target(%arg7 : memref<128x128xf32, #tpu.memory_space<vmem>>) offsets(%dma_start3A_258 : memref<128xi32, #tpu.memory_space<vmem>>) semaphore(%arg12 : memref<!tpu.dma_semaphore, #tpu.memory_space<semaphore_mem>>)
      } else {
      }
      %dma_wait3A_245 = arith.constant 0 : i32
      %dma_wait3A_246 = arith.constant 0 : i32
      %dma_wait3A_247 = tpu.memref_slice %arg9[%dma_wait3A_245, %dma_wait3A_246] : memref<40x128xi32, #tpu.memory_space<vmem>> -> memref<1x128xi32, #tpu.memory_space<vmem>>
      %dma_wait3A_248 = tpu.memref_squeeze %dma_wait3A_247 : memref<1x128xi32, #tpu.memory_space<vmem>> -> memref<128xi32, #tpu.memory_space<vmem>>
      %dma_wait3A_249 = arith.constant 0 : i32
      %dma_wait3A_250 = arith.constant 0 : i32
      %dma_wait3A_251 = tpu.memref_slice %arg2[%dma_wait3A_249, %dma_wait3A_250] : memref<10112x128xf32, #tpu.memory_space<hbm>> -> memref<10112x128xf32, #tpu.memory_space<hbm>>
      tpu.wait_indirect_dma semaphore(%arg13 : memref<!tpu.dma_semaphore, #tpu.memory_space<semaphore_mem>>) src(%dma_wait3A_251 : memref<10112x128xf32, #tpu.memory_space<hbm>>) dst(%arg8 : memref<128x128xf32, #tpu.memory_space<vmem>>)
      %add3A_252 = arith.constant 1 : i32
      %add3A_253 = arith.addi %mul3A_227, %add3A_252 : i32
      "tpu.region"() ({
        %run_scoped3A = tpu.sem_alloc : memref<!tpu.dma_semaphore, #tpu.memory_space<semaphore_mem>>
        %dma_start3A_254 = arith.constant 0 : i32
        %dma_start3A_255 = tpu.memref_slice %arg10[%add3A_253, %dma_start3A_254] : memref<40x128xi32, #tpu.memory_space<vmem>> -> memref<1x128xi32, #tpu.memory_space<vmem>>
        %dma_start3A_256 = tpu.memref_squeeze %dma_start3A_255 : memref<1x128xi32, #tpu.memory_space<vmem>> -> memref<128xi32, #tpu.memory_space<vmem>>
        %dma_start3A_257 = arith.constant 0 : i32
        %dma_start3A_258 = arith.constant 0 : i32
        %dma_start3A_259 = tpu.memref_slice %arg11[%dma_start3A_257, %dma_start3A_258] : memref<10112x128xf32, #tpu.memory_space<vmem_shared>> -> memref<10112x128xf32, #tpu.memory_space<vmem_shared>>
        tpu.enqueue_indirect_dma source(%arg8 : memref<128x128xf32, #tpu.memory_space<vmem>>) target(%dma_start3A_259 : memref<10112x128xf32, #tpu.memory_space<vmem_shared>>) offsets(%dma_start3A_256 : memref<128xi32, #tpu.memory_space<vmem>>) semaphore(%run_scoped3A : memref<!tpu.dma_semaphore, #tpu.memory_space<semaphore_mem>>) {add = true}
        %dma_wait3A_260 = arith.constant 0 : i32
        %dma_wait3A_261 = tpu.memref_slice %arg10[%add3A_253, %dma_wait3A_260] : memref<40x128xi32, #tpu.memory_space<vmem>> -> memref<1x128xi32, #tpu.memory_space<vmem>>
        %dma_wait3A_262 = tpu.memref_squeeze %dma_wait3A_261 : memref<1x128xi32, #tpu.memory_space<vmem>> -> memref<128xi32, #tpu.memory_space<vmem>>
        %dma_wait3A_263 = arith.constant 0 : i32
        %dma_wait3A_264 = arith.constant 0 : i32
        %dma_wait3A_265 = tpu.memref_slice %arg11[%dma_wait3A_263, %dma_wait3A_264] : memref<10112x128xf32, #tpu.memory_space<vmem_shared>> -> memref<10112x128xf32, #tpu.memory_space<vmem_shared>>
        tpu.wait_indirect_dma semaphore(%run_scoped3A : memref<!tpu.dma_semaphore, #tpu.memory_space<semaphore_mem>>) src(%arg8 : memref<128x128xf32, #tpu.memory_space<vmem>>) dst(%dma_wait3A_265 : memref<10112x128xf32, #tpu.memory_space<vmem_shared>>)
        tpu.yield
      }) : () -> ()
    }
    %scan3A_31 = arith.constant 20 : i32
    "tpu.region"() ({
      %run_scoped3A = tpu.sem_alloc : memref<!tpu.dma_semaphore, #tpu.memory_space<semaphore_mem>>
      %dma_start3A_225 = arith.constant 40 : i32
      %dma_start3A_226 = arith.constant 0 : i32
      %dma_start3A_227 = tpu.memref_slice %arg3[%add3A, %dma_start3A_225, %dma_start3A_226] : memref<32x80x128xi32, #tpu.memory_space<hbm>> -> memref<1x40x128xi32, #tpu.memory_space<hbm>>
      %dma_start3A_228 = tpu.memref_squeeze %dma_start3A_227 : memref<1x40x128xi32, #tpu.memory_space<hbm>> -> memref<40x128xi32, #tpu.memory_space<hbm>>
      %dma_start3A_229 = arith.constant 40 : i32
      %dma_start3A_230 = arith.constant 0 : i32
      %dma_start3A_231 = tpu.memref_slice %arg3[%add3A, %dma_start3A_229, %dma_start3A_230] : memref<32x80x128xi32, #tpu.memory_space<hbm>> -> memref<1x40x128xi32, #tpu.memory_space<hbm>>
      %dma_start3A_232 = tpu.memref_squeeze %dma_start3A_231 : memref<1x40x128xi32, #tpu.memory_space<hbm>> -> memref<40x128xi32, #tpu.memory_space<hbm>>
      tpu.enqueue_dma source(%dma_start3A_232 : memref<40x128xi32, #tpu.memory_space<hbm>>) target(%arg9 : memref<40x128xi32, #tpu.memory_space<vmem>>) target_semaphore(%run_scoped3A : memref<!tpu.dma_semaphore, #tpu.memory_space<semaphore_mem>>)
      %dma_wait3A_233 = arith.constant 40 : i32
      %dma_wait3A_234 = arith.constant 0 : i32
      %dma_wait3A_235 = tpu.memref_slice %arg3[%add3A, %dma_wait3A_233, %dma_wait3A_234] : memref<32x80x128xi32, #tpu.memory_space<hbm>> -> memref<1x40x128xi32, #tpu.memory_space<hbm>>
      %dma_wait3A_236 = tpu.memref_squeeze %dma_wait3A_235 : memref<1x40x128xi32, #tpu.memory_space<hbm>> -> memref<40x128xi32, #tpu.memory_space<hbm>>
      %dma_wait3A_237 = arith.constant 40 : i32
      %dma_wait3A_238 = arith.constant 0 : i32
      %dma_wait3A_239 = tpu.memref_slice %arg3[%add3A, %dma_wait3A_237, %dma_wait3A_238] : memref<32x80x128xi32, #tpu.memory_space<hbm>> -> memref<1x40x128xi32, #tpu.memory_space<hbm>>
      %dma_wait3A_240 = tpu.memref_squeeze %dma_wait3A_239 : memref<1x40x128xi32, #tpu.memory_space<hbm>> -> memref<40x128xi32, #tpu.memory_space<hbm>>
      tpu.wait_dma2 semaphore(%run_scoped3A : memref<!tpu.dma_semaphore, #tpu.memory_space<semaphore_mem>>) src(%dma_wait3A_240 : memref<40x128xi32, #tpu.memory_space<hbm>>) dst(%arg9 : memref<40x128xi32, #tpu.memory_space<vmem>>)
      tpu.yield
    }) : () -> ()
    "tpu.region"() ({
      %run_scoped3A = tpu.sem_alloc : memref<!tpu.dma_semaphore, #tpu.memory_space<semaphore_mem>>
      %dma_start3A_225 = arith.constant 40 : i32
      %dma_start3A_226 = arith.constant 0 : i32
      %dma_start3A_227 = tpu.memref_slice %arg4[%add3A, %dma_start3A_225, %dma_start3A_226] : memref<32x80x128xi32, #tpu.memory_space<hbm>> -> memref<1x40x128xi32, #tpu.memory_space<hbm>>
      %dma_start3A_228 = tpu.memref_squeeze %dma_start3A_227 : memref<1x40x128xi32, #tpu.memory_space<hbm>> -> memref<40x128xi32, #tpu.memory_space<hbm>>
      %dma_start3A_229 = arith.constant 40 : i32
      %dma_start3A_230 = arith.constant 0 : i32
      %dma_start3A_231 = tpu.memref_slice %arg4[%add3A, %dma_start3A_229, %dma_start3A_230] : memref<32x80x128xi32, #tpu.memory_space<hbm>> -> memref<1x40x128xi32, #tpu.memory_space<hbm>>
      %dma_start3A_232 = tpu.memref_squeeze %dma_start3A_231 : memref<1x40x128xi32, #tpu.memory_space<hbm>> -> memref<40x128xi32, #tpu.memory_space<hbm>>
      tpu.enqueue_dma source(%dma_start3A_232 : memref<40x128xi32, #tpu.memory_space<hbm>>) target(%arg10 : memref<40x128xi32, #tpu.memory_space<vmem>>) target_semaphore(%run_scoped3A : memref<!tpu.dma_semaphore, #tpu.memory_space<semaphore_mem>>)
      %dma_wait3A_233 = arith.constant 40 : i32
      %dma_wait3A_234 = arith.constant 0 : i32
      %dma_wait3A_235 = tpu.memref_slice %arg4[%add3A, %dma_wait3A_233, %dma_wait3A_234] : memref<32x80x128xi32, #tpu.memory_space<hbm>> -> memref<1x40x128xi32, #tpu.memory_space<hbm>>
      %dma_wait3A_236 = tpu.memref_squeeze %dma_wait3A_235 : memref<1x40x128xi32, #tpu.memory_space<hbm>> -> memref<40x128xi32, #tpu.memory_space<hbm>>
      %dma_wait3A_237 = arith.constant 40 : i32
      %dma_wait3A_238 = arith.constant 0 : i32
      %dma_wait3A_239 = tpu.memref_slice %arg4[%add3A, %dma_wait3A_237, %dma_wait3A_238] : memref<32x80x128xi32, #tpu.memory_space<hbm>> -> memref<1x40x128xi32, #tpu.memory_space<hbm>>
      %dma_wait3A_240 = tpu.memref_squeeze %dma_wait3A_239 : memref<1x40x128xi32, #tpu.memory_space<hbm>> -> memref<40x128xi32, #tpu.memory_space<hbm>>
      tpu.wait_dma2 semaphore(%run_scoped3A : memref<!tpu.dma_semaphore, #tpu.memory_space<semaphore_mem>>) src(%dma_wait3A_240 : memref<40x128xi32, #tpu.memory_space<hbm>>) dst(%arg10 : memref<40x128xi32, #tpu.memory_space<vmem>>)
      tpu.yield
    }) : () -> ()
    %dma_start3A_32 = arith.constant 0 : i32
    %dma_start3A_33 = arith.constant 0 : i32
    %dma_start3A_34 = tpu.memref_slice %arg9[%dma_start3A_32, %dma_start3A_33] : memref<40x128xi32, #tpu.memory_space<vmem>> -> memref<1x128xi32, #tpu.memory_space<vmem>>
    %dma_start3A_35 = tpu.memref_squeeze %dma_start3A_34 : memref<1x128xi32, #tpu.memory_space<vmem>> -> memref<128xi32, #tpu.memory_space<vmem>>
    %dma_start3A_36 = arith.constant 0 : i32
    %dma_start3A_37 = arith.constant 0 : i32
    %dma_start3A_38 = tpu.memref_slice %arg2[%dma_start3A_36, %dma_start3A_37] : memref<10112x128xf32, #tpu.memory_space<hbm>> -> memref<10112x128xf32, #tpu.memory_space<hbm>>
    tpu.enqueue_indirect_dma source(%dma_start3A_38 : memref<10112x128xf32, #tpu.memory_space<hbm>>) target(%arg7 : memref<128x128xf32, #tpu.memory_space<vmem>>) offsets(%dma_start3A_35 : memref<128xi32, #tpu.memory_space<vmem>>) semaphore(%arg12 : memref<!tpu.dma_semaphore, #tpu.memory_space<semaphore_mem>>)
    %scan3A_39 = arith.constant 0 : i32
    %scan3A_40 = arith.constant 0 : i32
    %scan3A_41 = arith.constant 20 : i32
    %scan3A_42 = arith.addi %scan3A_40, %scan3A_41 : i32
    %scan3A_43 = arith.constant 1 : i32
    scf.for %scan3A_225 = %scan3A_40 to %scan3A_42 step %scan3A_43  : i32 {
      %mul3A_226 = arith.constant 2 : i32
      %mul3A_227 = arith.muli %mul3A_226, %scan3A_225 : i32
      %add3A_228 = arith.constant 1 : i32
      %add3A_229 = arith.addi %mul3A_227, %add3A_228 : i32
      %dma_start3A_230 = arith.constant 0 : i32
      %dma_start3A_231 = tpu.memref_slice %arg9[%add3A_229, %dma_start3A_230] : memref<40x128xi32, #tpu.memory_space<vmem>> -> memref<1x128xi32, #tpu.memory_space<vmem>>
      %dma_start3A_232 = tpu.memref_squeeze %dma_start3A_231 : memref<1x128xi32, #tpu.memory_space<vmem>> -> memref<128xi32, #tpu.memory_space<vmem>>
      %dma_start3A_233 = arith.constant 0 : i32
      %dma_start3A_234 = arith.constant 0 : i32
      %dma_start3A_235 = tpu.memref_slice %arg2[%dma_start3A_233, %dma_start3A_234] : memref<10112x128xf32, #tpu.memory_space<hbm>> -> memref<10112x128xf32, #tpu.memory_space<hbm>>
      tpu.enqueue_indirect_dma source(%dma_start3A_235 : memref<10112x128xf32, #tpu.memory_space<hbm>>) target(%arg8 : memref<128x128xf32, #tpu.memory_space<vmem>>) offsets(%dma_start3A_232 : memref<128xi32, #tpu.memory_space<vmem>>) semaphore(%arg13 : memref<!tpu.dma_semaphore, #tpu.memory_space<semaphore_mem>>)
      %dma_wait3A_236 = arith.constant 0 : i32
      %dma_wait3A_237 = arith.constant 0 : i32
      %dma_wait3A_238 = tpu.memref_slice %arg9[%dma_wait3A_236, %dma_wait3A_237] : memref<40x128xi32, #tpu.memory_space<vmem>> -> memref<1x128xi32, #tpu.memory_space<vmem>>
      %dma_wait3A_239 = tpu.memref_squeeze %dma_wait3A_238 : memref<1x128xi32, #tpu.memory_space<vmem>> -> memref<128xi32, #tpu.memory_space<vmem>>
      %dma_wait3A_240 = arith.constant 0 : i32
      %dma_wait3A_241 = arith.constant 0 : i32
      %dma_wait3A_242 = tpu.memref_slice %arg2[%dma_wait3A_240, %dma_wait3A_241] : memref<10112x128xf32, #tpu.memory_space<hbm>> -> memref<10112x128xf32, #tpu.memory_space<hbm>>
      tpu.wait_indirect_dma semaphore(%arg12 : memref<!tpu.dma_semaphore, #tpu.memory_space<semaphore_mem>>) src(%dma_wait3A_242 : memref<10112x128xf32, #tpu.memory_space<hbm>>) dst(%arg7 : memref<128x128xf32, #tpu.memory_space<vmem>>)
      "tpu.region"() ({
        %run_scoped3A = tpu.sem_alloc : memref<!tpu.dma_semaphore, #tpu.memory_space<semaphore_mem>>
        %dma_start3A_254 = arith.constant 0 : i32
        %dma_start3A_255 = tpu.memref_slice %arg10[%mul3A_227, %dma_start3A_254] : memref<40x128xi32, #tpu.memory_space<vmem>> -> memref<1x128xi32, #tpu.memory_space<vmem>>
        %dma_start3A_256 = tpu.memref_squeeze %dma_start3A_255 : memref<1x128xi32, #tpu.memory_space<vmem>> -> memref<128xi32, #tpu.memory_space<vmem>>
        %dma_start3A_257 = arith.constant 0 : i32
        %dma_start3A_258 = arith.constant 0 : i32
        %dma_start3A_259 = tpu.memref_slice %arg11[%dma_start3A_257, %dma_start3A_258] : memref<10112x128xf32, #tpu.memory_space<vmem_shared>> -> memref<10112x128xf32, #tpu.memory_space<vmem_shared>>
        tpu.enqueue_indirect_dma source(%arg7 : memref<128x128xf32, #tpu.memory_space<vmem>>) target(%dma_start3A_259 : memref<10112x128xf32, #tpu.memory_space<vmem_shared>>) offsets(%dma_start3A_256 : memref<128xi32, #tpu.memory_space<vmem>>) semaphore(%run_scoped3A : memref<!tpu.dma_semaphore, #tpu.memory_space<semaphore_mem>>) {add = true}
        %dma_wait3A_260 = arith.constant 0 : i32
        %dma_wait3A_261 = tpu.memref_slice %arg10[%mul3A_227, %dma_wait3A_260] : memref<40x128xi32, #tpu.memory_space<vmem>> -> memref<1x128xi32, #tpu.memory_space<vmem>>
        %dma_wait3A_262 = tpu.memref_squeeze %dma_wait3A_261 : memref<1x128xi32, #tpu.memory_space<vmem>> -> memref<128xi32, #tpu.memory_space<vmem>>
        %dma_wait3A_263 = arith.constant 0 : i32
        %dma_wait3A_264 = arith.constant 0 : i32
        %dma_wait3A_265 = tpu.memref_slice %arg11[%dma_wait3A_263, %dma_wait3A_264] : memref<10112x128xf32, #tpu.memory_space<vmem_shared>> -> memref<10112x128xf32, #tpu.memory_space<vmem_shared>>
        tpu.wait_indirect_dma semaphore(%run_scoped3A : memref<!tpu.dma_semaphore, #tpu.memory_space<semaphore_mem>>) src(%arg7 : memref<128x128xf32, #tpu.memory_space<vmem>>) dst(%dma_wait3A_265 : memref<10112x128xf32, #tpu.memory_space<vmem_shared>>)
        tpu.yield
      }) : () -> ()
      %lt3A = arith.constant 19 : i32
      %lt3A_243 = arith.cmpi slt, %scan3A_225, %lt3A : i32
      %convert_element_type3A = arith.extui %lt3A_243 : i1 to i32
      %cond3A = arith.constant 0 : i32
      %cond3A_244 = arith.cmpi ne, %convert_element_type3A, %cond3A : i32
      scf.if %cond3A_244 {
        %add3A_254 = arith.constant 2 : i32
        %add3A_255 = arith.addi %mul3A_227, %add3A_254 : i32
        %dma_start3A_256 = arith.constant 0 : i32
        %dma_start3A_257 = tpu.memref_slice %arg9[%add3A_255, %dma_start3A_256] : memref<40x128xi32, #tpu.memory_space<vmem>> -> memref<1x128xi32, #tpu.memory_space<vmem>>
        %dma_start3A_258 = tpu.memref_squeeze %dma_start3A_257 : memref<1x128xi32, #tpu.memory_space<vmem>> -> memref<128xi32, #tpu.memory_space<vmem>>
        %dma_start3A_259 = arith.constant 0 : i32
        %dma_start3A_260 = arith.constant 0 : i32
        %dma_start3A_261 = tpu.memref_slice %arg2[%dma_start3A_259, %dma_start3A_260] : memref<10112x128xf32, #tpu.memory_space<hbm>> -> memref<10112x128xf32, #tpu.memory_space<hbm>>
        tpu.enqueue_indirect_dma source(%dma_start3A_261 : memref<10112x128xf32, #tpu.memory_space<hbm>>) target(%arg7 : memref<128x128xf32, #tpu.memory_space<vmem>>) offsets(%dma_start3A_258 : memref<128xi32, #tpu.memory_space<vmem>>) semaphore(%arg12 : memref<!tpu.dma_semaphore, #tpu.memory_space<semaphore_mem>>)
      } else {
      }
      %dma_wait3A_245 = arith.constant 0 : i32
      %dma_wait3A_246 = arith.constant 0 : i32
      %dma_wait3A_247 = tpu.memref_slice %arg9[%dma_wait3A_245, %dma_wait3A_246] : memref<40x128xi32, #tpu.memory_space<vmem>> -> memref<1x128xi32, #tpu.memory_space<vmem>>
      %dma_wait3A_248 = tpu.memref_squeeze %dma_wait3A_247 : memref<1x128xi32, #tpu.memory_space<vmem>> -> memref<128xi32, #tpu.memory_space<vmem>>
      %dma_wait3A_249 = arith.constant 0 : i32
      %dma_wait3A_250 = arith.constant 0 : i32
      %dma_wait3A_251 = tpu.memref_slice %arg2[%dma_wait3A_249, %dma_wait3A_250] : memref<10112x128xf32, #tpu.memory_space<hbm>> -> memref<10112x128xf32, #tpu.memory_space<hbm>>
      tpu.wait_indirect_dma semaphore(%arg13 : memref<!tpu.dma_semaphore, #tpu.memory_space<semaphore_mem>>) src(%dma_wait3A_251 : memref<10112x128xf32, #tpu.memory_space<hbm>>) dst(%arg8 : memref<128x128xf32, #tpu.memory_space<vmem>>)
      %add3A_252 = arith.constant 1 : i32
      %add3A_253 = arith.addi %mul3A_227, %add3A_252 : i32
      "tpu.region"() ({
        %run_scoped3A = tpu.sem_alloc : memref<!tpu.dma_semaphore, #tpu.memory_space<semaphore_mem>>
        %dma_start3A_254 = arith.constant 0 : i32
        %dma_start3A_255 = tpu.memref_slice %arg10[%add3A_253, %dma_start3A_254] : memref<40x128xi32, #tpu.memory_space<vmem>> -> memref<1x128xi32, #tpu.memory_space<vmem>>
        %dma_start3A_256 = tpu.memref_squeeze %dma_start3A_255 : memref<1x128xi32, #tpu.memory_space<vmem>> -> memref<128xi32, #tpu.memory_space<vmem>>
        %dma_start3A_257 = arith.constant 0 : i32
        %dma_start3A_258 = arith.constant 0 : i32
        %dma_start3A_259 = tpu.memref_slice %arg11[%dma_start3A_257, %dma_start3A_258] : memref<10112x128xf32, #tpu.memory_space<vmem_shared>> -> memref<10112x128xf32, #tpu.memory_space<vmem_shared>>
        tpu.enqueue_indirect_dma source(%arg8 : memref<128x128xf32, #tpu.memory_space<vmem>>) target(%dma_start3A_259 : memref<10112x128xf32, #tpu.memory_space<vmem_shared>>) offsets(%dma_start3A_256 : memref<128xi32, #tpu.memory_space<vmem>>) semaphore(%run_scoped3A : memref<!tpu.dma_semaphore, #tpu.memory_space<semaphore_mem>>) {add = true}
        %dma_wait3A_260 = arith.constant 0 : i32
        %dma_wait3A_261 = tpu.memref_slice %arg10[%add3A_253, %dma_wait3A_260] : memref<40x128xi32, #tpu.memory_space<vmem>> -> memref<1x128xi32, #tpu.memory_space<vmem>>
        %dma_wait3A_262 = tpu.memref_squeeze %dma_wait3A_261 : memref<1x128xi32, #tpu.memory_space<vmem>> -> memref<128xi32, #tpu.memory_space<vmem>>
        %dma_wait3A_263 = arith.constant 0 : i32
        %dma_wait3A_264 = arith.constant 0 : i32
        %dma_wait3A_265 = tpu.memref_slice %arg11[%dma_wait3A_263, %dma_wait3A_264] : memref<10112x128xf32, #tpu.memory_space<vmem_shared>> -> memref<10112x128xf32, #tpu.memory_space<vmem_shared>>
        tpu.wait_indirect_dma semaphore(%run_scoped3A : memref<!tpu.dma_semaphore, #tpu.memory_space<semaphore_mem>>) src(%arg8 : memref<128x128xf32, #tpu.memory_space<vmem>>) dst(%dma_wait3A_265 : memref<10112x128xf32, #tpu.memory_space<vmem_shared>>)
        tpu.yield
      }) : () -> ()
    }
    %scan3A_44 = arith.constant 20 : i32
    %barrier3A_45 = arith.constant 0 : index
    tpu.barrier barrier_id(%barrier3A_45)
    %mul3A_46 = arith.constant 632 : i32
    %mul3A_47 = arith.muli %arg1, %mul3A_46 : i32
    %add3A_48 = arith.constant 0 : i32
    %add3A_49 = arith.addi %mul3A_47, %add3A_48 : i32
    "tpu.region"() ({
      %run_scoped3A = tpu.sem_alloc : memref<!tpu.dma_semaphore, #tpu.memory_space<semaphore_mem>>
      %dma_start3A_225 = arith.constant 0 : i32
      %dma_start3A_226 = arith.constant 0 : i32
      %dma_start3A_227 = tpu.memref_slice %arg7[%dma_start3A_225, %dma_start3A_226] : memref<128x128xf32, #tpu.memory_space<vmem>> -> memref<128x128xf32, #tpu.memory_space<vmem>>
      %dma_start3A_228 = arith.constant 0 : i32
      %dma_start3A_229 = tpu.memref_slice %arg11[%add3A_49, %dma_start3A_228] : memref<10112x128xf32, #tpu.memory_space<vmem_shared>> -> memref<128x128xf32, #tpu.memory_space<vmem_shared>>
      %dma_start3A_230 = arith.constant 0 : i32
      %dma_start3A_231 = arith.constant 0 : i32
      %dma_start3A_232 = tpu.memref_slice %arg7[%dma_start3A_230, %dma_start3A_231] : memref<128x128xf32, #tpu.memory_space<vmem>> -> memref<128x128xf32, #tpu.memory_space<vmem>>
      %dma_start3A_233 = arith.constant 0 : i32
      %dma_start3A_234 = tpu.memref_slice %arg11[%add3A_49, %dma_start3A_233] : memref<10112x128xf32, #tpu.memory_space<vmem_shared>> -> memref<128x128xf32, #tpu.memory_space<vmem_shared>>
      tpu.enqueue_dma source(%dma_start3A_234 : memref<128x128xf32, #tpu.memory_space<vmem_shared>>) target(%dma_start3A_232 : memref<128x128xf32, #tpu.memory_space<vmem>>) target_semaphore(%run_scoped3A : memref<!tpu.dma_semaphore, #tpu.memory_space<semaphore_mem>>)
      %dma_wait3A_235 = arith.constant 0 : i32
      %dma_wait3A_236 = arith.constant 0 : i32
      %dma_wait3A_237 = tpu.memref_slice %arg7[%dma_wait3A_235, %dma_wait3A_236] : memref<128x128xf32, #tpu.memory_space<vmem>> -> memref<128x128xf32, #tpu.memory_space<vmem>>
      %dma_wait3A_238 = arith.constant 0 : i32
      %dma_wait3A_239 = tpu.memref_slice %arg11[%add3A_49, %dma_wait3A_238] : memref<10112x128xf32, #tpu.memory_space<vmem_shared>> -> memref<128x128xf32, #tpu.memory_space<vmem_shared>>
      %dma_wait3A_240 = arith.constant 0 : i32
      %dma_wait3A_241 = arith.constant 0 : i32
      %dma_wait3A_242 = tpu.memref_slice %arg7[%dma_wait3A_240, %dma_wait3A_241] : memref<128x128xf32, #tpu.memory_space<vmem>> -> memref<128x128xf32, #tpu.memory_space<vmem>>
      %dma_wait3A_243 = arith.constant 0 : i32
      %dma_wait3A_244 = tpu.memref_slice %arg11[%add3A_49, %dma_wait3A_243] : memref<10112x128xf32, #tpu.memory_space<vmem_shared>> -> memref<128x128xf32, #tpu.memory_space<vmem_shared>>
      tpu.wait_dma2 semaphore(%run_scoped3A : memref<!tpu.dma_semaphore, #tpu.memory_space<semaphore_mem>>) src(%dma_wait3A_244 : memref<128x128xf32, #tpu.memory_space<vmem_shared>>) dst(%dma_wait3A_242 : memref<128x128xf32, #tpu.memory_space<vmem>>)
      tpu.yield
    }) : () -> ()
    %mul3A_50 = arith.constant 632 : i32
    %mul3A_51 = arith.muli %arg1, %mul3A_50 : i32
    %add3A_52 = arith.constant 0 : i32
    %add3A_53 = arith.addi %mul3A_51, %add3A_52 : i32
    %dma_start3A_54 = arith.constant 0 : i32
    %dma_start3A_55 = arith.constant 0 : i32
    %dma_start3A_56 = tpu.memref_slice %arg7[%dma_start3A_54, %dma_start3A_55] : memref<128x128xf32, #tpu.memory_space<vmem>> -> memref<128x128xf32, #tpu.memory_space<vmem>>
    %dma_start3A_57 = arith.constant 0 : i32
    %dma_start3A_58 = tpu.memref_slice %arg6[%arg0, %add3A_53, %dma_start3A_57] : memref<2x10112x128xf32, #tpu.memory_space<hbm>> -> memref<1x128x128xf32, #tpu.memory_space<hbm>>
    %dma_start3A_59 = tpu.memref_squeeze %dma_start3A_58 : memref<1x128x128xf32, #tpu.memory_space<hbm>> -> memref<128x128xf32, #tpu.memory_space<hbm>>
    %dma_start3A_60 = arith.constant 0 : i32
    %dma_start3A_61 = tpu.memref_slice %arg6[%arg0, %add3A_53, %dma_start3A_60] : memref<2x10112x128xf32, #tpu.memory_space<hbm>> -> memref<1x128x128xf32, #tpu.memory_space<hbm>>
    %dma_start3A_62 = tpu.memref_squeeze %dma_start3A_61 : memref<1x128x128xf32, #tpu.memory_space<hbm>> -> memref<128x128xf32, #tpu.memory_space<hbm>>
    %dma_start3A_63 = arith.constant 0 : i32
    %dma_start3A_64 = arith.constant 0 : i32
    %dma_start3A_65 = tpu.memref_slice %arg7[%dma_start3A_63, %dma_start3A_64] : memref<128x128xf32, #tpu.memory_space<vmem>> -> memref<128x128xf32, #tpu.memory_space<vmem>>
    tpu.enqueue_dma source(%dma_start3A_65 : memref<128x128xf32, #tpu.memory_space<vmem>>) target(%dma_start3A_62 : memref<128x128xf32, #tpu.memory_space<hbm>>) target_semaphore(%arg12 : memref<!tpu.dma_semaphore, #tpu.memory_space<semaphore_mem>>)
    %mul3A_66 = arith.constant 632 : i32
    %mul3A_67 = arith.muli %arg1, %mul3A_66 : i32
    %add3A_68 = arith.constant 128 : i32
    %add3A_69 = arith.addi %mul3A_67, %add3A_68 : i32
    "tpu.region"() ({
      %run_scoped3A = tpu.sem_alloc : memref<!tpu.dma_semaphore, #tpu.memory_space<semaphore_mem>>
      %dma_start3A_225 = arith.constant 0 : i32
      %dma_start3A_226 = arith.constant 0 : i32
      %dma_start3A_227 = tpu.memref_slice %arg8[%dma_start3A_225, %dma_start3A_226] : memref<128x128xf32, #tpu.memory_space<vmem>> -> memref<128x128xf32, #tpu.memory_space<vmem>>
      %dma_start3A_228 = arith.constant 0 : i32
      %dma_start3A_229 = tpu.memref_slice %arg11[%add3A_69, %dma_start3A_228] : memref<10112x128xf32, #tpu.memory_space<vmem_shared>> -> memref<128x128xf32, #tpu.memory_space<vmem_shared>>
      %dma_start3A_230 = arith.constant 0 : i32
      %dma_start3A_231 = arith.constant 0 : i32
      %dma_start3A_232 = tpu.memref_slice %arg8[%dma_start3A_230, %dma_start3A_231] : memref<128x128xf32, #tpu.memory_space<vmem>> -> memref<128x128xf32, #tpu.memory_space<vmem>>
      %dma_start3A_233 = arith.constant 0 : i32
      %dma_start3A_234 = tpu.memref_slice %arg11[%add3A_69, %dma_start3A_233] : memref<10112x128xf32, #tpu.memory_space<vmem_shared>> -> memref<128x128xf32, #tpu.memory_space<vmem_shared>>
      tpu.enqueue_dma source(%dma_start3A_234 : memref<128x128xf32, #tpu.memory_space<vmem_shared>>) target(%dma_start3A_232 : memref<128x128xf32, #tpu.memory_space<vmem>>) target_semaphore(%run_scoped3A : memref<!tpu.dma_semaphore, #tpu.memory_space<semaphore_mem>>)
      %dma_wait3A_235 = arith.constant 0 : i32
      %dma_wait3A_236 = arith.constant 0 : i32
      %dma_wait3A_237 = tpu.memref_slice %arg8[%dma_wait3A_235, %dma_wait3A_236] : memref<128x128xf32, #tpu.memory_space<vmem>> -> memref<128x128xf32, #tpu.memory_space<vmem>>
      %dma_wait3A_238 = arith.constant 0 : i32
      %dma_wait3A_239 = tpu.memref_slice %arg11[%add3A_69, %dma_wait3A_238] : memref<10112x128xf32, #tpu.memory_space<vmem_shared>> -> memref<128x128xf32, #tpu.memory_space<vmem_shared>>
      %dma_wait3A_240 = arith.constant 0 : i32
      %dma_wait3A_241 = arith.constant 0 : i32
      %dma_wait3A_242 = tpu.memref_slice %arg8[%dma_wait3A_240, %dma_wait3A_241] : memref<128x128xf32, #tpu.memory_space<vmem>> -> memref<128x128xf32, #tpu.memory_space<vmem>>
      %dma_wait3A_243 = arith.constant 0 : i32
      %dma_wait3A_244 = tpu.memref_slice %arg11[%add3A_69, %dma_wait3A_243] : memref<10112x128xf32, #tpu.memory_space<vmem_shared>> -> memref<128x128xf32, #tpu.memory_space<vmem_shared>>
      tpu.wait_dma2 semaphore(%run_scoped3A : memref<!tpu.dma_semaphore, #tpu.memory_space<semaphore_mem>>) src(%dma_wait3A_244 : memref<128x128xf32, #tpu.memory_space<vmem_shared>>) dst(%dma_wait3A_242 : memref<128x128xf32, #tpu.memory_space<vmem>>)
      tpu.yield
    }) : () -> ()
    %mul3A_70 = arith.constant 632 : i32
    %mul3A_71 = arith.muli %arg1, %mul3A_70 : i32
    %add3A_72 = arith.constant 128 : i32
    %add3A_73 = arith.addi %mul3A_71, %add3A_72 : i32
    %dma_start3A_74 = arith.constant 0 : i32
    %dma_start3A_75 = arith.constant 0 : i32
    %dma_start3A_76 = tpu.memref_slice %arg8[%dma_start3A_74, %dma_start3A_75] : memref<128x128xf32, #tpu.memory_space<vmem>> -> memref<128x128xf32, #tpu.memory_space<vmem>>
    %dma_start3A_77 = arith.constant 0 : i32
    %dma_start3A_78 = tpu.memref_slice %arg6[%arg0, %add3A_73, %dma_start3A_77] : memref<2x10112x128xf32, #tpu.memory_space<hbm>> -> memref<1x128x128xf32, #tpu.memory_space<hbm>>
    %dma_start3A_79 = tpu.memref_squeeze %dma_start3A_78 : memref<1x128x128xf32, #tpu.memory_space<hbm>> -> memref<128x128xf32, #tpu.memory_space<hbm>>
    %dma_start3A_80 = arith.constant 0 : i32
    %dma_start3A_81 = tpu.memref_slice %arg6[%arg0, %add3A_73, %dma_start3A_80] : memref<2x10112x128xf32, #tpu.memory_space<hbm>> -> memref<1x128x128xf32, #tpu.memory_space<hbm>>
    %dma_start3A_82 = tpu.memref_squeeze %dma_start3A_81 : memref<1x128x128xf32, #tpu.memory_space<hbm>> -> memref<128x128xf32, #tpu.memory_space<hbm>>
    %dma_start3A_83 = arith.constant 0 : i32
    %dma_start3A_84 = arith.constant 0 : i32
    %dma_start3A_85 = tpu.memref_slice %arg8[%dma_start3A_83, %dma_start3A_84] : memref<128x128xf32, #tpu.memory_space<vmem>> -> memref<128x128xf32, #tpu.memory_space<vmem>>
    tpu.enqueue_dma source(%dma_start3A_85 : memref<128x128xf32, #tpu.memory_space<vmem>>) target(%dma_start3A_82 : memref<128x128xf32, #tpu.memory_space<hbm>>) target_semaphore(%arg13 : memref<!tpu.dma_semaphore, #tpu.memory_space<semaphore_mem>>)
    %mul3A_86 = arith.constant 632 : i32
    %mul3A_87 = arith.muli %arg1, %mul3A_86 : i32
    %add3A_88 = arith.constant 0 : i32
    %add3A_89 = arith.addi %mul3A_87, %add3A_88 : i32
    %dma_wait3A = arith.constant 0 : i32
    %dma_wait3A_90 = arith.constant 0 : i32
    %dma_wait3A_91 = tpu.memref_slice %arg7[%dma_wait3A, %dma_wait3A_90] : memref<128x128xf32, #tpu.memory_space<vmem>> -> memref<128x128xf32, #tpu.memory_space<vmem>>
    %dma_wait3A_92 = arith.constant 0 : i32
    %dma_wait3A_93 = tpu.memref_slice %arg6[%arg0, %add3A_89, %dma_wait3A_92] : memref<2x10112x128xf32, #tpu.memory_space<hbm>> -> memref<1x128x128xf32, #tpu.memory_space<hbm>>
    %dma_wait3A_94 = tpu.memref_squeeze %dma_wait3A_93 : memref<1x128x128xf32, #tpu.memory_space<hbm>> -> memref<128x128xf32, #tpu.memory_space<hbm>>
    %dma_wait3A_95 = arith.constant 0 : i32
    %dma_wait3A_96 = tpu.memref_slice %arg6[%arg0, %add3A_89, %dma_wait3A_95] : memref<2x10112x128xf32, #tpu.memory_space<hbm>> -> memref<1x128x128xf32, #tpu.memory_space<hbm>>
    %dma_wait3A_97 = tpu.memref_squeeze %dma_wait3A_96 : memref<1x128x128xf32, #tpu.memory_space<hbm>> -> memref<128x128xf32, #tpu.memory_space<hbm>>
    %dma_wait3A_98 = arith.constant 0 : i32
    %dma_wait3A_99 = arith.constant 0 : i32
    %dma_wait3A_100 = tpu.memref_slice %arg7[%dma_wait3A_98, %dma_wait3A_99] : memref<128x128xf32, #tpu.memory_space<vmem>> -> memref<128x128xf32, #tpu.memory_space<vmem>>
    tpu.wait_dma2 semaphore(%arg12 : memref<!tpu.dma_semaphore, #tpu.memory_space<semaphore_mem>>) src(%dma_wait3A_100 : memref<128x128xf32, #tpu.memory_space<vmem>>) dst(%dma_wait3A_97 : memref<128x128xf32, #tpu.memory_space<hbm>>)
    %mul3A_101 = arith.constant 632 : i32
    %mul3A_102 = arith.muli %arg1, %mul3A_101 : i32
    %add3A_103 = arith.constant 256 : i32
    %add3A_104 = arith.addi %mul3A_102, %add3A_103 : i32
    "tpu.region"() ({
      %run_scoped3A = tpu.sem_alloc : memref<!tpu.dma_semaphore, #tpu.memory_space<semaphore_mem>>
      %dma_start3A_225 = arith.constant 0 : i32
      %dma_start3A_226 = arith.constant 0 : i32
      %dma_start3A_227 = tpu.memref_slice %arg7[%dma_start3A_225, %dma_start3A_226] : memref<128x128xf32, #tpu.memory_space<vmem>> -> memref<128x128xf32, #tpu.memory_space<vmem>>
      %dma_start3A_228 = arith.constant 0 : i32
      %dma_start3A_229 = tpu.memref_slice %arg11[%add3A_104, %dma_start3A_228] : memref<10112x128xf32, #tpu.memory_space<vmem_shared>> -> memref<128x128xf32, #tpu.memory_space<vmem_shared>>
      %dma_start3A_230 = arith.constant 0 : i32
      %dma_start3A_231 = arith.constant 0 : i32
      %dma_start3A_232 = tpu.memref_slice %arg7[%dma_start3A_230, %dma_start3A_231] : memref<128x128xf32, #tpu.memory_space<vmem>> -> memref<128x128xf32, #tpu.memory_space<vmem>>
      %dma_start3A_233 = arith.constant 0 : i32
      %dma_start3A_234 = tpu.memref_slice %arg11[%add3A_104, %dma_start3A_233] : memref<10112x128xf32, #tpu.memory_space<vmem_shared>> -> memref<128x128xf32, #tpu.memory_space<vmem_shared>>
      tpu.enqueue_dma source(%dma_start3A_234 : memref<128x128xf32, #tpu.memory_space<vmem_shared>>) target(%dma_start3A_232 : memref<128x128xf32, #tpu.memory_space<vmem>>) target_semaphore(%run_scoped3A : memref<!tpu.dma_semaphore, #tpu.memory_space<semaphore_mem>>)
      %dma_wait3A_235 = arith.constant 0 : i32
      %dma_wait3A_236 = arith.constant 0 : i32
      %dma_wait3A_237 = tpu.memref_slice %arg7[%dma_wait3A_235, %dma_wait3A_236] : memref<128x128xf32, #tpu.memory_space<vmem>> -> memref<128x128xf32, #tpu.memory_space<vmem>>
      %dma_wait3A_238 = arith.constant 0 : i32
      %dma_wait3A_239 = tpu.memref_slice %arg11[%add3A_104, %dma_wait3A_238] : memref<10112x128xf32, #tpu.memory_space<vmem_shared>> -> memref<128x128xf32, #tpu.memory_space<vmem_shared>>
      %dma_wait3A_240 = arith.constant 0 : i32
      %dma_wait3A_241 = arith.constant 0 : i32
      %dma_wait3A_242 = tpu.memref_slice %arg7[%dma_wait3A_240, %dma_wait3A_241] : memref<128x128xf32, #tpu.memory_space<vmem>> -> memref<128x128xf32, #tpu.memory_space<vmem>>
      %dma_wait3A_243 = arith.constant 0 : i32
      %dma_wait3A_244 = tpu.memref_slice %arg11[%add3A_104, %dma_wait3A_243] : memref<10112x128xf32, #tpu.memory_space<vmem_shared>> -> memref<128x128xf32, #tpu.memory_space<vmem_shared>>
      tpu.wait_dma2 semaphore(%run_scoped3A : memref<!tpu.dma_semaphore, #tpu.memory_space<semaphore_mem>>) src(%dma_wait3A_244 : memref<128x128xf32, #tpu.memory_space<vmem_shared>>) dst(%dma_wait3A_242 : memref<128x128xf32, #tpu.memory_space<vmem>>)
      tpu.yield
    }) : () -> ()
    %mul3A_105 = arith.constant 632 : i32
    %mul3A_106 = arith.muli %arg1, %mul3A_105 : i32
    %add3A_107 = arith.constant 256 : i32
    %add3A_108 = arith.addi %mul3A_106, %add3A_107 : i32
    %dma_start3A_109 = arith.constant 0 : i32
    %dma_start3A_110 = arith.constant 0 : i32
    %dma_start3A_111 = tpu.memref_slice %arg7[%dma_start3A_109, %dma_start3A_110] : memref<128x128xf32, #tpu.memory_space<vmem>> -> memref<128x128xf32, #tpu.memory_space<vmem>>
    %dma_start3A_112 = arith.constant 0 : i32
    %dma_start3A_113 = tpu.memref_slice %arg6[%arg0, %add3A_108, %dma_start3A_112] : memref<2x10112x128xf32, #tpu.memory_space<hbm>> -> memref<1x128x128xf32, #tpu.memory_space<hbm>>
    %dma_start3A_114 = tpu.memref_squeeze %dma_start3A_113 : memref<1x128x128xf32, #tpu.memory_space<hbm>> -> memref<128x128xf32, #tpu.memory_space<hbm>>
    %dma_start3A_115 = arith.constant 0 : i32
    %dma_start3A_116 = tpu.memref_slice %arg6[%arg0, %add3A_108, %dma_start3A_115] : memref<2x10112x128xf32, #tpu.memory_space<hbm>> -> memref<1x128x128xf32, #tpu.memory_space<hbm>>
    %dma_start3A_117 = tpu.memref_squeeze %dma_start3A_116 : memref<1x128x128xf32, #tpu.memory_space<hbm>> -> memref<128x128xf32, #tpu.memory_space<hbm>>
    %dma_start3A_118 = arith.constant 0 : i32
    %dma_start3A_119 = arith.constant 0 : i32
    %dma_start3A_120 = tpu.memref_slice %arg7[%dma_start3A_118, %dma_start3A_119] : memref<128x128xf32, #tpu.memory_space<vmem>> -> memref<128x128xf32, #tpu.memory_space<vmem>>
    tpu.enqueue_dma source(%dma_start3A_120 : memref<128x128xf32, #tpu.memory_space<vmem>>) target(%dma_start3A_117 : memref<128x128xf32, #tpu.memory_space<hbm>>) target_semaphore(%arg12 : memref<!tpu.dma_semaphore, #tpu.memory_space<semaphore_mem>>)
    %mul3A_121 = arith.constant 632 : i32
    %mul3A_122 = arith.muli %arg1, %mul3A_121 : i32
    %add3A_123 = arith.constant 128 : i32
    %add3A_124 = arith.addi %mul3A_122, %add3A_123 : i32
    %dma_wait3A_125 = arith.constant 0 : i32
    %dma_wait3A_126 = arith.constant 0 : i32
    %dma_wait3A_127 = tpu.memref_slice %arg8[%dma_wait3A_125, %dma_wait3A_126] : memref<128x128xf32, #tpu.memory_space<vmem>> -> memref<128x128xf32, #tpu.memory_space<vmem>>
    %dma_wait3A_128 = arith.constant 0 : i32
    %dma_wait3A_129 = tpu.memref_slice %arg6[%arg0, %add3A_124, %dma_wait3A_128] : memref<2x10112x128xf32, #tpu.memory_space<hbm>> -> memref<1x128x128xf32, #tpu.memory_space<hbm>>
    %dma_wait3A_130 = tpu.memref_squeeze %dma_wait3A_129 : memref<1x128x128xf32, #tpu.memory_space<hbm>> -> memref<128x128xf32, #tpu.memory_space<hbm>>
    %dma_wait3A_131 = arith.constant 0 : i32
    %dma_wait3A_132 = tpu.memref_slice %arg6[%arg0, %add3A_124, %dma_wait3A_131] : memref<2x10112x128xf32, #tpu.memory_space<hbm>> -> memref<1x128x128xf32, #tpu.memory_space<hbm>>
    %dma_wait3A_133 = tpu.memref_squeeze %dma_wait3A_132 : memref<1x128x128xf32, #tpu.memory_space<hbm>> -> memref<128x128xf32, #tpu.memory_space<hbm>>
    %dma_wait3A_134 = arith.constant 0 : i32
    %dma_wait3A_135 = arith.constant 0 : i32
    %dma_wait3A_136 = tpu.memref_slice %arg8[%dma_wait3A_134, %dma_wait3A_135] : memref<128x128xf32, #tpu.memory_space<vmem>> -> memref<128x128xf32, #tpu.memory_space<vmem>>
    tpu.wait_dma2 semaphore(%arg13 : memref<!tpu.dma_semaphore, #tpu.memory_space<semaphore_mem>>) src(%dma_wait3A_136 : memref<128x128xf32, #tpu.memory_space<vmem>>) dst(%dma_wait3A_133 : memref<128x128xf32, #tpu.memory_space<hbm>>)
    %mul3A_137 = arith.constant 632 : i32
    %mul3A_138 = arith.muli %arg1, %mul3A_137 : i32
    %add3A_139 = arith.constant 384 : i32
    %add3A_140 = arith.addi %mul3A_138, %add3A_139 : i32
    "tpu.region"() ({
      %run_scoped3A = tpu.sem_alloc : memref<!tpu.dma_semaphore, #tpu.memory_space<semaphore_mem>>
      %dma_start3A_225 = arith.constant 0 : i32
      %dma_start3A_226 = arith.constant 0 : i32
      %dma_start3A_227 = tpu.memref_slice %arg8[%dma_start3A_225, %dma_start3A_226] : memref<128x128xf32, #tpu.memory_space<vmem>> -> memref<128x128xf32, #tpu.memory_space<vmem>>
      %dma_start3A_228 = arith.constant 0 : i32
      %dma_start3A_229 = tpu.memref_slice %arg11[%add3A_140, %dma_start3A_228] : memref<10112x128xf32, #tpu.memory_space<vmem_shared>> -> memref<128x128xf32, #tpu.memory_space<vmem_shared>>
      %dma_start3A_230 = arith.constant 0 : i32
      %dma_start3A_231 = arith.constant 0 : i32
      %dma_start3A_232 = tpu.memref_slice %arg8[%dma_start3A_230, %dma_start3A_231] : memref<128x128xf32, #tpu.memory_space<vmem>> -> memref<128x128xf32, #tpu.memory_space<vmem>>
      %dma_start3A_233 = arith.constant 0 : i32
      %dma_start3A_234 = tpu.memref_slice %arg11[%add3A_140, %dma_start3A_233] : memref<10112x128xf32, #tpu.memory_space<vmem_shared>> -> memref<128x128xf32, #tpu.memory_space<vmem_shared>>
      tpu.enqueue_dma source(%dma_start3A_234 : memref<128x128xf32, #tpu.memory_space<vmem_shared>>) target(%dma_start3A_232 : memref<128x128xf32, #tpu.memory_space<vmem>>) target_semaphore(%run_scoped3A : memref<!tpu.dma_semaphore, #tpu.memory_space<semaphore_mem>>)
      %dma_wait3A_235 = arith.constant 0 : i32
      %dma_wait3A_236 = arith.constant 0 : i32
      %dma_wait3A_237 = tpu.memref_slice %arg8[%dma_wait3A_235, %dma_wait3A_236] : memref<128x128xf32, #tpu.memory_space<vmem>> -> memref<128x128xf32, #tpu.memory_space<vmem>>
      %dma_wait3A_238 = arith.constant 0 : i32
      %dma_wait3A_239 = tpu.memref_slice %arg11[%add3A_140, %dma_wait3A_238] : memref<10112x128xf32, #tpu.memory_space<vmem_shared>> -> memref<128x128xf32, #tpu.memory_space<vmem_shared>>
      %dma_wait3A_240 = arith.constant 0 : i32
      %dma_wait3A_241 = arith.constant 0 : i32
      %dma_wait3A_242 = tpu.memref_slice %arg8[%dma_wait3A_240, %dma_wait3A_241] : memref<128x128xf32, #tpu.memory_space<vmem>> -> memref<128x128xf32, #tpu.memory_space<vmem>>
      %dma_wait3A_243 = arith.constant 0 : i32
      %dma_wait3A_244 = tpu.memref_slice %arg11[%add3A_140, %dma_wait3A_243] : memref<10112x128xf32, #tpu.memory_space<vmem_shared>> -> memref<128x128xf32, #tpu.memory_space<vmem_shared>>
      tpu.wait_dma2 semaphore(%run_scoped3A : memref<!tpu.dma_semaphore, #tpu.memory_space<semaphore_mem>>) src(%dma_wait3A_244 : memref<128x128xf32, #tpu.memory_space<vmem_shared>>) dst(%dma_wait3A_242 : memref<128x128xf32, #tpu.memory_space<vmem>>)
      tpu.yield
    }) : () -> ()
    %mul3A_141 = arith.constant 632 : i32
    %mul3A_142 = arith.muli %arg1, %mul3A_141 : i32
    %add3A_143 = arith.constant 384 : i32
    %add3A_144 = arith.addi %mul3A_142, %add3A_143 : i32
    %dma_start3A_145 = arith.constant 0 : i32
    %dma_start3A_146 = arith.constant 0 : i32
    %dma_start3A_147 = tpu.memref_slice %arg8[%dma_start3A_145, %dma_start3A_146] : memref<128x128xf32, #tpu.memory_space<vmem>> -> memref<128x128xf32, #tpu.memory_space<vmem>>
    %dma_start3A_148 = arith.constant 0 : i32
    %dma_start3A_149 = tpu.memref_slice %arg6[%arg0, %add3A_144, %dma_start3A_148] : memref<2x10112x128xf32, #tpu.memory_space<hbm>> -> memref<1x128x128xf32, #tpu.memory_space<hbm>>
    %dma_start3A_150 = tpu.memref_squeeze %dma_start3A_149 : memref<1x128x128xf32, #tpu.memory_space<hbm>> -> memref<128x128xf32, #tpu.memory_space<hbm>>
    %dma_start3A_151 = arith.constant 0 : i32
    %dma_start3A_152 = tpu.memref_slice %arg6[%arg0, %add3A_144, %dma_start3A_151] : memref<2x10112x128xf32, #tpu.memory_space<hbm>> -> memref<1x128x128xf32, #tpu.memory_space<hbm>>
    %dma_start3A_153 = tpu.memref_squeeze %dma_start3A_152 : memref<1x128x128xf32, #tpu.memory_space<hbm>> -> memref<128x128xf32, #tpu.memory_space<hbm>>
    %dma_start3A_154 = arith.constant 0 : i32
    %dma_start3A_155 = arith.constant 0 : i32
    %dma_start3A_156 = tpu.memref_slice %arg8[%dma_start3A_154, %dma_start3A_155] : memref<128x128xf32, #tpu.memory_space<vmem>> -> memref<128x128xf32, #tpu.memory_space<vmem>>
    tpu.enqueue_dma source(%dma_start3A_156 : memref<128x128xf32, #tpu.memory_space<vmem>>) target(%dma_start3A_153 : memref<128x128xf32, #tpu.memory_space<hbm>>) target_semaphore(%arg13 : memref<!tpu.dma_semaphore, #tpu.memory_space<semaphore_mem>>)
    %mul3A_157 = arith.constant 632 : i32
    %mul3A_158 = arith.muli %arg1, %mul3A_157 : i32
    %add3A_159 = arith.constant 256 : i32
    %add3A_160 = arith.addi %mul3A_158, %add3A_159 : i32
    %dma_wait3A_161 = arith.constant 0 : i32
    %dma_wait3A_162 = arith.constant 0 : i32
    %dma_wait3A_163 = tpu.memref_slice %arg7[%dma_wait3A_161, %dma_wait3A_162] : memref<128x128xf32, #tpu.memory_space<vmem>> -> memref<128x128xf32, #tpu.memory_space<vmem>>
    %dma_wait3A_164 = arith.constant 0 : i32
    %dma_wait3A_165 = tpu.memref_slice %arg6[%arg0, %add3A_160, %dma_wait3A_164] : memref<2x10112x128xf32, #tpu.memory_space<hbm>> -> memref<1x128x128xf32, #tpu.memory_space<hbm>>
    %dma_wait3A_166 = tpu.memref_squeeze %dma_wait3A_165 : memref<1x128x128xf32, #tpu.memory_space<hbm>> -> memref<128x128xf32, #tpu.memory_space<hbm>>
    %dma_wait3A_167 = arith.constant 0 : i32
    %dma_wait3A_168 = tpu.memref_slice %arg6[%arg0, %add3A_160, %dma_wait3A_167] : memref<2x10112x128xf32, #tpu.memory_space<hbm>> -> memref<1x128x128xf32, #tpu.memory_space<hbm>>
    %dma_wait3A_169 = tpu.memref_squeeze %dma_wait3A_168 : memref<1x128x128xf32, #tpu.memory_space<hbm>> -> memref<128x128xf32, #tpu.memory_space<hbm>>
    %dma_wait3A_170 = arith.constant 0 : i32
    %dma_wait3A_171 = arith.constant 0 : i32
    %dma_wait3A_172 = tpu.memref_slice %arg7[%dma_wait3A_170, %dma_wait3A_171] : memref<128x128xf32, #tpu.memory_space<vmem>> -> memref<128x128xf32, #tpu.memory_space<vmem>>
    tpu.wait_dma2 semaphore(%arg12 : memref<!tpu.dma_semaphore, #tpu.memory_space<semaphore_mem>>) src(%dma_wait3A_172 : memref<128x128xf32, #tpu.memory_space<vmem>>) dst(%dma_wait3A_169 : memref<128x128xf32, #tpu.memory_space<hbm>>)
    %mul3A_173 = arith.constant 632 : i32
    %mul3A_174 = arith.muli %arg1, %mul3A_173 : i32
    %add3A_175 = arith.constant 512 : i32
    %add3A_176 = arith.addi %mul3A_174, %add3A_175 : i32
    "tpu.region"() ({
      %run_scoped3A = tpu.sem_alloc : memref<!tpu.dma_semaphore, #tpu.memory_space<semaphore_mem>>
      %dma_start3A_225 = arith.constant 0 : i32
      %dma_start3A_226 = arith.constant 0 : i32
      %dma_start3A_227 = tpu.memref_slice %arg7[%dma_start3A_225, %dma_start3A_226] : memref<128x128xf32, #tpu.memory_space<vmem>> -> memref<120x128xf32, #tpu.memory_space<vmem>>
      %dma_start3A_228 = arith.constant 0 : i32
      %dma_start3A_229 = tpu.memref_slice %arg11[%add3A_176, %dma_start3A_228] : memref<10112x128xf32, #tpu.memory_space<vmem_shared>> -> memref<120x128xf32, #tpu.memory_space<vmem_shared>>
      %dma_start3A_230 = arith.constant 0 : i32
      %dma_start3A_231 = arith.constant 0 : i32
      %dma_start3A_232 = tpu.memref_slice %arg7[%dma_start3A_230, %dma_start3A_231] : memref<128x128xf32, #tpu.memory_space<vmem>> -> memref<120x128xf32, #tpu.memory_space<vmem>>
      %dma_start3A_233 = arith.constant 0 : i32
      %dma_start3A_234 = tpu.memref_slice %arg11[%add3A_176, %dma_start3A_233] : memref<10112x128xf32, #tpu.memory_space<vmem_shared>> -> memref<120x128xf32, #tpu.memory_space<vmem_shared>>
      tpu.enqueue_dma source(%dma_start3A_234 : memref<120x128xf32, #tpu.memory_space<vmem_shared>>) target(%dma_start3A_232 : memref<120x128xf32, #tpu.memory_space<vmem>>) target_semaphore(%run_scoped3A : memref<!tpu.dma_semaphore, #tpu.memory_space<semaphore_mem>>)
      %dma_wait3A_235 = arith.constant 0 : i32
      %dma_wait3A_236 = arith.constant 0 : i32
      %dma_wait3A_237 = tpu.memref_slice %arg7[%dma_wait3A_235, %dma_wait3A_236] : memref<128x128xf32, #tpu.memory_space<vmem>> -> memref<120x128xf32, #tpu.memory_space<vmem>>
      %dma_wait3A_238 = arith.constant 0 : i32
      %dma_wait3A_239 = tpu.memref_slice %arg11[%add3A_176, %dma_wait3A_238] : memref<10112x128xf32, #tpu.memory_space<vmem_shared>> -> memref<120x128xf32, #tpu.memory_space<vmem_shared>>
      %dma_wait3A_240 = arith.constant 0 : i32
      %dma_wait3A_241 = arith.constant 0 : i32
      %dma_wait3A_242 = tpu.memref_slice %arg7[%dma_wait3A_240, %dma_wait3A_241] : memref<128x128xf32, #tpu.memory_space<vmem>> -> memref<120x128xf32, #tpu.memory_space<vmem>>
      %dma_wait3A_243 = arith.constant 0 : i32
      %dma_wait3A_244 = tpu.memref_slice %arg11[%add3A_176, %dma_wait3A_243] : memref<10112x128xf32, #tpu.memory_space<vmem_shared>> -> memref<120x128xf32, #tpu.memory_space<vmem_shared>>
      tpu.wait_dma2 semaphore(%run_scoped3A : memref<!tpu.dma_semaphore, #tpu.memory_space<semaphore_mem>>) src(%dma_wait3A_244 : memref<120x128xf32, #tpu.memory_space<vmem_shared>>) dst(%dma_wait3A_242 : memref<120x128xf32, #tpu.memory_space<vmem>>)
      tpu.yield
    }) : () -> ()
    %mul3A_177 = arith.constant 632 : i32
    %mul3A_178 = arith.muli %arg1, %mul3A_177 : i32
    %add3A_179 = arith.constant 512 : i32
    %add3A_180 = arith.addi %mul3A_178, %add3A_179 : i32
    %dma_start3A_181 = arith.constant 0 : i32
    %dma_start3A_182 = arith.constant 0 : i32
    %dma_start3A_183 = tpu.memref_slice %arg7[%dma_start3A_181, %dma_start3A_182] : memref<128x128xf32, #tpu.memory_space<vmem>> -> memref<120x128xf32, #tpu.memory_space<vmem>>
    %dma_start3A_184 = arith.constant 0 : i32
    %dma_start3A_185 = tpu.memref_slice %arg6[%arg0, %add3A_180, %dma_start3A_184] : memref<2x10112x128xf32, #tpu.memory_space<hbm>> -> memref<1x120x128xf32, #tpu.memory_space<hbm>>
    %dma_start3A_186 = tpu.memref_squeeze %dma_start3A_185 : memref<1x120x128xf32, #tpu.memory_space<hbm>> -> memref<120x128xf32, #tpu.memory_space<hbm>>
    %dma_start3A_187 = arith.constant 0 : i32
    %dma_start3A_188 = tpu.memref_slice %arg6[%arg0, %add3A_180, %dma_start3A_187] : memref<2x10112x128xf32, #tpu.memory_space<hbm>> -> memref<1x120x128xf32, #tpu.memory_space<hbm>>
    %dma_start3A_189 = tpu.memref_squeeze %dma_start3A_188 : memref<1x120x128xf32, #tpu.memory_space<hbm>> -> memref<120x128xf32, #tpu.memory_space<hbm>>
    %dma_start3A_190 = arith.constant 0 : i32
    %dma_start3A_191 = arith.constant 0 : i32
    %dma_start3A_192 = tpu.memref_slice %arg7[%dma_start3A_190, %dma_start3A_191] : memref<128x128xf32, #tpu.memory_space<vmem>> -> memref<120x128xf32, #tpu.memory_space<vmem>>
    tpu.enqueue_dma source(%dma_start3A_192 : memref<120x128xf32, #tpu.memory_space<vmem>>) target(%dma_start3A_189 : memref<120x128xf32, #tpu.memory_space<hbm>>) target_semaphore(%arg12 : memref<!tpu.dma_semaphore, #tpu.memory_space<semaphore_mem>>)
    %mul3A_193 = arith.constant 632 : i32
    %mul3A_194 = arith.muli %arg1, %mul3A_193 : i32
    %add3A_195 = arith.constant 384 : i32
    %add3A_196 = arith.addi %mul3A_194, %add3A_195 : i32
    %dma_wait3A_197 = arith.constant 0 : i32
    %dma_wait3A_198 = arith.constant 0 : i32
    %dma_wait3A_199 = tpu.memref_slice %arg8[%dma_wait3A_197, %dma_wait3A_198] : memref<128x128xf32, #tpu.memory_space<vmem>> -> memref<128x128xf32, #tpu.memory_space<vmem>>
    %dma_wait3A_200 = arith.constant 0 : i32
    %dma_wait3A_201 = tpu.memref_slice %arg6[%arg0, %add3A_196, %dma_wait3A_200] : memref<2x10112x128xf32, #tpu.memory_space<hbm>> -> memref<1x128x128xf32, #tpu.memory_space<hbm>>
    %dma_wait3A_202 = tpu.memref_squeeze %dma_wait3A_201 : memref<1x128x128xf32, #tpu.memory_space<hbm>> -> memref<128x128xf32, #tpu.memory_space<hbm>>
    %dma_wait3A_203 = arith.constant 0 : i32
    %dma_wait3A_204 = tpu.memref_slice %arg6[%arg0, %add3A_196, %dma_wait3A_203] : memref<2x10112x128xf32, #tpu.memory_space<hbm>> -> memref<1x128x128xf32, #tpu.memory_space<hbm>>
    %dma_wait3A_205 = tpu.memref_squeeze %dma_wait3A_204 : memref<1x128x128xf32, #tpu.memory_space<hbm>> -> memref<128x128xf32, #tpu.memory_space<hbm>>
    %dma_wait3A_206 = arith.constant 0 : i32
    %dma_wait3A_207 = arith.constant 0 : i32
    %dma_wait3A_208 = tpu.memref_slice %arg8[%dma_wait3A_206, %dma_wait3A_207] : memref<128x128xf32, #tpu.memory_space<vmem>> -> memref<128x128xf32, #tpu.memory_space<vmem>>
    tpu.wait_dma2 semaphore(%arg13 : memref<!tpu.dma_semaphore, #tpu.memory_space<semaphore_mem>>) src(%dma_wait3A_208 : memref<128x128xf32, #tpu.memory_space<vmem>>) dst(%dma_wait3A_205 : memref<128x128xf32, #tpu.memory_space<hbm>>)
    %mul3A_209 = arith.constant 632 : i32
    %mul3A_210 = arith.muli %arg1, %mul3A_209 : i32
    %add3A_211 = arith.constant 512 : i32
    %add3A_212 = arith.addi %mul3A_210, %add3A_211 : i32
    %dma_wait3A_213 = arith.constant 0 : i32
    %dma_wait3A_214 = arith.constant 0 : i32
    %dma_wait3A_215 = tpu.memref_slice %arg7[%dma_wait3A_213, %dma_wait3A_214] : memref<128x128xf32, #tpu.memory_space<vmem>> -> memref<120x128xf32, #tpu.memory_space<vmem>>
    %dma_wait3A_216 = arith.constant 0 : i32
    %dma_wait3A_217 = tpu.memref_slice %arg6[%arg0, %add3A_212, %dma_wait3A_216] : memref<2x10112x128xf32, #tpu.memory_space<hbm>> -> memref<1x120x128xf32, #tpu.memory_space<hbm>>
    %dma_wait3A_218 = tpu.memref_squeeze %dma_wait3A_217 : memref<1x120x128xf32, #tpu.memory_space<hbm>> -> memref<120x128xf32, #tpu.memory_space<hbm>>
    %dma_wait3A_219 = arith.constant 0 : i32
    %dma_wait3A_220 = tpu.memref_slice %arg6[%arg0, %add3A_212, %dma_wait3A_219] : memref<2x10112x128xf32, #tpu.memory_space<hbm>> -> memref<1x120x128xf32, #tpu.memory_space<hbm>>
    %dma_wait3A_221 = tpu.memref_squeeze %dma_wait3A_220 : memref<1x120x128xf32, #tpu.memory_space<hbm>> -> memref<120x128xf32, #tpu.memory_space<hbm>>
    %dma_wait3A_222 = arith.constant 0 : i32
    %dma_wait3A_223 = arith.constant 0 : i32
    %dma_wait3A_224 = tpu.memref_slice %arg7[%dma_wait3A_222, %dma_wait3A_223] : memref<128x128xf32, #tpu.memory_space<vmem>> -> memref<120x128xf32, #tpu.memory_space<vmem>>
    tpu.wait_dma2 semaphore(%arg12 : memref<!tpu.dma_semaphore, #tpu.memory_space<semaphore_mem>>) src(%dma_wait3A_224 : memref<120x128xf32, #tpu.memory_space<vmem>>) dst(%dma_wait3A_221 : memref<120x128xf32, #tpu.memory_space<hbm>>)
    return
  }
}

module attributes {stable_mosaic.version = 14 : i64} {
  func.func @_prep_body(%arg0: memref<10000x128xf32, #tpu.memory_space<vmem>>, %arg1: memref<128x128xf32, #tpu.memory_space<vmem>>, %arg2: memref<10112x1xf32, #tpu.memory_space<vmem>>, %arg3: memref<10112x128xf32, #tpu.memory_space<vmem>>) attributes {dimension_semantics = [], scalar_prefetch = 0 : i64, scratch_operands = 0 : i64, tpu.core_type = #tpu.core_type<tc>} {
    %get3A = arith.constant 0 : index
    %get3A_0 = arith.constant 0 : index
    %get3A_1 = vector.load %arg2[%get3A, %get3A_0] : memref<10112x1xf32, #tpu.memory_space<vmem>>, vector<10112x1xf32>
    %iota3A = tpu.iota {dimensions = array<i32: 0>} : vector<10112x1xi32>
    %lt3A = arith.constant 10000 : i32
    %lt3A_2 = vector.broadcast %lt3A : i32 to vector<10112x1xi32>
    %lt3A_3 = arith.cmpi slt, %iota3A, %lt3A_2 : vector<10112x1xi32>
    %add3A = arith.constant 1.000000e+00 : f32
    %add3A_4 = vector.broadcast %add3A : f32 to vector<10112x1xf32>
    %add3A_5 = arith.addf %get3A_1, %add3A_4 : vector<10112x1xf32>
    %rsqrt3A = math.rsqrt %add3A_5 : vector<10112x1xf32>
    %jit3A = arith.constant 0.000000e+00 : f32
    %broadcast_in_dim3A = vector.broadcast %jit3A : f32 to vector<10112x1xf32>
    %select_n3A = arith.select %lt3A_3, %rsqrt3A, %broadcast_in_dim3A : vector<10112x1xi1>, vector<10112x1xf32>
    %get3A_6 = arith.constant 0 : index
    %get3A_7 = arith.constant 0 : index
    %get3A_8 = vector.load %arg0[%get3A_6, %get3A_7] : memref<10000x128xf32, #tpu.memory_space<vmem>>, vector<10000x128xf32>
    %get3A_9 = arith.constant 0 : index
    %get3A_10 = arith.constant 0 : index
    %get3A_11 = vector.load %arg1[%get3A_9, %get3A_10] : memref<128x128xf32, #tpu.memory_space<vmem>>, vector<128x128xf32>
    %dot_general3A = arith.constant dense<0.000000e+00> : vector<10000x128xf32>
    %dot_general3A_12 = tpu.matmul %get3A_8, %get3A_11, %dot_general3A {dimension_numbers = #tpu.dot_dimension_numbers<[1], [0], [0], [1], [0, 0, 1, 1], [], []>, transpose_lhs_hint = false} : vector<10000x128xf32>, vector<128x128xf32>, vector<10000x128xf32> -> vector<10000x128xf32>
    %slice3A = vector.extract_strided_slice %select_n3A {offsets = [0, 0], sizes = [10000, 1], strides = [1, 1]} : vector<10112x1xf32> to vector<10000x1xf32>
    %mul3A = vector.broadcast %slice3A : vector<10000x1xf32> to vector<10000x128xf32>
    %mul3A_13 = arith.mulf %dot_general3A_12, %mul3A : vector<10000x128xf32>
    %swap3A = arith.constant 0 : index
    %swap3A_14 = arith.constant 0 : index
    %swap3A_15 = vector.load %arg3[%swap3A, %swap3A_14] : memref<10112x128xf32, #tpu.memory_space<vmem>>, vector<10000x128xf32>
    tpu.vector_store %arg3[%swap3A, %swap3A_14], %mul3A_13 {strides = array<i32>} : memref<10112x128xf32, #tpu.memory_space<vmem>>, vector<10000x128xf32>,
    %broadcast_in_dim3A_16 = arith.constant 0.000000e+00 : f32
    %broadcast_in_dim3A_17 = vector.broadcast %broadcast_in_dim3A_16 : f32 to vector<112x128xf32>
    %swap3A_18 = arith.constant 10000 : index
    %swap3A_19 = arith.constant 0 : index
    %swap3A_20 = vector.load %arg3[%swap3A_18, %swap3A_19] : memref<10112x128xf32, #tpu.memory_space<vmem>>, vector<112x128xf32>
    tpu.vector_store %arg3[%swap3A_18, %swap3A_19], %broadcast_in_dim3A_17 {strides = array<i32>} : memref<10112x128xf32, #tpu.memory_space<vmem>>, vector<112x128xf32>,
    return
  }
}

module attributes {stable_mosaic.version = 14 : i64} {
  func.func @_mid_body(%arg0: memref<10112x128xf32, #tpu.memory_space<vmem>>, %arg1: memref<2x10112x128xf32, #tpu.memory_space<vmem>>, %arg2: memref<10112x1xf32, #tpu.memory_space<vmem>>, %arg3: memref<1x128xf32, #tpu.memory_space<vmem>>, %arg4: memref<1x128xf32, #tpu.memory_space<vmem>>, %arg5: memref<1x128xf32, #tpu.memory_space<vmem>>, %arg6: memref<128x128xf32, #tpu.memory_space<vmem>>, %arg7: memref<10112x128xf32, #tpu.memory_space<vmem>>) attributes {dimension_semantics = [], scalar_prefetch = 0 : i64, scratch_operands = 0 : i64, tpu.core_type = #tpu.core_type<tc>} {
    %get3A = arith.constant 0 : index
    %get3A_0 = arith.constant 0 : index
    %get3A_1 = vector.load %arg2[%get3A, %get3A_0] : memref<10112x1xf32, #tpu.memory_space<vmem>>, vector<10112x1xf32>
    %iota3A = tpu.iota {dimensions = array<i32: 0>} : vector<10112x1xi32>
    %lt3A = arith.constant 10000 : i32
    %lt3A_2 = vector.broadcast %lt3A : i32 to vector<10112x1xi32>
    %lt3A_3 = arith.cmpi slt, %iota3A, %lt3A_2 : vector<10112x1xi32>
    %add3A = arith.constant 1.000000e+00 : f32
    %add3A_4 = vector.broadcast %add3A : f32 to vector<10112x1xf32>
    %add3A_5 = arith.addf %get3A_1, %add3A_4 : vector<10112x1xf32>
    %rsqrt3A = math.rsqrt %add3A_5 : vector<10112x1xf32>
    %jit3A = arith.constant 0.000000e+00 : f32
    %broadcast_in_dim3A = vector.broadcast %jit3A : f32 to vector<10112x1xf32>
    %select_n3A = arith.select %lt3A_3, %rsqrt3A, %broadcast_in_dim3A : vector<10112x1xi1>, vector<10112x1xf32>
    %iota3A_6 = tpu.iota {dimensions = array<i32: 0>} : vector<10112x1xi32>
    %get3A_7 = arith.constant 0 : index
    %get3A_8 = arith.constant 0 : index
    %get3A_9 = vector.load %arg0[%get3A_7, %get3A_8] : memref<10112x128xf32, #tpu.memory_space<vmem>>, vector<10112x128xf32>
    %get3A_10 = arith.constant 0 : index
    %get3A_11 = arith.constant 0 : index
    %get3A_12 = arith.constant 0 : index
    %get3A_13 = vector.load %arg1[%get3A_10, %get3A_11, %get3A_12] : memref<2x10112x128xf32, #tpu.memory_space<vmem>>, vector<1x10112x128xf32>
    %get3A_14 = vector.shape_cast %get3A_13 : vector<1x10112x128xf32> to vector<10112x128xf32>
    %add3A_15 = arith.addf %get3A_9, %get3A_14 : vector<10112x128xf32>
    %get3A_16 = arith.constant 1 : index
    %get3A_17 = arith.constant 0 : index
    %get3A_18 = arith.constant 0 : index
    %get3A_19 = vector.load %arg1[%get3A_16, %get3A_17, %get3A_18] : memref<2x10112x128xf32, #tpu.memory_space<vmem>>, vector<1x10112x128xf32>
    %get3A_20 = vector.shape_cast %get3A_19 : vector<1x10112x128xf32> to vector<10112x128xf32>
    %add3A_21 = arith.addf %add3A_15, %get3A_20 : vector<10112x128xf32>
    %mul3A = vector.broadcast %select_n3A : vector<10112x1xf32> to vector<10112x128xf32>
    %mul3A_22 = arith.mulf %mul3A, %add3A_21 : vector<10112x128xf32>
    %get3A_23 = arith.constant 0 : index
    %get3A_24 = arith.constant 0 : index
    %get3A_25 = vector.load %arg3[%get3A_23, %get3A_24] : memref<1x128xf32, #tpu.memory_space<vmem>>, vector<1x128xf32>
    %add3A_26 = vector.broadcast %get3A_25 : vector<1x128xf32> to vector<10112x128xf32>
    %add3A_27 = arith.addf %mul3A_22, %add3A_26 : vector<10112x128xf32>
    %lt3A_28 = arith.constant 10000 : i32
    %lt3A_29 = vector.broadcast %lt3A_28 : i32 to vector<10112x1xi32>
    %lt3A_30 = arith.cmpi slt, %iota3A_6, %lt3A_29 : vector<10112x1xi32>
    %max3A = arith.constant 0.000000e+00 : f32
    %max3A_31 = vector.broadcast %max3A : f32 to vector<10112x128xf32>
    %max3A_32 = arith.maximumf %add3A_27, %max3A_31 : vector<10112x128xf32>
    %jit3A_33 = arith.constant 0.000000e+00 : f32
    %broadcast_in_dim3A_34 = vector.shape_cast %lt3A_30 : vector<10112x1xi1> to vector<10112x1xi1>
    %broadcast_in_dim3A_35 = vector.broadcast %broadcast_in_dim3A_34 : vector<10112x1xi1> to vector<10112x128xi1>
    %broadcast_in_dim3A_36 = vector.broadcast %jit3A_33 : f32 to vector<10112x128xf32>
    %select_n3A_37 = arith.select %broadcast_in_dim3A_35, %max3A_32, %broadcast_in_dim3A_36 : vector<10112x128xi1>, vector<10112x128xf32>
    %reduce_sum3A = arith.constant dense<0.000000e+00> : vector<128xf32>
    %reduce_sum3A_38 = vector.multi_reduction <add>, %select_n3A_37, %reduce_sum3A [0] : vector<10112x128xf32> to vector<128xf32>
    %broadcast_in_dim3A_39 = vector.shape_cast %reduce_sum3A_38 : vector<128xf32> to vector<1x128xf32>
    %mul3A_40 = arith.constant 9.99999974E-5 : f32
    %mul3A_41 = vector.broadcast %mul3A_40 : f32 to vector<1x128xf32>
    %mul3A_42 = arith.mulf %broadcast_in_dim3A_39, %mul3A_41 : vector<1x128xf32>
    %lt3A_43 = arith.constant 10000 : i32
    %lt3A_44 = vector.broadcast %lt3A_43 : i32 to vector<10112x1xi32>
    %lt3A_45 = arith.cmpi slt, %iota3A_6, %lt3A_44 : vector<10112x1xi32>
    %sub3A = vector.broadcast %mul3A_42 : vector<1x128xf32> to vector<10112x128xf32>
    %sub3A_46 = arith.subf %select_n3A_37, %sub3A : vector<10112x128xf32>
    %jit3A_47 = arith.constant 0.000000e+00 : f32
    %broadcast_in_dim3A_48 = vector.shape_cast %lt3A_45 : vector<10112x1xi1> to vector<10112x1xi1>
    %broadcast_in_dim3A_49 = vector.broadcast %broadcast_in_dim3A_48 : vector<10112x1xi1> to vector<10112x128xi1>
    %broadcast_in_dim3A_50 = vector.broadcast %jit3A_47 : f32 to vector<10112x128xf32>
    %select_n3A_51 = arith.select %broadcast_in_dim3A_49, %sub3A_46, %broadcast_in_dim3A_50 : vector<10112x128xi1>, vector<10112x128xf32>
    %mul3A_52 = arith.mulf %select_n3A_51, %select_n3A_51 : vector<10112x128xf32>
    %reduce_sum3A_53 = arith.constant dense<0.000000e+00> : vector<128xf32>
    %reduce_sum3A_54 = vector.multi_reduction <add>, %mul3A_52, %reduce_sum3A_53 [0] : vector<10112x128xf32> to vector<128xf32>
    %broadcast_in_dim3A_55 = vector.shape_cast %reduce_sum3A_54 : vector<128xf32> to vector<1x128xf32>
    %mul3A_56 = arith.constant 9.99999974E-5 : f32
    %mul3A_57 = vector.broadcast %mul3A_56 : f32 to vector<1x128xf32>
    %mul3A_58 = arith.mulf %broadcast_in_dim3A_55, %mul3A_57 : vector<1x128xf32>
    %add3A_59 = arith.constant 9.99999974E-6 : f32
    %add3A_60 = vector.broadcast %add3A_59 : f32 to vector<1x128xf32>
    %add3A_61 = arith.addf %mul3A_58, %add3A_60 : vector<1x128xf32>
    %rsqrt3A_62 = math.rsqrt %add3A_61 : vector<1x128xf32>
    %mul3A_63 = vector.broadcast %rsqrt3A_62 : vector<1x128xf32> to vector<10112x128xf32>
    %mul3A_64 = arith.mulf %select_n3A_51, %mul3A_63 : vector<10112x128xf32>
    %get3A_65 = arith.constant 0 : index
    %get3A_66 = arith.constant 0 : index
    %get3A_67 = vector.load %arg4[%get3A_65, %get3A_66] : memref<1x128xf32, #tpu.memory_space<vmem>>, vector<1x128xf32>
    %mul3A_68 = vector.broadcast %get3A_67 : vector<1x128xf32> to vector<10112x128xf32>
    %mul3A_69 = arith.mulf %mul3A_64, %mul3A_68 : vector<10112x128xf32>
    %get3A_70 = arith.constant 0 : index
    %get3A_71 = arith.constant 0 : index
    %get3A_72 = vector.load %arg5[%get3A_70, %get3A_71] : memref<1x128xf32, #tpu.memory_space<vmem>>, vector<1x128xf32>
    %add3A_73 = vector.broadcast %get3A_72 : vector<1x128xf32> to vector<10112x128xf32>
    %add3A_74 = arith.addf %mul3A_69, %add3A_73 : vector<10112x128xf32>
    %get3A_75 = arith.constant 0 : index
    %get3A_76 = arith.constant 0 : index
    %get3A_77 = vector.load %arg6[%get3A_75, %get3A_76] : memref<128x128xf32, #tpu.memory_space<vmem>>, vector<128x128xf32>
    %dot_general3A = arith.constant dense<0.000000e+00> : vector<10112x128xf32>
    %dot_general3A_78 = tpu.matmul %add3A_74, %get3A_77, %dot_general3A {dimension_numbers = #tpu.dot_dimension_numbers<[1], [0], [0], [1], [0, 0, 1, 1], [], []>, transpose_lhs_hint = false} : vector<10112x128xf32>, vector<128x128xf32>, vector<10112x128xf32> -> vector<10112x128xf32>
    %mul3A_79 = vector.broadcast %select_n3A : vector<10112x1xf32> to vector<10112x128xf32>
    %mul3A_80 = arith.mulf %dot_general3A_78, %mul3A_79 : vector<10112x128xf32>
    %swap3A = arith.constant 0 : index
    %swap3A_81 = arith.constant 0 : index
    %swap3A_82 = vector.load %arg7[%swap3A, %swap3A_81] : memref<10112x128xf32, #tpu.memory_space<vmem>>, vector<10112x128xf32>
    tpu.vector_store %arg7[%swap3A, %swap3A_81], %mul3A_80 {strides = array<i32>} : memref<10112x128xf32, #tpu.memory_space<vmem>>, vector<10112x128xf32>,
    return
  }
}

module attributes {stable_mosaic.version = 14 : i64} {
  func.func @_fin_body(%arg0: memref<10112x128xf32, #tpu.memory_space<vmem>>, %arg1: memref<2x10112x128xf32, #tpu.memory_space<vmem>>, %arg2: memref<10112x1xf32, #tpu.memory_space<vmem>>, %arg3: memref<1x128xf32, #tpu.memory_space<vmem>>, %arg4: memref<1x128xf32, #tpu.memory_space<vmem>>, %arg5: memref<1x128xf32, #tpu.memory_space<vmem>>, %arg6: memref<10112x1xi32, #tpu.memory_space<vmem>>, %arg7: memref<32x2xi32, #tpu.memory_space<smem>>, %arg8: memref<64x128xf32, #tpu.memory_space<vmem>>) attributes {dimension_semantics = [], scalar_prefetch = 0 : i64, scratch_operands = 0 : i64, tpu.core_type = #tpu.core_type<tc>} {
    %get3A = arith.constant 0 : index
    %get3A_0 = arith.constant 0 : index
    %get3A_1 = vector.load %arg2[%get3A, %get3A_0] : memref<10112x1xf32, #tpu.memory_space<vmem>>, vector<10112x1xf32>
    %iota3A = tpu.iota {dimensions = array<i32: 0>} : vector<10112x1xi32>
    %lt3A = arith.constant 10000 : i32
    %lt3A_2 = vector.broadcast %lt3A : i32 to vector<10112x1xi32>
    %lt3A_3 = arith.cmpi slt, %iota3A, %lt3A_2 : vector<10112x1xi32>
    %add3A = arith.constant 1.000000e+00 : f32
    %add3A_4 = vector.broadcast %add3A : f32 to vector<10112x1xf32>
    %add3A_5 = arith.addf %get3A_1, %add3A_4 : vector<10112x1xf32>
    %rsqrt3A = math.rsqrt %add3A_5 : vector<10112x1xf32>
    %jit3A = arith.constant 0.000000e+00 : f32
    %broadcast_in_dim3A = vector.broadcast %jit3A : f32 to vector<10112x1xf32>
    %select_n3A = arith.select %lt3A_3, %rsqrt3A, %broadcast_in_dim3A : vector<10112x1xi1>, vector<10112x1xf32>
    %iota3A_6 = tpu.iota {dimensions = array<i32: 0>} : vector<10112x1xi32>
    %get3A_7 = arith.constant 0 : index
    %get3A_8 = arith.constant 0 : index
    %get3A_9 = vector.load %arg0[%get3A_7, %get3A_8] : memref<10112x128xf32, #tpu.memory_space<vmem>>, vector<10112x128xf32>
    %get3A_10 = arith.constant 0 : index
    %get3A_11 = arith.constant 0 : index
    %get3A_12 = arith.constant 0 : index
    %get3A_13 = vector.load %arg1[%get3A_10, %get3A_11, %get3A_12] : memref<2x10112x128xf32, #tpu.memory_space<vmem>>, vector<1x10112x128xf32>
    %get3A_14 = vector.shape_cast %get3A_13 : vector<1x10112x128xf32> to vector<10112x128xf32>
    %add3A_15 = arith.addf %get3A_9, %get3A_14 : vector<10112x128xf32>
    %get3A_16 = arith.constant 1 : index
    %get3A_17 = arith.constant 0 : index
    %get3A_18 = arith.constant 0 : index
    %get3A_19 = vector.load %arg1[%get3A_16, %get3A_17, %get3A_18] : memref<2x10112x128xf32, #tpu.memory_space<vmem>>, vector<1x10112x128xf32>
    %get3A_20 = vector.shape_cast %get3A_19 : vector<1x10112x128xf32> to vector<10112x128xf32>
    %add3A_21 = arith.addf %add3A_15, %get3A_20 : vector<10112x128xf32>
    %mul3A = vector.broadcast %select_n3A : vector<10112x1xf32> to vector<10112x128xf32>
    %mul3A_22 = arith.mulf %mul3A, %add3A_21 : vector<10112x128xf32>
    %get3A_23 = arith.constant 0 : index
    %get3A_24 = arith.constant 0 : index
    %get3A_25 = vector.load %arg3[%get3A_23, %get3A_24] : memref<1x128xf32, #tpu.memory_space<vmem>>, vector<1x128xf32>
    %add3A_26 = vector.broadcast %get3A_25 : vector<1x128xf32> to vector<10112x128xf32>
    %add3A_27 = arith.addf %mul3A_22, %add3A_26 : vector<10112x128xf32>
    %lt3A_28 = arith.constant 10000 : i32
    %lt3A_29 = vector.broadcast %lt3A_28 : i32 to vector<10112x1xi32>
    %lt3A_30 = arith.cmpi slt, %iota3A_6, %lt3A_29 : vector<10112x1xi32>
    %max3A = arith.constant 0.000000e+00 : f32
    %max3A_31 = vector.broadcast %max3A : f32 to vector<10112x128xf32>
    %max3A_32 = arith.maximumf %add3A_27, %max3A_31 : vector<10112x128xf32>
    %jit3A_33 = arith.constant 0.000000e+00 : f32
    %broadcast_in_dim3A_34 = vector.shape_cast %lt3A_30 : vector<10112x1xi1> to vector<10112x1xi1>
    %broadcast_in_dim3A_35 = vector.broadcast %broadcast_in_dim3A_34 : vector<10112x1xi1> to vector<10112x128xi1>
    %broadcast_in_dim3A_36 = vector.broadcast %jit3A_33 : f32 to vector<10112x128xf32>
    %select_n3A_37 = arith.select %broadcast_in_dim3A_35, %max3A_32, %broadcast_in_dim3A_36 : vector<10112x128xi1>, vector<10112x128xf32>
    %reduce_sum3A = arith.constant dense<0.000000e+00> : vector<128xf32>
    %reduce_sum3A_38 = vector.multi_reduction <add>, %select_n3A_37, %reduce_sum3A [0] : vector<10112x128xf32> to vector<128xf32>
    %broadcast_in_dim3A_39 = vector.shape_cast %reduce_sum3A_38 : vector<128xf32> to vector<1x128xf32>
    %mul3A_40 = arith.constant 9.99999974E-5 : f32
    %mul3A_41 = vector.broadcast %mul3A_40 : f32 to vector<1x128xf32>
    %mul3A_42 = arith.mulf %broadcast_in_dim3A_39, %mul3A_41 : vector<1x128xf32>
    %lt3A_43 = arith.constant 10000 : i32
    %lt3A_44 = vector.broadcast %lt3A_43 : i32 to vector<10112x1xi32>
    %lt3A_45 = arith.cmpi slt, %iota3A_6, %lt3A_44 : vector<10112x1xi32>
    %sub3A = vector.broadcast %mul3A_42 : vector<1x128xf32> to vector<10112x128xf32>
    %sub3A_46 = arith.subf %select_n3A_37, %sub3A : vector<10112x128xf32>
    %jit3A_47 = arith.constant 0.000000e+00 : f32
    %broadcast_in_dim3A_48 = vector.shape_cast %lt3A_45 : vector<10112x1xi1> to vector<10112x1xi1>
    %broadcast_in_dim3A_49 = vector.broadcast %broadcast_in_dim3A_48 : vector<10112x1xi1> to vector<10112x128xi1>
    %broadcast_in_dim3A_50 = vector.broadcast %jit3A_47 : f32 to vector<10112x128xf32>
    %select_n3A_51 = arith.select %broadcast_in_dim3A_49, %sub3A_46, %broadcast_in_dim3A_50 : vector<10112x128xi1>, vector<10112x128xf32>
    %mul3A_52 = arith.mulf %select_n3A_51, %select_n3A_51 : vector<10112x128xf32>
    %reduce_sum3A_53 = arith.constant dense<0.000000e+00> : vector<128xf32>
    %reduce_sum3A_54 = vector.multi_reduction <add>, %mul3A_52, %reduce_sum3A_53 [0] : vector<10112x128xf32> to vector<128xf32>
    %broadcast_in_dim3A_55 = vector.shape_cast %reduce_sum3A_54 : vector<128xf32> to vector<1x128xf32>
    %mul3A_56 = arith.constant 9.99999974E-5 : f32
    %mul3A_57 = vector.broadcast %mul3A_56 : f32 to vector<1x128xf32>
    %mul3A_58 = arith.mulf %broadcast_in_dim3A_55, %mul3A_57 : vector<1x128xf32>
    %add3A_59 = arith.constant 9.99999974E-6 : f32
    %add3A_60 = vector.broadcast %add3A_59 : f32 to vector<1x128xf32>
    %add3A_61 = arith.addf %mul3A_58, %add3A_60 : vector<1x128xf32>
    %rsqrt3A_62 = math.rsqrt %add3A_61 : vector<1x128xf32>
    %mul3A_63 = vector.broadcast %rsqrt3A_62 : vector<1x128xf32> to vector<10112x128xf32>
    %mul3A_64 = arith.mulf %select_n3A_51, %mul3A_63 : vector<10112x128xf32>
    %get3A_65 = arith.constant 0 : index
    %get3A_66 = arith.constant 0 : index
    %get3A_67 = vector.load %arg4[%get3A_65, %get3A_66] : memref<1x128xf32, #tpu.memory_space<vmem>>, vector<1x128xf32>
    %mul3A_68 = vector.broadcast %get3A_67 : vector<1x128xf32> to vector<10112x128xf32>
    %mul3A_69 = arith.mulf %mul3A_64, %mul3A_68 : vector<10112x128xf32>
    %get3A_70 = arith.constant 0 : index
    %get3A_71 = arith.constant 0 : index
    %get3A_72 = vector.load %arg5[%get3A_70, %get3A_71] : memref<1x128xf32, #tpu.memory_space<vmem>>, vector<1x128xf32>
    %add3A_73 = vector.broadcast %get3A_72 : vector<1x128xf32> to vector<10112x128xf32>
    %add3A_74 = arith.addf %mul3A_69, %add3A_73 : vector<10112x128xf32>
    %get3A_75 = arith.constant 0 : index
    %get3A_76 = arith.constant 0 : index
    %get3A_77 = vector.load %arg6[%get3A_75, %get3A_76] : memref<10112x1xi32, #tpu.memory_space<vmem>>, vector<10112x1xi32>
    %broadcast_in_dim3A_78 = arith.constant 0xFF800000 : f32
    %broadcast_in_dim3A_79 = vector.broadcast %broadcast_in_dim3A_78 : f32 to vector<64x128xf32>
    %swap3A = arith.constant 0 : index
    %swap3A_80 = arith.constant 0 : index
    %swap3A_81 = vector.load %arg8[%swap3A, %swap3A_80] : memref<64x128xf32, #tpu.memory_space<vmem>>, vector<64x128xf32>
    tpu.vector_store %arg8[%swap3A, %swap3A_80], %broadcast_in_dim3A_79 {strides = array<i32>} : memref<64x128xf32, #tpu.memory_space<vmem>>, vector<64x128xf32>,
    %slice3A = vector.extract_strided_slice %add3A_74 {offsets = [0, 0], sizes = [316, 128], strides = [1, 1]} : vector<10112x128xf32> to vector<316x128xf32>
    %slice3A_82 = vector.extract_strided_slice %get3A_77 {offsets = [0, 0], sizes = [316, 1], strides = [1, 1]} : vector<10112x1xi32> to vector<316x1xi32>
    %get3A_83 = arith.constant 0 : index
    %get3A_84 = arith.constant 0 : index
    %get3A_85 = memref.load %arg7[%get3A_83, %get3A_84] : memref<32x2xi32, #tpu.memory_space<smem>>
    %get3A_86 = arith.constant 0 : index
    %get3A_87 = arith.constant 1 : index
    %get3A_88 = memref.load %arg7[%get3A_86, %get3A_87] : memref<32x2xi32, #tpu.memory_space<smem>>
    %add3A_89 = arith.constant 1 : i32
    %add3A_90 = arith.addi %get3A_88, %add3A_89 : i32
    %while3A = arith.constant 0 : i32
    %while3A_91 = arith.subi %add3A_90, %get3A_85 : i32
    %while3A_92 = arith.addi %get3A_85, %while3A_91 : i32
    %while3A_93 = arith.constant 1 : i32
    %while3A_94 = arith.divsi %while3A_91, %while3A_93 : i32
    %while3A_95 = arith.muli %while3A_94, %while3A_93 : i32
    %while3A_96 = arith.addi %get3A_85, %while3A_95 : i32
    %while3A_97 = arith.constant 1 : i32
    scf.for %while3A_688 = %get3A_85 to %while3A_96 step %while3A_97  : i32 {
      %eq3A = vector.broadcast %while3A_688 : i32 to vector<316x1xi32>
      %eq3A_689 = arith.cmpi eq, %slice3A_82, %eq3A : vector<316x1xi32>
      %jit3A_690 = arith.constant 0xFF800000 : f32
      %broadcast_in_dim3A_691 = vector.shape_cast %eq3A_689 : vector<316x1xi1> to vector<316x1xi1>
      %broadcast_in_dim3A_692 = vector.broadcast %broadcast_in_dim3A_691 : vector<316x1xi1> to vector<316x128xi1>
      %broadcast_in_dim3A_693 = vector.broadcast %jit3A_690 : f32 to vector<316x128xf32>
      %select_n3A_694 = arith.select %broadcast_in_dim3A_692, %slice3A, %broadcast_in_dim3A_693 : vector<316x128xi1>, vector<316x128xf32>
      %reduce_max3A = arith.constant dense<0xFF800000> : vector<128xf32>
      %reduce_max3A_695 = vector.multi_reduction <maximumf>, %select_n3A_694, %reduce_max3A [0] : vector<316x128xf32> to vector<128xf32>
      %broadcast_in_dim3A_696 = vector.shape_cast %reduce_max3A_695 : vector<128xf32> to vector<1x128xf32>
      %get3A_697 = arith.index_cast %while3A_688 : i32 to index
      %get3A_698 = arith.constant 0 : index
      %get3A_699 = vector.load %arg8[%get3A_697, %get3A_698] : memref<64x128xf32, #tpu.memory_space<vmem>>, vector<1x128xf32>
      %max3A_700 = arith.maximumf %get3A_699, %broadcast_in_dim3A_696 : vector<1x128xf32>
      %swap3A_701 = arith.index_cast %while3A_688 : i32 to index
      %swap3A_702 = arith.constant 0 : index
      %swap3A_703 = vector.load %arg8[%swap3A_701, %swap3A_702] : memref<64x128xf32, #tpu.memory_space<vmem>>, vector<1x128xf32>
      tpu.vector_store %arg8[%swap3A_701, %swap3A_702], %max3A_700 {strides = array<i32>} : memref<64x128xf32, #tpu.memory_space<vmem>>, vector<1x128xf32>,
    }
    %while3A_98 = arith.constant 1 : i32
    scf.for %while3A_688 = %while3A_96 to %while3A_92 step %while3A_98  : i32 {
      %eq3A = vector.broadcast %while3A_688 : i32 to vector<316x1xi32>
      %eq3A_689 = arith.cmpi eq, %slice3A_82, %eq3A : vector<316x1xi32>
      %jit3A_690 = arith.constant 0xFF800000 : f32
      %broadcast_in_dim3A_691 = vector.shape_cast %eq3A_689 : vector<316x1xi1> to vector<316x1xi1>
      %broadcast_in_dim3A_692 = vector.broadcast %broadcast_in_dim3A_691 : vector<316x1xi1> to vector<316x128xi1>
      %broadcast_in_dim3A_693 = vector.broadcast %jit3A_690 : f32 to vector<316x128xf32>
      %select_n3A_694 = arith.select %broadcast_in_dim3A_692, %slice3A, %broadcast_in_dim3A_693 : vector<316x128xi1>, vector<316x128xf32>
      %reduce_max3A = arith.constant dense<0xFF800000> : vector<128xf32>
      %reduce_max3A_695 = vector.multi_reduction <maximumf>, %select_n3A_694, %reduce_max3A [0] : vector<316x128xf32> to vector<128xf32>
      %broadcast_in_dim3A_696 = vector.shape_cast %reduce_max3A_695 : vector<128xf32> to vector<1x128xf32>
      %get3A_697 = arith.index_cast %while3A_688 : i32 to index
      %get3A_698 = arith.constant 0 : index
      %get3A_699 = vector.load %arg8[%get3A_697, %get3A_698] : memref<64x128xf32, #tpu.memory_space<vmem>>, vector<1x128xf32>
      %max3A_700 = arith.maximumf %get3A_699, %broadcast_in_dim3A_696 : vector<1x128xf32>
      %swap3A_701 = arith.index_cast %while3A_688 : i32 to index
      %swap3A_702 = arith.constant 0 : index
      %swap3A_703 = vector.load %arg8[%swap3A_701, %swap3A_702] : memref<64x128xf32, #tpu.memory_space<vmem>>, vector<1x128xf32>
      tpu.vector_store %arg8[%swap3A_701, %swap3A_702], %max3A_700 {strides = array<i32>} : memref<64x128xf32, #tpu.memory_space<vmem>>, vector<1x128xf32>,
    }
    %slice3A_99 = vector.extract_strided_slice %add3A_74 {offsets = [316, 0], sizes = [316, 128], strides = [1, 1]} : vector<10112x128xf32> to vector<316x128xf32>
    %slice3A_100 = vector.extract_strided_slice %get3A_77 {offsets = [316, 0], sizes = [316, 1], strides = [1, 1]} : vector<10112x1xi32> to vector<316x1xi32>
    %get3A_101 = arith.constant 1 : index
    %get3A_102 = arith.constant 0 : index
    %get3A_103 = memref.load %arg7[%get3A_101, %get3A_102] : memref<32x2xi32, #tpu.memory_space<smem>>
    %get3A_104 = arith.constant 1 : index
    %get3A_105 = arith.constant 1 : index
    %get3A_106 = memref.load %arg7[%get3A_104, %get3A_105] : memref<32x2xi32, #tpu.memory_space<smem>>
    %add3A_107 = arith.constant 1 : i32
    %add3A_108 = arith.addi %get3A_106, %add3A_107 : i32
    %while3A_109 = arith.constant 0 : i32
    %while3A_110 = arith.subi %add3A_108, %get3A_103 : i32
    %while3A_111 = arith.addi %get3A_103, %while3A_110 : i32
    %while3A_112 = arith.constant 1 : i32
    %while3A_113 = arith.divsi %while3A_110, %while3A_112 : i32
    %while3A_114 = arith.muli %while3A_113, %while3A_112 : i32
    %while3A_115 = arith.addi %get3A_103, %while3A_114 : i32
    %while3A_116 = arith.constant 1 : i32
    scf.for %while3A_688 = %get3A_103 to %while3A_115 step %while3A_116  : i32 {
      %eq3A = vector.broadcast %while3A_688 : i32 to vector<316x1xi32>
      %eq3A_689 = arith.cmpi eq, %slice3A_100, %eq3A : vector<316x1xi32>
      %jit3A_690 = arith.constant 0xFF800000 : f32
      %broadcast_in_dim3A_691 = vector.shape_cast %eq3A_689 : vector<316x1xi1> to vector<316x1xi1>
      %broadcast_in_dim3A_692 = vector.broadcast %broadcast_in_dim3A_691 : vector<316x1xi1> to vector<316x128xi1>
      %broadcast_in_dim3A_693 = vector.broadcast %jit3A_690 : f32 to vector<316x128xf32>
      %select_n3A_694 = arith.select %broadcast_in_dim3A_692, %slice3A_99, %broadcast_in_dim3A_693 : vector<316x128xi1>, vector<316x128xf32>
      %reduce_max3A = arith.constant dense<0xFF800000> : vector<128xf32>
      %reduce_max3A_695 = vector.multi_reduction <maximumf>, %select_n3A_694, %reduce_max3A [0] : vector<316x128xf32> to vector<128xf32>
      %broadcast_in_dim3A_696 = vector.shape_cast %reduce_max3A_695 : vector<128xf32> to vector<1x128xf32>
      %get3A_697 = arith.index_cast %while3A_688 : i32 to index
      %get3A_698 = arith.constant 0 : index
      %get3A_699 = vector.load %arg8[%get3A_697, %get3A_698] : memref<64x128xf32, #tpu.memory_space<vmem>>, vector<1x128xf32>
      %max3A_700 = arith.maximumf %get3A_699, %broadcast_in_dim3A_696 : vector<1x128xf32>
      %swap3A_701 = arith.index_cast %while3A_688 : i32 to index
      %swap3A_702 = arith.constant 0 : index
      %swap3A_703 = vector.load %arg8[%swap3A_701, %swap3A_702] : memref<64x128xf32, #tpu.memory_space<vmem>>, vector<1x128xf32>
      tpu.vector_store %arg8[%swap3A_701, %swap3A_702], %max3A_700 {strides = array<i32>} : memref<64x128xf32, #tpu.memory_space<vmem>>, vector<1x128xf32>,
    }
    %while3A_117 = arith.constant 1 : i32
    scf.for %while3A_688 = %while3A_115 to %while3A_111 step %while3A_117  : i32 {
      %eq3A = vector.broadcast %while3A_688 : i32 to vector<316x1xi32>
      %eq3A_689 = arith.cmpi eq, %slice3A_100, %eq3A : vector<316x1xi32>
      %jit3A_690 = arith.constant 0xFF800000 : f32
      %broadcast_in_dim3A_691 = vector.shape_cast %eq3A_689 : vector<316x1xi1> to vector<316x1xi1>
      %broadcast_in_dim3A_692 = vector.broadcast %broadcast_in_dim3A_691 : vector<316x1xi1> to vector<316x128xi1>
      %broadcast_in_dim3A_693 = vector.broadcast %jit3A_690 : f32 to vector<316x128xf32>
      %select_n3A_694 = arith.select %broadcast_in_dim3A_692, %slice3A_99, %broadcast_in_dim3A_693 : vector<316x128xi1>, vector<316x128xf32>
      %reduce_max3A = arith.constant dense<0xFF800000> : vector<128xf32>
      %reduce_max3A_695 = vector.multi_reduction <maximumf>, %select_n3A_694, %reduce_max3A [0] : vector<316x128xf32> to vector<128xf32>
      %broadcast_in_dim3A_696 = vector.shape_cast %reduce_max3A_695 : vector<128xf32> to vector<1x128xf32>
      %get3A_697 = arith.index_cast %while3A_688 : i32 to index
      %get3A_698 = arith.constant 0 : index
      %get3A_699 = vector.load %arg8[%get3A_697, %get3A_698] : memref<64x128xf32, #tpu.memory_space<vmem>>, vector<1x128xf32>
      %max3A_700 = arith.maximumf %get3A_699, %broadcast_in_dim3A_696 : vector<1x128xf32>
      %swap3A_701 = arith.index_cast %while3A_688 : i32 to index
      %swap3A_702 = arith.constant 0 : index
      %swap3A_703 = vector.load %arg8[%swap3A_701, %swap3A_702] : memref<64x128xf32, #tpu.memory_space<vmem>>, vector<1x128xf32>
      tpu.vector_store %arg8[%swap3A_701, %swap3A_702], %max3A_700 {strides = array<i32>} : memref<64x128xf32, #tpu.memory_space<vmem>>, vector<1x128xf32>,
    }
    %slice3A_118 = vector.extract_strided_slice %add3A_74 {offsets = [632, 0], sizes = [316, 128], strides = [1, 1]} : vector<10112x128xf32> to vector<316x128xf32>
    %slice3A_119 = vector.extract_strided_slice %get3A_77 {offsets = [632, 0], sizes = [316, 1], strides = [1, 1]} : vector<10112x1xi32> to vector<316x1xi32>
    %get3A_120 = arith.constant 2 : index
    %get3A_121 = arith.constant 0 : index
    %get3A_122 = memref.load %arg7[%get3A_120, %get3A_121] : memref<32x2xi32, #tpu.memory_space<smem>>
    %get3A_123 = arith.constant 2 : index
    %get3A_124 = arith.constant 1 : index
    %get3A_125 = memref.load %arg7[%get3A_123, %get3A_124] : memref<32x2xi32, #tpu.memory_space<smem>>
    %add3A_126 = arith.constant 1 : i32
    %add3A_127 = arith.addi %get3A_125, %add3A_126 : i32
    %while3A_128 = arith.constant 0 : i32
    %while3A_129 = arith.subi %add3A_127, %get3A_122 : i32
    %while3A_130 = arith.addi %get3A_122, %while3A_129 : i32
    %while3A_131 = arith.constant 1 : i32
    %while3A_132 = arith.divsi %while3A_129, %while3A_131 : i32
    %while3A_133 = arith.muli %while3A_132, %while3A_131 : i32
    %while3A_134 = arith.addi %get3A_122, %while3A_133 : i32
    %while3A_135 = arith.constant 1 : i32
    scf.for %while3A_688 = %get3A_122 to %while3A_134 step %while3A_135  : i32 {
      %eq3A = vector.broadcast %while3A_688 : i32 to vector<316x1xi32>
      %eq3A_689 = arith.cmpi eq, %slice3A_119, %eq3A : vector<316x1xi32>
      %jit3A_690 = arith.constant 0xFF800000 : f32
      %broadcast_in_dim3A_691 = vector.shape_cast %eq3A_689 : vector<316x1xi1> to vector<316x1xi1>
      %broadcast_in_dim3A_692 = vector.broadcast %broadcast_in_dim3A_691 : vector<316x1xi1> to vector<316x128xi1>
      %broadcast_in_dim3A_693 = vector.broadcast %jit3A_690 : f32 to vector<316x128xf32>
      %select_n3A_694 = arith.select %broadcast_in_dim3A_692, %slice3A_118, %broadcast_in_dim3A_693 : vector<316x128xi1>, vector<316x128xf32>
      %reduce_max3A = arith.constant dense<0xFF800000> : vector<128xf32>
      %reduce_max3A_695 = vector.multi_reduction <maximumf>, %select_n3A_694, %reduce_max3A [0] : vector<316x128xf32> to vector<128xf32>
      %broadcast_in_dim3A_696 = vector.shape_cast %reduce_max3A_695 : vector<128xf32> to vector<1x128xf32>
      %get3A_697 = arith.index_cast %while3A_688 : i32 to index
      %get3A_698 = arith.constant 0 : index
      %get3A_699 = vector.load %arg8[%get3A_697, %get3A_698] : memref<64x128xf32, #tpu.memory_space<vmem>>, vector<1x128xf32>
      %max3A_700 = arith.maximumf %get3A_699, %broadcast_in_dim3A_696 : vector<1x128xf32>
      %swap3A_701 = arith.index_cast %while3A_688 : i32 to index
      %swap3A_702 = arith.constant 0 : index
      %swap3A_703 = vector.load %arg8[%swap3A_701, %swap3A_702] : memref<64x128xf32, #tpu.memory_space<vmem>>, vector<1x128xf32>
      tpu.vector_store %arg8[%swap3A_701, %swap3A_702], %max3A_700 {strides = array<i32>} : memref<64x128xf32, #tpu.memory_space<vmem>>, vector<1x128xf32>,
    }
    %while3A_136 = arith.constant 1 : i32
    scf.for %while3A_688 = %while3A_134 to %while3A_130 step %while3A_136  : i32 {
      %eq3A = vector.broadcast %while3A_688 : i32 to vector<316x1xi32>
      %eq3A_689 = arith.cmpi eq, %slice3A_119, %eq3A : vector<316x1xi32>
      %jit3A_690 = arith.constant 0xFF800000 : f32
      %broadcast_in_dim3A_691 = vector.shape_cast %eq3A_689 : vector<316x1xi1> to vector<316x1xi1>
      %broadcast_in_dim3A_692 = vector.broadcast %broadcast_in_dim3A_691 : vector<316x1xi1> to vector<316x128xi1>
      %broadcast_in_dim3A_693 = vector.broadcast %jit3A_690 : f32 to vector<316x128xf32>
      %select_n3A_694 = arith.select %broadcast_in_dim3A_692, %slice3A_118, %broadcast_in_dim3A_693 : vector<316x128xi1>, vector<316x128xf32>
      %reduce_max3A = arith.constant dense<0xFF800000> : vector<128xf32>
      %reduce_max3A_695 = vector.multi_reduction <maximumf>, %select_n3A_694, %reduce_max3A [0] : vector<316x128xf32> to vector<128xf32>
      %broadcast_in_dim3A_696 = vector.shape_cast %reduce_max3A_695 : vector<128xf32> to vector<1x128xf32>
      %get3A_697 = arith.index_cast %while3A_688 : i32 to index
      %get3A_698 = arith.constant 0 : index
      %get3A_699 = vector.load %arg8[%get3A_697, %get3A_698] : memref<64x128xf32, #tpu.memory_space<vmem>>, vector<1x128xf32>
      %max3A_700 = arith.maximumf %get3A_699, %broadcast_in_dim3A_696 : vector<1x128xf32>
      %swap3A_701 = arith.index_cast %while3A_688 : i32 to index
      %swap3A_702 = arith.constant 0 : index
      %swap3A_703 = vector.load %arg8[%swap3A_701, %swap3A_702] : memref<64x128xf32, #tpu.memory_space<vmem>>, vector<1x128xf32>
      tpu.vector_store %arg8[%swap3A_701, %swap3A_702], %max3A_700 {strides = array<i32>} : memref<64x128xf32, #tpu.memory_space<vmem>>, vector<1x128xf32>,
    }
    %slice3A_137 = vector.extract_strided_slice %add3A_74 {offsets = [948, 0], sizes = [316, 128], strides = [1, 1]} : vector<10112x128xf32> to vector<316x128xf32>
    %slice3A_138 = vector.extract_strided_slice %get3A_77 {offsets = [948, 0], sizes = [316, 1], strides = [1, 1]} : vector<10112x1xi32> to vector<316x1xi32>
    %get3A_139 = arith.constant 3 : index
    %get3A_140 = arith.constant 0 : index
    %get3A_141 = memref.load %arg7[%get3A_139, %get3A_140] : memref<32x2xi32, #tpu.memory_space<smem>>
    %get3A_142 = arith.constant 3 : index
    %get3A_143 = arith.constant 1 : index
    %get3A_144 = memref.load %arg7[%get3A_142, %get3A_143] : memref<32x2xi32, #tpu.memory_space<smem>>
    %add3A_145 = arith.constant 1 : i32
    %add3A_146 = arith.addi %get3A_144, %add3A_145 : i32
    %while3A_147 = arith.constant 0 : i32
    %while3A_148 = arith.subi %add3A_146, %get3A_141 : i32
    %while3A_149 = arith.addi %get3A_141, %while3A_148 : i32
    %while3A_150 = arith.constant 1 : i32
    %while3A_151 = arith.divsi %while3A_148, %while3A_150 : i32
    %while3A_152 = arith.muli %while3A_151, %while3A_150 : i32
    %while3A_153 = arith.addi %get3A_141, %while3A_152 : i32
    %while3A_154 = arith.constant 1 : i32
    scf.for %while3A_688 = %get3A_141 to %while3A_153 step %while3A_154  : i32 {
      %eq3A = vector.broadcast %while3A_688 : i32 to vector<316x1xi32>
      %eq3A_689 = arith.cmpi eq, %slice3A_138, %eq3A : vector<316x1xi32>
      %jit3A_690 = arith.constant 0xFF800000 : f32
      %broadcast_in_dim3A_691 = vector.shape_cast %eq3A_689 : vector<316x1xi1> to vector<316x1xi1>
      %broadcast_in_dim3A_692 = vector.broadcast %broadcast_in_dim3A_691 : vector<316x1xi1> to vector<316x128xi1>
      %broadcast_in_dim3A_693 = vector.broadcast %jit3A_690 : f32 to vector<316x128xf32>
      %select_n3A_694 = arith.select %broadcast_in_dim3A_692, %slice3A_137, %broadcast_in_dim3A_693 : vector<316x128xi1>, vector<316x128xf32>
      %reduce_max3A = arith.constant dense<0xFF800000> : vector<128xf32>
      %reduce_max3A_695 = vector.multi_reduction <maximumf>, %select_n3A_694, %reduce_max3A [0] : vector<316x128xf32> to vector<128xf32>
      %broadcast_in_dim3A_696 = vector.shape_cast %reduce_max3A_695 : vector<128xf32> to vector<1x128xf32>
      %get3A_697 = arith.index_cast %while3A_688 : i32 to index
      %get3A_698 = arith.constant 0 : index
      %get3A_699 = vector.load %arg8[%get3A_697, %get3A_698] : memref<64x128xf32, #tpu.memory_space<vmem>>, vector<1x128xf32>
      %max3A_700 = arith.maximumf %get3A_699, %broadcast_in_dim3A_696 : vector<1x128xf32>
      %swap3A_701 = arith.index_cast %while3A_688 : i32 to index
      %swap3A_702 = arith.constant 0 : index
      %swap3A_703 = vector.load %arg8[%swap3A_701, %swap3A_702] : memref<64x128xf32, #tpu.memory_space<vmem>>, vector<1x128xf32>
      tpu.vector_store %arg8[%swap3A_701, %swap3A_702], %max3A_700 {strides = array<i32>} : memref<64x128xf32, #tpu.memory_space<vmem>>, vector<1x128xf32>,
    }
    %while3A_155 = arith.constant 1 : i32
    scf.for %while3A_688 = %while3A_153 to %while3A_149 step %while3A_155  : i32 {
      %eq3A = vector.broadcast %while3A_688 : i32 to vector<316x1xi32>
      %eq3A_689 = arith.cmpi eq, %slice3A_138, %eq3A : vector<316x1xi32>
      %jit3A_690 = arith.constant 0xFF800000 : f32
      %broadcast_in_dim3A_691 = vector.shape_cast %eq3A_689 : vector<316x1xi1> to vector<316x1xi1>
      %broadcast_in_dim3A_692 = vector.broadcast %broadcast_in_dim3A_691 : vector<316x1xi1> to vector<316x128xi1>
      %broadcast_in_dim3A_693 = vector.broadcast %jit3A_690 : f32 to vector<316x128xf32>
      %select_n3A_694 = arith.select %broadcast_in_dim3A_692, %slice3A_137, %broadcast_in_dim3A_693 : vector<316x128xi1>, vector<316x128xf32>
      %reduce_max3A = arith.constant dense<0xFF800000> : vector<128xf32>
      %reduce_max3A_695 = vector.multi_reduction <maximumf>, %select_n3A_694, %reduce_max3A [0] : vector<316x128xf32> to vector<128xf32>
      %broadcast_in_dim3A_696 = vector.shape_cast %reduce_max3A_695 : vector<128xf32> to vector<1x128xf32>
      %get3A_697 = arith.index_cast %while3A_688 : i32 to index
      %get3A_698 = arith.constant 0 : index
      %get3A_699 = vector.load %arg8[%get3A_697, %get3A_698] : memref<64x128xf32, #tpu.memory_space<vmem>>, vector<1x128xf32>
      %max3A_700 = arith.maximumf %get3A_699, %broadcast_in_dim3A_696 : vector<1x128xf32>
      %swap3A_701 = arith.index_cast %while3A_688 : i32 to index
      %swap3A_702 = arith.constant 0 : index
      %swap3A_703 = vector.load %arg8[%swap3A_701, %swap3A_702] : memref<64x128xf32, #tpu.memory_space<vmem>>, vector<1x128xf32>
      tpu.vector_store %arg8[%swap3A_701, %swap3A_702], %max3A_700 {strides = array<i32>} : memref<64x128xf32, #tpu.memory_space<vmem>>, vector<1x128xf32>,
    }
    %slice3A_156 = vector.extract_strided_slice %add3A_74 {offsets = [1264, 0], sizes = [316, 128], strides = [1, 1]} : vector<10112x128xf32> to vector<316x128xf32>
    %slice3A_157 = vector.extract_strided_slice %get3A_77 {offsets = [1264, 0], sizes = [316, 1], strides = [1, 1]} : vector<10112x1xi32> to vector<316x1xi32>
    %get3A_158 = arith.constant 4 : index
    %get3A_159 = arith.constant 0 : index
    %get3A_160 = memref.load %arg7[%get3A_158, %get3A_159] : memref<32x2xi32, #tpu.memory_space<smem>>
    %get3A_161 = arith.constant 4 : index
    %get3A_162 = arith.constant 1 : index
    %get3A_163 = memref.load %arg7[%get3A_161, %get3A_162] : memref<32x2xi32, #tpu.memory_space<smem>>
    %add3A_164 = arith.constant 1 : i32
    %add3A_165 = arith.addi %get3A_163, %add3A_164 : i32
    %while3A_166 = arith.constant 0 : i32
    %while3A_167 = arith.subi %add3A_165, %get3A_160 : i32
    %while3A_168 = arith.addi %get3A_160, %while3A_167 : i32
    %while3A_169 = arith.constant 1 : i32
    %while3A_170 = arith.divsi %while3A_167, %while3A_169 : i32
    %while3A_171 = arith.muli %while3A_170, %while3A_169 : i32
    %while3A_172 = arith.addi %get3A_160, %while3A_171 : i32
    %while3A_173 = arith.constant 1 : i32
    scf.for %while3A_688 = %get3A_160 to %while3A_172 step %while3A_173  : i32 {
      %eq3A = vector.broadcast %while3A_688 : i32 to vector<316x1xi32>
      %eq3A_689 = arith.cmpi eq, %slice3A_157, %eq3A : vector<316x1xi32>
      %jit3A_690 = arith.constant 0xFF800000 : f32
      %broadcast_in_dim3A_691 = vector.shape_cast %eq3A_689 : vector<316x1xi1> to vector<316x1xi1>
      %broadcast_in_dim3A_692 = vector.broadcast %broadcast_in_dim3A_691 : vector<316x1xi1> to vector<316x128xi1>
      %broadcast_in_dim3A_693 = vector.broadcast %jit3A_690 : f32 to vector<316x128xf32>
      %select_n3A_694 = arith.select %broadcast_in_dim3A_692, %slice3A_156, %broadcast_in_dim3A_693 : vector<316x128xi1>, vector<316x128xf32>
      %reduce_max3A = arith.constant dense<0xFF800000> : vector<128xf32>
      %reduce_max3A_695 = vector.multi_reduction <maximumf>, %select_n3A_694, %reduce_max3A [0] : vector<316x128xf32> to vector<128xf32>
      %broadcast_in_dim3A_696 = vector.shape_cast %reduce_max3A_695 : vector<128xf32> to vector<1x128xf32>
      %get3A_697 = arith.index_cast %while3A_688 : i32 to index
      %get3A_698 = arith.constant 0 : index
      %get3A_699 = vector.load %arg8[%get3A_697, %get3A_698] : memref<64x128xf32, #tpu.memory_space<vmem>>, vector<1x128xf32>
      %max3A_700 = arith.maximumf %get3A_699, %broadcast_in_dim3A_696 : vector<1x128xf32>
      %swap3A_701 = arith.index_cast %while3A_688 : i32 to index
      %swap3A_702 = arith.constant 0 : index
      %swap3A_703 = vector.load %arg8[%swap3A_701, %swap3A_702] : memref<64x128xf32, #tpu.memory_space<vmem>>, vector<1x128xf32>
      tpu.vector_store %arg8[%swap3A_701, %swap3A_702], %max3A_700 {strides = array<i32>} : memref<64x128xf32, #tpu.memory_space<vmem>>, vector<1x128xf32>,
    }
    %while3A_174 = arith.constant 1 : i32
    scf.for %while3A_688 = %while3A_172 to %while3A_168 step %while3A_174  : i32 {
      %eq3A = vector.broadcast %while3A_688 : i32 to vector<316x1xi32>
      %eq3A_689 = arith.cmpi eq, %slice3A_157, %eq3A : vector<316x1xi32>
      %jit3A_690 = arith.constant 0xFF800000 : f32
      %broadcast_in_dim3A_691 = vector.shape_cast %eq3A_689 : vector<316x1xi1> to vector<316x1xi1>
      %broadcast_in_dim3A_692 = vector.broadcast %broadcast_in_dim3A_691 : vector<316x1xi1> to vector<316x128xi1>
      %broadcast_in_dim3A_693 = vector.broadcast %jit3A_690 : f32 to vector<316x128xf32>
      %select_n3A_694 = arith.select %broadcast_in_dim3A_692, %slice3A_156, %broadcast_in_dim3A_693 : vector<316x128xi1>, vector<316x128xf32>
      %reduce_max3A = arith.constant dense<0xFF800000> : vector<128xf32>
      %reduce_max3A_695 = vector.multi_reduction <maximumf>, %select_n3A_694, %reduce_max3A [0] : vector<316x128xf32> to vector<128xf32>
      %broadcast_in_dim3A_696 = vector.shape_cast %reduce_max3A_695 : vector<128xf32> to vector<1x128xf32>
      %get3A_697 = arith.index_cast %while3A_688 : i32 to index
      %get3A_698 = arith.constant 0 : index
      %get3A_699 = vector.load %arg8[%get3A_697, %get3A_698] : memref<64x128xf32, #tpu.memory_space<vmem>>, vector<1x128xf32>
      %max3A_700 = arith.maximumf %get3A_699, %broadcast_in_dim3A_696 : vector<1x128xf32>
      %swap3A_701 = arith.index_cast %while3A_688 : i32 to index
      %swap3A_702 = arith.constant 0 : index
      %swap3A_703 = vector.load %arg8[%swap3A_701, %swap3A_702] : memref<64x128xf32, #tpu.memory_space<vmem>>, vector<1x128xf32>
      tpu.vector_store %arg8[%swap3A_701, %swap3A_702], %max3A_700 {strides = array<i32>} : memref<64x128xf32, #tpu.memory_space<vmem>>, vector<1x128xf32>,
    }
    %slice3A_175 = vector.extract_strided_slice %add3A_74 {offsets = [1580, 0], sizes = [316, 128], strides = [1, 1]} : vector<10112x128xf32> to vector<316x128xf32>
    %slice3A_176 = vector.extract_strided_slice %get3A_77 {offsets = [1580, 0], sizes = [316, 1], strides = [1, 1]} : vector<10112x1xi32> to vector<316x1xi32>
    %get3A_177 = arith.constant 5 : index
    %get3A_178 = arith.constant 0 : index
    %get3A_179 = memref.load %arg7[%get3A_177, %get3A_178] : memref<32x2xi32, #tpu.memory_space<smem>>
    %get3A_180 = arith.constant 5 : index
    %get3A_181 = arith.constant 1 : index
    %get3A_182 = memref.load %arg7[%get3A_180, %get3A_181] : memref<32x2xi32, #tpu.memory_space<smem>>
    %add3A_183 = arith.constant 1 : i32
    %add3A_184 = arith.addi %get3A_182, %add3A_183 : i32
    %while3A_185 = arith.constant 0 : i32
    %while3A_186 = arith.subi %add3A_184, %get3A_179 : i32
    %while3A_187 = arith.addi %get3A_179, %while3A_186 : i32
    %while3A_188 = arith.constant 1 : i32
    %while3A_189 = arith.divsi %while3A_186, %while3A_188 : i32
    %while3A_190 = arith.muli %while3A_189, %while3A_188 : i32
    %while3A_191 = arith.addi %get3A_179, %while3A_190 : i32
    %while3A_192 = arith.constant 1 : i32
    scf.for %while3A_688 = %get3A_179 to %while3A_191 step %while3A_192  : i32 {
      %eq3A = vector.broadcast %while3A_688 : i32 to vector<316x1xi32>
      %eq3A_689 = arith.cmpi eq, %slice3A_176, %eq3A : vector<316x1xi32>
      %jit3A_690 = arith.constant 0xFF800000 : f32
      %broadcast_in_dim3A_691 = vector.shape_cast %eq3A_689 : vector<316x1xi1> to vector<316x1xi1>
      %broadcast_in_dim3A_692 = vector.broadcast %broadcast_in_dim3A_691 : vector<316x1xi1> to vector<316x128xi1>
      %broadcast_in_dim3A_693 = vector.broadcast %jit3A_690 : f32 to vector<316x128xf32>
      %select_n3A_694 = arith.select %broadcast_in_dim3A_692, %slice3A_175, %broadcast_in_dim3A_693 : vector<316x128xi1>, vector<316x128xf32>
      %reduce_max3A = arith.constant dense<0xFF800000> : vector<128xf32>
      %reduce_max3A_695 = vector.multi_reduction <maximumf>, %select_n3A_694, %reduce_max3A [0] : vector<316x128xf32> to vector<128xf32>
      %broadcast_in_dim3A_696 = vector.shape_cast %reduce_max3A_695 : vector<128xf32> to vector<1x128xf32>
      %get3A_697 = arith.index_cast %while3A_688 : i32 to index
      %get3A_698 = arith.constant 0 : index
      %get3A_699 = vector.load %arg8[%get3A_697, %get3A_698] : memref<64x128xf32, #tpu.memory_space<vmem>>, vector<1x128xf32>
      %max3A_700 = arith.maximumf %get3A_699, %broadcast_in_dim3A_696 : vector<1x128xf32>
      %swap3A_701 = arith.index_cast %while3A_688 : i32 to index
      %swap3A_702 = arith.constant 0 : index
      %swap3A_703 = vector.load %arg8[%swap3A_701, %swap3A_702] : memref<64x128xf32, #tpu.memory_space<vmem>>, vector<1x128xf32>
      tpu.vector_store %arg8[%swap3A_701, %swap3A_702], %max3A_700 {strides = array<i32>} : memref<64x128xf32, #tpu.memory_space<vmem>>, vector<1x128xf32>,
    }
    %while3A_193 = arith.constant 1 : i32
    scf.for %while3A_688 = %while3A_191 to %while3A_187 step %while3A_193  : i32 {
      %eq3A = vector.broadcast %while3A_688 : i32 to vector<316x1xi32>
      %eq3A_689 = arith.cmpi eq, %slice3A_176, %eq3A : vector<316x1xi32>
      %jit3A_690 = arith.constant 0xFF800000 : f32
      %broadcast_in_dim3A_691 = vector.shape_cast %eq3A_689 : vector<316x1xi1> to vector<316x1xi1>
      %broadcast_in_dim3A_692 = vector.broadcast %broadcast_in_dim3A_691 : vector<316x1xi1> to vector<316x128xi1>
      %broadcast_in_dim3A_693 = vector.broadcast %jit3A_690 : f32 to vector<316x128xf32>
      %select_n3A_694 = arith.select %broadcast_in_dim3A_692, %slice3A_175, %broadcast_in_dim3A_693 : vector<316x128xi1>, vector<316x128xf32>
      %reduce_max3A = arith.constant dense<0xFF800000> : vector<128xf32>
      %reduce_max3A_695 = vector.multi_reduction <maximumf>, %select_n3A_694, %reduce_max3A [0] : vector<316x128xf32> to vector<128xf32>
      %broadcast_in_dim3A_696 = vector.shape_cast %reduce_max3A_695 : vector<128xf32> to vector<1x128xf32>
      %get3A_697 = arith.index_cast %while3A_688 : i32 to index
      %get3A_698 = arith.constant 0 : index
      %get3A_699 = vector.load %arg8[%get3A_697, %get3A_698] : memref<64x128xf32, #tpu.memory_space<vmem>>, vector<1x128xf32>
      %max3A_700 = arith.maximumf %get3A_699, %broadcast_in_dim3A_696 : vector<1x128xf32>
      %swap3A_701 = arith.index_cast %while3A_688 : i32 to index
      %swap3A_702 = arith.constant 0 : index
      %swap3A_703 = vector.load %arg8[%swap3A_701, %swap3A_702] : memref<64x128xf32, #tpu.memory_space<vmem>>, vector<1x128xf32>
      tpu.vector_store %arg8[%swap3A_701, %swap3A_702], %max3A_700 {strides = array<i32>} : memref<64x128xf32, #tpu.memory_space<vmem>>, vector<1x128xf32>,
    }
    %slice3A_194 = vector.extract_strided_slice %add3A_74 {offsets = [1896, 0], sizes = [316, 128], strides = [1, 1]} : vector<10112x128xf32> to vector<316x128xf32>
    %slice3A_195 = vector.extract_strided_slice %get3A_77 {offsets = [1896, 0], sizes = [316, 1], strides = [1, 1]} : vector<10112x1xi32> to vector<316x1xi32>
    %get3A_196 = arith.constant 6 : index
    %get3A_197 = arith.constant 0 : index
    %get3A_198 = memref.load %arg7[%get3A_196, %get3A_197] : memref<32x2xi32, #tpu.memory_space<smem>>
    %get3A_199 = arith.constant 6 : index
    %get3A_200 = arith.constant 1 : index
    %get3A_201 = memref.load %arg7[%get3A_199, %get3A_200] : memref<32x2xi32, #tpu.memory_space<smem>>
    %add3A_202 = arith.constant 1 : i32
    %add3A_203 = arith.addi %get3A_201, %add3A_202 : i32
    %while3A_204 = arith.constant 0 : i32
    %while3A_205 = arith.subi %add3A_203, %get3A_198 : i32
    %while3A_206 = arith.addi %get3A_198, %while3A_205 : i32
    %while3A_207 = arith.constant 1 : i32
    %while3A_208 = arith.divsi %while3A_205, %while3A_207 : i32
    %while3A_209 = arith.muli %while3A_208, %while3A_207 : i32
    %while3A_210 = arith.addi %get3A_198, %while3A_209 : i32
    %while3A_211 = arith.constant 1 : i32
    scf.for %while3A_688 = %get3A_198 to %while3A_210 step %while3A_211  : i32 {
      %eq3A = vector.broadcast %while3A_688 : i32 to vector<316x1xi32>
      %eq3A_689 = arith.cmpi eq, %slice3A_195, %eq3A : vector<316x1xi32>
      %jit3A_690 = arith.constant 0xFF800000 : f32
      %broadcast_in_dim3A_691 = vector.shape_cast %eq3A_689 : vector<316x1xi1> to vector<316x1xi1>
      %broadcast_in_dim3A_692 = vector.broadcast %broadcast_in_dim3A_691 : vector<316x1xi1> to vector<316x128xi1>
      %broadcast_in_dim3A_693 = vector.broadcast %jit3A_690 : f32 to vector<316x128xf32>
      %select_n3A_694 = arith.select %broadcast_in_dim3A_692, %slice3A_194, %broadcast_in_dim3A_693 : vector<316x128xi1>, vector<316x128xf32>
      %reduce_max3A = arith.constant dense<0xFF800000> : vector<128xf32>
      %reduce_max3A_695 = vector.multi_reduction <maximumf>, %select_n3A_694, %reduce_max3A [0] : vector<316x128xf32> to vector<128xf32>
      %broadcast_in_dim3A_696 = vector.shape_cast %reduce_max3A_695 : vector<128xf32> to vector<1x128xf32>
      %get3A_697 = arith.index_cast %while3A_688 : i32 to index
      %get3A_698 = arith.constant 0 : index
      %get3A_699 = vector.load %arg8[%get3A_697, %get3A_698] : memref<64x128xf32, #tpu.memory_space<vmem>>, vector<1x128xf32>
      %max3A_700 = arith.maximumf %get3A_699, %broadcast_in_dim3A_696 : vector<1x128xf32>
      %swap3A_701 = arith.index_cast %while3A_688 : i32 to index
      %swap3A_702 = arith.constant 0 : index
      %swap3A_703 = vector.load %arg8[%swap3A_701, %swap3A_702] : memref<64x128xf32, #tpu.memory_space<vmem>>, vector<1x128xf32>
      tpu.vector_store %arg8[%swap3A_701, %swap3A_702], %max3A_700 {strides = array<i32>} : memref<64x128xf32, #tpu.memory_space<vmem>>, vector<1x128xf32>,
    }
    %while3A_212 = arith.constant 1 : i32
    scf.for %while3A_688 = %while3A_210 to %while3A_206 step %while3A_212  : i32 {
      %eq3A = vector.broadcast %while3A_688 : i32 to vector<316x1xi32>
      %eq3A_689 = arith.cmpi eq, %slice3A_195, %eq3A : vector<316x1xi32>
      %jit3A_690 = arith.constant 0xFF800000 : f32
      %broadcast_in_dim3A_691 = vector.shape_cast %eq3A_689 : vector<316x1xi1> to vector<316x1xi1>
      %broadcast_in_dim3A_692 = vector.broadcast %broadcast_in_dim3A_691 : vector<316x1xi1> to vector<316x128xi1>
      %broadcast_in_dim3A_693 = vector.broadcast %jit3A_690 : f32 to vector<316x128xf32>
      %select_n3A_694 = arith.select %broadcast_in_dim3A_692, %slice3A_194, %broadcast_in_dim3A_693 : vector<316x128xi1>, vector<316x128xf32>
      %reduce_max3A = arith.constant dense<0xFF800000> : vector<128xf32>
      %reduce_max3A_695 = vector.multi_reduction <maximumf>, %select_n3A_694, %reduce_max3A [0] : vector<316x128xf32> to vector<128xf32>
      %broadcast_in_dim3A_696 = vector.shape_cast %reduce_max3A_695 : vector<128xf32> to vector<1x128xf32>
      %get3A_697 = arith.index_cast %while3A_688 : i32 to index
      %get3A_698 = arith.constant 0 : index
      %get3A_699 = vector.load %arg8[%get3A_697, %get3A_698] : memref<64x128xf32, #tpu.memory_space<vmem>>, vector<1x128xf32>
      %max3A_700 = arith.maximumf %get3A_699, %broadcast_in_dim3A_696 : vector<1x128xf32>
      %swap3A_701 = arith.index_cast %while3A_688 : i32 to index
      %swap3A_702 = arith.constant 0 : index
      %swap3A_703 = vector.load %arg8[%swap3A_701, %swap3A_702] : memref<64x128xf32, #tpu.memory_space<vmem>>, vector<1x128xf32>
      tpu.vector_store %arg8[%swap3A_701, %swap3A_702], %max3A_700 {strides = array<i32>} : memref<64x128xf32, #tpu.memory_space<vmem>>, vector<1x128xf32>,
    }
    %slice3A_213 = vector.extract_strided_slice %add3A_74 {offsets = [2212, 0], sizes = [316, 128], strides = [1, 1]} : vector<10112x128xf32> to vector<316x128xf32>
    %slice3A_214 = vector.extract_strided_slice %get3A_77 {offsets = [2212, 0], sizes = [316, 1], strides = [1, 1]} : vector<10112x1xi32> to vector<316x1xi32>
    %get3A_215 = arith.constant 7 : index
    %get3A_216 = arith.constant 0 : index
    %get3A_217 = memref.load %arg7[%get3A_215, %get3A_216] : memref<32x2xi32, #tpu.memory_space<smem>>
    %get3A_218 = arith.constant 7 : index
    %get3A_219 = arith.constant 1 : index
    %get3A_220 = memref.load %arg7[%get3A_218, %get3A_219] : memref<32x2xi32, #tpu.memory_space<smem>>
    %add3A_221 = arith.constant 1 : i32
    %add3A_222 = arith.addi %get3A_220, %add3A_221 : i32
    %while3A_223 = arith.constant 0 : i32
    %while3A_224 = arith.subi %add3A_222, %get3A_217 : i32
    %while3A_225 = arith.addi %get3A_217, %while3A_224 : i32
    %while3A_226 = arith.constant 1 : i32
    %while3A_227 = arith.divsi %while3A_224, %while3A_226 : i32
    %while3A_228 = arith.muli %while3A_227, %while3A_226 : i32
    %while3A_229 = arith.addi %get3A_217, %while3A_228 : i32
    %while3A_230 = arith.constant 1 : i32
    scf.for %while3A_688 = %get3A_217 to %while3A_229 step %while3A_230  : i32 {
      %eq3A = vector.broadcast %while3A_688 : i32 to vector<316x1xi32>
      %eq3A_689 = arith.cmpi eq, %slice3A_214, %eq3A : vector<316x1xi32>
      %jit3A_690 = arith.constant 0xFF800000 : f32
      %broadcast_in_dim3A_691 = vector.shape_cast %eq3A_689 : vector<316x1xi1> to vector<316x1xi1>
      %broadcast_in_dim3A_692 = vector.broadcast %broadcast_in_dim3A_691 : vector<316x1xi1> to vector<316x128xi1>
      %broadcast_in_dim3A_693 = vector.broadcast %jit3A_690 : f32 to vector<316x128xf32>
      %select_n3A_694 = arith.select %broadcast_in_dim3A_692, %slice3A_213, %broadcast_in_dim3A_693 : vector<316x128xi1>, vector<316x128xf32>
      %reduce_max3A = arith.constant dense<0xFF800000> : vector<128xf32>
      %reduce_max3A_695 = vector.multi_reduction <maximumf>, %select_n3A_694, %reduce_max3A [0] : vector<316x128xf32> to vector<128xf32>
      %broadcast_in_dim3A_696 = vector.shape_cast %reduce_max3A_695 : vector<128xf32> to vector<1x128xf32>
      %get3A_697 = arith.index_cast %while3A_688 : i32 to index
      %get3A_698 = arith.constant 0 : index
      %get3A_699 = vector.load %arg8[%get3A_697, %get3A_698] : memref<64x128xf32, #tpu.memory_space<vmem>>, vector<1x128xf32>
      %max3A_700 = arith.maximumf %get3A_699, %broadcast_in_dim3A_696 : vector<1x128xf32>
      %swap3A_701 = arith.index_cast %while3A_688 : i32 to index
      %swap3A_702 = arith.constant 0 : index
      %swap3A_703 = vector.load %arg8[%swap3A_701, %swap3A_702] : memref<64x128xf32, #tpu.memory_space<vmem>>, vector<1x128xf32>
      tpu.vector_store %arg8[%swap3A_701, %swap3A_702], %max3A_700 {strides = array<i32>} : memref<64x128xf32, #tpu.memory_space<vmem>>, vector<1x128xf32>,
    }
    %while3A_231 = arith.constant 1 : i32
    scf.for %while3A_688 = %while3A_229 to %while3A_225 step %while3A_231  : i32 {
      %eq3A = vector.broadcast %while3A_688 : i32 to vector<316x1xi32>
      %eq3A_689 = arith.cmpi eq, %slice3A_214, %eq3A : vector<316x1xi32>
      %jit3A_690 = arith.constant 0xFF800000 : f32
      %broadcast_in_dim3A_691 = vector.shape_cast %eq3A_689 : vector<316x1xi1> to vector<316x1xi1>
      %broadcast_in_dim3A_692 = vector.broadcast %broadcast_in_dim3A_691 : vector<316x1xi1> to vector<316x128xi1>
      %broadcast_in_dim3A_693 = vector.broadcast %jit3A_690 : f32 to vector<316x128xf32>
      %select_n3A_694 = arith.select %broadcast_in_dim3A_692, %slice3A_213, %broadcast_in_dim3A_693 : vector<316x128xi1>, vector<316x128xf32>
      %reduce_max3A = arith.constant dense<0xFF800000> : vector<128xf32>
      %reduce_max3A_695 = vector.multi_reduction <maximumf>, %select_n3A_694, %reduce_max3A [0] : vector<316x128xf32> to vector<128xf32>
      %broadcast_in_dim3A_696 = vector.shape_cast %reduce_max3A_695 : vector<128xf32> to vector<1x128xf32>
      %get3A_697 = arith.index_cast %while3A_688 : i32 to index
      %get3A_698 = arith.constant 0 : index
      %get3A_699 = vector.load %arg8[%get3A_697, %get3A_698] : memref<64x128xf32, #tpu.memory_space<vmem>>, vector<1x128xf32>
      %max3A_700 = arith.maximumf %get3A_699, %broadcast_in_dim3A_696 : vector<1x128xf32>
      %swap3A_701 = arith.index_cast %while3A_688 : i32 to index
      %swap3A_702 = arith.constant 0 : index
      %swap3A_703 = vector.load %arg8[%swap3A_701, %swap3A_702] : memref<64x128xf32, #tpu.memory_space<vmem>>, vector<1x128xf32>
      tpu.vector_store %arg8[%swap3A_701, %swap3A_702], %max3A_700 {strides = array<i32>} : memref<64x128xf32, #tpu.memory_space<vmem>>, vector<1x128xf32>,
    }
    %slice3A_232 = vector.extract_strided_slice %add3A_74 {offsets = [2528, 0], sizes = [316, 128], strides = [1, 1]} : vector<10112x128xf32> to vector<316x128xf32>
    %slice3A_233 = vector.extract_strided_slice %get3A_77 {offsets = [2528, 0], sizes = [316, 1], strides = [1, 1]} : vector<10112x1xi32> to vector<316x1xi32>
    %get3A_234 = arith.constant 8 : index
    %get3A_235 = arith.constant 0 : index
    %get3A_236 = memref.load %arg7[%get3A_234, %get3A_235] : memref<32x2xi32, #tpu.memory_space<smem>>
    %get3A_237 = arith.constant 8 : index
    %get3A_238 = arith.constant 1 : index
    %get3A_239 = memref.load %arg7[%get3A_237, %get3A_238] : memref<32x2xi32, #tpu.memory_space<smem>>
    %add3A_240 = arith.constant 1 : i32
    %add3A_241 = arith.addi %get3A_239, %add3A_240 : i32
    %while3A_242 = arith.constant 0 : i32
    %while3A_243 = arith.subi %add3A_241, %get3A_236 : i32
    %while3A_244 = arith.addi %get3A_236, %while3A_243 : i32
    %while3A_245 = arith.constant 1 : i32
    %while3A_246 = arith.divsi %while3A_243, %while3A_245 : i32
    %while3A_247 = arith.muli %while3A_246, %while3A_245 : i32
    %while3A_248 = arith.addi %get3A_236, %while3A_247 : i32
    %while3A_249 = arith.constant 1 : i32
    scf.for %while3A_688 = %get3A_236 to %while3A_248 step %while3A_249  : i32 {
      %eq3A = vector.broadcast %while3A_688 : i32 to vector<316x1xi32>
      %eq3A_689 = arith.cmpi eq, %slice3A_233, %eq3A : vector<316x1xi32>
      %jit3A_690 = arith.constant 0xFF800000 : f32
      %broadcast_in_dim3A_691 = vector.shape_cast %eq3A_689 : vector<316x1xi1> to vector<316x1xi1>
      %broadcast_in_dim3A_692 = vector.broadcast %broadcast_in_dim3A_691 : vector<316x1xi1> to vector<316x128xi1>
      %broadcast_in_dim3A_693 = vector.broadcast %jit3A_690 : f32 to vector<316x128xf32>
      %select_n3A_694 = arith.select %broadcast_in_dim3A_692, %slice3A_232, %broadcast_in_dim3A_693 : vector<316x128xi1>, vector<316x128xf32>
      %reduce_max3A = arith.constant dense<0xFF800000> : vector<128xf32>
      %reduce_max3A_695 = vector.multi_reduction <maximumf>, %select_n3A_694, %reduce_max3A [0] : vector<316x128xf32> to vector<128xf32>
      %broadcast_in_dim3A_696 = vector.shape_cast %reduce_max3A_695 : vector<128xf32> to vector<1x128xf32>
      %get3A_697 = arith.index_cast %while3A_688 : i32 to index
      %get3A_698 = arith.constant 0 : index
      %get3A_699 = vector.load %arg8[%get3A_697, %get3A_698] : memref<64x128xf32, #tpu.memory_space<vmem>>, vector<1x128xf32>
      %max3A_700 = arith.maximumf %get3A_699, %broadcast_in_dim3A_696 : vector<1x128xf32>
      %swap3A_701 = arith.index_cast %while3A_688 : i32 to index
      %swap3A_702 = arith.constant 0 : index
      %swap3A_703 = vector.load %arg8[%swap3A_701, %swap3A_702] : memref<64x128xf32, #tpu.memory_space<vmem>>, vector<1x128xf32>
      tpu.vector_store %arg8[%swap3A_701, %swap3A_702], %max3A_700 {strides = array<i32>} : memref<64x128xf32, #tpu.memory_space<vmem>>, vector<1x128xf32>,
    }
    %while3A_250 = arith.constant 1 : i32
    scf.for %while3A_688 = %while3A_248 to %while3A_244 step %while3A_250  : i32 {
      %eq3A = vector.broadcast %while3A_688 : i32 to vector<316x1xi32>
      %eq3A_689 = arith.cmpi eq, %slice3A_233, %eq3A : vector<316x1xi32>
      %jit3A_690 = arith.constant 0xFF800000 : f32
      %broadcast_in_dim3A_691 = vector.shape_cast %eq3A_689 : vector<316x1xi1> to vector<316x1xi1>
      %broadcast_in_dim3A_692 = vector.broadcast %broadcast_in_dim3A_691 : vector<316x1xi1> to vector<316x128xi1>
      %broadcast_in_dim3A_693 = vector.broadcast %jit3A_690 : f32 to vector<316x128xf32>
      %select_n3A_694 = arith.select %broadcast_in_dim3A_692, %slice3A_232, %broadcast_in_dim3A_693 : vector<316x128xi1>, vector<316x128xf32>
      %reduce_max3A = arith.constant dense<0xFF800000> : vector<128xf32>
      %reduce_max3A_695 = vector.multi_reduction <maximumf>, %select_n3A_694, %reduce_max3A [0] : vector<316x128xf32> to vector<128xf32>
      %broadcast_in_dim3A_696 = vector.shape_cast %reduce_max3A_695 : vector<128xf32> to vector<1x128xf32>
      %get3A_697 = arith.index_cast %while3A_688 : i32 to index
      %get3A_698 = arith.constant 0 : index
      %get3A_699 = vector.load %arg8[%get3A_697, %get3A_698] : memref<64x128xf32, #tpu.memory_space<vmem>>, vector<1x128xf32>
      %max3A_700 = arith.maximumf %get3A_699, %broadcast_in_dim3A_696 : vector<1x128xf32>
      %swap3A_701 = arith.index_cast %while3A_688 : i32 to index
      %swap3A_702 = arith.constant 0 : index
      %swap3A_703 = vector.load %arg8[%swap3A_701, %swap3A_702] : memref<64x128xf32, #tpu.memory_space<vmem>>, vector<1x128xf32>
      tpu.vector_store %arg8[%swap3A_701, %swap3A_702], %max3A_700 {strides = array<i32>} : memref<64x128xf32, #tpu.memory_space<vmem>>, vector<1x128xf32>,
    }
    %slice3A_251 = vector.extract_strided_slice %add3A_74 {offsets = [2844, 0], sizes = [316, 128], strides = [1, 1]} : vector<10112x128xf32> to vector<316x128xf32>
    %slice3A_252 = vector.extract_strided_slice %get3A_77 {offsets = [2844, 0], sizes = [316, 1], strides = [1, 1]} : vector<10112x1xi32> to vector<316x1xi32>
    %get3A_253 = arith.constant 9 : index
    %get3A_254 = arith.constant 0 : index
    %get3A_255 = memref.load %arg7[%get3A_253, %get3A_254] : memref<32x2xi32, #tpu.memory_space<smem>>
    %get3A_256 = arith.constant 9 : index
    %get3A_257 = arith.constant 1 : index
    %get3A_258 = memref.load %arg7[%get3A_256, %get3A_257] : memref<32x2xi32, #tpu.memory_space<smem>>
    %add3A_259 = arith.constant 1 : i32
    %add3A_260 = arith.addi %get3A_258, %add3A_259 : i32
    %while3A_261 = arith.constant 0 : i32
    %while3A_262 = arith.subi %add3A_260, %get3A_255 : i32
    %while3A_263 = arith.addi %get3A_255, %while3A_262 : i32
    %while3A_264 = arith.constant 1 : i32
    %while3A_265 = arith.divsi %while3A_262, %while3A_264 : i32
    %while3A_266 = arith.muli %while3A_265, %while3A_264 : i32
    %while3A_267 = arith.addi %get3A_255, %while3A_266 : i32
    %while3A_268 = arith.constant 1 : i32
    scf.for %while3A_688 = %get3A_255 to %while3A_267 step %while3A_268  : i32 {
      %eq3A = vector.broadcast %while3A_688 : i32 to vector<316x1xi32>
      %eq3A_689 = arith.cmpi eq, %slice3A_252, %eq3A : vector<316x1xi32>
      %jit3A_690 = arith.constant 0xFF800000 : f32
      %broadcast_in_dim3A_691 = vector.shape_cast %eq3A_689 : vector<316x1xi1> to vector<316x1xi1>
      %broadcast_in_dim3A_692 = vector.broadcast %broadcast_in_dim3A_691 : vector<316x1xi1> to vector<316x128xi1>
      %broadcast_in_dim3A_693 = vector.broadcast %jit3A_690 : f32 to vector<316x128xf32>
      %select_n3A_694 = arith.select %broadcast_in_dim3A_692, %slice3A_251, %broadcast_in_dim3A_693 : vector<316x128xi1>, vector<316x128xf32>
      %reduce_max3A = arith.constant dense<0xFF800000> : vector<128xf32>
      %reduce_max3A_695 = vector.multi_reduction <maximumf>, %select_n3A_694, %reduce_max3A [0] : vector<316x128xf32> to vector<128xf32>
      %broadcast_in_dim3A_696 = vector.shape_cast %reduce_max3A_695 : vector<128xf32> to vector<1x128xf32>
      %get3A_697 = arith.index_cast %while3A_688 : i32 to index
      %get3A_698 = arith.constant 0 : index
      %get3A_699 = vector.load %arg8[%get3A_697, %get3A_698] : memref<64x128xf32, #tpu.memory_space<vmem>>, vector<1x128xf32>
      %max3A_700 = arith.maximumf %get3A_699, %broadcast_in_dim3A_696 : vector<1x128xf32>
      %swap3A_701 = arith.index_cast %while3A_688 : i32 to index
      %swap3A_702 = arith.constant 0 : index
      %swap3A_703 = vector.load %arg8[%swap3A_701, %swap3A_702] : memref<64x128xf32, #tpu.memory_space<vmem>>, vector<1x128xf32>
      tpu.vector_store %arg8[%swap3A_701, %swap3A_702], %max3A_700 {strides = array<i32>} : memref<64x128xf32, #tpu.memory_space<vmem>>, vector<1x128xf32>,
    }
    %while3A_269 = arith.constant 1 : i32
    scf.for %while3A_688 = %while3A_267 to %while3A_263 step %while3A_269  : i32 {
      %eq3A = vector.broadcast %while3A_688 : i32 to vector<316x1xi32>
      %eq3A_689 = arith.cmpi eq, %slice3A_252, %eq3A : vector<316x1xi32>
      %jit3A_690 = arith.constant 0xFF800000 : f32
      %broadcast_in_dim3A_691 = vector.shape_cast %eq3A_689 : vector<316x1xi1> to vector<316x1xi1>
      %broadcast_in_dim3A_692 = vector.broadcast %broadcast_in_dim3A_691 : vector<316x1xi1> to vector<316x128xi1>
      %broadcast_in_dim3A_693 = vector.broadcast %jit3A_690 : f32 to vector<316x128xf32>
      %select_n3A_694 = arith.select %broadcast_in_dim3A_692, %slice3A_251, %broadcast_in_dim3A_693 : vector<316x128xi1>, vector<316x128xf32>
      %reduce_max3A = arith.constant dense<0xFF800000> : vector<128xf32>
      %reduce_max3A_695 = vector.multi_reduction <maximumf>, %select_n3A_694, %reduce_max3A [0] : vector<316x128xf32> to vector<128xf32>
      %broadcast_in_dim3A_696 = vector.shape_cast %reduce_max3A_695 : vector<128xf32> to vector<1x128xf32>
      %get3A_697 = arith.index_cast %while3A_688 : i32 to index
      %get3A_698 = arith.constant 0 : index
      %get3A_699 = vector.load %arg8[%get3A_697, %get3A_698] : memref<64x128xf32, #tpu.memory_space<vmem>>, vector<1x128xf32>
      %max3A_700 = arith.maximumf %get3A_699, %broadcast_in_dim3A_696 : vector<1x128xf32>
      %swap3A_701 = arith.index_cast %while3A_688 : i32 to index
      %swap3A_702 = arith.constant 0 : index
      %swap3A_703 = vector.load %arg8[%swap3A_701, %swap3A_702] : memref<64x128xf32, #tpu.memory_space<vmem>>, vector<1x128xf32>
      tpu.vector_store %arg8[%swap3A_701, %swap3A_702], %max3A_700 {strides = array<i32>} : memref<64x128xf32, #tpu.memory_space<vmem>>, vector<1x128xf32>,
    }
    %slice3A_270 = vector.extract_strided_slice %add3A_74 {offsets = [3160, 0], sizes = [316, 128], strides = [1, 1]} : vector<10112x128xf32> to vector<316x128xf32>
    %slice3A_271 = vector.extract_strided_slice %get3A_77 {offsets = [3160, 0], sizes = [316, 1], strides = [1, 1]} : vector<10112x1xi32> to vector<316x1xi32>
    %get3A_272 = arith.constant 10 : index
    %get3A_273 = arith.constant 0 : index
    %get3A_274 = memref.load %arg7[%get3A_272, %get3A_273] : memref<32x2xi32, #tpu.memory_space<smem>>
    %get3A_275 = arith.constant 10 : index
    %get3A_276 = arith.constant 1 : index
    %get3A_277 = memref.load %arg7[%get3A_275, %get3A_276] : memref<32x2xi32, #tpu.memory_space<smem>>
    %add3A_278 = arith.constant 1 : i32
    %add3A_279 = arith.addi %get3A_277, %add3A_278 : i32
    %while3A_280 = arith.constant 0 : i32
    %while3A_281 = arith.subi %add3A_279, %get3A_274 : i32
    %while3A_282 = arith.addi %get3A_274, %while3A_281 : i32
    %while3A_283 = arith.constant 1 : i32
    %while3A_284 = arith.divsi %while3A_281, %while3A_283 : i32
    %while3A_285 = arith.muli %while3A_284, %while3A_283 : i32
    %while3A_286 = arith.addi %get3A_274, %while3A_285 : i32
    %while3A_287 = arith.constant 1 : i32
    scf.for %while3A_688 = %get3A_274 to %while3A_286 step %while3A_287  : i32 {
      %eq3A = vector.broadcast %while3A_688 : i32 to vector<316x1xi32>
      %eq3A_689 = arith.cmpi eq, %slice3A_271, %eq3A : vector<316x1xi32>
      %jit3A_690 = arith.constant 0xFF800000 : f32
      %broadcast_in_dim3A_691 = vector.shape_cast %eq3A_689 : vector<316x1xi1> to vector<316x1xi1>
      %broadcast_in_dim3A_692 = vector.broadcast %broadcast_in_dim3A_691 : vector<316x1xi1> to vector<316x128xi1>
      %broadcast_in_dim3A_693 = vector.broadcast %jit3A_690 : f32 to vector<316x128xf32>
      %select_n3A_694 = arith.select %broadcast_in_dim3A_692, %slice3A_270, %broadcast_in_dim3A_693 : vector<316x128xi1>, vector<316x128xf32>
      %reduce_max3A = arith.constant dense<0xFF800000> : vector<128xf32>
      %reduce_max3A_695 = vector.multi_reduction <maximumf>, %select_n3A_694, %reduce_max3A [0] : vector<316x128xf32> to vector<128xf32>
      %broadcast_in_dim3A_696 = vector.shape_cast %reduce_max3A_695 : vector<128xf32> to vector<1x128xf32>
      %get3A_697 = arith.index_cast %while3A_688 : i32 to index
      %get3A_698 = arith.constant 0 : index
      %get3A_699 = vector.load %arg8[%get3A_697, %get3A_698] : memref<64x128xf32, #tpu.memory_space<vmem>>, vector<1x128xf32>
      %max3A_700 = arith.maximumf %get3A_699, %broadcast_in_dim3A_696 : vector<1x128xf32>
      %swap3A_701 = arith.index_cast %while3A_688 : i32 to index
      %swap3A_702 = arith.constant 0 : index
      %swap3A_703 = vector.load %arg8[%swap3A_701, %swap3A_702] : memref<64x128xf32, #tpu.memory_space<vmem>>, vector<1x128xf32>
      tpu.vector_store %arg8[%swap3A_701, %swap3A_702], %max3A_700 {strides = array<i32>} : memref<64x128xf32, #tpu.memory_space<vmem>>, vector<1x128xf32>,
    }
    %while3A_288 = arith.constant 1 : i32
    scf.for %while3A_688 = %while3A_286 to %while3A_282 step %while3A_288  : i32 {
      %eq3A = vector.broadcast %while3A_688 : i32 to vector<316x1xi32>
      %eq3A_689 = arith.cmpi eq, %slice3A_271, %eq3A : vector<316x1xi32>
      %jit3A_690 = arith.constant 0xFF800000 : f32
      %broadcast_in_dim3A_691 = vector.shape_cast %eq3A_689 : vector<316x1xi1> to vector<316x1xi1>
      %broadcast_in_dim3A_692 = vector.broadcast %broadcast_in_dim3A_691 : vector<316x1xi1> to vector<316x128xi1>
      %broadcast_in_dim3A_693 = vector.broadcast %jit3A_690 : f32 to vector<316x128xf32>
      %select_n3A_694 = arith.select %broadcast_in_dim3A_692, %slice3A_270, %broadcast_in_dim3A_693 : vector<316x128xi1>, vector<316x128xf32>
      %reduce_max3A = arith.constant dense<0xFF800000> : vector<128xf32>
      %reduce_max3A_695 = vector.multi_reduction <maximumf>, %select_n3A_694, %reduce_max3A [0] : vector<316x128xf32> to vector<128xf32>
      %broadcast_in_dim3A_696 = vector.shape_cast %reduce_max3A_695 : vector<128xf32> to vector<1x128xf32>
      %get3A_697 = arith.index_cast %while3A_688 : i32 to index
      %get3A_698 = arith.constant 0 : index
      %get3A_699 = vector.load %arg8[%get3A_697, %get3A_698] : memref<64x128xf32, #tpu.memory_space<vmem>>, vector<1x128xf32>
      %max3A_700 = arith.maximumf %get3A_699, %broadcast_in_dim3A_696 : vector<1x128xf32>
      %swap3A_701 = arith.index_cast %while3A_688 : i32 to index
      %swap3A_702 = arith.constant 0 : index
      %swap3A_703 = vector.load %arg8[%swap3A_701, %swap3A_702] : memref<64x128xf32, #tpu.memory_space<vmem>>, vector<1x128xf32>
      tpu.vector_store %arg8[%swap3A_701, %swap3A_702], %max3A_700 {strides = array<i32>} : memref<64x128xf32, #tpu.memory_space<vmem>>, vector<1x128xf32>,
    }
    %slice3A_289 = vector.extract_strided_slice %add3A_74 {offsets = [3476, 0], sizes = [316, 128], strides = [1, 1]} : vector<10112x128xf32> to vector<316x128xf32>
    %slice3A_290 = vector.extract_strided_slice %get3A_77 {offsets = [3476, 0], sizes = [316, 1], strides = [1, 1]} : vector<10112x1xi32> to vector<316x1xi32>
    %get3A_291 = arith.constant 11 : index
    %get3A_292 = arith.constant 0 : index
    %get3A_293 = memref.load %arg7[%get3A_291, %get3A_292] : memref<32x2xi32, #tpu.memory_space<smem>>
    %get3A_294 = arith.constant 11 : index
    %get3A_295 = arith.constant 1 : index
    %get3A_296 = memref.load %arg7[%get3A_294, %get3A_295] : memref<32x2xi32, #tpu.memory_space<smem>>
    %add3A_297 = arith.constant 1 : i32
    %add3A_298 = arith.addi %get3A_296, %add3A_297 : i32
    %while3A_299 = arith.constant 0 : i32
    %while3A_300 = arith.subi %add3A_298, %get3A_293 : i32
    %while3A_301 = arith.addi %get3A_293, %while3A_300 : i32
    %while3A_302 = arith.constant 1 : i32
    %while3A_303 = arith.divsi %while3A_300, %while3A_302 : i32
    %while3A_304 = arith.muli %while3A_303, %while3A_302 : i32
    %while3A_305 = arith.addi %get3A_293, %while3A_304 : i32
    %while3A_306 = arith.constant 1 : i32
    scf.for %while3A_688 = %get3A_293 to %while3A_305 step %while3A_306  : i32 {
      %eq3A = vector.broadcast %while3A_688 : i32 to vector<316x1xi32>
      %eq3A_689 = arith.cmpi eq, %slice3A_290, %eq3A : vector<316x1xi32>
      %jit3A_690 = arith.constant 0xFF800000 : f32
      %broadcast_in_dim3A_691 = vector.shape_cast %eq3A_689 : vector<316x1xi1> to vector<316x1xi1>
      %broadcast_in_dim3A_692 = vector.broadcast %broadcast_in_dim3A_691 : vector<316x1xi1> to vector<316x128xi1>
      %broadcast_in_dim3A_693 = vector.broadcast %jit3A_690 : f32 to vector<316x128xf32>
      %select_n3A_694 = arith.select %broadcast_in_dim3A_692, %slice3A_289, %broadcast_in_dim3A_693 : vector<316x128xi1>, vector<316x128xf32>
      %reduce_max3A = arith.constant dense<0xFF800000> : vector<128xf32>
      %reduce_max3A_695 = vector.multi_reduction <maximumf>, %select_n3A_694, %reduce_max3A [0] : vector<316x128xf32> to vector<128xf32>
      %broadcast_in_dim3A_696 = vector.shape_cast %reduce_max3A_695 : vector<128xf32> to vector<1x128xf32>
      %get3A_697 = arith.index_cast %while3A_688 : i32 to index
      %get3A_698 = arith.constant 0 : index
      %get3A_699 = vector.load %arg8[%get3A_697, %get3A_698] : memref<64x128xf32, #tpu.memory_space<vmem>>, vector<1x128xf32>
      %max3A_700 = arith.maximumf %get3A_699, %broadcast_in_dim3A_696 : vector<1x128xf32>
      %swap3A_701 = arith.index_cast %while3A_688 : i32 to index
      %swap3A_702 = arith.constant 0 : index
      %swap3A_703 = vector.load %arg8[%swap3A_701, %swap3A_702] : memref<64x128xf32, #tpu.memory_space<vmem>>, vector<1x128xf32>
      tpu.vector_store %arg8[%swap3A_701, %swap3A_702], %max3A_700 {strides = array<i32>} : memref<64x128xf32, #tpu.memory_space<vmem>>, vector<1x128xf32>,
    }
    %while3A_307 = arith.constant 1 : i32
    scf.for %while3A_688 = %while3A_305 to %while3A_301 step %while3A_307  : i32 {
      %eq3A = vector.broadcast %while3A_688 : i32 to vector<316x1xi32>
      %eq3A_689 = arith.cmpi eq, %slice3A_290, %eq3A : vector<316x1xi32>
      %jit3A_690 = arith.constant 0xFF800000 : f32
      %broadcast_in_dim3A_691 = vector.shape_cast %eq3A_689 : vector<316x1xi1> to vector<316x1xi1>
      %broadcast_in_dim3A_692 = vector.broadcast %broadcast_in_dim3A_691 : vector<316x1xi1> to vector<316x128xi1>
      %broadcast_in_dim3A_693 = vector.broadcast %jit3A_690 : f32 to vector<316x128xf32>
      %select_n3A_694 = arith.select %broadcast_in_dim3A_692, %slice3A_289, %broadcast_in_dim3A_693 : vector<316x128xi1>, vector<316x128xf32>
      %reduce_max3A = arith.constant dense<0xFF800000> : vector<128xf32>
      %reduce_max3A_695 = vector.multi_reduction <maximumf>, %select_n3A_694, %reduce_max3A [0] : vector<316x128xf32> to vector<128xf32>
      %broadcast_in_dim3A_696 = vector.shape_cast %reduce_max3A_695 : vector<128xf32> to vector<1x128xf32>
      %get3A_697 = arith.index_cast %while3A_688 : i32 to index
      %get3A_698 = arith.constant 0 : index
      %get3A_699 = vector.load %arg8[%get3A_697, %get3A_698] : memref<64x128xf32, #tpu.memory_space<vmem>>, vector<1x128xf32>
      %max3A_700 = arith.maximumf %get3A_699, %broadcast_in_dim3A_696 : vector<1x128xf32>
      %swap3A_701 = arith.index_cast %while3A_688 : i32 to index
      %swap3A_702 = arith.constant 0 : index
      %swap3A_703 = vector.load %arg8[%swap3A_701, %swap3A_702] : memref<64x128xf32, #tpu.memory_space<vmem>>, vector<1x128xf32>
      tpu.vector_store %arg8[%swap3A_701, %swap3A_702], %max3A_700 {strides = array<i32>} : memref<64x128xf32, #tpu.memory_space<vmem>>, vector<1x128xf32>,
    }
    %slice3A_308 = vector.extract_strided_slice %add3A_74 {offsets = [3792, 0], sizes = [316, 128], strides = [1, 1]} : vector<10112x128xf32> to vector<316x128xf32>
    %slice3A_309 = vector.extract_strided_slice %get3A_77 {offsets = [3792, 0], sizes = [316, 1], strides = [1, 1]} : vector<10112x1xi32> to vector<316x1xi32>
    %get3A_310 = arith.constant 12 : index
    %get3A_311 = arith.constant 0 : index
    %get3A_312 = memref.load %arg7[%get3A_310, %get3A_311] : memref<32x2xi32, #tpu.memory_space<smem>>
    %get3A_313 = arith.constant 12 : index
    %get3A_314 = arith.constant 1 : index
    %get3A_315 = memref.load %arg7[%get3A_313, %get3A_314] : memref<32x2xi32, #tpu.memory_space<smem>>
    %add3A_316 = arith.constant 1 : i32
    %add3A_317 = arith.addi %get3A_315, %add3A_316 : i32
    %while3A_318 = arith.constant 0 : i32
    %while3A_319 = arith.subi %add3A_317, %get3A_312 : i32
    %while3A_320 = arith.addi %get3A_312, %while3A_319 : i32
    %while3A_321 = arith.constant 1 : i32
    %while3A_322 = arith.divsi %while3A_319, %while3A_321 : i32
    %while3A_323 = arith.muli %while3A_322, %while3A_321 : i32
    %while3A_324 = arith.addi %get3A_312, %while3A_323 : i32
    %while3A_325 = arith.constant 1 : i32
    scf.for %while3A_688 = %get3A_312 to %while3A_324 step %while3A_325  : i32 {
      %eq3A = vector.broadcast %while3A_688 : i32 to vector<316x1xi32>
      %eq3A_689 = arith.cmpi eq, %slice3A_309, %eq3A : vector<316x1xi32>
      %jit3A_690 = arith.constant 0xFF800000 : f32
      %broadcast_in_dim3A_691 = vector.shape_cast %eq3A_689 : vector<316x1xi1> to vector<316x1xi1>
      %broadcast_in_dim3A_692 = vector.broadcast %broadcast_in_dim3A_691 : vector<316x1xi1> to vector<316x128xi1>
      %broadcast_in_dim3A_693 = vector.broadcast %jit3A_690 : f32 to vector<316x128xf32>
      %select_n3A_694 = arith.select %broadcast_in_dim3A_692, %slice3A_308, %broadcast_in_dim3A_693 : vector<316x128xi1>, vector<316x128xf32>
      %reduce_max3A = arith.constant dense<0xFF800000> : vector<128xf32>
      %reduce_max3A_695 = vector.multi_reduction <maximumf>, %select_n3A_694, %reduce_max3A [0] : vector<316x128xf32> to vector<128xf32>
      %broadcast_in_dim3A_696 = vector.shape_cast %reduce_max3A_695 : vector<128xf32> to vector<1x128xf32>
      %get3A_697 = arith.index_cast %while3A_688 : i32 to index
      %get3A_698 = arith.constant 0 : index
      %get3A_699 = vector.load %arg8[%get3A_697, %get3A_698] : memref<64x128xf32, #tpu.memory_space<vmem>>, vector<1x128xf32>
      %max3A_700 = arith.maximumf %get3A_699, %broadcast_in_dim3A_696 : vector<1x128xf32>
      %swap3A_701 = arith.index_cast %while3A_688 : i32 to index
      %swap3A_702 = arith.constant 0 : index
      %swap3A_703 = vector.load %arg8[%swap3A_701, %swap3A_702] : memref<64x128xf32, #tpu.memory_space<vmem>>, vector<1x128xf32>
      tpu.vector_store %arg8[%swap3A_701, %swap3A_702], %max3A_700 {strides = array<i32>} : memref<64x128xf32, #tpu.memory_space<vmem>>, vector<1x128xf32>,
    }
    %while3A_326 = arith.constant 1 : i32
    scf.for %while3A_688 = %while3A_324 to %while3A_320 step %while3A_326  : i32 {
      %eq3A = vector.broadcast %while3A_688 : i32 to vector<316x1xi32>
      %eq3A_689 = arith.cmpi eq, %slice3A_309, %eq3A : vector<316x1xi32>
      %jit3A_690 = arith.constant 0xFF800000 : f32
      %broadcast_in_dim3A_691 = vector.shape_cast %eq3A_689 : vector<316x1xi1> to vector<316x1xi1>
      %broadcast_in_dim3A_692 = vector.broadcast %broadcast_in_dim3A_691 : vector<316x1xi1> to vector<316x128xi1>
      %broadcast_in_dim3A_693 = vector.broadcast %jit3A_690 : f32 to vector<316x128xf32>
      %select_n3A_694 = arith.select %broadcast_in_dim3A_692, %slice3A_308, %broadcast_in_dim3A_693 : vector<316x128xi1>, vector<316x128xf32>
      %reduce_max3A = arith.constant dense<0xFF800000> : vector<128xf32>
      %reduce_max3A_695 = vector.multi_reduction <maximumf>, %select_n3A_694, %reduce_max3A [0] : vector<316x128xf32> to vector<128xf32>
      %broadcast_in_dim3A_696 = vector.shape_cast %reduce_max3A_695 : vector<128xf32> to vector<1x128xf32>
      %get3A_697 = arith.index_cast %while3A_688 : i32 to index
      %get3A_698 = arith.constant 0 : index
      %get3A_699 = vector.load %arg8[%get3A_697, %get3A_698] : memref<64x128xf32, #tpu.memory_space<vmem>>, vector<1x128xf32>
      %max3A_700 = arith.maximumf %get3A_699, %broadcast_in_dim3A_696 : vector<1x128xf32>
      %swap3A_701 = arith.index_cast %while3A_688 : i32 to index
      %swap3A_702 = arith.constant 0 : index
      %swap3A_703 = vector.load %arg8[%swap3A_701, %swap3A_702] : memref<64x128xf32, #tpu.memory_space<vmem>>, vector<1x128xf32>
      tpu.vector_store %arg8[%swap3A_701, %swap3A_702], %max3A_700 {strides = array<i32>} : memref<64x128xf32, #tpu.memory_space<vmem>>, vector<1x128xf32>,
    }
    %slice3A_327 = vector.extract_strided_slice %add3A_74 {offsets = [4108, 0], sizes = [316, 128], strides = [1, 1]} : vector<10112x128xf32> to vector<316x128xf32>
    %slice3A_328 = vector.extract_strided_slice %get3A_77 {offsets = [4108, 0], sizes = [316, 1], strides = [1, 1]} : vector<10112x1xi32> to vector<316x1xi32>
    %get3A_329 = arith.constant 13 : index
    %get3A_330 = arith.constant 0 : index
    %get3A_331 = memref.load %arg7[%get3A_329, %get3A_330] : memref<32x2xi32, #tpu.memory_space<smem>>
    %get3A_332 = arith.constant 13 : index
    %get3A_333 = arith.constant 1 : index
    %get3A_334 = memref.load %arg7[%get3A_332, %get3A_333] : memref<32x2xi32, #tpu.memory_space<smem>>
    %add3A_335 = arith.constant 1 : i32
    %add3A_336 = arith.addi %get3A_334, %add3A_335 : i32
    %while3A_337 = arith.constant 0 : i32
    %while3A_338 = arith.subi %add3A_336, %get3A_331 : i32
    %while3A_339 = arith.addi %get3A_331, %while3A_338 : i32
    %while3A_340 = arith.constant 1 : i32
    %while3A_341 = arith.divsi %while3A_338, %while3A_340 : i32
    %while3A_342 = arith.muli %while3A_341, %while3A_340 : i32
    %while3A_343 = arith.addi %get3A_331, %while3A_342 : i32
    %while3A_344 = arith.constant 1 : i32
    scf.for %while3A_688 = %get3A_331 to %while3A_343 step %while3A_344  : i32 {
      %eq3A = vector.broadcast %while3A_688 : i32 to vector<316x1xi32>
      %eq3A_689 = arith.cmpi eq, %slice3A_328, %eq3A : vector<316x1xi32>
      %jit3A_690 = arith.constant 0xFF800000 : f32
      %broadcast_in_dim3A_691 = vector.shape_cast %eq3A_689 : vector<316x1xi1> to vector<316x1xi1>
      %broadcast_in_dim3A_692 = vector.broadcast %broadcast_in_dim3A_691 : vector<316x1xi1> to vector<316x128xi1>
      %broadcast_in_dim3A_693 = vector.broadcast %jit3A_690 : f32 to vector<316x128xf32>
      %select_n3A_694 = arith.select %broadcast_in_dim3A_692, %slice3A_327, %broadcast_in_dim3A_693 : vector<316x128xi1>, vector<316x128xf32>
      %reduce_max3A = arith.constant dense<0xFF800000> : vector<128xf32>
      %reduce_max3A_695 = vector.multi_reduction <maximumf>, %select_n3A_694, %reduce_max3A [0] : vector<316x128xf32> to vector<128xf32>
      %broadcast_in_dim3A_696 = vector.shape_cast %reduce_max3A_695 : vector<128xf32> to vector<1x128xf32>
      %get3A_697 = arith.index_cast %while3A_688 : i32 to index
      %get3A_698 = arith.constant 0 : index
      %get3A_699 = vector.load %arg8[%get3A_697, %get3A_698] : memref<64x128xf32, #tpu.memory_space<vmem>>, vector<1x128xf32>
      %max3A_700 = arith.maximumf %get3A_699, %broadcast_in_dim3A_696 : vector<1x128xf32>
      %swap3A_701 = arith.index_cast %while3A_688 : i32 to index
      %swap3A_702 = arith.constant 0 : index
      %swap3A_703 = vector.load %arg8[%swap3A_701, %swap3A_702] : memref<64x128xf32, #tpu.memory_space<vmem>>, vector<1x128xf32>
      tpu.vector_store %arg8[%swap3A_701, %swap3A_702], %max3A_700 {strides = array<i32>} : memref<64x128xf32, #tpu.memory_space<vmem>>, vector<1x128xf32>,
    }
    %while3A_345 = arith.constant 1 : i32
    scf.for %while3A_688 = %while3A_343 to %while3A_339 step %while3A_345  : i32 {
      %eq3A = vector.broadcast %while3A_688 : i32 to vector<316x1xi32>
      %eq3A_689 = arith.cmpi eq, %slice3A_328, %eq3A : vector<316x1xi32>
      %jit3A_690 = arith.constant 0xFF800000 : f32
      %broadcast_in_dim3A_691 = vector.shape_cast %eq3A_689 : vector<316x1xi1> to vector<316x1xi1>
      %broadcast_in_dim3A_692 = vector.broadcast %broadcast_in_dim3A_691 : vector<316x1xi1> to vector<316x128xi1>
      %broadcast_in_dim3A_693 = vector.broadcast %jit3A_690 : f32 to vector<316x128xf32>
      %select_n3A_694 = arith.select %broadcast_in_dim3A_692, %slice3A_327, %broadcast_in_dim3A_693 : vector<316x128xi1>, vector<316x128xf32>
      %reduce_max3A = arith.constant dense<0xFF800000> : vector<128xf32>
      %reduce_max3A_695 = vector.multi_reduction <maximumf>, %select_n3A_694, %reduce_max3A [0] : vector<316x128xf32> to vector<128xf32>
      %broadcast_in_dim3A_696 = vector.shape_cast %reduce_max3A_695 : vector<128xf32> to vector<1x128xf32>
      %get3A_697 = arith.index_cast %while3A_688 : i32 to index
      %get3A_698 = arith.constant 0 : index
      %get3A_699 = vector.load %arg8[%get3A_697, %get3A_698] : memref<64x128xf32, #tpu.memory_space<vmem>>, vector<1x128xf32>
      %max3A_700 = arith.maximumf %get3A_699, %broadcast_in_dim3A_696 : vector<1x128xf32>
      %swap3A_701 = arith.index_cast %while3A_688 : i32 to index
      %swap3A_702 = arith.constant 0 : index
      %swap3A_703 = vector.load %arg8[%swap3A_701, %swap3A_702] : memref<64x128xf32, #tpu.memory_space<vmem>>, vector<1x128xf32>
      tpu.vector_store %arg8[%swap3A_701, %swap3A_702], %max3A_700 {strides = array<i32>} : memref<64x128xf32, #tpu.memory_space<vmem>>, vector<1x128xf32>,
    }
    %slice3A_346 = vector.extract_strided_slice %add3A_74 {offsets = [4424, 0], sizes = [316, 128], strides = [1, 1]} : vector<10112x128xf32> to vector<316x128xf32>
    %slice3A_347 = vector.extract_strided_slice %get3A_77 {offsets = [4424, 0], sizes = [316, 1], strides = [1, 1]} : vector<10112x1xi32> to vector<316x1xi32>
    %get3A_348 = arith.constant 14 : index
    %get3A_349 = arith.constant 0 : index
    %get3A_350 = memref.load %arg7[%get3A_348, %get3A_349] : memref<32x2xi32, #tpu.memory_space<smem>>
    %get3A_351 = arith.constant 14 : index
    %get3A_352 = arith.constant 1 : index
    %get3A_353 = memref.load %arg7[%get3A_351, %get3A_352] : memref<32x2xi32, #tpu.memory_space<smem>>
    %add3A_354 = arith.constant 1 : i32
    %add3A_355 = arith.addi %get3A_353, %add3A_354 : i32
    %while3A_356 = arith.constant 0 : i32
    %while3A_357 = arith.subi %add3A_355, %get3A_350 : i32
    %while3A_358 = arith.addi %get3A_350, %while3A_357 : i32
    %while3A_359 = arith.constant 1 : i32
    %while3A_360 = arith.divsi %while3A_357, %while3A_359 : i32
    %while3A_361 = arith.muli %while3A_360, %while3A_359 : i32
    %while3A_362 = arith.addi %get3A_350, %while3A_361 : i32
    %while3A_363 = arith.constant 1 : i32
    scf.for %while3A_688 = %get3A_350 to %while3A_362 step %while3A_363  : i32 {
      %eq3A = vector.broadcast %while3A_688 : i32 to vector<316x1xi32>
      %eq3A_689 = arith.cmpi eq, %slice3A_347, %eq3A : vector<316x1xi32>
      %jit3A_690 = arith.constant 0xFF800000 : f32
      %broadcast_in_dim3A_691 = vector.shape_cast %eq3A_689 : vector<316x1xi1> to vector<316x1xi1>
      %broadcast_in_dim3A_692 = vector.broadcast %broadcast_in_dim3A_691 : vector<316x1xi1> to vector<316x128xi1>
      %broadcast_in_dim3A_693 = vector.broadcast %jit3A_690 : f32 to vector<316x128xf32>
      %select_n3A_694 = arith.select %broadcast_in_dim3A_692, %slice3A_346, %broadcast_in_dim3A_693 : vector<316x128xi1>, vector<316x128xf32>
      %reduce_max3A = arith.constant dense<0xFF800000> : vector<128xf32>
      %reduce_max3A_695 = vector.multi_reduction <maximumf>, %select_n3A_694, %reduce_max3A [0] : vector<316x128xf32> to vector<128xf32>
      %broadcast_in_dim3A_696 = vector.shape_cast %reduce_max3A_695 : vector<128xf32> to vector<1x128xf32>
      %get3A_697 = arith.index_cast %while3A_688 : i32 to index
      %get3A_698 = arith.constant 0 : index
      %get3A_699 = vector.load %arg8[%get3A_697, %get3A_698] : memref<64x128xf32, #tpu.memory_space<vmem>>, vector<1x128xf32>
      %max3A_700 = arith.maximumf %get3A_699, %broadcast_in_dim3A_696 : vector<1x128xf32>
      %swap3A_701 = arith.index_cast %while3A_688 : i32 to index
      %swap3A_702 = arith.constant 0 : index
      %swap3A_703 = vector.load %arg8[%swap3A_701, %swap3A_702] : memref<64x128xf32, #tpu.memory_space<vmem>>, vector<1x128xf32>
      tpu.vector_store %arg8[%swap3A_701, %swap3A_702], %max3A_700 {strides = array<i32>} : memref<64x128xf32, #tpu.memory_space<vmem>>, vector<1x128xf32>,
    }
    %while3A_364 = arith.constant 1 : i32
    scf.for %while3A_688 = %while3A_362 to %while3A_358 step %while3A_364  : i32 {
      %eq3A = vector.broadcast %while3A_688 : i32 to vector<316x1xi32>
      %eq3A_689 = arith.cmpi eq, %slice3A_347, %eq3A : vector<316x1xi32>
      %jit3A_690 = arith.constant 0xFF800000 : f32
      %broadcast_in_dim3A_691 = vector.shape_cast %eq3A_689 : vector<316x1xi1> to vector<316x1xi1>
      %broadcast_in_dim3A_692 = vector.broadcast %broadcast_in_dim3A_691 : vector<316x1xi1> to vector<316x128xi1>
      %broadcast_in_dim3A_693 = vector.broadcast %jit3A_690 : f32 to vector<316x128xf32>
      %select_n3A_694 = arith.select %broadcast_in_dim3A_692, %slice3A_346, %broadcast_in_dim3A_693 : vector<316x128xi1>, vector<316x128xf32>
      %reduce_max3A = arith.constant dense<0xFF800000> : vector<128xf32>
      %reduce_max3A_695 = vector.multi_reduction <maximumf>, %select_n3A_694, %reduce_max3A [0] : vector<316x128xf32> to vector<128xf32>
      %broadcast_in_dim3A_696 = vector.shape_cast %reduce_max3A_695 : vector<128xf32> to vector<1x128xf32>
      %get3A_697 = arith.index_cast %while3A_688 : i32 to index
      %get3A_698 = arith.constant 0 : index
      %get3A_699 = vector.load %arg8[%get3A_697, %get3A_698] : memref<64x128xf32, #tpu.memory_space<vmem>>, vector<1x128xf32>
      %max3A_700 = arith.maximumf %get3A_699, %broadcast_in_dim3A_696 : vector<1x128xf32>
      %swap3A_701 = arith.index_cast %while3A_688 : i32 to index
      %swap3A_702 = arith.constant 0 : index
      %swap3A_703 = vector.load %arg8[%swap3A_701, %swap3A_702] : memref<64x128xf32, #tpu.memory_space<vmem>>, vector<1x128xf32>
      tpu.vector_store %arg8[%swap3A_701, %swap3A_702], %max3A_700 {strides = array<i32>} : memref<64x128xf32, #tpu.memory_space<vmem>>, vector<1x128xf32>,
    }
    %slice3A_365 = vector.extract_strided_slice %add3A_74 {offsets = [4740, 0], sizes = [316, 128], strides = [1, 1]} : vector<10112x128xf32> to vector<316x128xf32>
    %slice3A_366 = vector.extract_strided_slice %get3A_77 {offsets = [4740, 0], sizes = [316, 1], strides = [1, 1]} : vector<10112x1xi32> to vector<316x1xi32>
    %get3A_367 = arith.constant 15 : index
    %get3A_368 = arith.constant 0 : index
    %get3A_369 = memref.load %arg7[%get3A_367, %get3A_368] : memref<32x2xi32, #tpu.memory_space<smem>>
    %get3A_370 = arith.constant 15 : index
    %get3A_371 = arith.constant 1 : index
    %get3A_372 = memref.load %arg7[%get3A_370, %get3A_371] : memref<32x2xi32, #tpu.memory_space<smem>>
    %add3A_373 = arith.constant 1 : i32
    %add3A_374 = arith.addi %get3A_372, %add3A_373 : i32
    %while3A_375 = arith.constant 0 : i32
    %while3A_376 = arith.subi %add3A_374, %get3A_369 : i32
    %while3A_377 = arith.addi %get3A_369, %while3A_376 : i32
    %while3A_378 = arith.constant 1 : i32
    %while3A_379 = arith.divsi %while3A_376, %while3A_378 : i32
    %while3A_380 = arith.muli %while3A_379, %while3A_378 : i32
    %while3A_381 = arith.addi %get3A_369, %while3A_380 : i32
    %while3A_382 = arith.constant 1 : i32
    scf.for %while3A_688 = %get3A_369 to %while3A_381 step %while3A_382  : i32 {
      %eq3A = vector.broadcast %while3A_688 : i32 to vector<316x1xi32>
      %eq3A_689 = arith.cmpi eq, %slice3A_366, %eq3A : vector<316x1xi32>
      %jit3A_690 = arith.constant 0xFF800000 : f32
      %broadcast_in_dim3A_691 = vector.shape_cast %eq3A_689 : vector<316x1xi1> to vector<316x1xi1>
      %broadcast_in_dim3A_692 = vector.broadcast %broadcast_in_dim3A_691 : vector<316x1xi1> to vector<316x128xi1>
      %broadcast_in_dim3A_693 = vector.broadcast %jit3A_690 : f32 to vector<316x128xf32>
      %select_n3A_694 = arith.select %broadcast_in_dim3A_692, %slice3A_365, %broadcast_in_dim3A_693 : vector<316x128xi1>, vector<316x128xf32>
      %reduce_max3A = arith.constant dense<0xFF800000> : vector<128xf32>
      %reduce_max3A_695 = vector.multi_reduction <maximumf>, %select_n3A_694, %reduce_max3A [0] : vector<316x128xf32> to vector<128xf32>
      %broadcast_in_dim3A_696 = vector.shape_cast %reduce_max3A_695 : vector<128xf32> to vector<1x128xf32>
      %get3A_697 = arith.index_cast %while3A_688 : i32 to index
      %get3A_698 = arith.constant 0 : index
      %get3A_699 = vector.load %arg8[%get3A_697, %get3A_698] : memref<64x128xf32, #tpu.memory_space<vmem>>, vector<1x128xf32>
      %max3A_700 = arith.maximumf %get3A_699, %broadcast_in_dim3A_696 : vector<1x128xf32>
      %swap3A_701 = arith.index_cast %while3A_688 : i32 to index
      %swap3A_702 = arith.constant 0 : index
      %swap3A_703 = vector.load %arg8[%swap3A_701, %swap3A_702] : memref<64x128xf32, #tpu.memory_space<vmem>>, vector<1x128xf32>
      tpu.vector_store %arg8[%swap3A_701, %swap3A_702], %max3A_700 {strides = array<i32>} : memref<64x128xf32, #tpu.memory_space<vmem>>, vector<1x128xf32>,
    }
    %while3A_383 = arith.constant 1 : i32
    scf.for %while3A_688 = %while3A_381 to %while3A_377 step %while3A_383  : i32 {
      %eq3A = vector.broadcast %while3A_688 : i32 to vector<316x1xi32>
      %eq3A_689 = arith.cmpi eq, %slice3A_366, %eq3A : vector<316x1xi32>
      %jit3A_690 = arith.constant 0xFF800000 : f32
      %broadcast_in_dim3A_691 = vector.shape_cast %eq3A_689 : vector<316x1xi1> to vector<316x1xi1>
      %broadcast_in_dim3A_692 = vector.broadcast %broadcast_in_dim3A_691 : vector<316x1xi1> to vector<316x128xi1>
      %broadcast_in_dim3A_693 = vector.broadcast %jit3A_690 : f32 to vector<316x128xf32>
      %select_n3A_694 = arith.select %broadcast_in_dim3A_692, %slice3A_365, %broadcast_in_dim3A_693 : vector<316x128xi1>, vector<316x128xf32>
      %reduce_max3A = arith.constant dense<0xFF800000> : vector<128xf32>
      %reduce_max3A_695 = vector.multi_reduction <maximumf>, %select_n3A_694, %reduce_max3A [0] : vector<316x128xf32> to vector<128xf32>
      %broadcast_in_dim3A_696 = vector.shape_cast %reduce_max3A_695 : vector<128xf32> to vector<1x128xf32>
      %get3A_697 = arith.index_cast %while3A_688 : i32 to index
      %get3A_698 = arith.constant 0 : index
      %get3A_699 = vector.load %arg8[%get3A_697, %get3A_698] : memref<64x128xf32, #tpu.memory_space<vmem>>, vector<1x128xf32>
      %max3A_700 = arith.maximumf %get3A_699, %broadcast_in_dim3A_696 : vector<1x128xf32>
      %swap3A_701 = arith.index_cast %while3A_688 : i32 to index
      %swap3A_702 = arith.constant 0 : index
      %swap3A_703 = vector.load %arg8[%swap3A_701, %swap3A_702] : memref<64x128xf32, #tpu.memory_space<vmem>>, vector<1x128xf32>
      tpu.vector_store %arg8[%swap3A_701, %swap3A_702], %max3A_700 {strides = array<i32>} : memref<64x128xf32, #tpu.memory_space<vmem>>, vector<1x128xf32>,
    }
    %slice3A_384 = vector.extract_strided_slice %add3A_74 {offsets = [5056, 0], sizes = [316, 128], strides = [1, 1]} : vector<10112x128xf32> to vector<316x128xf32>
    %slice3A_385 = vector.extract_strided_slice %get3A_77 {offsets = [5056, 0], sizes = [316, 1], strides = [1, 1]} : vector<10112x1xi32> to vector<316x1xi32>
    %get3A_386 = arith.constant 16 : index
    %get3A_387 = arith.constant 0 : index
    %get3A_388 = memref.load %arg7[%get3A_386, %get3A_387] : memref<32x2xi32, #tpu.memory_space<smem>>
    %get3A_389 = arith.constant 16 : index
    %get3A_390 = arith.constant 1 : index
    %get3A_391 = memref.load %arg7[%get3A_389, %get3A_390] : memref<32x2xi32, #tpu.memory_space<smem>>
    %add3A_392 = arith.constant 1 : i32
    %add3A_393 = arith.addi %get3A_391, %add3A_392 : i32
    %while3A_394 = arith.constant 0 : i32
    %while3A_395 = arith.subi %add3A_393, %get3A_388 : i32
    %while3A_396 = arith.addi %get3A_388, %while3A_395 : i32
    %while3A_397 = arith.constant 1 : i32
    %while3A_398 = arith.divsi %while3A_395, %while3A_397 : i32
    %while3A_399 = arith.muli %while3A_398, %while3A_397 : i32
    %while3A_400 = arith.addi %get3A_388, %while3A_399 : i32
    %while3A_401 = arith.constant 1 : i32
    scf.for %while3A_688 = %get3A_388 to %while3A_400 step %while3A_401  : i32 {
      %eq3A = vector.broadcast %while3A_688 : i32 to vector<316x1xi32>
      %eq3A_689 = arith.cmpi eq, %slice3A_385, %eq3A : vector<316x1xi32>
      %jit3A_690 = arith.constant 0xFF800000 : f32
      %broadcast_in_dim3A_691 = vector.shape_cast %eq3A_689 : vector<316x1xi1> to vector<316x1xi1>
      %broadcast_in_dim3A_692 = vector.broadcast %broadcast_in_dim3A_691 : vector<316x1xi1> to vector<316x128xi1>
      %broadcast_in_dim3A_693 = vector.broadcast %jit3A_690 : f32 to vector<316x128xf32>
      %select_n3A_694 = arith.select %broadcast_in_dim3A_692, %slice3A_384, %broadcast_in_dim3A_693 : vector<316x128xi1>, vector<316x128xf32>
      %reduce_max3A = arith.constant dense<0xFF800000> : vector<128xf32>
      %reduce_max3A_695 = vector.multi_reduction <maximumf>, %select_n3A_694, %reduce_max3A [0] : vector<316x128xf32> to vector<128xf32>
      %broadcast_in_dim3A_696 = vector.shape_cast %reduce_max3A_695 : vector<128xf32> to vector<1x128xf32>
      %get3A_697 = arith.index_cast %while3A_688 : i32 to index
      %get3A_698 = arith.constant 0 : index
      %get3A_699 = vector.load %arg8[%get3A_697, %get3A_698] : memref<64x128xf32, #tpu.memory_space<vmem>>, vector<1x128xf32>
      %max3A_700 = arith.maximumf %get3A_699, %broadcast_in_dim3A_696 : vector<1x128xf32>
      %swap3A_701 = arith.index_cast %while3A_688 : i32 to index
      %swap3A_702 = arith.constant 0 : index
      %swap3A_703 = vector.load %arg8[%swap3A_701, %swap3A_702] : memref<64x128xf32, #tpu.memory_space<vmem>>, vector<1x128xf32>
      tpu.vector_store %arg8[%swap3A_701, %swap3A_702], %max3A_700 {strides = array<i32>} : memref<64x128xf32, #tpu.memory_space<vmem>>, vector<1x128xf32>,
    }
    %while3A_402 = arith.constant 1 : i32
    scf.for %while3A_688 = %while3A_400 to %while3A_396 step %while3A_402  : i32 {
      %eq3A = vector.broadcast %while3A_688 : i32 to vector<316x1xi32>
      %eq3A_689 = arith.cmpi eq, %slice3A_385, %eq3A : vector<316x1xi32>
      %jit3A_690 = arith.constant 0xFF800000 : f32
      %broadcast_in_dim3A_691 = vector.shape_cast %eq3A_689 : vector<316x1xi1> to vector<316x1xi1>
      %broadcast_in_dim3A_692 = vector.broadcast %broadcast_in_dim3A_691 : vector<316x1xi1> to vector<316x128xi1>
      %broadcast_in_dim3A_693 = vector.broadcast %jit3A_690 : f32 to vector<316x128xf32>
      %select_n3A_694 = arith.select %broadcast_in_dim3A_692, %slice3A_384, %broadcast_in_dim3A_693 : vector<316x128xi1>, vector<316x128xf32>
      %reduce_max3A = arith.constant dense<0xFF800000> : vector<128xf32>
      %reduce_max3A_695 = vector.multi_reduction <maximumf>, %select_n3A_694, %reduce_max3A [0] : vector<316x128xf32> to vector<128xf32>
      %broadcast_in_dim3A_696 = vector.shape_cast %reduce_max3A_695 : vector<128xf32> to vector<1x128xf32>
      %get3A_697 = arith.index_cast %while3A_688 : i32 to index
      %get3A_698 = arith.constant 0 : index
      %get3A_699 = vector.load %arg8[%get3A_697, %get3A_698] : memref<64x128xf32, #tpu.memory_space<vmem>>, vector<1x128xf32>
      %max3A_700 = arith.maximumf %get3A_699, %broadcast_in_dim3A_696 : vector<1x128xf32>
      %swap3A_701 = arith.index_cast %while3A_688 : i32 to index
      %swap3A_702 = arith.constant 0 : index
      %swap3A_703 = vector.load %arg8[%swap3A_701, %swap3A_702] : memref<64x128xf32, #tpu.memory_space<vmem>>, vector<1x128xf32>
      tpu.vector_store %arg8[%swap3A_701, %swap3A_702], %max3A_700 {strides = array<i32>} : memref<64x128xf32, #tpu.memory_space<vmem>>, vector<1x128xf32>,
    }
    %slice3A_403 = vector.extract_strided_slice %add3A_74 {offsets = [5372, 0], sizes = [316, 128], strides = [1, 1]} : vector<10112x128xf32> to vector<316x128xf32>
    %slice3A_404 = vector.extract_strided_slice %get3A_77 {offsets = [5372, 0], sizes = [316, 1], strides = [1, 1]} : vector<10112x1xi32> to vector<316x1xi32>
    %get3A_405 = arith.constant 17 : index
    %get3A_406 = arith.constant 0 : index
    %get3A_407 = memref.load %arg7[%get3A_405, %get3A_406] : memref<32x2xi32, #tpu.memory_space<smem>>
    %get3A_408 = arith.constant 17 : index
    %get3A_409 = arith.constant 1 : index
    %get3A_410 = memref.load %arg7[%get3A_408, %get3A_409] : memref<32x2xi32, #tpu.memory_space<smem>>
    %add3A_411 = arith.constant 1 : i32
    %add3A_412 = arith.addi %get3A_410, %add3A_411 : i32
    %while3A_413 = arith.constant 0 : i32
    %while3A_414 = arith.subi %add3A_412, %get3A_407 : i32
    %while3A_415 = arith.addi %get3A_407, %while3A_414 : i32
    %while3A_416 = arith.constant 1 : i32
    %while3A_417 = arith.divsi %while3A_414, %while3A_416 : i32
    %while3A_418 = arith.muli %while3A_417, %while3A_416 : i32
    %while3A_419 = arith.addi %get3A_407, %while3A_418 : i32
    %while3A_420 = arith.constant 1 : i32
    scf.for %while3A_688 = %get3A_407 to %while3A_419 step %while3A_420  : i32 {
      %eq3A = vector.broadcast %while3A_688 : i32 to vector<316x1xi32>
      %eq3A_689 = arith.cmpi eq, %slice3A_404, %eq3A : vector<316x1xi32>
      %jit3A_690 = arith.constant 0xFF800000 : f32
      %broadcast_in_dim3A_691 = vector.shape_cast %eq3A_689 : vector<316x1xi1> to vector<316x1xi1>
      %broadcast_in_dim3A_692 = vector.broadcast %broadcast_in_dim3A_691 : vector<316x1xi1> to vector<316x128xi1>
      %broadcast_in_dim3A_693 = vector.broadcast %jit3A_690 : f32 to vector<316x128xf32>
      %select_n3A_694 = arith.select %broadcast_in_dim3A_692, %slice3A_403, %broadcast_in_dim3A_693 : vector<316x128xi1>, vector<316x128xf32>
      %reduce_max3A = arith.constant dense<0xFF800000> : vector<128xf32>
      %reduce_max3A_695 = vector.multi_reduction <maximumf>, %select_n3A_694, %reduce_max3A [0] : vector<316x128xf32> to vector<128xf32>
      %broadcast_in_dim3A_696 = vector.shape_cast %reduce_max3A_695 : vector<128xf32> to vector<1x128xf32>
      %get3A_697 = arith.index_cast %while3A_688 : i32 to index
      %get3A_698 = arith.constant 0 : index
      %get3A_699 = vector.load %arg8[%get3A_697, %get3A_698] : memref<64x128xf32, #tpu.memory_space<vmem>>, vector<1x128xf32>
      %max3A_700 = arith.maximumf %get3A_699, %broadcast_in_dim3A_696 : vector<1x128xf32>
      %swap3A_701 = arith.index_cast %while3A_688 : i32 to index
      %swap3A_702 = arith.constant 0 : index
      %swap3A_703 = vector.load %arg8[%swap3A_701, %swap3A_702] : memref<64x128xf32, #tpu.memory_space<vmem>>, vector<1x128xf32>
      tpu.vector_store %arg8[%swap3A_701, %swap3A_702], %max3A_700 {strides = array<i32>} : memref<64x128xf32, #tpu.memory_space<vmem>>, vector<1x128xf32>,
    }
    %while3A_421 = arith.constant 1 : i32
    scf.for %while3A_688 = %while3A_419 to %while3A_415 step %while3A_421  : i32 {
      %eq3A = vector.broadcast %while3A_688 : i32 to vector<316x1xi32>
      %eq3A_689 = arith.cmpi eq, %slice3A_404, %eq3A : vector<316x1xi32>
      %jit3A_690 = arith.constant 0xFF800000 : f32
      %broadcast_in_dim3A_691 = vector.shape_cast %eq3A_689 : vector<316x1xi1> to vector<316x1xi1>
      %broadcast_in_dim3A_692 = vector.broadcast %broadcast_in_dim3A_691 : vector<316x1xi1> to vector<316x128xi1>
      %broadcast_in_dim3A_693 = vector.broadcast %jit3A_690 : f32 to vector<316x128xf32>
      %select_n3A_694 = arith.select %broadcast_in_dim3A_692, %slice3A_403, %broadcast_in_dim3A_693 : vector<316x128xi1>, vector<316x128xf32>
      %reduce_max3A = arith.constant dense<0xFF800000> : vector<128xf32>
      %reduce_max3A_695 = vector.multi_reduction <maximumf>, %select_n3A_694, %reduce_max3A [0] : vector<316x128xf32> to vector<128xf32>
      %broadcast_in_dim3A_696 = vector.shape_cast %reduce_max3A_695 : vector<128xf32> to vector<1x128xf32>
      %get3A_697 = arith.index_cast %while3A_688 : i32 to index
      %get3A_698 = arith.constant 0 : index
      %get3A_699 = vector.load %arg8[%get3A_697, %get3A_698] : memref<64x128xf32, #tpu.memory_space<vmem>>, vector<1x128xf32>
      %max3A_700 = arith.maximumf %get3A_699, %broadcast_in_dim3A_696 : vector<1x128xf32>
      %swap3A_701 = arith.index_cast %while3A_688 : i32 to index
      %swap3A_702 = arith.constant 0 : index
      %swap3A_703 = vector.load %arg8[%swap3A_701, %swap3A_702] : memref<64x128xf32, #tpu.memory_space<vmem>>, vector<1x128xf32>
      tpu.vector_store %arg8[%swap3A_701, %swap3A_702], %max3A_700 {strides = array<i32>} : memref<64x128xf32, #tpu.memory_space<vmem>>, vector<1x128xf32>,
    }
    %slice3A_422 = vector.extract_strided_slice %add3A_74 {offsets = [5688, 0], sizes = [316, 128], strides = [1, 1]} : vector<10112x128xf32> to vector<316x128xf32>
    %slice3A_423 = vector.extract_strided_slice %get3A_77 {offsets = [5688, 0], sizes = [316, 1], strides = [1, 1]} : vector<10112x1xi32> to vector<316x1xi32>
    %get3A_424 = arith.constant 18 : index
    %get3A_425 = arith.constant 0 : index
    %get3A_426 = memref.load %arg7[%get3A_424, %get3A_425] : memref<32x2xi32, #tpu.memory_space<smem>>
    %get3A_427 = arith.constant 18 : index
    %get3A_428 = arith.constant 1 : index
    %get3A_429 = memref.load %arg7[%get3A_427, %get3A_428] : memref<32x2xi32, #tpu.memory_space<smem>>
    %add3A_430 = arith.constant 1 : i32
    %add3A_431 = arith.addi %get3A_429, %add3A_430 : i32
    %while3A_432 = arith.constant 0 : i32
    %while3A_433 = arith.subi %add3A_431, %get3A_426 : i32
    %while3A_434 = arith.addi %get3A_426, %while3A_433 : i32
    %while3A_435 = arith.constant 1 : i32
    %while3A_436 = arith.divsi %while3A_433, %while3A_435 : i32
    %while3A_437 = arith.muli %while3A_436, %while3A_435 : i32
    %while3A_438 = arith.addi %get3A_426, %while3A_437 : i32
    %while3A_439 = arith.constant 1 : i32
    scf.for %while3A_688 = %get3A_426 to %while3A_438 step %while3A_439  : i32 {
      %eq3A = vector.broadcast %while3A_688 : i32 to vector<316x1xi32>
      %eq3A_689 = arith.cmpi eq, %slice3A_423, %eq3A : vector<316x1xi32>
      %jit3A_690 = arith.constant 0xFF800000 : f32
      %broadcast_in_dim3A_691 = vector.shape_cast %eq3A_689 : vector<316x1xi1> to vector<316x1xi1>
      %broadcast_in_dim3A_692 = vector.broadcast %broadcast_in_dim3A_691 : vector<316x1xi1> to vector<316x128xi1>
      %broadcast_in_dim3A_693 = vector.broadcast %jit3A_690 : f32 to vector<316x128xf32>
      %select_n3A_694 = arith.select %broadcast_in_dim3A_692, %slice3A_422, %broadcast_in_dim3A_693 : vector<316x128xi1>, vector<316x128xf32>
      %reduce_max3A = arith.constant dense<0xFF800000> : vector<128xf32>
      %reduce_max3A_695 = vector.multi_reduction <maximumf>, %select_n3A_694, %reduce_max3A [0] : vector<316x128xf32> to vector<128xf32>
      %broadcast_in_dim3A_696 = vector.shape_cast %reduce_max3A_695 : vector<128xf32> to vector<1x128xf32>
      %get3A_697 = arith.index_cast %while3A_688 : i32 to index
      %get3A_698 = arith.constant 0 : index
      %get3A_699 = vector.load %arg8[%get3A_697, %get3A_698] : memref<64x128xf32, #tpu.memory_space<vmem>>, vector<1x128xf32>
      %max3A_700 = arith.maximumf %get3A_699, %broadcast_in_dim3A_696 : vector<1x128xf32>
      %swap3A_701 = arith.index_cast %while3A_688 : i32 to index
      %swap3A_702 = arith.constant 0 : index
      %swap3A_703 = vector.load %arg8[%swap3A_701, %swap3A_702] : memref<64x128xf32, #tpu.memory_space<vmem>>, vector<1x128xf32>
      tpu.vector_store %arg8[%swap3A_701, %swap3A_702], %max3A_700 {strides = array<i32>} : memref<64x128xf32, #tpu.memory_space<vmem>>, vector<1x128xf32>,
    }
    %while3A_440 = arith.constant 1 : i32
    scf.for %while3A_688 = %while3A_438 to %while3A_434 step %while3A_440  : i32 {
      %eq3A = vector.broadcast %while3A_688 : i32 to vector<316x1xi32>
      %eq3A_689 = arith.cmpi eq, %slice3A_423, %eq3A : vector<316x1xi32>
      %jit3A_690 = arith.constant 0xFF800000 : f32
      %broadcast_in_dim3A_691 = vector.shape_cast %eq3A_689 : vector<316x1xi1> to vector<316x1xi1>
      %broadcast_in_dim3A_692 = vector.broadcast %broadcast_in_dim3A_691 : vector<316x1xi1> to vector<316x128xi1>
      %broadcast_in_dim3A_693 = vector.broadcast %jit3A_690 : f32 to vector<316x128xf32>
      %select_n3A_694 = arith.select %broadcast_in_dim3A_692, %slice3A_422, %broadcast_in_dim3A_693 : vector<316x128xi1>, vector<316x128xf32>
      %reduce_max3A = arith.constant dense<0xFF800000> : vector<128xf32>
      %reduce_max3A_695 = vector.multi_reduction <maximumf>, %select_n3A_694, %reduce_max3A [0] : vector<316x128xf32> to vector<128xf32>
      %broadcast_in_dim3A_696 = vector.shape_cast %reduce_max3A_695 : vector<128xf32> to vector<1x128xf32>
      %get3A_697 = arith.index_cast %while3A_688 : i32 to index
      %get3A_698 = arith.constant 0 : index
      %get3A_699 = vector.load %arg8[%get3A_697, %get3A_698] : memref<64x128xf32, #tpu.memory_space<vmem>>, vector<1x128xf32>
      %max3A_700 = arith.maximumf %get3A_699, %broadcast_in_dim3A_696 : vector<1x128xf32>
      %swap3A_701 = arith.index_cast %while3A_688 : i32 to index
      %swap3A_702 = arith.constant 0 : index
      %swap3A_703 = vector.load %arg8[%swap3A_701, %swap3A_702] : memref<64x128xf32, #tpu.memory_space<vmem>>, vector<1x128xf32>
      tpu.vector_store %arg8[%swap3A_701, %swap3A_702], %max3A_700 {strides = array<i32>} : memref<64x128xf32, #tpu.memory_space<vmem>>, vector<1x128xf32>,
    }
    %slice3A_441 = vector.extract_strided_slice %add3A_74 {offsets = [6004, 0], sizes = [316, 128], strides = [1, 1]} : vector<10112x128xf32> to vector<316x128xf32>
    %slice3A_442 = vector.extract_strided_slice %get3A_77 {offsets = [6004, 0], sizes = [316, 1], strides = [1, 1]} : vector<10112x1xi32> to vector<316x1xi32>
    %get3A_443 = arith.constant 19 : index
    %get3A_444 = arith.constant 0 : index
    %get3A_445 = memref.load %arg7[%get3A_443, %get3A_444] : memref<32x2xi32, #tpu.memory_space<smem>>
    %get3A_446 = arith.constant 19 : index
    %get3A_447 = arith.constant 1 : index
    %get3A_448 = memref.load %arg7[%get3A_446, %get3A_447] : memref<32x2xi32, #tpu.memory_space<smem>>
    %add3A_449 = arith.constant 1 : i32
    %add3A_450 = arith.addi %get3A_448, %add3A_449 : i32
    %while3A_451 = arith.constant 0 : i32
    %while3A_452 = arith.subi %add3A_450, %get3A_445 : i32
    %while3A_453 = arith.addi %get3A_445, %while3A_452 : i32
    %while3A_454 = arith.constant 1 : i32
    %while3A_455 = arith.divsi %while3A_452, %while3A_454 : i32
    %while3A_456 = arith.muli %while3A_455, %while3A_454 : i32
    %while3A_457 = arith.addi %get3A_445, %while3A_456 : i32
    %while3A_458 = arith.constant 1 : i32
    scf.for %while3A_688 = %get3A_445 to %while3A_457 step %while3A_458  : i32 {
      %eq3A = vector.broadcast %while3A_688 : i32 to vector<316x1xi32>
      %eq3A_689 = arith.cmpi eq, %slice3A_442, %eq3A : vector<316x1xi32>
      %jit3A_690 = arith.constant 0xFF800000 : f32
      %broadcast_in_dim3A_691 = vector.shape_cast %eq3A_689 : vector<316x1xi1> to vector<316x1xi1>
      %broadcast_in_dim3A_692 = vector.broadcast %broadcast_in_dim3A_691 : vector<316x1xi1> to vector<316x128xi1>
      %broadcast_in_dim3A_693 = vector.broadcast %jit3A_690 : f32 to vector<316x128xf32>
      %select_n3A_694 = arith.select %broadcast_in_dim3A_692, %slice3A_441, %broadcast_in_dim3A_693 : vector<316x128xi1>, vector<316x128xf32>
      %reduce_max3A = arith.constant dense<0xFF800000> : vector<128xf32>
      %reduce_max3A_695 = vector.multi_reduction <maximumf>, %select_n3A_694, %reduce_max3A [0] : vector<316x128xf32> to vector<128xf32>
      %broadcast_in_dim3A_696 = vector.shape_cast %reduce_max3A_695 : vector<128xf32> to vector<1x128xf32>
      %get3A_697 = arith.index_cast %while3A_688 : i32 to index
      %get3A_698 = arith.constant 0 : index
      %get3A_699 = vector.load %arg8[%get3A_697, %get3A_698] : memref<64x128xf32, #tpu.memory_space<vmem>>, vector<1x128xf32>
      %max3A_700 = arith.maximumf %get3A_699, %broadcast_in_dim3A_696 : vector<1x128xf32>
      %swap3A_701 = arith.index_cast %while3A_688 : i32 to index
      %swap3A_702 = arith.constant 0 : index
      %swap3A_703 = vector.load %arg8[%swap3A_701, %swap3A_702] : memref<64x128xf32, #tpu.memory_space<vmem>>, vector<1x128xf32>
      tpu.vector_store %arg8[%swap3A_701, %swap3A_702], %max3A_700 {strides = array<i32>} : memref<64x128xf32, #tpu.memory_space<vmem>>, vector<1x128xf32>,
    }
    %while3A_459 = arith.constant 1 : i32
    scf.for %while3A_688 = %while3A_457 to %while3A_453 step %while3A_459  : i32 {
      %eq3A = vector.broadcast %while3A_688 : i32 to vector<316x1xi32>
      %eq3A_689 = arith.cmpi eq, %slice3A_442, %eq3A : vector<316x1xi32>
      %jit3A_690 = arith.constant 0xFF800000 : f32
      %broadcast_in_dim3A_691 = vector.shape_cast %eq3A_689 : vector<316x1xi1> to vector<316x1xi1>
      %broadcast_in_dim3A_692 = vector.broadcast %broadcast_in_dim3A_691 : vector<316x1xi1> to vector<316x128xi1>
      %broadcast_in_dim3A_693 = vector.broadcast %jit3A_690 : f32 to vector<316x128xf32>
      %select_n3A_694 = arith.select %broadcast_in_dim3A_692, %slice3A_441, %broadcast_in_dim3A_693 : vector<316x128xi1>, vector<316x128xf32>
      %reduce_max3A = arith.constant dense<0xFF800000> : vector<128xf32>
      %reduce_max3A_695 = vector.multi_reduction <maximumf>, %select_n3A_694, %reduce_max3A [0] : vector<316x128xf32> to vector<128xf32>
      %broadcast_in_dim3A_696 = vector.shape_cast %reduce_max3A_695 : vector<128xf32> to vector<1x128xf32>
      %get3A_697 = arith.index_cast %while3A_688 : i32 to index
      %get3A_698 = arith.constant 0 : index
      %get3A_699 = vector.load %arg8[%get3A_697, %get3A_698] : memref<64x128xf32, #tpu.memory_space<vmem>>, vector<1x128xf32>
      %max3A_700 = arith.maximumf %get3A_699, %broadcast_in_dim3A_696 : vector<1x128xf32>
      %swap3A_701 = arith.index_cast %while3A_688 : i32 to index
      %swap3A_702 = arith.constant 0 : index
      %swap3A_703 = vector.load %arg8[%swap3A_701, %swap3A_702] : memref<64x128xf32, #tpu.memory_space<vmem>>, vector<1x128xf32>
      tpu.vector_store %arg8[%swap3A_701, %swap3A_702], %max3A_700 {strides = array<i32>} : memref<64x128xf32, #tpu.memory_space<vmem>>, vector<1x128xf32>,
    }
    %slice3A_460 = vector.extract_strided_slice %add3A_74 {offsets = [6320, 0], sizes = [316, 128], strides = [1, 1]} : vector<10112x128xf32> to vector<316x128xf32>
    %slice3A_461 = vector.extract_strided_slice %get3A_77 {offsets = [6320, 0], sizes = [316, 1], strides = [1, 1]} : vector<10112x1xi32> to vector<316x1xi32>
    %get3A_462 = arith.constant 20 : index
    %get3A_463 = arith.constant 0 : index
    %get3A_464 = memref.load %arg7[%get3A_462, %get3A_463] : memref<32x2xi32, #tpu.memory_space<smem>>
    %get3A_465 = arith.constant 20 : index
    %get3A_466 = arith.constant 1 : index
    %get3A_467 = memref.load %arg7[%get3A_465, %get3A_466] : memref<32x2xi32, #tpu.memory_space<smem>>
    %add3A_468 = arith.constant 1 : i32
    %add3A_469 = arith.addi %get3A_467, %add3A_468 : i32
    %while3A_470 = arith.constant 0 : i32
    %while3A_471 = arith.subi %add3A_469, %get3A_464 : i32
    %while3A_472 = arith.addi %get3A_464, %while3A_471 : i32
    %while3A_473 = arith.constant 1 : i32
    %while3A_474 = arith.divsi %while3A_471, %while3A_473 : i32
    %while3A_475 = arith.muli %while3A_474, %while3A_473 : i32
    %while3A_476 = arith.addi %get3A_464, %while3A_475 : i32
    %while3A_477 = arith.constant 1 : i32
    scf.for %while3A_688 = %get3A_464 to %while3A_476 step %while3A_477  : i32 {
      %eq3A = vector.broadcast %while3A_688 : i32 to vector<316x1xi32>
      %eq3A_689 = arith.cmpi eq, %slice3A_461, %eq3A : vector<316x1xi32>
      %jit3A_690 = arith.constant 0xFF800000 : f32
      %broadcast_in_dim3A_691 = vector.shape_cast %eq3A_689 : vector<316x1xi1> to vector<316x1xi1>
      %broadcast_in_dim3A_692 = vector.broadcast %broadcast_in_dim3A_691 : vector<316x1xi1> to vector<316x128xi1>
      %broadcast_in_dim3A_693 = vector.broadcast %jit3A_690 : f32 to vector<316x128xf32>
      %select_n3A_694 = arith.select %broadcast_in_dim3A_692, %slice3A_460, %broadcast_in_dim3A_693 : vector<316x128xi1>, vector<316x128xf32>
      %reduce_max3A = arith.constant dense<0xFF800000> : vector<128xf32>
      %reduce_max3A_695 = vector.multi_reduction <maximumf>, %select_n3A_694, %reduce_max3A [0] : vector<316x128xf32> to vector<128xf32>
      %broadcast_in_dim3A_696 = vector.shape_cast %reduce_max3A_695 : vector<128xf32> to vector<1x128xf32>
      %get3A_697 = arith.index_cast %while3A_688 : i32 to index
      %get3A_698 = arith.constant 0 : index
      %get3A_699 = vector.load %arg8[%get3A_697, %get3A_698] : memref<64x128xf32, #tpu.memory_space<vmem>>, vector<1x128xf32>
      %max3A_700 = arith.maximumf %get3A_699, %broadcast_in_dim3A_696 : vector<1x128xf32>
      %swap3A_701 = arith.index_cast %while3A_688 : i32 to index
      %swap3A_702 = arith.constant 0 : index
      %swap3A_703 = vector.load %arg8[%swap3A_701, %swap3A_702] : memref<64x128xf32, #tpu.memory_space<vmem>>, vector<1x128xf32>
      tpu.vector_store %arg8[%swap3A_701, %swap3A_702], %max3A_700 {strides = array<i32>} : memref<64x128xf32, #tpu.memory_space<vmem>>, vector<1x128xf32>,
    }
    %while3A_478 = arith.constant 1 : i32
    scf.for %while3A_688 = %while3A_476 to %while3A_472 step %while3A_478  : i32 {
      %eq3A = vector.broadcast %while3A_688 : i32 to vector<316x1xi32>
      %eq3A_689 = arith.cmpi eq, %slice3A_461, %eq3A : vector<316x1xi32>
      %jit3A_690 = arith.constant 0xFF800000 : f32
      %broadcast_in_dim3A_691 = vector.shape_cast %eq3A_689 : vector<316x1xi1> to vector<316x1xi1>
      %broadcast_in_dim3A_692 = vector.broadcast %broadcast_in_dim3A_691 : vector<316x1xi1> to vector<316x128xi1>
      %broadcast_in_dim3A_693 = vector.broadcast %jit3A_690 : f32 to vector<316x128xf32>
      %select_n3A_694 = arith.select %broadcast_in_dim3A_692, %slice3A_460, %broadcast_in_dim3A_693 : vector<316x128xi1>, vector<316x128xf32>
      %reduce_max3A = arith.constant dense<0xFF800000> : vector<128xf32>
      %reduce_max3A_695 = vector.multi_reduction <maximumf>, %select_n3A_694, %reduce_max3A [0] : vector<316x128xf32> to vector<128xf32>
      %broadcast_in_dim3A_696 = vector.shape_cast %reduce_max3A_695 : vector<128xf32> to vector<1x128xf32>
      %get3A_697 = arith.index_cast %while3A_688 : i32 to index
      %get3A_698 = arith.constant 0 : index
      %get3A_699 = vector.load %arg8[%get3A_697, %get3A_698] : memref<64x128xf32, #tpu.memory_space<vmem>>, vector<1x128xf32>
      %max3A_700 = arith.maximumf %get3A_699, %broadcast_in_dim3A_696 : vector<1x128xf32>
      %swap3A_701 = arith.index_cast %while3A_688 : i32 to index
      %swap3A_702 = arith.constant 0 : index
      %swap3A_703 = vector.load %arg8[%swap3A_701, %swap3A_702] : memref<64x128xf32, #tpu.memory_space<vmem>>, vector<1x128xf32>
      tpu.vector_store %arg8[%swap3A_701, %swap3A_702], %max3A_700 {strides = array<i32>} : memref<64x128xf32, #tpu.memory_space<vmem>>, vector<1x128xf32>,
    }
    %slice3A_479 = vector.extract_strided_slice %add3A_74 {offsets = [6636, 0], sizes = [316, 128], strides = [1, 1]} : vector<10112x128xf32> to vector<316x128xf32>
    %slice3A_480 = vector.extract_strided_slice %get3A_77 {offsets = [6636, 0], sizes = [316, 1], strides = [1, 1]} : vector<10112x1xi32> to vector<316x1xi32>
    %get3A_481 = arith.constant 21 : index
    %get3A_482 = arith.constant 0 : index
    %get3A_483 = memref.load %arg7[%get3A_481, %get3A_482] : memref<32x2xi32, #tpu.memory_space<smem>>
    %get3A_484 = arith.constant 21 : index
    %get3A_485 = arith.constant 1 : index
    %get3A_486 = memref.load %arg7[%get3A_484, %get3A_485] : memref<32x2xi32, #tpu.memory_space<smem>>
    %add3A_487 = arith.constant 1 : i32
    %add3A_488 = arith.addi %get3A_486, %add3A_487 : i32
    %while3A_489 = arith.constant 0 : i32
    %while3A_490 = arith.subi %add3A_488, %get3A_483 : i32
    %while3A_491 = arith.addi %get3A_483, %while3A_490 : i32
    %while3A_492 = arith.constant 1 : i32
    %while3A_493 = arith.divsi %while3A_490, %while3A_492 : i32
    %while3A_494 = arith.muli %while3A_493, %while3A_492 : i32
    %while3A_495 = arith.addi %get3A_483, %while3A_494 : i32
    %while3A_496 = arith.constant 1 : i32
    scf.for %while3A_688 = %get3A_483 to %while3A_495 step %while3A_496  : i32 {
      %eq3A = vector.broadcast %while3A_688 : i32 to vector<316x1xi32>
      %eq3A_689 = arith.cmpi eq, %slice3A_480, %eq3A : vector<316x1xi32>
      %jit3A_690 = arith.constant 0xFF800000 : f32
      %broadcast_in_dim3A_691 = vector.shape_cast %eq3A_689 : vector<316x1xi1> to vector<316x1xi1>
      %broadcast_in_dim3A_692 = vector.broadcast %broadcast_in_dim3A_691 : vector<316x1xi1> to vector<316x128xi1>
      %broadcast_in_dim3A_693 = vector.broadcast %jit3A_690 : f32 to vector<316x128xf32>
      %select_n3A_694 = arith.select %broadcast_in_dim3A_692, %slice3A_479, %broadcast_in_dim3A_693 : vector<316x128xi1>, vector<316x128xf32>
      %reduce_max3A = arith.constant dense<0xFF800000> : vector<128xf32>
      %reduce_max3A_695 = vector.multi_reduction <maximumf>, %select_n3A_694, %reduce_max3A [0] : vector<316x128xf32> to vector<128xf32>
      %broadcast_in_dim3A_696 = vector.shape_cast %reduce_max3A_695 : vector<128xf32> to vector<1x128xf32>
      %get3A_697 = arith.index_cast %while3A_688 : i32 to index
      %get3A_698 = arith.constant 0 : index
      %get3A_699 = vector.load %arg8[%get3A_697, %get3A_698] : memref<64x128xf32, #tpu.memory_space<vmem>>, vector<1x128xf32>
      %max3A_700 = arith.maximumf %get3A_699, %broadcast_in_dim3A_696 : vector<1x128xf32>
      %swap3A_701 = arith.index_cast %while3A_688 : i32 to index
      %swap3A_702 = arith.constant 0 : index
      %swap3A_703 = vector.load %arg8[%swap3A_701, %swap3A_702] : memref<64x128xf32, #tpu.memory_space<vmem>>, vector<1x128xf32>
      tpu.vector_store %arg8[%swap3A_701, %swap3A_702], %max3A_700 {strides = array<i32>} : memref<64x128xf32, #tpu.memory_space<vmem>>, vector<1x128xf32>,
    }
    %while3A_497 = arith.constant 1 : i32
    scf.for %while3A_688 = %while3A_495 to %while3A_491 step %while3A_497  : i32 {
      %eq3A = vector.broadcast %while3A_688 : i32 to vector<316x1xi32>
      %eq3A_689 = arith.cmpi eq, %slice3A_480, %eq3A : vector<316x1xi32>
      %jit3A_690 = arith.constant 0xFF800000 : f32
      %broadcast_in_dim3A_691 = vector.shape_cast %eq3A_689 : vector<316x1xi1> to vector<316x1xi1>
      %broadcast_in_dim3A_692 = vector.broadcast %broadcast_in_dim3A_691 : vector<316x1xi1> to vector<316x128xi1>
      %broadcast_in_dim3A_693 = vector.broadcast %jit3A_690 : f32 to vector<316x128xf32>
      %select_n3A_694 = arith.select %broadcast_in_dim3A_692, %slice3A_479, %broadcast_in_dim3A_693 : vector<316x128xi1>, vector<316x128xf32>
      %reduce_max3A = arith.constant dense<0xFF800000> : vector<128xf32>
      %reduce_max3A_695 = vector.multi_reduction <maximumf>, %select_n3A_694, %reduce_max3A [0] : vector<316x128xf32> to vector<128xf32>
      %broadcast_in_dim3A_696 = vector.shape_cast %reduce_max3A_695 : vector<128xf32> to vector<1x128xf32>
      %get3A_697 = arith.index_cast %while3A_688 : i32 to index
      %get3A_698 = arith.constant 0 : index
      %get3A_699 = vector.load %arg8[%get3A_697, %get3A_698] : memref<64x128xf32, #tpu.memory_space<vmem>>, vector<1x128xf32>
      %max3A_700 = arith.maximumf %get3A_699, %broadcast_in_dim3A_696 : vector<1x128xf32>
      %swap3A_701 = arith.index_cast %while3A_688 : i32 to index
      %swap3A_702 = arith.constant 0 : index
      %swap3A_703 = vector.load %arg8[%swap3A_701, %swap3A_702] : memref<64x128xf32, #tpu.memory_space<vmem>>, vector<1x128xf32>
      tpu.vector_store %arg8[%swap3A_701, %swap3A_702], %max3A_700 {strides = array<i32>} : memref<64x128xf32, #tpu.memory_space<vmem>>, vector<1x128xf32>,
    }
    %slice3A_498 = vector.extract_strided_slice %add3A_74 {offsets = [6952, 0], sizes = [316, 128], strides = [1, 1]} : vector<10112x128xf32> to vector<316x128xf32>
    %slice3A_499 = vector.extract_strided_slice %get3A_77 {offsets = [6952, 0], sizes = [316, 1], strides = [1, 1]} : vector<10112x1xi32> to vector<316x1xi32>
    %get3A_500 = arith.constant 22 : index
    %get3A_501 = arith.constant 0 : index
    %get3A_502 = memref.load %arg7[%get3A_500, %get3A_501] : memref<32x2xi32, #tpu.memory_space<smem>>
    %get3A_503 = arith.constant 22 : index
    %get3A_504 = arith.constant 1 : index
    %get3A_505 = memref.load %arg7[%get3A_503, %get3A_504] : memref<32x2xi32, #tpu.memory_space<smem>>
    %add3A_506 = arith.constant 1 : i32
    %add3A_507 = arith.addi %get3A_505, %add3A_506 : i32
    %while3A_508 = arith.constant 0 : i32
    %while3A_509 = arith.subi %add3A_507, %get3A_502 : i32
    %while3A_510 = arith.addi %get3A_502, %while3A_509 : i32
    %while3A_511 = arith.constant 1 : i32
    %while3A_512 = arith.divsi %while3A_509, %while3A_511 : i32
    %while3A_513 = arith.muli %while3A_512, %while3A_511 : i32
    %while3A_514 = arith.addi %get3A_502, %while3A_513 : i32
    %while3A_515 = arith.constant 1 : i32
    scf.for %while3A_688 = %get3A_502 to %while3A_514 step %while3A_515  : i32 {
      %eq3A = vector.broadcast %while3A_688 : i32 to vector<316x1xi32>
      %eq3A_689 = arith.cmpi eq, %slice3A_499, %eq3A : vector<316x1xi32>
      %jit3A_690 = arith.constant 0xFF800000 : f32
      %broadcast_in_dim3A_691 = vector.shape_cast %eq3A_689 : vector<316x1xi1> to vector<316x1xi1>
      %broadcast_in_dim3A_692 = vector.broadcast %broadcast_in_dim3A_691 : vector<316x1xi1> to vector<316x128xi1>
      %broadcast_in_dim3A_693 = vector.broadcast %jit3A_690 : f32 to vector<316x128xf32>
      %select_n3A_694 = arith.select %broadcast_in_dim3A_692, %slice3A_498, %broadcast_in_dim3A_693 : vector<316x128xi1>, vector<316x128xf32>
      %reduce_max3A = arith.constant dense<0xFF800000> : vector<128xf32>
      %reduce_max3A_695 = vector.multi_reduction <maximumf>, %select_n3A_694, %reduce_max3A [0] : vector<316x128xf32> to vector<128xf32>
      %broadcast_in_dim3A_696 = vector.shape_cast %reduce_max3A_695 : vector<128xf32> to vector<1x128xf32>
      %get3A_697 = arith.index_cast %while3A_688 : i32 to index
      %get3A_698 = arith.constant 0 : index
      %get3A_699 = vector.load %arg8[%get3A_697, %get3A_698] : memref<64x128xf32, #tpu.memory_space<vmem>>, vector<1x128xf32>
      %max3A_700 = arith.maximumf %get3A_699, %broadcast_in_dim3A_696 : vector<1x128xf32>
      %swap3A_701 = arith.index_cast %while3A_688 : i32 to index
      %swap3A_702 = arith.constant 0 : index
      %swap3A_703 = vector.load %arg8[%swap3A_701, %swap3A_702] : memref<64x128xf32, #tpu.memory_space<vmem>>, vector<1x128xf32>
      tpu.vector_store %arg8[%swap3A_701, %swap3A_702], %max3A_700 {strides = array<i32>} : memref<64x128xf32, #tpu.memory_space<vmem>>, vector<1x128xf32>,
    }
    %while3A_516 = arith.constant 1 : i32
    scf.for %while3A_688 = %while3A_514 to %while3A_510 step %while3A_516  : i32 {
      %eq3A = vector.broadcast %while3A_688 : i32 to vector<316x1xi32>
      %eq3A_689 = arith.cmpi eq, %slice3A_499, %eq3A : vector<316x1xi32>
      %jit3A_690 = arith.constant 0xFF800000 : f32
      %broadcast_in_dim3A_691 = vector.shape_cast %eq3A_689 : vector<316x1xi1> to vector<316x1xi1>
      %broadcast_in_dim3A_692 = vector.broadcast %broadcast_in_dim3A_691 : vector<316x1xi1> to vector<316x128xi1>
      %broadcast_in_dim3A_693 = vector.broadcast %jit3A_690 : f32 to vector<316x128xf32>
      %select_n3A_694 = arith.select %broadcast_in_dim3A_692, %slice3A_498, %broadcast_in_dim3A_693 : vector<316x128xi1>, vector<316x128xf32>
      %reduce_max3A = arith.constant dense<0xFF800000> : vector<128xf32>
      %reduce_max3A_695 = vector.multi_reduction <maximumf>, %select_n3A_694, %reduce_max3A [0] : vector<316x128xf32> to vector<128xf32>
      %broadcast_in_dim3A_696 = vector.shape_cast %reduce_max3A_695 : vector<128xf32> to vector<1x128xf32>
      %get3A_697 = arith.index_cast %while3A_688 : i32 to index
      %get3A_698 = arith.constant 0 : index
      %get3A_699 = vector.load %arg8[%get3A_697, %get3A_698] : memref<64x128xf32, #tpu.memory_space<vmem>>, vector<1x128xf32>
      %max3A_700 = arith.maximumf %get3A_699, %broadcast_in_dim3A_696 : vector<1x128xf32>
      %swap3A_701 = arith.index_cast %while3A_688 : i32 to index
      %swap3A_702 = arith.constant 0 : index
      %swap3A_703 = vector.load %arg8[%swap3A_701, %swap3A_702] : memref<64x128xf32, #tpu.memory_space<vmem>>, vector<1x128xf32>
      tpu.vector_store %arg8[%swap3A_701, %swap3A_702], %max3A_700 {strides = array<i32>} : memref<64x128xf32, #tpu.memory_space<vmem>>, vector<1x128xf32>,
    }
    %slice3A_517 = vector.extract_strided_slice %add3A_74 {offsets = [7268, 0], sizes = [316, 128], strides = [1, 1]} : vector<10112x128xf32> to vector<316x128xf32>
    %slice3A_518 = vector.extract_strided_slice %get3A_77 {offsets = [7268, 0], sizes = [316, 1], strides = [1, 1]} : vector<10112x1xi32> to vector<316x1xi32>
    %get3A_519 = arith.constant 23 : index
    %get3A_520 = arith.constant 0 : index
    %get3A_521 = memref.load %arg7[%get3A_519, %get3A_520] : memref<32x2xi32, #tpu.memory_space<smem>>
    %get3A_522 = arith.constant 23 : index
    %get3A_523 = arith.constant 1 : index
    %get3A_524 = memref.load %arg7[%get3A_522, %get3A_523] : memref<32x2xi32, #tpu.memory_space<smem>>
    %add3A_525 = arith.constant 1 : i32
    %add3A_526 = arith.addi %get3A_524, %add3A_525 : i32
    %while3A_527 = arith.constant 0 : i32
    %while3A_528 = arith.subi %add3A_526, %get3A_521 : i32
    %while3A_529 = arith.addi %get3A_521, %while3A_528 : i32
    %while3A_530 = arith.constant 1 : i32
    %while3A_531 = arith.divsi %while3A_528, %while3A_530 : i32
    %while3A_532 = arith.muli %while3A_531, %while3A_530 : i32
    %while3A_533 = arith.addi %get3A_521, %while3A_532 : i32
    %while3A_534 = arith.constant 1 : i32
    scf.for %while3A_688 = %get3A_521 to %while3A_533 step %while3A_534  : i32 {
      %eq3A = vector.broadcast %while3A_688 : i32 to vector<316x1xi32>
      %eq3A_689 = arith.cmpi eq, %slice3A_518, %eq3A : vector<316x1xi32>
      %jit3A_690 = arith.constant 0xFF800000 : f32
      %broadcast_in_dim3A_691 = vector.shape_cast %eq3A_689 : vector<316x1xi1> to vector<316x1xi1>
      %broadcast_in_dim3A_692 = vector.broadcast %broadcast_in_dim3A_691 : vector<316x1xi1> to vector<316x128xi1>
      %broadcast_in_dim3A_693 = vector.broadcast %jit3A_690 : f32 to vector<316x128xf32>
      %select_n3A_694 = arith.select %broadcast_in_dim3A_692, %slice3A_517, %broadcast_in_dim3A_693 : vector<316x128xi1>, vector<316x128xf32>
      %reduce_max3A = arith.constant dense<0xFF800000> : vector<128xf32>
      %reduce_max3A_695 = vector.multi_reduction <maximumf>, %select_n3A_694, %reduce_max3A [0] : vector<316x128xf32> to vector<128xf32>
      %broadcast_in_dim3A_696 = vector.shape_cast %reduce_max3A_695 : vector<128xf32> to vector<1x128xf32>
      %get3A_697 = arith.index_cast %while3A_688 : i32 to index
      %get3A_698 = arith.constant 0 : index
      %get3A_699 = vector.load %arg8[%get3A_697, %get3A_698] : memref<64x128xf32, #tpu.memory_space<vmem>>, vector<1x128xf32>
      %max3A_700 = arith.maximumf %get3A_699, %broadcast_in_dim3A_696 : vector<1x128xf32>
      %swap3A_701 = arith.index_cast %while3A_688 : i32 to index
      %swap3A_702 = arith.constant 0 : index
      %swap3A_703 = vector.load %arg8[%swap3A_701, %swap3A_702] : memref<64x128xf32, #tpu.memory_space<vmem>>, vector<1x128xf32>
      tpu.vector_store %arg8[%swap3A_701, %swap3A_702], %max3A_700 {strides = array<i32>} : memref<64x128xf32, #tpu.memory_space<vmem>>, vector<1x128xf32>,
    }
    %while3A_535 = arith.constant 1 : i32
    scf.for %while3A_688 = %while3A_533 to %while3A_529 step %while3A_535  : i32 {
      %eq3A = vector.broadcast %while3A_688 : i32 to vector<316x1xi32>
      %eq3A_689 = arith.cmpi eq, %slice3A_518, %eq3A : vector<316x1xi32>
      %jit3A_690 = arith.constant 0xFF800000 : f32
      %broadcast_in_dim3A_691 = vector.shape_cast %eq3A_689 : vector<316x1xi1> to vector<316x1xi1>
      %broadcast_in_dim3A_692 = vector.broadcast %broadcast_in_dim3A_691 : vector<316x1xi1> to vector<316x128xi1>
      %broadcast_in_dim3A_693 = vector.broadcast %jit3A_690 : f32 to vector<316x128xf32>
      %select_n3A_694 = arith.select %broadcast_in_dim3A_692, %slice3A_517, %broadcast_in_dim3A_693 : vector<316x128xi1>, vector<316x128xf32>
      %reduce_max3A = arith.constant dense<0xFF800000> : vector<128xf32>
      %reduce_max3A_695 = vector.multi_reduction <maximumf>, %select_n3A_694, %reduce_max3A [0] : vector<316x128xf32> to vector<128xf32>
      %broadcast_in_dim3A_696 = vector.shape_cast %reduce_max3A_695 : vector<128xf32> to vector<1x128xf32>
      %get3A_697 = arith.index_cast %while3A_688 : i32 to index
      %get3A_698 = arith.constant 0 : index
      %get3A_699 = vector.load %arg8[%get3A_697, %get3A_698] : memref<64x128xf32, #tpu.memory_space<vmem>>, vector<1x128xf32>
      %max3A_700 = arith.maximumf %get3A_699, %broadcast_in_dim3A_696 : vector<1x128xf32>
      %swap3A_701 = arith.index_cast %while3A_688 : i32 to index
      %swap3A_702 = arith.constant 0 : index
      %swap3A_703 = vector.load %arg8[%swap3A_701, %swap3A_702] : memref<64x128xf32, #tpu.memory_space<vmem>>, vector<1x128xf32>
      tpu.vector_store %arg8[%swap3A_701, %swap3A_702], %max3A_700 {strides = array<i32>} : memref<64x128xf32, #tpu.memory_space<vmem>>, vector<1x128xf32>,
    }
    %slice3A_536 = vector.extract_strided_slice %add3A_74 {offsets = [7584, 0], sizes = [316, 128], strides = [1, 1]} : vector<10112x128xf32> to vector<316x128xf32>
    %slice3A_537 = vector.extract_strided_slice %get3A_77 {offsets = [7584, 0], sizes = [316, 1], strides = [1, 1]} : vector<10112x1xi32> to vector<316x1xi32>
    %get3A_538 = arith.constant 24 : index
    %get3A_539 = arith.constant 0 : index
    %get3A_540 = memref.load %arg7[%get3A_538, %get3A_539] : memref<32x2xi32, #tpu.memory_space<smem>>
    %get3A_541 = arith.constant 24 : index
    %get3A_542 = arith.constant 1 : index
    %get3A_543 = memref.load %arg7[%get3A_541, %get3A_542] : memref<32x2xi32, #tpu.memory_space<smem>>
    %add3A_544 = arith.constant 1 : i32
    %add3A_545 = arith.addi %get3A_543, %add3A_544 : i32
    %while3A_546 = arith.constant 0 : i32
    %while3A_547 = arith.subi %add3A_545, %get3A_540 : i32
    %while3A_548 = arith.addi %get3A_540, %while3A_547 : i32
    %while3A_549 = arith.constant 1 : i32
    %while3A_550 = arith.divsi %while3A_547, %while3A_549 : i32
    %while3A_551 = arith.muli %while3A_550, %while3A_549 : i32
    %while3A_552 = arith.addi %get3A_540, %while3A_551 : i32
    %while3A_553 = arith.constant 1 : i32
    scf.for %while3A_688 = %get3A_540 to %while3A_552 step %while3A_553  : i32 {
      %eq3A = vector.broadcast %while3A_688 : i32 to vector<316x1xi32>
      %eq3A_689 = arith.cmpi eq, %slice3A_537, %eq3A : vector<316x1xi32>
      %jit3A_690 = arith.constant 0xFF800000 : f32
      %broadcast_in_dim3A_691 = vector.shape_cast %eq3A_689 : vector<316x1xi1> to vector<316x1xi1>
      %broadcast_in_dim3A_692 = vector.broadcast %broadcast_in_dim3A_691 : vector<316x1xi1> to vector<316x128xi1>
      %broadcast_in_dim3A_693 = vector.broadcast %jit3A_690 : f32 to vector<316x128xf32>
      %select_n3A_694 = arith.select %broadcast_in_dim3A_692, %slice3A_536, %broadcast_in_dim3A_693 : vector<316x128xi1>, vector<316x128xf32>
      %reduce_max3A = arith.constant dense<0xFF800000> : vector<128xf32>
      %reduce_max3A_695 = vector.multi_reduction <maximumf>, %select_n3A_694, %reduce_max3A [0] : vector<316x128xf32> to vector<128xf32>
      %broadcast_in_dim3A_696 = vector.shape_cast %reduce_max3A_695 : vector<128xf32> to vector<1x128xf32>
      %get3A_697 = arith.index_cast %while3A_688 : i32 to index
      %get3A_698 = arith.constant 0 : index
      %get3A_699 = vector.load %arg8[%get3A_697, %get3A_698] : memref<64x128xf32, #tpu.memory_space<vmem>>, vector<1x128xf32>
      %max3A_700 = arith.maximumf %get3A_699, %broadcast_in_dim3A_696 : vector<1x128xf32>
      %swap3A_701 = arith.index_cast %while3A_688 : i32 to index
      %swap3A_702 = arith.constant 0 : index
      %swap3A_703 = vector.load %arg8[%swap3A_701, %swap3A_702] : memref<64x128xf32, #tpu.memory_space<vmem>>, vector<1x128xf32>
      tpu.vector_store %arg8[%swap3A_701, %swap3A_702], %max3A_700 {strides = array<i32>} : memref<64x128xf32, #tpu.memory_space<vmem>>, vector<1x128xf32>,
    }
    %while3A_554 = arith.constant 1 : i32
    scf.for %while3A_688 = %while3A_552 to %while3A_548 step %while3A_554  : i32 {
      %eq3A = vector.broadcast %while3A_688 : i32 to vector<316x1xi32>
      %eq3A_689 = arith.cmpi eq, %slice3A_537, %eq3A : vector<316x1xi32>
      %jit3A_690 = arith.constant 0xFF800000 : f32
      %broadcast_in_dim3A_691 = vector.shape_cast %eq3A_689 : vector<316x1xi1> to vector<316x1xi1>
      %broadcast_in_dim3A_692 = vector.broadcast %broadcast_in_dim3A_691 : vector<316x1xi1> to vector<316x128xi1>
      %broadcast_in_dim3A_693 = vector.broadcast %jit3A_690 : f32 to vector<316x128xf32>
      %select_n3A_694 = arith.select %broadcast_in_dim3A_692, %slice3A_536, %broadcast_in_dim3A_693 : vector<316x128xi1>, vector<316x128xf32>
      %reduce_max3A = arith.constant dense<0xFF800000> : vector<128xf32>
      %reduce_max3A_695 = vector.multi_reduction <maximumf>, %select_n3A_694, %reduce_max3A [0] : vector<316x128xf32> to vector<128xf32>
      %broadcast_in_dim3A_696 = vector.shape_cast %reduce_max3A_695 : vector<128xf32> to vector<1x128xf32>
      %get3A_697 = arith.index_cast %while3A_688 : i32 to index
      %get3A_698 = arith.constant 0 : index
      %get3A_699 = vector.load %arg8[%get3A_697, %get3A_698] : memref<64x128xf32, #tpu.memory_space<vmem>>, vector<1x128xf32>
      %max3A_700 = arith.maximumf %get3A_699, %broadcast_in_dim3A_696 : vector<1x128xf32>
      %swap3A_701 = arith.index_cast %while3A_688 : i32 to index
      %swap3A_702 = arith.constant 0 : index
      %swap3A_703 = vector.load %arg8[%swap3A_701, %swap3A_702] : memref<64x128xf32, #tpu.memory_space<vmem>>, vector<1x128xf32>
      tpu.vector_store %arg8[%swap3A_701, %swap3A_702], %max3A_700 {strides = array<i32>} : memref<64x128xf32, #tpu.memory_space<vmem>>, vector<1x128xf32>,
    }
    %slice3A_555 = vector.extract_strided_slice %add3A_74 {offsets = [7900, 0], sizes = [316, 128], strides = [1, 1]} : vector<10112x128xf32> to vector<316x128xf32>
    %slice3A_556 = vector.extract_strided_slice %get3A_77 {offsets = [7900, 0], sizes = [316, 1], strides = [1, 1]} : vector<10112x1xi32> to vector<316x1xi32>
    %get3A_557 = arith.constant 25 : index
    %get3A_558 = arith.constant 0 : index
    %get3A_559 = memref.load %arg7[%get3A_557, %get3A_558] : memref<32x2xi32, #tpu.memory_space<smem>>
    %get3A_560 = arith.constant 25 : index
    %get3A_561 = arith.constant 1 : index
    %get3A_562 = memref.load %arg7[%get3A_560, %get3A_561] : memref<32x2xi32, #tpu.memory_space<smem>>
    %add3A_563 = arith.constant 1 : i32
    %add3A_564 = arith.addi %get3A_562, %add3A_563 : i32
    %while3A_565 = arith.constant 0 : i32
    %while3A_566 = arith.subi %add3A_564, %get3A_559 : i32
    %while3A_567 = arith.addi %get3A_559, %while3A_566 : i32
    %while3A_568 = arith.constant 1 : i32
    %while3A_569 = arith.divsi %while3A_566, %while3A_568 : i32
    %while3A_570 = arith.muli %while3A_569, %while3A_568 : i32
    %while3A_571 = arith.addi %get3A_559, %while3A_570 : i32
    %while3A_572 = arith.constant 1 : i32
    scf.for %while3A_688 = %get3A_559 to %while3A_571 step %while3A_572  : i32 {
      %eq3A = vector.broadcast %while3A_688 : i32 to vector<316x1xi32>
      %eq3A_689 = arith.cmpi eq, %slice3A_556, %eq3A : vector<316x1xi32>
      %jit3A_690 = arith.constant 0xFF800000 : f32
      %broadcast_in_dim3A_691 = vector.shape_cast %eq3A_689 : vector<316x1xi1> to vector<316x1xi1>
      %broadcast_in_dim3A_692 = vector.broadcast %broadcast_in_dim3A_691 : vector<316x1xi1> to vector<316x128xi1>
      %broadcast_in_dim3A_693 = vector.broadcast %jit3A_690 : f32 to vector<316x128xf32>
      %select_n3A_694 = arith.select %broadcast_in_dim3A_692, %slice3A_555, %broadcast_in_dim3A_693 : vector<316x128xi1>, vector<316x128xf32>
      %reduce_max3A = arith.constant dense<0xFF800000> : vector<128xf32>
      %reduce_max3A_695 = vector.multi_reduction <maximumf>, %select_n3A_694, %reduce_max3A [0] : vector<316x128xf32> to vector<128xf32>
      %broadcast_in_dim3A_696 = vector.shape_cast %reduce_max3A_695 : vector<128xf32> to vector<1x128xf32>
      %get3A_697 = arith.index_cast %while3A_688 : i32 to index
      %get3A_698 = arith.constant 0 : index
      %get3A_699 = vector.load %arg8[%get3A_697, %get3A_698] : memref<64x128xf32, #tpu.memory_space<vmem>>, vector<1x128xf32>
      %max3A_700 = arith.maximumf %get3A_699, %broadcast_in_dim3A_696 : vector<1x128xf32>
      %swap3A_701 = arith.index_cast %while3A_688 : i32 to index
      %swap3A_702 = arith.constant 0 : index
      %swap3A_703 = vector.load %arg8[%swap3A_701, %swap3A_702] : memref<64x128xf32, #tpu.memory_space<vmem>>, vector<1x128xf32>
      tpu.vector_store %arg8[%swap3A_701, %swap3A_702], %max3A_700 {strides = array<i32>} : memref<64x128xf32, #tpu.memory_space<vmem>>, vector<1x128xf32>,
    }
    %while3A_573 = arith.constant 1 : i32
    scf.for %while3A_688 = %while3A_571 to %while3A_567 step %while3A_573  : i32 {
      %eq3A = vector.broadcast %while3A_688 : i32 to vector<316x1xi32>
      %eq3A_689 = arith.cmpi eq, %slice3A_556, %eq3A : vector<316x1xi32>
      %jit3A_690 = arith.constant 0xFF800000 : f32
      %broadcast_in_dim3A_691 = vector.shape_cast %eq3A_689 : vector<316x1xi1> to vector<316x1xi1>
      %broadcast_in_dim3A_692 = vector.broadcast %broadcast_in_dim3A_691 : vector<316x1xi1> to vector<316x128xi1>
      %broadcast_in_dim3A_693 = vector.broadcast %jit3A_690 : f32 to vector<316x128xf32>
      %select_n3A_694 = arith.select %broadcast_in_dim3A_692, %slice3A_555, %broadcast_in_dim3A_693 : vector<316x128xi1>, vector<316x128xf32>
      %reduce_max3A = arith.constant dense<0xFF800000> : vector<128xf32>
      %reduce_max3A_695 = vector.multi_reduction <maximumf>, %select_n3A_694, %reduce_max3A [0] : vector<316x128xf32> to vector<128xf32>
      %broadcast_in_dim3A_696 = vector.shape_cast %reduce_max3A_695 : vector<128xf32> to vector<1x128xf32>
      %get3A_697 = arith.index_cast %while3A_688 : i32 to index
      %get3A_698 = arith.constant 0 : index
      %get3A_699 = vector.load %arg8[%get3A_697, %get3A_698] : memref<64x128xf32, #tpu.memory_space<vmem>>, vector<1x128xf32>
      %max3A_700 = arith.maximumf %get3A_699, %broadcast_in_dim3A_696 : vector<1x128xf32>
      %swap3A_701 = arith.index_cast %while3A_688 : i32 to index
      %swap3A_702 = arith.constant 0 : index
      %swap3A_703 = vector.load %arg8[%swap3A_701, %swap3A_702] : memref<64x128xf32, #tpu.memory_space<vmem>>, vector<1x128xf32>
      tpu.vector_store %arg8[%swap3A_701, %swap3A_702], %max3A_700 {strides = array<i32>} : memref<64x128xf32, #tpu.memory_space<vmem>>, vector<1x128xf32>,
    }
    %slice3A_574 = vector.extract_strided_slice %add3A_74 {offsets = [8216, 0], sizes = [316, 128], strides = [1, 1]} : vector<10112x128xf32> to vector<316x128xf32>
    %slice3A_575 = vector.extract_strided_slice %get3A_77 {offsets = [8216, 0], sizes = [316, 1], strides = [1, 1]} : vector<10112x1xi32> to vector<316x1xi32>
    %get3A_576 = arith.constant 26 : index
    %get3A_577 = arith.constant 0 : index
    %get3A_578 = memref.load %arg7[%get3A_576, %get3A_577] : memref<32x2xi32, #tpu.memory_space<smem>>
    %get3A_579 = arith.constant 26 : index
    %get3A_580 = arith.constant 1 : index
    %get3A_581 = memref.load %arg7[%get3A_579, %get3A_580] : memref<32x2xi32, #tpu.memory_space<smem>>
    %add3A_582 = arith.constant 1 : i32
    %add3A_583 = arith.addi %get3A_581, %add3A_582 : i32
    %while3A_584 = arith.constant 0 : i32
    %while3A_585 = arith.subi %add3A_583, %get3A_578 : i32
    %while3A_586 = arith.addi %get3A_578, %while3A_585 : i32
    %while3A_587 = arith.constant 1 : i32
    %while3A_588 = arith.divsi %while3A_585, %while3A_587 : i32
    %while3A_589 = arith.muli %while3A_588, %while3A_587 : i32
    %while3A_590 = arith.addi %get3A_578, %while3A_589 : i32
    %while3A_591 = arith.constant 1 : i32
    scf.for %while3A_688 = %get3A_578 to %while3A_590 step %while3A_591  : i32 {
      %eq3A = vector.broadcast %while3A_688 : i32 to vector<316x1xi32>
      %eq3A_689 = arith.cmpi eq, %slice3A_575, %eq3A : vector<316x1xi32>
      %jit3A_690 = arith.constant 0xFF800000 : f32
      %broadcast_in_dim3A_691 = vector.shape_cast %eq3A_689 : vector<316x1xi1> to vector<316x1xi1>
      %broadcast_in_dim3A_692 = vector.broadcast %broadcast_in_dim3A_691 : vector<316x1xi1> to vector<316x128xi1>
      %broadcast_in_dim3A_693 = vector.broadcast %jit3A_690 : f32 to vector<316x128xf32>
      %select_n3A_694 = arith.select %broadcast_in_dim3A_692, %slice3A_574, %broadcast_in_dim3A_693 : vector<316x128xi1>, vector<316x128xf32>
      %reduce_max3A = arith.constant dense<0xFF800000> : vector<128xf32>
      %reduce_max3A_695 = vector.multi_reduction <maximumf>, %select_n3A_694, %reduce_max3A [0] : vector<316x128xf32> to vector<128xf32>
      %broadcast_in_dim3A_696 = vector.shape_cast %reduce_max3A_695 : vector<128xf32> to vector<1x128xf32>
      %get3A_697 = arith.index_cast %while3A_688 : i32 to index
      %get3A_698 = arith.constant 0 : index
      %get3A_699 = vector.load %arg8[%get3A_697, %get3A_698] : memref<64x128xf32, #tpu.memory_space<vmem>>, vector<1x128xf32>
      %max3A_700 = arith.maximumf %get3A_699, %broadcast_in_dim3A_696 : vector<1x128xf32>
      %swap3A_701 = arith.index_cast %while3A_688 : i32 to index
      %swap3A_702 = arith.constant 0 : index
      %swap3A_703 = vector.load %arg8[%swap3A_701, %swap3A_702] : memref<64x128xf32, #tpu.memory_space<vmem>>, vector<1x128xf32>
      tpu.vector_store %arg8[%swap3A_701, %swap3A_702], %max3A_700 {strides = array<i32>} : memref<64x128xf32, #tpu.memory_space<vmem>>, vector<1x128xf32>,
    }
    %while3A_592 = arith.constant 1 : i32
    scf.for %while3A_688 = %while3A_590 to %while3A_586 step %while3A_592  : i32 {
      %eq3A = vector.broadcast %while3A_688 : i32 to vector<316x1xi32>
      %eq3A_689 = arith.cmpi eq, %slice3A_575, %eq3A : vector<316x1xi32>
      %jit3A_690 = arith.constant 0xFF800000 : f32
      %broadcast_in_dim3A_691 = vector.shape_cast %eq3A_689 : vector<316x1xi1> to vector<316x1xi1>
      %broadcast_in_dim3A_692 = vector.broadcast %broadcast_in_dim3A_691 : vector<316x1xi1> to vector<316x128xi1>
      %broadcast_in_dim3A_693 = vector.broadcast %jit3A_690 : f32 to vector<316x128xf32>
      %select_n3A_694 = arith.select %broadcast_in_dim3A_692, %slice3A_574, %broadcast_in_dim3A_693 : vector<316x128xi1>, vector<316x128xf32>
      %reduce_max3A = arith.constant dense<0xFF800000> : vector<128xf32>
      %reduce_max3A_695 = vector.multi_reduction <maximumf>, %select_n3A_694, %reduce_max3A [0] : vector<316x128xf32> to vector<128xf32>
      %broadcast_in_dim3A_696 = vector.shape_cast %reduce_max3A_695 : vector<128xf32> to vector<1x128xf32>
      %get3A_697 = arith.index_cast %while3A_688 : i32 to index
      %get3A_698 = arith.constant 0 : index
      %get3A_699 = vector.load %arg8[%get3A_697, %get3A_698] : memref<64x128xf32, #tpu.memory_space<vmem>>, vector<1x128xf32>
      %max3A_700 = arith.maximumf %get3A_699, %broadcast_in_dim3A_696 : vector<1x128xf32>
      %swap3A_701 = arith.index_cast %while3A_688 : i32 to index
      %swap3A_702 = arith.constant 0 : index
      %swap3A_703 = vector.load %arg8[%swap3A_701, %swap3A_702] : memref<64x128xf32, #tpu.memory_space<vmem>>, vector<1x128xf32>
      tpu.vector_store %arg8[%swap3A_701, %swap3A_702], %max3A_700 {strides = array<i32>} : memref<64x128xf32, #tpu.memory_space<vmem>>, vector<1x128xf32>,
    }
    %slice3A_593 = vector.extract_strided_slice %add3A_74 {offsets = [8532, 0], sizes = [316, 128], strides = [1, 1]} : vector<10112x128xf32> to vector<316x128xf32>
    %slice3A_594 = vector.extract_strided_slice %get3A_77 {offsets = [8532, 0], sizes = [316, 1], strides = [1, 1]} : vector<10112x1xi32> to vector<316x1xi32>
    %get3A_595 = arith.constant 27 : index
    %get3A_596 = arith.constant 0 : index
    %get3A_597 = memref.load %arg7[%get3A_595, %get3A_596] : memref<32x2xi32, #tpu.memory_space<smem>>
    %get3A_598 = arith.constant 27 : index
    %get3A_599 = arith.constant 1 : index
    %get3A_600 = memref.load %arg7[%get3A_598, %get3A_599] : memref<32x2xi32, #tpu.memory_space<smem>>
    %add3A_601 = arith.constant 1 : i32
    %add3A_602 = arith.addi %get3A_600, %add3A_601 : i32
    %while3A_603 = arith.constant 0 : i32
    %while3A_604 = arith.subi %add3A_602, %get3A_597 : i32
    %while3A_605 = arith.addi %get3A_597, %while3A_604 : i32
    %while3A_606 = arith.constant 1 : i32
    %while3A_607 = arith.divsi %while3A_604, %while3A_606 : i32
    %while3A_608 = arith.muli %while3A_607, %while3A_606 : i32
    %while3A_609 = arith.addi %get3A_597, %while3A_608 : i32
    %while3A_610 = arith.constant 1 : i32
    scf.for %while3A_688 = %get3A_597 to %while3A_609 step %while3A_610  : i32 {
      %eq3A = vector.broadcast %while3A_688 : i32 to vector<316x1xi32>
      %eq3A_689 = arith.cmpi eq, %slice3A_594, %eq3A : vector<316x1xi32>
      %jit3A_690 = arith.constant 0xFF800000 : f32
      %broadcast_in_dim3A_691 = vector.shape_cast %eq3A_689 : vector<316x1xi1> to vector<316x1xi1>
      %broadcast_in_dim3A_692 = vector.broadcast %broadcast_in_dim3A_691 : vector<316x1xi1> to vector<316x128xi1>
      %broadcast_in_dim3A_693 = vector.broadcast %jit3A_690 : f32 to vector<316x128xf32>
      %select_n3A_694 = arith.select %broadcast_in_dim3A_692, %slice3A_593, %broadcast_in_dim3A_693 : vector<316x128xi1>, vector<316x128xf32>
      %reduce_max3A = arith.constant dense<0xFF800000> : vector<128xf32>
      %reduce_max3A_695 = vector.multi_reduction <maximumf>, %select_n3A_694, %reduce_max3A [0] : vector<316x128xf32> to vector<128xf32>
      %broadcast_in_dim3A_696 = vector.shape_cast %reduce_max3A_695 : vector<128xf32> to vector<1x128xf32>
      %get3A_697 = arith.index_cast %while3A_688 : i32 to index
      %get3A_698 = arith.constant 0 : index
      %get3A_699 = vector.load %arg8[%get3A_697, %get3A_698] : memref<64x128xf32, #tpu.memory_space<vmem>>, vector<1x128xf32>
      %max3A_700 = arith.maximumf %get3A_699, %broadcast_in_dim3A_696 : vector<1x128xf32>
      %swap3A_701 = arith.index_cast %while3A_688 : i32 to index
      %swap3A_702 = arith.constant 0 : index
      %swap3A_703 = vector.load %arg8[%swap3A_701, %swap3A_702] : memref<64x128xf32, #tpu.memory_space<vmem>>, vector<1x128xf32>
      tpu.vector_store %arg8[%swap3A_701, %swap3A_702], %max3A_700 {strides = array<i32>} : memref<64x128xf32, #tpu.memory_space<vmem>>, vector<1x128xf32>,
    }
    %while3A_611 = arith.constant 1 : i32
    scf.for %while3A_688 = %while3A_609 to %while3A_605 step %while3A_611  : i32 {
      %eq3A = vector.broadcast %while3A_688 : i32 to vector<316x1xi32>
      %eq3A_689 = arith.cmpi eq, %slice3A_594, %eq3A : vector<316x1xi32>
      %jit3A_690 = arith.constant 0xFF800000 : f32
      %broadcast_in_dim3A_691 = vector.shape_cast %eq3A_689 : vector<316x1xi1> to vector<316x1xi1>
      %broadcast_in_dim3A_692 = vector.broadcast %broadcast_in_dim3A_691 : vector<316x1xi1> to vector<316x128xi1>
      %broadcast_in_dim3A_693 = vector.broadcast %jit3A_690 : f32 to vector<316x128xf32>
      %select_n3A_694 = arith.select %broadcast_in_dim3A_692, %slice3A_593, %broadcast_in_dim3A_693 : vector<316x128xi1>, vector<316x128xf32>
      %reduce_max3A = arith.constant dense<0xFF800000> : vector<128xf32>
      %reduce_max3A_695 = vector.multi_reduction <maximumf>, %select_n3A_694, %reduce_max3A [0] : vector<316x128xf32> to vector<128xf32>
      %broadcast_in_dim3A_696 = vector.shape_cast %reduce_max3A_695 : vector<128xf32> to vector<1x128xf32>
      %get3A_697 = arith.index_cast %while3A_688 : i32 to index
      %get3A_698 = arith.constant 0 : index
      %get3A_699 = vector.load %arg8[%get3A_697, %get3A_698] : memref<64x128xf32, #tpu.memory_space<vmem>>, vector<1x128xf32>
      %max3A_700 = arith.maximumf %get3A_699, %broadcast_in_dim3A_696 : vector<1x128xf32>
      %swap3A_701 = arith.index_cast %while3A_688 : i32 to index
      %swap3A_702 = arith.constant 0 : index
      %swap3A_703 = vector.load %arg8[%swap3A_701, %swap3A_702] : memref<64x128xf32, #tpu.memory_space<vmem>>, vector<1x128xf32>
      tpu.vector_store %arg8[%swap3A_701, %swap3A_702], %max3A_700 {strides = array<i32>} : memref<64x128xf32, #tpu.memory_space<vmem>>, vector<1x128xf32>,
    }
    %slice3A_612 = vector.extract_strided_slice %add3A_74 {offsets = [8848, 0], sizes = [316, 128], strides = [1, 1]} : vector<10112x128xf32> to vector<316x128xf32>
    %slice3A_613 = vector.extract_strided_slice %get3A_77 {offsets = [8848, 0], sizes = [316, 1], strides = [1, 1]} : vector<10112x1xi32> to vector<316x1xi32>
    %get3A_614 = arith.constant 28 : index
    %get3A_615 = arith.constant 0 : index
    %get3A_616 = memref.load %arg7[%get3A_614, %get3A_615] : memref<32x2xi32, #tpu.memory_space<smem>>
    %get3A_617 = arith.constant 28 : index
    %get3A_618 = arith.constant 1 : index
    %get3A_619 = memref.load %arg7[%get3A_617, %get3A_618] : memref<32x2xi32, #tpu.memory_space<smem>>
    %add3A_620 = arith.constant 1 : i32
    %add3A_621 = arith.addi %get3A_619, %add3A_620 : i32
    %while3A_622 = arith.constant 0 : i32
    %while3A_623 = arith.subi %add3A_621, %get3A_616 : i32
    %while3A_624 = arith.addi %get3A_616, %while3A_623 : i32
    %while3A_625 = arith.constant 1 : i32
    %while3A_626 = arith.divsi %while3A_623, %while3A_625 : i32
    %while3A_627 = arith.muli %while3A_626, %while3A_625 : i32
    %while3A_628 = arith.addi %get3A_616, %while3A_627 : i32
    %while3A_629 = arith.constant 1 : i32
    scf.for %while3A_688 = %get3A_616 to %while3A_628 step %while3A_629  : i32 {
      %eq3A = vector.broadcast %while3A_688 : i32 to vector<316x1xi32>
      %eq3A_689 = arith.cmpi eq, %slice3A_613, %eq3A : vector<316x1xi32>
      %jit3A_690 = arith.constant 0xFF800000 : f32
      %broadcast_in_dim3A_691 = vector.shape_cast %eq3A_689 : vector<316x1xi1> to vector<316x1xi1>
      %broadcast_in_dim3A_692 = vector.broadcast %broadcast_in_dim3A_691 : vector<316x1xi1> to vector<316x128xi1>
      %broadcast_in_dim3A_693 = vector.broadcast %jit3A_690 : f32 to vector<316x128xf32>
      %select_n3A_694 = arith.select %broadcast_in_dim3A_692, %slice3A_612, %broadcast_in_dim3A_693 : vector<316x128xi1>, vector<316x128xf32>
      %reduce_max3A = arith.constant dense<0xFF800000> : vector<128xf32>
      %reduce_max3A_695 = vector.multi_reduction <maximumf>, %select_n3A_694, %reduce_max3A [0] : vector<316x128xf32> to vector<128xf32>
      %broadcast_in_dim3A_696 = vector.shape_cast %reduce_max3A_695 : vector<128xf32> to vector<1x128xf32>
      %get3A_697 = arith.index_cast %while3A_688 : i32 to index
      %get3A_698 = arith.constant 0 : index
      %get3A_699 = vector.load %arg8[%get3A_697, %get3A_698] : memref<64x128xf32, #tpu.memory_space<vmem>>, vector<1x128xf32>
      %max3A_700 = arith.maximumf %get3A_699, %broadcast_in_dim3A_696 : vector<1x128xf32>
      %swap3A_701 = arith.index_cast %while3A_688 : i32 to index
      %swap3A_702 = arith.constant 0 : index
      %swap3A_703 = vector.load %arg8[%swap3A_701, %swap3A_702] : memref<64x128xf32, #tpu.memory_space<vmem>>, vector<1x128xf32>
      tpu.vector_store %arg8[%swap3A_701, %swap3A_702], %max3A_700 {strides = array<i32>} : memref<64x128xf32, #tpu.memory_space<vmem>>, vector<1x128xf32>,
    }
    %while3A_630 = arith.constant 1 : i32
    scf.for %while3A_688 = %while3A_628 to %while3A_624 step %while3A_630  : i32 {
      %eq3A = vector.broadcast %while3A_688 : i32 to vector<316x1xi32>
      %eq3A_689 = arith.cmpi eq, %slice3A_613, %eq3A : vector<316x1xi32>
      %jit3A_690 = arith.constant 0xFF800000 : f32
      %broadcast_in_dim3A_691 = vector.shape_cast %eq3A_689 : vector<316x1xi1> to vector<316x1xi1>
      %broadcast_in_dim3A_692 = vector.broadcast %broadcast_in_dim3A_691 : vector<316x1xi1> to vector<316x128xi1>
      %broadcast_in_dim3A_693 = vector.broadcast %jit3A_690 : f32 to vector<316x128xf32>
      %select_n3A_694 = arith.select %broadcast_in_dim3A_692, %slice3A_612, %broadcast_in_dim3A_693 : vector<316x128xi1>, vector<316x128xf32>
      %reduce_max3A = arith.constant dense<0xFF800000> : vector<128xf32>
      %reduce_max3A_695 = vector.multi_reduction <maximumf>, %select_n3A_694, %reduce_max3A [0] : vector<316x128xf32> to vector<128xf32>
      %broadcast_in_dim3A_696 = vector.shape_cast %reduce_max3A_695 : vector<128xf32> to vector<1x128xf32>
      %get3A_697 = arith.index_cast %while3A_688 : i32 to index
      %get3A_698 = arith.constant 0 : index
      %get3A_699 = vector.load %arg8[%get3A_697, %get3A_698] : memref<64x128xf32, #tpu.memory_space<vmem>>, vector<1x128xf32>
      %max3A_700 = arith.maximumf %get3A_699, %broadcast_in_dim3A_696 : vector<1x128xf32>
      %swap3A_701 = arith.index_cast %while3A_688 : i32 to index
      %swap3A_702 = arith.constant 0 : index
      %swap3A_703 = vector.load %arg8[%swap3A_701, %swap3A_702] : memref<64x128xf32, #tpu.memory_space<vmem>>, vector<1x128xf32>
      tpu.vector_store %arg8[%swap3A_701, %swap3A_702], %max3A_700 {strides = array<i32>} : memref<64x128xf32, #tpu.memory_space<vmem>>, vector<1x128xf32>,
    }
    %slice3A_631 = vector.extract_strided_slice %add3A_74 {offsets = [9164, 0], sizes = [316, 128], strides = [1, 1]} : vector<10112x128xf32> to vector<316x128xf32>
    %slice3A_632 = vector.extract_strided_slice %get3A_77 {offsets = [9164, 0], sizes = [316, 1], strides = [1, 1]} : vector<10112x1xi32> to vector<316x1xi32>
    %get3A_633 = arith.constant 29 : index
    %get3A_634 = arith.constant 0 : index
    %get3A_635 = memref.load %arg7[%get3A_633, %get3A_634] : memref<32x2xi32, #tpu.memory_space<smem>>
    %get3A_636 = arith.constant 29 : index
    %get3A_637 = arith.constant 1 : index
    %get3A_638 = memref.load %arg7[%get3A_636, %get3A_637] : memref<32x2xi32, #tpu.memory_space<smem>>
    %add3A_639 = arith.constant 1 : i32
    %add3A_640 = arith.addi %get3A_638, %add3A_639 : i32
    %while3A_641 = arith.constant 0 : i32
    %while3A_642 = arith.subi %add3A_640, %get3A_635 : i32
    %while3A_643 = arith.addi %get3A_635, %while3A_642 : i32
    %while3A_644 = arith.constant 1 : i32
    %while3A_645 = arith.divsi %while3A_642, %while3A_644 : i32
    %while3A_646 = arith.muli %while3A_645, %while3A_644 : i32
    %while3A_647 = arith.addi %get3A_635, %while3A_646 : i32
    %while3A_648 = arith.constant 1 : i32
    scf.for %while3A_688 = %get3A_635 to %while3A_647 step %while3A_648  : i32 {
      %eq3A = vector.broadcast %while3A_688 : i32 to vector<316x1xi32>
      %eq3A_689 = arith.cmpi eq, %slice3A_632, %eq3A : vector<316x1xi32>
      %jit3A_690 = arith.constant 0xFF800000 : f32
      %broadcast_in_dim3A_691 = vector.shape_cast %eq3A_689 : vector<316x1xi1> to vector<316x1xi1>
      %broadcast_in_dim3A_692 = vector.broadcast %broadcast_in_dim3A_691 : vector<316x1xi1> to vector<316x128xi1>
      %broadcast_in_dim3A_693 = vector.broadcast %jit3A_690 : f32 to vector<316x128xf32>
      %select_n3A_694 = arith.select %broadcast_in_dim3A_692, %slice3A_631, %broadcast_in_dim3A_693 : vector<316x128xi1>, vector<316x128xf32>
      %reduce_max3A = arith.constant dense<0xFF800000> : vector<128xf32>
      %reduce_max3A_695 = vector.multi_reduction <maximumf>, %select_n3A_694, %reduce_max3A [0] : vector<316x128xf32> to vector<128xf32>
      %broadcast_in_dim3A_696 = vector.shape_cast %reduce_max3A_695 : vector<128xf32> to vector<1x128xf32>
      %get3A_697 = arith.index_cast %while3A_688 : i32 to index
      %get3A_698 = arith.constant 0 : index
      %get3A_699 = vector.load %arg8[%get3A_697, %get3A_698] : memref<64x128xf32, #tpu.memory_space<vmem>>, vector<1x128xf32>
      %max3A_700 = arith.maximumf %get3A_699, %broadcast_in_dim3A_696 : vector<1x128xf32>
      %swap3A_701 = arith.index_cast %while3A_688 : i32 to index
      %swap3A_702 = arith.constant 0 : index
      %swap3A_703 = vector.load %arg8[%swap3A_701, %swap3A_702] : memref<64x128xf32, #tpu.memory_space<vmem>>, vector<1x128xf32>
      tpu.vector_store %arg8[%swap3A_701, %swap3A_702], %max3A_700 {strides = array<i32>} : memref<64x128xf32, #tpu.memory_space<vmem>>, vector<1x128xf32>,
    }
    %while3A_649 = arith.constant 1 : i32
    scf.for %while3A_688 = %while3A_647 to %while3A_643 step %while3A_649  : i32 {
      %eq3A = vector.broadcast %while3A_688 : i32 to vector<316x1xi32>
      %eq3A_689 = arith.cmpi eq, %slice3A_632, %eq3A : vector<316x1xi32>
      %jit3A_690 = arith.constant 0xFF800000 : f32
      %broadcast_in_dim3A_691 = vector.shape_cast %eq3A_689 : vector<316x1xi1> to vector<316x1xi1>
      %broadcast_in_dim3A_692 = vector.broadcast %broadcast_in_dim3A_691 : vector<316x1xi1> to vector<316x128xi1>
      %broadcast_in_dim3A_693 = vector.broadcast %jit3A_690 : f32 to vector<316x128xf32>
      %select_n3A_694 = arith.select %broadcast_in_dim3A_692, %slice3A_631, %broadcast_in_dim3A_693 : vector<316x128xi1>, vector<316x128xf32>
      %reduce_max3A = arith.constant dense<0xFF800000> : vector<128xf32>
      %reduce_max3A_695 = vector.multi_reduction <maximumf>, %select_n3A_694, %reduce_max3A [0] : vector<316x128xf32> to vector<128xf32>
      %broadcast_in_dim3A_696 = vector.shape_cast %reduce_max3A_695 : vector<128xf32> to vector<1x128xf32>
      %get3A_697 = arith.index_cast %while3A_688 : i32 to index
      %get3A_698 = arith.constant 0 : index
      %get3A_699 = vector.load %arg8[%get3A_697, %get3A_698] : memref<64x128xf32, #tpu.memory_space<vmem>>, vector<1x128xf32>
      %max3A_700 = arith.maximumf %get3A_699, %broadcast_in_dim3A_696 : vector<1x128xf32>
      %swap3A_701 = arith.index_cast %while3A_688 : i32 to index
      %swap3A_702 = arith.constant 0 : index
      %swap3A_703 = vector.load %arg8[%swap3A_701, %swap3A_702] : memref<64x128xf32, #tpu.memory_space<vmem>>, vector<1x128xf32>
      tpu.vector_store %arg8[%swap3A_701, %swap3A_702], %max3A_700 {strides = array<i32>} : memref<64x128xf32, #tpu.memory_space<vmem>>, vector<1x128xf32>,
    }
    %slice3A_650 = vector.extract_strided_slice %add3A_74 {offsets = [9480, 0], sizes = [316, 128], strides = [1, 1]} : vector<10112x128xf32> to vector<316x128xf32>
    %slice3A_651 = vector.extract_strided_slice %get3A_77 {offsets = [9480, 0], sizes = [316, 1], strides = [1, 1]} : vector<10112x1xi32> to vector<316x1xi32>
    %get3A_652 = arith.constant 30 : index
    %get3A_653 = arith.constant 0 : index
    %get3A_654 = memref.load %arg7[%get3A_652, %get3A_653] : memref<32x2xi32, #tpu.memory_space<smem>>
    %get3A_655 = arith.constant 30 : index
    %get3A_656 = arith.constant 1 : index
    %get3A_657 = memref.load %arg7[%get3A_655, %get3A_656] : memref<32x2xi32, #tpu.memory_space<smem>>
    %add3A_658 = arith.constant 1 : i32
    %add3A_659 = arith.addi %get3A_657, %add3A_658 : i32
    %while3A_660 = arith.constant 0 : i32
    %while3A_661 = arith.subi %add3A_659, %get3A_654 : i32
    %while3A_662 = arith.addi %get3A_654, %while3A_661 : i32
    %while3A_663 = arith.constant 1 : i32
    %while3A_664 = arith.divsi %while3A_661, %while3A_663 : i32
    %while3A_665 = arith.muli %while3A_664, %while3A_663 : i32
    %while3A_666 = arith.addi %get3A_654, %while3A_665 : i32
    %while3A_667 = arith.constant 1 : i32
    scf.for %while3A_688 = %get3A_654 to %while3A_666 step %while3A_667  : i32 {
      %eq3A = vector.broadcast %while3A_688 : i32 to vector<316x1xi32>
      %eq3A_689 = arith.cmpi eq, %slice3A_651, %eq3A : vector<316x1xi32>
      %jit3A_690 = arith.constant 0xFF800000 : f32
      %broadcast_in_dim3A_691 = vector.shape_cast %eq3A_689 : vector<316x1xi1> to vector<316x1xi1>
      %broadcast_in_dim3A_692 = vector.broadcast %broadcast_in_dim3A_691 : vector<316x1xi1> to vector<316x128xi1>
      %broadcast_in_dim3A_693 = vector.broadcast %jit3A_690 : f32 to vector<316x128xf32>
      %select_n3A_694 = arith.select %broadcast_in_dim3A_692, %slice3A_650, %broadcast_in_dim3A_693 : vector<316x128xi1>, vector<316x128xf32>
      %reduce_max3A = arith.constant dense<0xFF800000> : vector<128xf32>
      %reduce_max3A_695 = vector.multi_reduction <maximumf>, %select_n3A_694, %reduce_max3A [0] : vector<316x128xf32> to vector<128xf32>
      %broadcast_in_dim3A_696 = vector.shape_cast %reduce_max3A_695 : vector<128xf32> to vector<1x128xf32>
      %get3A_697 = arith.index_cast %while3A_688 : i32 to index
      %get3A_698 = arith.constant 0 : index
      %get3A_699 = vector.load %arg8[%get3A_697, %get3A_698] : memref<64x128xf32, #tpu.memory_space<vmem>>, vector<1x128xf32>
      %max3A_700 = arith.maximumf %get3A_699, %broadcast_in_dim3A_696 : vector<1x128xf32>
      %swap3A_701 = arith.index_cast %while3A_688 : i32 to index
      %swap3A_702 = arith.constant 0 : index
      %swap3A_703 = vector.load %arg8[%swap3A_701, %swap3A_702] : memref<64x128xf32, #tpu.memory_space<vmem>>, vector<1x128xf32>
      tpu.vector_store %arg8[%swap3A_701, %swap3A_702], %max3A_700 {strides = array<i32>} : memref<64x128xf32, #tpu.memory_space<vmem>>, vector<1x128xf32>,
    }
    %while3A_668 = arith.constant 1 : i32
    scf.for %while3A_688 = %while3A_666 to %while3A_662 step %while3A_668  : i32 {
      %eq3A = vector.broadcast %while3A_688 : i32 to vector<316x1xi32>
      %eq3A_689 = arith.cmpi eq, %slice3A_651, %eq3A : vector<316x1xi32>
      %jit3A_690 = arith.constant 0xFF800000 : f32
      %broadcast_in_dim3A_691 = vector.shape_cast %eq3A_689 : vector<316x1xi1> to vector<316x1xi1>
      %broadcast_in_dim3A_692 = vector.broadcast %broadcast_in_dim3A_691 : vector<316x1xi1> to vector<316x128xi1>
      %broadcast_in_dim3A_693 = vector.broadcast %jit3A_690 : f32 to vector<316x128xf32>
      %select_n3A_694 = arith.select %broadcast_in_dim3A_692, %slice3A_650, %broadcast_in_dim3A_693 : vector<316x128xi1>, vector<316x128xf32>
      %reduce_max3A = arith.constant dense<0xFF800000> : vector<128xf32>
      %reduce_max3A_695 = vector.multi_reduction <maximumf>, %select_n3A_694, %reduce_max3A [0] : vector<316x128xf32> to vector<128xf32>
      %broadcast_in_dim3A_696 = vector.shape_cast %reduce_max3A_695 : vector<128xf32> to vector<1x128xf32>
      %get3A_697 = arith.index_cast %while3A_688 : i32 to index
      %get3A_698 = arith.constant 0 : index
      %get3A_699 = vector.load %arg8[%get3A_697, %get3A_698] : memref<64x128xf32, #tpu.memory_space<vmem>>, vector<1x128xf32>
      %max3A_700 = arith.maximumf %get3A_699, %broadcast_in_dim3A_696 : vector<1x128xf32>
      %swap3A_701 = arith.index_cast %while3A_688 : i32 to index
      %swap3A_702 = arith.constant 0 : index
      %swap3A_703 = vector.load %arg8[%swap3A_701, %swap3A_702] : memref<64x128xf32, #tpu.memory_space<vmem>>, vector<1x128xf32>
      tpu.vector_store %arg8[%swap3A_701, %swap3A_702], %max3A_700 {strides = array<i32>} : memref<64x128xf32, #tpu.memory_space<vmem>>, vector<1x128xf32>,
    }
    %slice3A_669 = vector.extract_strided_slice %add3A_74 {offsets = [9796, 0], sizes = [316, 128], strides = [1, 1]} : vector<10112x128xf32> to vector<316x128xf32>
    %slice3A_670 = vector.extract_strided_slice %get3A_77 {offsets = [9796, 0], sizes = [316, 1], strides = [1, 1]} : vector<10112x1xi32> to vector<316x1xi32>
    %get3A_671 = arith.constant 31 : index
    %get3A_672 = arith.constant 0 : index
    %get3A_673 = memref.load %arg7[%get3A_671, %get3A_672] : memref<32x2xi32, #tpu.memory_space<smem>>
    %get3A_674 = arith.constant 31 : index
    %get3A_675 = arith.constant 1 : index
    %get3A_676 = memref.load %arg7[%get3A_674, %get3A_675] : memref<32x2xi32, #tpu.memory_space<smem>>
    %add3A_677 = arith.constant 1 : i32
    %add3A_678 = arith.addi %get3A_676, %add3A_677 : i32
    %while3A_679 = arith.constant 0 : i32
    %while3A_680 = arith.subi %add3A_678, %get3A_673 : i32
    %while3A_681 = arith.addi %get3A_673, %while3A_680 : i32
    %while3A_682 = arith.constant 1 : i32
    %while3A_683 = arith.divsi %while3A_680, %while3A_682 : i32
    %while3A_684 = arith.muli %while3A_683, %while3A_682 : i32
    %while3A_685 = arith.addi %get3A_673, %while3A_684 : i32
    %while3A_686 = arith.constant 1 : i32
    scf.for %while3A_688 = %get3A_673 to %while3A_685 step %while3A_686  : i32 {
      %eq3A = vector.broadcast %while3A_688 : i32 to vector<316x1xi32>
      %eq3A_689 = arith.cmpi eq, %slice3A_670, %eq3A : vector<316x1xi32>
      %jit3A_690 = arith.constant 0xFF800000 : f32
      %broadcast_in_dim3A_691 = vector.shape_cast %eq3A_689 : vector<316x1xi1> to vector<316x1xi1>
      %broadcast_in_dim3A_692 = vector.broadcast %broadcast_in_dim3A_691 : vector<316x1xi1> to vector<316x128xi1>
      %broadcast_in_dim3A_693 = vector.broadcast %jit3A_690 : f32 to vector<316x128xf32>
      %select_n3A_694 = arith.select %broadcast_in_dim3A_692, %slice3A_669, %broadcast_in_dim3A_693 : vector<316x128xi1>, vector<316x128xf32>
      %reduce_max3A = arith.constant dense<0xFF800000> : vector<128xf32>
      %reduce_max3A_695 = vector.multi_reduction <maximumf>, %select_n3A_694, %reduce_max3A [0] : vector<316x128xf32> to vector<128xf32>
      %broadcast_in_dim3A_696 = vector.shape_cast %reduce_max3A_695 : vector<128xf32> to vector<1x128xf32>
      %get3A_697 = arith.index_cast %while3A_688 : i32 to index
      %get3A_698 = arith.constant 0 : index
      %get3A_699 = vector.load %arg8[%get3A_697, %get3A_698] : memref<64x128xf32, #tpu.memory_space<vmem>>, vector<1x128xf32>
      %max3A_700 = arith.maximumf %get3A_699, %broadcast_in_dim3A_696 : vector<1x128xf32>
      %swap3A_701 = arith.index_cast %while3A_688 : i32 to index
      %swap3A_702 = arith.constant 0 : index
      %swap3A_703 = vector.load %arg8[%swap3A_701, %swap3A_702] : memref<64x128xf32, #tpu.memory_space<vmem>>, vector<1x128xf32>
      tpu.vector_store %arg8[%swap3A_701, %swap3A_702], %max3A_700 {strides = array<i32>} : memref<64x128xf32, #tpu.memory_space<vmem>>, vector<1x128xf32>,
    }
    %while3A_687 = arith.constant 1 : i32
    scf.for %while3A_688 = %while3A_685 to %while3A_681 step %while3A_687  : i32 {
      %eq3A = vector.broadcast %while3A_688 : i32 to vector<316x1xi32>
      %eq3A_689 = arith.cmpi eq, %slice3A_670, %eq3A : vector<316x1xi32>
      %jit3A_690 = arith.constant 0xFF800000 : f32
      %broadcast_in_dim3A_691 = vector.shape_cast %eq3A_689 : vector<316x1xi1> to vector<316x1xi1>
      %broadcast_in_dim3A_692 = vector.broadcast %broadcast_in_dim3A_691 : vector<316x1xi1> to vector<316x128xi1>
      %broadcast_in_dim3A_693 = vector.broadcast %jit3A_690 : f32 to vector<316x128xf32>
      %select_n3A_694 = arith.select %broadcast_in_dim3A_692, %slice3A_669, %broadcast_in_dim3A_693 : vector<316x128xi1>, vector<316x128xf32>
      %reduce_max3A = arith.constant dense<0xFF800000> : vector<128xf32>
      %reduce_max3A_695 = vector.multi_reduction <maximumf>, %select_n3A_694, %reduce_max3A [0] : vector<316x128xf32> to vector<128xf32>
      %broadcast_in_dim3A_696 = vector.shape_cast %reduce_max3A_695 : vector<128xf32> to vector<1x128xf32>
      %get3A_697 = arith.index_cast %while3A_688 : i32 to index
      %get3A_698 = arith.constant 0 : index
      %get3A_699 = vector.load %arg8[%get3A_697, %get3A_698] : memref<64x128xf32, #tpu.memory_space<vmem>>, vector<1x128xf32>
      %max3A_700 = arith.maximumf %get3A_699, %broadcast_in_dim3A_696 : vector<1x128xf32>
      %swap3A_701 = arith.index_cast %while3A_688 : i32 to index
      %swap3A_702 = arith.constant 0 : index
      %swap3A_703 = vector.load %arg8[%swap3A_701, %swap3A_702] : memref<64x128xf32, #tpu.memory_space<vmem>>, vector<1x128xf32>
      tpu.vector_store %arg8[%swap3A_701, %swap3A_702], %max3A_700 {strides = array<i32>} : memref<64x128xf32, #tpu.memory_space<vmem>>, vector<1x128xf32>,
    }
    return
  }
}

</mosaic_0001>

<sc_bundles>
// kernel: kernel.11.cloned.1.call-start
scs
__scs_entry_jumppad:
0x0: {  	(pc) =	sbr.rel $0x88, $3  }
0x1: {  	(tag) =	ssettag $0x0;
	lr =	simm.s32 $0x1  }
0x2: {  	[smem:$0x3F96] =	sst lr;
	_ =	strace $0xD0000000  }
0x3: {  	_ = 	snop  }
0x4: {  	_ = 	snop  }
0x5: {  	_ = 	snop  }
0x6: {  	_ = 	snop  }
0x7: {  	_ = 	snop  }
__scs_overlays_trampoline_lowered:
0x8: {  	[smem:$0x3FA5] =	sst s0  }
0x9: {  	[smem:$0x3FA6] =	sst s1  }
0xa: {  	[smem:$0x3FA7] =	sst s2  }
0xb: {  	[smem:$0x3FA8] =	sst s3  }
0xc: {  	[smem:$0x3FA9] =	sst s4  }
0xd: {  	[smem:$0x3FAA] =	sst s5  }
0xe: {  	[smem:$0x3FAB] =	sst s6  }
0xf: {  	[smem:$0x3FAC] =	sst s7  }
0x10: {  	[smem:$0x3FAD] =	sst s8  }
0x11: {  	[smem:$0x3FAE] =	sst s9;
	s0 =	simm.s32 @!p0 $0x0  }
0x12: {  	s1 =	sld [smem:$0x3F94];
	s0 =	simm.s32 @p0 $0x1  }
0x13: {  	[smem:$0x3FAF] =	sst s0;
	s0 =	simm.s32 @!p1 $0x0  }
0x14: {  	s2 =	sld [smem:$0x3F93];
	s0 =	simm.s32 @p1 $0x1  }
0x15: {  	[smem:$0x3FB0] =	sst s0;
	s0 =	simm.s32 @!p2 $0x0  }
0x16: {  	s3 =	sld [smem:$0x3FDB];
	s0 =	simm.s32 @p2 $0x1  }
0x17: {  	s4 =	simm.s32 $0x1BF5;
	[smem:$0x3FB2] =	sst s0  }
0x18: {  	s0 =	sld [smem:$0x3F95];
	_ =	swait.ge [sflag:s4], $0x0  }
0x19: {  	s7 =	sld [smem:$0x3F96]  }
0x1a: {  	s8 =	sadd.s32 $0xFFFFE003, lr  }
0x1b: {  	s9 =	sadd.s32 $0xFFFFFEF7, lr;
	s5 =	simm.s32 $0xFFFFFFFF;
	p2 =	slt.u32 s8, $0xFFFFF086  }
0x1c: {  	p1 =	slt.u32 s9, $0xF7A;
	s5 =	simm.s32 @!p2 $0x0  }
0x1d: {  	s5 =	simm.s32 @p1 $0x1;
	p0 =	seq.s32 s7, s2  }
0x1e: {  	s7 =	smul.u32 @!p0 $0xF7A, s2;
	p2 =	seq.s32 @!p0 s5, $0x0  }
0x1f: {  	s9 =	smul.u32 $0xF7A, s1;
	s8 =	simm.s32 @!p0 $0x1BF5;
	p2 =	por !p2, p0  }
0x20: {  	[sflag:s8] =	ssyncset.s32 @!p0 $0xFFFFF086;
	s6 =	sadd.s32 @!p0 s3, s7;
	s7 =	simm.s32 @!p0 $0x108  }
0x21: {  	s3 =	sadd.s32 s3, s9;
	s6 =	sadd.s32 @!p0 $0x88, s6;
	s7 =	simm.s32 @p2 $0x1082  }
0x22: {  	[simem:s7], [sflag:s8] =	dma.local @!p0 [hbm:s6], $0xF7A  }
0x23: {  	s9 =	sor.u32 $0xD0000000, s2;
	s6 =	simm.s32 $0x108;
	_ =	swait.ge @!p0 [sflag:s8], $0x0  }
0x24: {  	s3 =	sadd.s32 $0x88, s3;
	s6 =	simm.s32 @!p1 $0x1082;
	[sflag:s4] =	ssyncset.s32 $0xFFFFF086  }
0x25: {  	[simem:s6], [sflag:s4] =	dma.local [hbm:s3], $0xF7A  }
0x26: {  	[smem:$0x3F96] =	sst s1;
	(tag) =	ssettag s2;
	_ =	strace s9  }
0x27: {  	s1 =	sld [smem:$0x3FA6]  }
0x28: {  	s2 =	sld [smem:$0x3FA7]  }
0x29: {  	s4 =	sld [smem:$0x3FA9]  }
0x2a: {  	p0 =	seq.s32 s5, $0x0;
	s5 =	sld [smem:$0x3FAA]  }
0x2b: {  	s6 =	sld [smem:$0x3FAB]  }
0x2c: {  	s7 =	sld [smem:$0x3FAC]  }
0x2d: {  	s3 =	simm.s32 $0x108;
	s8 =	sld [smem:$0x3FAD]  }
0x2e: {  	s3 =	simm.s32 @!p0 $0x1082;
	s9 =	sld [smem:$0x3FAE]  }
0x2f: {  	lr =	sadd.s32 s0, s3;
	s0 =	sld [smem:$0x3FA5]  }
0x30: {  	s3 =	sld [smem:$0x3FA8]  }
0x31: {  	[smem:$0x3FB1] =	sst s10  }
0x32: {  	s10 =	sld [smem:$0x3FAF];
	_ =	sdelay $0x3  }
0x33: {  	p0 =	seq.s32 s10, $0x1;
	s10 =	sld [smem:$0x3FB1];
	_ =	sdelay $0x3  }
0x34: {  	[smem:$0x3FB1] =	sst s10  }
0x35: {  	s10 =	sld [smem:$0x3FB0];
	_ =	sdelay $0x3  }
0x36: {  	p1 =	seq.s32 s10, $0x1;
	s10 =	sld [smem:$0x3FB1];
	_ =	sdelay $0x3  }
0x37: {  	[smem:$0x3FB1] =	sst s10  }
0x38: {  	s10 =	sld [smem:$0x3FB2]  }
0x39: {  	_ = 	snop;
	(pc) =	sbr.ind lr, $3  }
0x3a: {  	_ = 	snop  }
0x3b: {  	_ = 	snop  }
0x3c: {  	p2 =	seq.s32 s10, $0x1;
	s10 =	sld [smem:$0x3FB1]  }
0x3d: {  	_ =	shalt  }
0x3e: {  	_ =	shalt  }
0x3f: {  	_ =	shalt  }
0x40: {  	_ =	shalt  }
0x41: {  	_ =	shalt  }
0x42: {  	_ =	shalt  }
0x43: {  	_ =	shalt  }
0x44: {  	_ =	shalt  }
0x45: {  	_ =	shalt  }
0x46: {  	_ =	shalt  }
0x47: {  	_ =	shalt  }
0x48: {  	_ =	shalt  }
0x49: {  	_ =	shalt  }
0x4a: {  	_ =	shalt  }
0x4b: {  	_ =	shalt  }
0x4c: {  	_ =	shalt  }
0x4d: {  	_ =	shalt  }
0x4e: {  	_ =	shalt  }
0x4f: {  	_ =	shalt  }
0x50: {  	_ =	shalt  }
0x51: {  	_ =	shalt  }
0x52: {  	_ =	shalt  }
0x53: {  	_ =	shalt  }
0x54: {  	_ =	shalt  }
0x55: {  	_ =	shalt  }
0x56: {  	_ =	shalt  }
0x57: {  	_ =	shalt  }
0x58: {  	_ =	shalt  }
0x59: {  	_ =	shalt  }
0x5a: {  	_ =	shalt  }
0x5b: {  	_ =	shalt  }
0x5c: {  	_ =	shalt  }
0x5d: {  	_ =	shalt  }
0x5e: {  	_ =	shalt  }
0x5f: {  	_ =	shalt  }
0x60: {  	_ =	shalt  }
0x61: {  	_ =	shalt  }
0x62: {  	_ =	shalt  }
0x63: {  	_ =	shalt  }
0x64: {  	_ =	shalt  }
0x65: {  	_ =	shalt  }
0x66: {  	_ =	shalt  }
0x67: {  	_ =	shalt  }
0x68: {  	_ =	shalt  }
0x69: {  	_ =	shalt  }
0x6a: {  	_ =	shalt  }
0x6b: {  	_ =	shalt  }
0x6c: {  	_ =	shalt  }
0x6d: {  	_ =	shalt  }
0x6e: {  	_ =	shalt  }
0x6f: {  	_ =	shalt  }
0x70: {  	_ =	shalt  }
0x71: {  	_ =	shalt  }
0x72: {  	_ =	shalt  }
0x73: {  	_ =	shalt  }
0x74: {  	_ =	shalt  }
0x75: {  	_ =	shalt  }
0x76: {  	_ =	shalt  }
0x77: {  	_ =	shalt  }
0x78: {  	_ =	shalt  }
0x79: {  	_ =	shalt  }
0x7a: {  	_ =	shalt  }
0x7b: {  	_ =	shalt  }
0x7c: {  	_ =	shalt  }
0x7d: {  	_ =	shalt  }
0x7e: {  	_ =	shalt  }
0x7f: {  	_ =	shalt  }
0x80: {  	_ =	shalt  }
0x81: {  	_ =	shalt  }
0x82: {  	_ =	shalt  }
0x83: {  	_ =	shalt  }
0x84: {  	_ =	shalt  }
0x85: {  	_ =	shalt  }
0x86: {  	_ =	shalt  }
0x87: {  	_ =	shalt  }
.Lfunc_end0:
.L_simem_size_0:
called_computation.1_lowered:
.L_overlay_start_0:
0x88: {  	s2 =	sld [smem:$0x3FD9]  }
0x89: {  	s3 =	sld [smem:$0x3FFE];
	_ =	sdelay $0x1  }
0x8a: {  	s1 =	srdreg.scid  }
0x8b: {  	s0 =	sand.u32 $0x1, s1  }
0x8c: {  	s16 =	sshll.u32 s0, $0xA;
	s2 =	sadd.s32 s3, s2  }
0x8d: {  	s2 =	sadd.s32 s2, s16  }
0x8e: {  	[smem:$0x3FBD] =	sst s2  }
0x8f: {  	_ = 	snop  }
0x90: {  	(tm) =	ssettm $0x1  }
0x91: {  	s17 =	sld [smem:$0x3FFB];
	_ =	sdelay $0x3  }
0x92: {  	_ =	strace s17  }
0x93: {  	s2 =	sld [smem:$0x3FFC];
	_ =	sdelay $0x3  }
0x94: {  	_ =	strace s2  }
0x95: {  	s2 =	sld [smem:$0x3FFD];
	_ =	sdelay $0x3  }
0x96: {  	_ =	strace s2  }
0x97: {  	_ =	strace $0x8FFFFFFF  }
0x98: {  	s18 =	sld [smem:$0x3FDB];
	_ =	sdelay $0x1  }
0x99: {  	s19 =	simm.s32 $_scs_section_size  }
0x9a: {  	s4 =	simm.s32 $_size__tile_overlayer_lowered;
	s5 =	simm.s32 $_tile_overlayer_lowered  }
0x9b: {  	s22 =	simm.s32 $0x1BFF;
	s21 =	sshll.u32 s5, $0x1;
	s2 =	sadd.s32 s19, s18  }
0x9c: {  	s6 =	simm.s32 $0x0;
	s20 =	sshll.u32 s4, $0x1;
	s4 =	sadd.s32 s21, s2  }
0x9d: {  	[timem:s6], [sflag:s22] =	dma.local [hbm:s4], s20  }
0x9e: {  	_ =	swait.ge [sflag:s22], s20  }
0x9f: {  	s3 =	ssub.s32 $0x0, s20;
	[sflag:s22] =	ssyncset.done $0x0  }
0xa0: {  	[sflag:s22] =	ssyncadd.s32 s3;
	_ =	sdelay $0x1  }
0xa1: {  	s23 =	simm.s32 $0x1B8B  }
0xa2: {  	_ =	swait.ge [sflag:s23], $0x1  }
0xa3: {  	[sflag:s23] =	ssyncset.done $0x0  }
0xa4: {  	s25 =	simm.s32 $0x1B8E;
	s24 =	sld [smem:$0x3FFE];
	[sflag:s23] =	ssyncadd.s32 $0xFFFFFFFF  }
0xa5: {  	s26 =	simm.s32 $execute0_lowered;
	[smem:$0x3FD2] =	sst s25  }
0xa6: {  	s4 =	sshll.u32 s26, $0x1;
	_ =	strace $0x80000049;
	[dreg:$0x1] =	wrdreg $0xFFFFFFFF  }
0xa7: {  	s28 =	simm.s32 $_size_execute0_lowered;
	s2 =	sadd.s32 s2, s4;
	[dreg:$0x0] =	wrdreg $0x0  }
0xa8: {  	s4 =	sshll.u32 s28, $0x1;
	[dreg:$0x2] =	wrdreg s2  }
0xa9: {  	[dreg:$0x3] =	wrdreg s4  }
0xaa: {  	[dreg:$0x4] =	wrdreg $0xC0  }
0xab: {  	_ =	task [dreg:s6], $0x5FFFF  }
0xac: {  	[dreg:$0x1] =	wrdreg $0xFFFFFFFF  }
0xad: {  	[dreg:$0x0] =	wrdreg $0x60  }
0xae: {  	[dreg:$0x2] =	wrdreg s24  }
0xaf: {  	[dreg:$0x3] =	wrdreg $0xA8000  }
0xb0: {  	[dreg:$0x4] =	wrdreg $0x9  }
0xb1: {  	_ =	task.clear_ibuf [dreg:s6], $0x5FFFF;
	_ =	strace $0x90000049  }
0xb2: {  	s29 =	simm.s32 $0x9;
	_ =	strace $0x8000004B  }
0xb3: {  	_ =	swait.ge [sflag:s29], $0x1  }
0xb4: {  	[sflag:s29] =	ssyncadd.s32 $0xFFFFFFFF  }
0xb5: {  	_ =	strace $0x9000004B  }
0xb6: {  	_ =	sfence  }
0xb7: {  	s30 =	sld [smem:$0x0];
	_ =	sdelay $0x2  }
0xb8: {  	s31 =	sshll.u32 s1, $0xD;
	s1 =	sshrl.u32 s1, $0x2  }
0xb9: {  	s3 =	sand.u32 $0x4000, s31;
	s1 =	sadd.s32 s1, s30  }
0xba: {  	s0 =	sor.u32 s3, s0;
	s1 =	sshll.u32 s1, $0x11  }
0xbb: {  	s0 =	sor.u32 s1, s0  }
0xbc: {  	s0 =	sadd.s32 $0x8F2B, s0  }
0xbd: {  	[sflag:s0] =	ssyncadd.remote.s32 $0x1  }
0xbe: {  	_ =	sfence.sel $0xFFFF  }
0xbf: {  	[dreg:$0x0] =	wrdreg $0xFFFFFFFF;
	(pc) =	sbr.abs _section_cstart, $3  }
0xc0: {  	[dreg:$0x1] =	wrdreg $0xFFFFFFFF  }
0xc1: {  	_ =	task.clear_ibuf [dreg:s6], $0x2FFFF;
	_ =	strace $0x9FFFFFFF  }
0xc2: {  	(tm) =	ssettm $0x7FFFFFFF  }
0xc3: {  	_ =	shalt  }
tec
execute0_lowered:
.L_overlay_start_1:
0x0: {  	(tag) =	ssettag $0x1  }
0x1: {  	s0 =	rddreg [dreg:$0x0]  }
0x2: {  	s1 =	rddreg [dreg:$0x1];
	s2 =	simm.s32 $0x0  }
0x3: {  	s5 =	srdreg.scid;
	s9 =	stileid.u32;
	s28 =	simm.s32 $0x2  }
0x4: {  	s29 =	simm.s32 $0x9380;
	s30 =	simm.s32 $0xA700;
	s31 =	simm.s32 $0xA780  }
0x5: {  	[smem:$0x7FF] =	sst s2;
	s4 =	sadd.s32 $0x16E00, s0;
	s3 =	sadd.s32 $0x2E00, s0  }
0x6: {  	s14 =	sadd.s32 $0xCE00, s0;
	s5 =	sand.u32 $0x1, s5;
	s7 =	smul.u32 $0x4F000, s9  }
0x7: {  	s6 =	sadd.s32 $0x3E600, s0;
	s0 =	sadd.s32 $0x3EE00, s0;
	s13 =	smul.u32 $0x13C00, s9  }
0x8: {  	s19 =	sshll.u32 s9, $0x1;
	_ =	strace $0x8000004A;
	[dreg:$0x3] =	wrdreg s6  }
0x9: {  	s18 =	ssub.s32 $0x2, s5;
	s21 =	sor.u32 s5, s19;
	s5 =	smul.u32 $0x13C000, s5  }
0xa: {  	s8 =	sshrl.u32 s18, $0x1;
	s7 =	sshrl.u32 s7, $0x2;
	s15 =	sadd.s32 $0x4000, s13  }
0xb: {  	s17 =	sadd.s32 $0x8000, s13;
	s10 =	smul.u32 $0x2800, s21;
	s19 =	sadd.s32 $0x10000, s13  }
0xc: {  	s20 =	ssub.s32 s18, s8;
	s6 =	sadd.s32 s7, s1;
	s18 =	sadd.s32 $0xC000, s13  }
0xd: {  	s7 =	sadd.s32 s15, s1;
	s8 =	sadd.s32 s17, s1;
	s21 =	sadd.s32 s13, s5  }
0xe: {  	s15 =	sadd.s32 s5, s15;
	s25 =	sadd.s32 s5, s17;
	s9 =	sadd.s32 s18, s1  }
0xf: {  	s16 =	sshrl.u32 s10, $0x3;
	s10 =	sadd.s32 s19, s1;
	s23 =	sshrl.u32 s21, $0x3  }
0x10: {  	s24 =	sshrl.u32 s15, $0x3;
	s26 =	sadd.s32 s5, s18;
	s5 =	sadd.s32 s5, s19  }
0x11: {  	s20 =	smax.u32 s20, $0x1;
	s21 =	simm.s32 $0x3;
	s11 =	sadd.s32 s3, s16  }
0x12: {  	s22 =	sadd.s32 s14, s16;
	s16 =	sadd.s32 $0x280, s16;
	s15 =	sadd.s32 s0, s23  }
0x13: {  	s18 =	sshrl.u32 s26, $0x3;
	s5 =	sshrl.u32 s5, $0x3;
	[dreg:$0x4] =	wrdreg s11  }
0x14: {  	s23 =	simm.s32 $0x9400;
	s26 =	simm.s32 $0x1;
	[dreg:$0x5] =	wrdreg s22  }
0x15: {  	s3 =	sadd.s32 s3, s16;
	s14 =	sadd.s32 s14, s16;
	s16 =	sadd.s32 s0, s24  }
0x16: {  	s18 =	sadd.s32 s0, s18;
	s19 =	sadd.s32 s0, s5;
	s22 =	simm.s32 $0x8000  }
0x17: {  	s24 =	simm.s32 $0x80;
	[dreg:$0x6] =	wrdreg s3;
	s3 =	sshrl.u32 s25, $0x3  }
0x18: {  	s25 =	simm.s32 $0x4000;
	s17 =	sadd.s32 s0, s3;
	s0 =	simm.s32 $0x0  }
.LBB2_1:
0x19: {  	s3 =	rddreg [dreg:$0x3]  }
0x1a: {  	[tilespmem:s2], [sflag:$0x3] =	stream.linear.gather [hbm4b:s3+s2], $0x4000, $0x38;
	[tilespmem:$0x1E400] =	vst v63  }
0x1b: {  	_ =	swait.ge [sflag:s21], $0x4000  }
0x1c: {  	[sflag:s21] =	ssyncset.done $0x0  }
0x1d: {  	[sflag:s21] =	ssyncadd.s32 $0xFFFFC000  }
0x1e: {  	[spmem:s6] =	stream.linear.scatter [tilespmem:s2], [sflag:$0x3], $0x4000, $0x38;
	[tilespmem:$0x1E400] =	vst v63  }
0x1f: {  	_ =	swait.ge [sflag:s21], $0x4000  }
0x20: {  	[sflag:s21] =	ssyncset.done $0x0  }
0x21: {  	[sflag:s21] =	ssyncadd.s32 $0xFFFFC000  }
0x22: {  	[spmem:s7] =	stream.linear.scatter [tilespmem:s2], [sflag:$0x3], $0x4000, $0x38;
	[tilespmem:$0x1E400] =	vst v63  }
0x23: {  	_ =	swait.ge [sflag:s21], $0x4000  }
0x24: {  	[sflag:s21] =	ssyncset.done $0x0  }
0x25: {  	[sflag:s21] =	ssyncadd.s32 $0xFFFFC000  }
0x26: {  	[spmem:s8] =	stream.linear.scatter [tilespmem:s2], [sflag:$0x3], $0x4000, $0x38;
	[tilespmem:$0x1E400] =	vst v63  }
0x27: {  	_ =	swait.ge [sflag:s21], $0x4000  }
0x28: {  	[sflag:s21] =	ssyncset.done $0x0  }
0x29: {  	[sflag:s21] =	ssyncadd.s32 $0xFFFFC000  }
0x2a: {  	[spmem:s9] =	stream.linear.scatter [tilespmem:s2], [sflag:$0x3], $0x4000, $0x38;
	[tilespmem:$0x1E400] =	vst v63  }
0x2b: {  	_ =	swait.ge [sflag:s21], $0x4000  }
0x2c: {  	[sflag:s21] =	ssyncset.done $0x0  }
0x2d: {  	[sflag:s21] =	ssyncadd.s32 $0xFFFFC000  }
0x2e: {  	[spmem:s10] =	stream.linear.scatter [tilespmem:s2], [sflag:$0x3], $0x3C00, $0x38;
	[tilespmem:$0x1E400] =	vst v63  }
0x2f: {  	_ =	swait.ge [sflag:s21], $0x3C00  }
0x30: {  	[sflag:s21] =	ssyncset.done $0x0  }
0x31: {  	[sflag:s21] =	ssyncadd.s32 $0xFFFFC400  }
0x32: {  	[bflag:$0x0] =	sbarrier.arrive $0xFFFF  }
0x33: {  	s12 =	rddreg [dreg:$0x4]  }
0x34: {  	[tilespmem:s22], [sflag:$0x3] =	stream.linear.gather [hbm4b:s12+s2], $0x1400, $0x38;
	[tilespmem:$0x1E400] =	vst v63  }
0x35: {  	_ =	swait.ge [sflag:s21], $0x1400  }
0x36: {  	[sflag:s21] =	ssyncset.done $0x0  }
0x37: {  	s13 =	rddreg [dreg:$0x5];
	[sflag:s21] =	ssyncadd.s32 $0xFFFFEC00  }
0x38: {  	[tilespmem:s23], [sflag:$0x3] =	stream.linear.gather [hbm4b:s13+s2], $0x1400, $0x38;
	[tilespmem:$0x1E400] =	vst v63  }
0x39: {  	_ =	swait.ge [sflag:s21], $0x1400  }
0x3a: {  	[sflag:s21] =	ssyncset.done $0x0  }
0x3b: {  	[sflag:s21] =	ssyncadd.s32 $0xFFFFEC00  }
0x3c: {  	[tilespmem:s2], [sflag:$0x1] =	stream.indirect.gather [hbm4b:s4+s24], $0x80, s22, s24, $0xb8;
	[tilespmem:$0x1E400] =	vst v63  }
0x3d: {  	s5 =	simm.s32 $0x8080  }
0x3e: {  	[tilespmem:s25], [sflag:$0x2] =	stream.indirect.gather [hbm4b:s4+s24], $0x80, s5, s24, $0xb8;
	[tilespmem:$0x1E400] =	vst v63  }
0x3f: {  	_ =	swait.ge [sflag:s26], $0x4000  }
0x40: {  	[sflag:s26] =	ssyncset.done $0x0  }
0x41: {  	s11 =	simm.s32 $0x9400;
	[sflag:s26] =	ssyncadd.s32 $0xFFFFC000  }
0x42: {  	[spmem:s1] =	stream.indirect.scatter.add.f32 [tilespmem:s2], [sflag:$0x3], $0x80, s11, s24, $0xb8;
	[tilespmem:$0x1E400] =	vst v63  }
0x43: {  	_ =	swait.ge [sflag:s21], $0x4000  }
0x44: {  	[sflag:s21] =	ssyncset.done $0x0  }
0x45: {  	s12 =	simm.s32 $0x8100;
	[sflag:s21] =	ssyncadd.s32 $0xFFFFC000  }
0x46: {  	[tilespmem:s2], [sflag:$0x1] =	stream.indirect.gather [hbm4b:s4+s24], $0x80, s12, s24, $0xb8;
	[tilespmem:$0x1E400] =	vst v63  }
0x47: {  	_ =	swait.ge [sflag:s28], $0x4000  }
0x48: {  	[sflag:s28] =	ssyncset.done $0x0  }
0x49: {  	s13 =	simm.s32 $0x9480;
	[sflag:s28] =	ssyncadd.s32 $0xFFFFC000  }
0x4a: {  	[spmem:s1] =	stream.indirect.scatter.add.f32 [tilespmem:s25], [sflag:$0x3], $0x80, s13, s24, $0xb8;
	[tilespmem:$0x1E400] =	vst v63  }
0x4b: {  	_ =	swait.ge [sflag:s21], $0x4000  }
0x4c: {  	s3 =	simm.s32 $0x100;
	s5 =	simm.s32 $0x800;
	[sflag:s21] =	ssyncset.done $0x0  }
.LBB2_2:
0x4d: {  	s11 =	sadd.s32 $0x8080, s3  }
0x4e: {  	[sflag:s21] =	ssyncadd.s32 $0xFFFFC000;
	s12 =	smov.u32 s5;
	s13 =	sadd.s32 $0x400, s5  }
0x4f: {  	[tilespmem:s25], [sflag:$0x2] =	stream.indirect.gather [hbm4b:s4+s24], $0x80, s11, s24, $0xb8;
	[tilespmem:$0x1E400] =	vst v63  }
0x50: {  	p0 =	sne.s32 s5, $0x4800;
	_ =	swait.ge [sflag:s26], $0x4000  }
0x51: {  	[sflag:s26] =	ssyncset.done $0x0  }
0x52: {  	s5 =	sadd.s32 $0x9400, s3;
	[sflag:s26] =	ssyncadd.s32 $0xFFFFC000  }
0x53: {  	[spmem:s1] =	stream.indirect.scatter.add.f32 [tilespmem:s2], [sflag:$0x3], $0x80, s5, s24, $0xb8;
	[tilespmem:$0x1E400] =	vst v63  }
0x54: {  	_ =	swait.ge [sflag:s21], $0x4000  }
0x55: {  	[sflag:s21] =	ssyncset.done $0x0  }
0x56: {  	s5 =	sadd.s32 $0x8100, s3;
	[sflag:s21] =	ssyncadd.s32 $0xFFFFC000  }
0x57: {  	[tilespmem:s2], [sflag:$0x1] =	stream.indirect.gather [hbm4b:s4+s24], $0x80, s5, s24, $0xb8;
	[tilespmem:$0x1E400] =	vst v63  }
0x58: {  	_ =	swait.ge [sflag:s28], $0x4000  }
.Ltmp0:
0x59: {  	[sflag:s28] =	ssyncset.done $0x0;
	(pc) =	sbr.rel @p0 .LBB2_2-.Ltmp0, $4  }
0x5a: {  	s3 =	sadd.s32 $0x9480, s3;
	[sflag:s28] =	ssyncadd.s32 $0xFFFFC000  }
0x5b: {  	[spmem:s1] =	stream.indirect.scatter.add.f32 [tilespmem:s25], [sflag:$0x3], $0x80, s3, s24, $0xb8;
	[tilespmem:$0x1E400] =	vst v63  }
0x5c: {  	_ =	swait.ge [sflag:s21], $0x4000  }
0x5d: {  	s5 =	smov.u32 s13;
	s3 =	sshra.s32 s12, $0x2;
	[sflag:s21] =	ssyncset.done $0x0  }
0x5e: {  	s5 =	sadd.s32 $0x8080, s3;
	[sflag:s21] =	ssyncadd.s32 $0xFFFFC000  }
0x5f: {  	[tilespmem:s25], [sflag:$0x2] =	stream.indirect.gather [hbm4b:s4+s24], $0x80, s5, s24, $0xb8;
	[tilespmem:$0x1E400] =	vst v63  }
0x60: {  	_ =	swait.ge [sflag:s26], $0x4000  }
0x61: {  	[sflag:s26] =	ssyncset.done $0x0  }
0x62: {  	s12 =	sadd.s32 $0x9400, s3;
	[sflag:s26] =	ssyncadd.s32 $0xFFFFC000  }
0x63: {  	[spmem:s1] =	stream.indirect.scatter.add.f32 [tilespmem:s2], [sflag:$0x3], $0x80, s12, s24, $0xb8;
	[tilespmem:$0x1E400] =	vst v63  }
0x64: {  	_ =	swait.ge [sflag:s21], $0x4000  }
0x65: {  	[sflag:s21] =	ssyncset.done $0x0  }
0x66: {  	s13 =	sadd.s32 $0x8100, s3;
	[sflag:s21] =	ssyncadd.s32 $0xFFFFC000  }
0x67: {  	[tilespmem:s2], [sflag:$0x1] =	stream.indirect.gather [hbm4b:s4+s24], $0x80, s13, s24, $0xb8;
	[tilespmem:$0x1E400] =	vst v63  }
0x68: {  	_ =	swait.ge [sflag:s28], $0x4000  }
0x69: {  	[sflag:s28] =	ssyncset.done $0x0  }
0x6a: {  	s11 =	sadd.s32 $0x9480, s3;
	[sflag:s28] =	ssyncadd.s32 $0xFFFFC000  }
0x6b: {  	[spmem:s1] =	stream.indirect.scatter.add.f32 [tilespmem:s25], [sflag:$0x3], $0x80, s11, s24, $0xb8;
	[tilespmem:$0x1E400] =	vst v63  }
0x6c: {  	_ =	swait.ge [sflag:s21], $0x4000  }
0x6d: {  	[sflag:s21] =	ssyncset.done $0x0  }
0x6e: {  	[sflag:s21] =	ssyncadd.s32 $0xFFFFC000  }
0x6f: {  	[tilespmem:s25], [sflag:$0x2] =	stream.indirect.gather [hbm4b:s4+s24], $0x80, s29, s24, $0xb8;
	[tilespmem:$0x1E400] =	vst v63  }
0x70: {  	_ =	swait.ge [sflag:s26], $0x4000  }
0x71: {  	[sflag:s26] =	ssyncset.done $0x0  }
0x72: {  	s12 =	simm.s32 $0x0;
	[sflag:s26] =	ssyncadd.s32 $0xFFFFC000  }
0x73: {  	[spmem:s1] =	stream.indirect.scatter.add.f32 [tilespmem:s12], [sflag:$0x3], $0x80, s30, s24, $0xb8;
	[tilespmem:$0x1E400] =	vst v63  }
0x74: {  	_ =	swait.ge [sflag:s21], $0x4000  }
0x75: {  	[sflag:s21] =	ssyncset.done $0x0  }
0x76: {  	[sflag:s21] =	ssyncadd.s32 $0xFFFFC000  }
0x77: {  	_ =	swait.ge [sflag:s28], $0x4000  }
0x78: {  	[sflag:s28] =	ssyncset.done $0x0  }
0x79: {  	[sflag:s28] =	ssyncadd.s32 $0xFFFFC000  }
0x7a: {  	[spmem:s1] =	stream.indirect.scatter.add.f32 [tilespmem:s25], [sflag:$0x3], $0x80, s31, s24, $0xb8;
	[tilespmem:$0x1E400] =	vst v63  }
0x7b: {  	_ =	swait.ge [sflag:s21], $0x4000  }
0x7c: {  	[sflag:s21] =	ssyncset.done $0x0  }
0x7d: {  	s13 =	rddreg [dreg:$0x6];
	[sflag:s21] =	ssyncadd.s32 $0xFFFFC000  }
0x7e: {  	[tilespmem:s22], [sflag:$0x3] =	stream.linear.gather [hbm4b:s13+s12], $0x1400, $0x38;
	[tilespmem:$0x1E400] =	vst v63  }
0x7f: {  	_ =	swait.ge [sflag:s21], $0x1400  }
0x80: {  	[sflag:s21] =	ssyncset.done $0x0  }
0x81: {  	[sflag:s21] =	ssyncadd.s32 $0xFFFFEC00  }
0x82: {  	[tilespmem:s23], [sflag:$0x3] =	stream.linear.gather [hbm4b:s14+s12], $0x1400, $0x38;
	[tilespmem:$0x1E400] =	vst v63  }
0x83: {  	_ =	swait.ge [sflag:s21], $0x1400  }
0x84: {  	[sflag:s21] =	ssyncset.done $0x0  }
0x85: {  	[sflag:s21] =	ssyncadd.s32 $0xFFFFEC00  }
0x86: {  	[tilespmem:s12], [sflag:$0x1] =	stream.indirect.gather [hbm4b:s4+s24], $0x80, s22, s24, $0xb8;
	[tilespmem:$0x1E400] =	vst v63  }
0x87: {  	s5 =	simm.s32 $0x8080  }
0x88: {  	[tilespmem:s25], [sflag:$0x2] =	stream.indirect.gather [hbm4b:s4+s24], $0x80, s5, s24, $0xb8;
	[tilespmem:$0x1E400] =	vst v63  }
0x89: {  	_ =	swait.ge [sflag:s26], $0x4000  }
0x8a: {  	[sflag:s26] =	ssyncset.done $0x0  }
0x8b: {  	s11 =	simm.s32 $0x9400;
	[sflag:s26] =	ssyncadd.s32 $0xFFFFC000  }
0x8c: {  	[spmem:s1] =	stream.indirect.scatter.add.f32 [tilespmem:s2], [sflag:$0x3], $0x80, s11, s24, $0xb8;
	[tilespmem:$0x1E400] =	vst v63  }
0x8d: {  	_ =	swait.ge [sflag:s21], $0x4000  }
0x8e: {  	[sflag:s21] =	ssyncset.done $0x0  }
0x8f: {  	s12 =	simm.s32 $0x8100;
	[sflag:s21] =	ssyncadd.s32 $0xFFFFC000  }
0x90: {  	[tilespmem:s2], [sflag:$0x1] =	stream.indirect.gather [hbm4b:s4+s24], $0x80, s12, s24, $0xb8;
	[tilespmem:$0x1E400] =	vst v63  }
0x91: {  	_ =	swait.ge [sflag:s28], $0x4000  }
0x92: {  	[sflag:s28] =	ssyncset.done $0x0  }
0x93: {  	s13 =	simm.s32 $0x9480;
	[sflag:s28] =	ssyncadd.s32 $0xFFFFC000  }
0x94: {  	[spmem:s1] =	stream.indirect.scatter.add.f32 [tilespmem:s25], [sflag:$0x3], $0x80, s13, s24, $0xb8;
	[tilespmem:$0x1E400] =	vst v63  }
0x95: {  	_ =	swait.ge [sflag:s21], $0x4000  }
0x96: {  	s3 =	simm.s32 $0x100;
	s5 =	simm.s32 $0x800;
	[sflag:s21] =	ssyncset.done $0x0  }
.LBB2_4:
0x97: {  	s11 =	sadd.s32 $0x8080, s3  }
0x98: {  	[sflag:s21] =	ssyncadd.s32 $0xFFFFC000;
	s12 =	smov.u32 s5;
	s13 =	sadd.s32 $0x400, s5  }
0x99: {  	[tilespmem:s25], [sflag:$0x2] =	stream.indirect.gather [hbm4b:s4+s24], $0x80, s11, s24, $0xb8;
	[tilespmem:$0x1E400] =	vst v63  }
0x9a: {  	p0 =	sne.s32 s5, $0x4800;
	_ =	swait.ge [sflag:s26], $0x4000  }
0x9b: {  	[sflag:s26] =	ssyncset.done $0x0  }
0x9c: {  	s5 =	sadd.s32 $0x9400, s3;
	[sflag:s26] =	ssyncadd.s32 $0xFFFFC000  }
0x9d: {  	[spmem:s1] =	stream.indirect.scatter.add.f32 [tilespmem:s2], [sflag:$0x3], $0x80, s5, s24, $0xb8;
	[tilespmem:$0x1E400] =	vst v63  }
0x9e: {  	_ =	swait.ge [sflag:s21], $0x4000  }
0x9f: {  	[sflag:s21] =	ssyncset.done $0x0  }
0xa0: {  	s5 =	sadd.s32 $0x8100, s3;
	[sflag:s21] =	ssyncadd.s32 $0xFFFFC000  }
0xa1: {  	[tilespmem:s2], [sflag:$0x1] =	stream.indirect.gather [hbm4b:s4+s24], $0x80, s5, s24, $0xb8;
	[tilespmem:$0x1E400] =	vst v63  }
0xa2: {  	_ =	swait.ge [sflag:s28], $0x4000  }
.Ltmp1:
0xa3: {  	[sflag:s28] =	ssyncset.done $0x0;
	(pc) =	sbr.rel @p0 .LBB2_4-.Ltmp1, $4  }
0xa4: {  	s3 =	sadd.s32 $0x9480, s3;
	[sflag:s28] =	ssyncadd.s32 $0xFFFFC000  }
0xa5: {  	[spmem:s1] =	stream.indirect.scatter.add.f32 [tilespmem:s25], [sflag:$0x3], $0x80, s3, s24, $0xb8;
	[tilespmem:$0x1E400] =	vst v63  }
0xa6: {  	_ =	swait.ge [sflag:s21], $0x4000  }
0xa7: {  	s5 =	smov.u32 s13;
	s3 =	sshra.s32 s12, $0x2;
	[sflag:s21] =	ssyncset.done $0x0  }
0xa8: {  	s5 =	sadd.s32 $0x8080, s3;
	[sflag:s21] =	ssyncadd.s32 $0xFFFFC000  }
0xa9: {  	[tilespmem:s25], [sflag:$0x2] =	stream.indirect.gather [hbm4b:s4+s24], $0x80, s5, s24, $0xb8;
	[tilespmem:$0x1E400] =	vst v63  }
0xaa: {  	_ =	swait.ge [sflag:s26], $0x4000  }
0xab: {  	[sflag:s26] =	ssyncset.done $0x0  }
0xac: {  	s11 =	sadd.s32 $0x9400, s3;
	[sflag:s26] =	ssyncadd.s32 $0xFFFFC000  }
0xad: {  	[spmem:s1] =	stream.indirect.scatter.add.f32 [tilespmem:s2], [sflag:$0x3], $0x80, s11, s24, $0xb8;
	[tilespmem:$0x1E400] =	vst v63  }
0xae: {  	_ =	swait.ge [sflag:s21], $0x4000  }
0xaf: {  	[sflag:s21] =	ssyncset.done $0x0  }
0xb0: {  	s12 =	sadd.s32 $0x8100, s3;
	[sflag:s21] =	ssyncadd.s32 $0xFFFFC000  }
0xb1: {  	[tilespmem:s2], [sflag:$0x1] =	stream.indirect.gather [hbm4b:s4+s24], $0x80, s12, s24, $0xb8;
	[tilespmem:$0x1E400] =	vst v63  }
0xb2: {  	_ =	swait.ge [sflag:s28], $0x4000  }
0xb3: {  	[sflag:s28] =	ssyncset.done $0x0  }
0xb4: {  	s13 =	sadd.s32 $0x9480, s3;
	[sflag:s28] =	ssyncadd.s32 $0xFFFFC000  }
0xb5: {  	[spmem:s1] =	stream.indirect.scatter.add.f32 [tilespmem:s25], [sflag:$0x3], $0x80, s13, s24, $0xb8;
	[tilespmem:$0x1E400] =	vst v63  }
0xb6: {  	_ =	swait.ge [sflag:s21], $0x4000  }
0xb7: {  	[sflag:s21] =	ssyncset.done $0x0  }
0xb8: {  	[sflag:s21] =	ssyncadd.s32 $0xFFFFC000  }
0xb9: {  	[tilespmem:s25], [sflag:$0x2] =	stream.indirect.gather [hbm4b:s4+s24], $0x80, s29, s24, $0xb8;
	[tilespmem:$0x1E400] =	vst v63  }
0xba: {  	_ =	swait.ge [sflag:s26], $0x4000  }
0xbb: {  	[sflag:s26] =	ssyncset.done $0x0  }
0xbc: {  	[sflag:s26] =	ssyncadd.s32 $0xFFFFC000  }
0xbd: {  	[spmem:s1] =	stream.indirect.scatter.add.f32 [tilespmem:s2], [sflag:$0x3], $0x80, s30, s24, $0xb8;
	[tilespmem:$0x1E400] =	vst v63  }
0xbe: {  	_ =	swait.ge [sflag:s21], $0x4000  }
0xbf: {  	[sflag:s21] =	ssyncset.done $0x0  }
0xc0: {  	[sflag:s21] =	ssyncadd.s32 $0xFFFFC000  }
0xc1: {  	_ =	swait.ge [sflag:s28], $0x4000  }
0xc2: {  	[sflag:s28] =	ssyncset.done $0x0  }
0xc3: {  	[sflag:s28] =	ssyncadd.s32 $0xFFFFC000  }
0xc4: {  	[spmem:s1] =	stream.indirect.scatter.add.f32 [tilespmem:s25], [sflag:$0x3], $0x80, s31, s24, $0xb8;
	[tilespmem:$0x1E400] =	vst v63  }
0xc5: {  	_ =	swait.ge [sflag:s21], $0x4000  }
0xc6: {  	[sflag:s21] =	ssyncset.done $0x0  }
0xc7: {  	[sflag:s21] =	ssyncadd.s32 $0xFFFFC000  }
0xc8: {  	[bflag:$0x0] =	sbarrier.arrive $0xFFFF  }
0xc9: {  	[tilespmem:s2], [sflag:$0x3] =	stream.linear.gather [spmem:s6], $0x4000, $0x38;
	[tilespmem:$0x1E400] =	vst v63  }
0xca: {  	_ =	swait.ge [sflag:s21], $0x4000  }
0xcb: {  	[sflag:s21] =	ssyncset.done $0x0  }
0xcc: {  	[sflag:s21] =	ssyncadd.s32 $0xFFFFC000  }
0xcd: {  	[hbm4b:s15+s2] =	stream.linear.scatter [tilespmem:s2], [sflag:$0x1], $0x4000, $0x38;
	[tilespmem:$0x1E400] =	vst v63  }
0xce: {  	_ = 	snop  }
0xcf: {  	[tilespmem:s25], [sflag:$0x3] =	stream.linear.gather [spmem:s7], $0x4000, $0x38;
	[tilespmem:$0x1E400] =	vst v63  }
0xd0: {  	_ =	swait.ge [sflag:s21], $0x4000  }
0xd1: {  	[sflag:s21] =	ssyncset.done $0x0  }
0xd2: {  	[sflag:s21] =	ssyncadd.s32 $0xFFFFC000  }
0xd3: {  	[hbm4b:s16+s2] =	stream.linear.scatter [tilespmem:s25], [sflag:$0x2], $0x4000, $0x38;
	[tilespmem:$0x1E400] =	vst v63  }
0xd4: {  	_ =	swait.ge [sflag:s26], $0x4000  }
0xd5: {  	[sflag:s26] =	ssyncset.done $0x0  }
0xd6: {  	[sflag:s26] =	ssyncadd.s32 $0xFFFFC000  }
0xd7: {  	[tilespmem:s2], [sflag:$0x3] =	stream.linear.gather [spmem:s8], $0x4000, $0x38;
	[tilespmem:$0x1E400] =	vst v63  }
0xd8: {  	_ =	swait.ge [sflag:s21], $0x4000  }
0xd9: {  	[sflag:s21] =	ssyncset.done $0x0  }
0xda: {  	[sflag:s21] =	ssyncadd.s32 $0xFFFFC000  }
0xdb: {  	[hbm4b:s17+s2] =	stream.linear.scatter [tilespmem:s2], [sflag:$0x1], $0x4000, $0x38;
	[tilespmem:$0x1E400] =	vst v63  }
0xdc: {  	_ =	swait.ge [sflag:s28], $0x4000  }
0xdd: {  	[sflag:s28] =	ssyncset.done $0x0  }
0xde: {  	[sflag:s28] =	ssyncadd.s32 $0xFFFFC000  }
0xdf: {  	[tilespmem:s25], [sflag:$0x3] =	stream.linear.gather [spmem:s9], $0x4000, $0x38;
	[tilespmem:$0x1E400] =	vst v63  }
0xe0: {  	_ =	swait.ge [sflag:s21], $0x4000  }
0xe1: {  	[sflag:s21] =	ssyncset.done $0x0  }
0xe2: {  	[sflag:s21] =	ssyncadd.s32 $0xFFFFC000  }
0xe3: {  	[hbm4b:s18+s2] =	stream.linear.scatter [tilespmem:s25], [sflag:$0x2], $0x4000, $0x38;
	[tilespmem:$0x1E400] =	vst v63  }
0xe4: {  	_ =	swait.ge [sflag:s26], $0x4000  }
0xe5: {  	[sflag:s26] =	ssyncset.done $0x0  }
0xe6: {  	[sflag:s26] =	ssyncadd.s32 $0xFFFFC000  }
0xe7: {  	[tilespmem:s2], [sflag:$0x3] =	stream.linear.gather [spmem:s10], $0x3C00, $0x38;
	[tilespmem:$0x1E400] =	vst v63  }
0xe8: {  	_ =	swait.ge [sflag:s21], $0x3C00  }
0xe9: {  	[sflag:s21] =	ssyncset.done $0x0  }
0xea: {  	s0 =	sadd.s32 $0x1, s0;
	[sflag:s21] =	ssyncadd.s32 $0xFFFFC400  }
0xeb: {  	[hbm4b:s19+s2] =	stream.linear.scatter [tilespmem:s2], [sflag:$0x1], $0x3C00, $0x38;
	[tilespmem:$0x1E400] =	vst v63  }
0xec: {  	p0 =	sne.s32 s0, s20;
	_ =	swait.ge [sflag:s28], $0x4000  }
.Ltmp2:
0xed: {  	[sflag:s28] =	ssyncset.done $0x0;
	(pc) =	sbr.rel @p0 .LBB2_1-.Ltmp2, $4  }
0xee: {  	[sflag:s28] =	ssyncadd.s32 $0xFFFFC000  }
0xef: {  	_ =	swait.ge [sflag:s26], $0x3C00  }
0xf0: {  	[sflag:s26] =	ssyncset.done $0x0  }
0xf1: {  	[sflag:s26] =	ssyncadd.s32 $0xFFFFC400  }
0xf2: {  	_ =	sfence.sel $0x180000  }
0xf3: {  	[bflag:$0x0] =	sbarrier.arrive $0xFFFF  }
0xf4: {  	_ =	strace $0x9000004A  }
0xf5: {  	s0 =	stileid.u32;
	[bflag:$0x2] =	sbarrier.arrive $0xFFFF  }
0xf6: {  	p0 =	sne.s32 s0, $0x0;
	s0 =	rddreg [dreg:$0x2]  }
0xf7: {  	s0 =	sadd.s32 @!p0 $0x100000, s0  }
0xf8: {  	[sflag:s0] =	ssyncadd.tile.s32 @!p0 $0x1;
	_ =	shalt  }
.Lfunc_end2:
_tile_overlayer_lowered:
.L_overlay_start_2:
0xf9: {  	(tag) =	ssettag $0x2  }
0xfa: {  	s0 =	rddreg [dreg:$0x0];
	s2 =	stileid.u32  }
0xfb: {  	s1 =	rddreg [dreg:$0x1];
	p0 =	sne.s32 s2, $0x0  }
0xfc: {  	s3 =	rddreg [dreg:$0x2];
	[bflag:$0x3] =	sbarrier.arrive $0xFFFF;
	s2 =	simm.s32 @!p0 $0x1C03  }
0xfd: {  	[timem:s3], [sflag:s2] =	dma.local @!p0 [hbm:s0], s1  }
0xfe: {  	s0 =	simm.s32 @!p0 $0x3  }
0xff: {  	_ =	swait.ge @!p0 [sflag:s0], s1  }
0x100: {  	s1 =	ssub.s32 @!p0 $0x0, s1;
	[sflag:s0] =	ssyncset.done @!p0 $0x0  }
0x101: {  	[sflag:s0] =	ssyncadd.s32 @!p0 s1  }
0x102: {  	[bflag:$0x3] =	sbarrier.arrive $0xFFFF  }
0x103: {  	_ =	shalt  }

// kernel: kernel.14.cloned.1.call-start
scs
__scs_entry_jumppad:
0x0: {  	(pc) =	sbr.rel $0x88, $3  }
0x1: {  	(tag) =	ssettag $0x0;
	lr =	simm.s32 $0x1  }
0x2: {  	[smem:$0x3F96] =	sst lr;
	_ =	strace $0xD0000000  }
0x3: {  	_ = 	snop  }
0x4: {  	_ = 	snop  }
0x5: {  	_ = 	snop  }
0x6: {  	_ = 	snop  }
0x7: {  	_ = 	snop  }
__scs_overlays_trampoline_lowered:
0x8: {  	[smem:$0x3FA5] =	sst s0  }
0x9: {  	[smem:$0x3FA6] =	sst s1  }
0xa: {  	[smem:$0x3FA7] =	sst s2  }
0xb: {  	[smem:$0x3FA8] =	sst s3  }
0xc: {  	[smem:$0x3FA9] =	sst s4  }
0xd: {  	[smem:$0x3FAA] =	sst s5  }
0xe: {  	[smem:$0x3FAB] =	sst s6  }
0xf: {  	[smem:$0x3FAC] =	sst s7  }
0x10: {  	[smem:$0x3FAD] =	sst s8  }
0x11: {  	[smem:$0x3FAE] =	sst s9;
	s0 =	simm.s32 @!p0 $0x0  }
0x12: {  	s1 =	sld [smem:$0x3F94];
	s0 =	simm.s32 @p0 $0x1  }
0x13: {  	[smem:$0x3FAF] =	sst s0;
	s0 =	simm.s32 @!p1 $0x0  }
0x14: {  	s2 =	sld [smem:$0x3F93];
	s0 =	simm.s32 @p1 $0x1  }
0x15: {  	[smem:$0x3FB0] =	sst s0;
	s0 =	simm.s32 @!p2 $0x0  }
0x16: {  	s3 =	sld [smem:$0x3FDB];
	s0 =	simm.s32 @p2 $0x1  }
0x17: {  	s4 =	simm.s32 $0x1BF5;
	[smem:$0x3FB2] =	sst s0  }
0x18: {  	s0 =	sld [smem:$0x3F95];
	_ =	swait.ge [sflag:s4], $0x0  }
0x19: {  	s7 =	sld [smem:$0x3F96]  }
0x1a: {  	s8 =	sadd.s32 $0xFFFFE003, lr  }
0x1b: {  	s9 =	sadd.s32 $0xFFFFFEF7, lr;
	s5 =	simm.s32 $0xFFFFFFFF;
	p2 =	slt.u32 s8, $0xFFFFF086  }
0x1c: {  	p1 =	slt.u32 s9, $0xF7A;
	s5 =	simm.s32 @!p2 $0x0  }
0x1d: {  	s5 =	simm.s32 @p1 $0x1;
	p0 =	seq.s32 s7, s2  }
0x1e: {  	s7 =	smul.u32 @!p0 $0xF7A, s2;
	p2 =	seq.s32 @!p0 s5, $0x0  }
0x1f: {  	s9 =	smul.u32 $0xF7A, s1;
	s8 =	simm.s32 @!p0 $0x1BF5;
	p2 =	por !p2, p0  }
0x20: {  	[sflag:s8] =	ssyncset.s32 @!p0 $0xFFFFF086;
	s6 =	sadd.s32 @!p0 s3, s7;
	s7 =	simm.s32 @!p0 $0x108  }
0x21: {  	s3 =	sadd.s32 s3, s9;
	s6 =	sadd.s32 @!p0 $0x88, s6;
	s7 =	simm.s32 @p2 $0x1082  }
0x22: {  	[simem:s7], [sflag:s8] =	dma.local @!p0 [hbm:s6], $0xF7A  }
0x23: {  	s9 =	sor.u32 $0xD0000000, s2;
	s6 =	simm.s32 $0x108;
	_ =	swait.ge @!p0 [sflag:s8], $0x0  }
0x24: {  	s3 =	sadd.s32 $0x88, s3;
	s6 =	simm.s32 @!p1 $0x1082;
	[sflag:s4] =	ssyncset.s32 $0xFFFFF086  }
0x25: {  	[simem:s6], [sflag:s4] =	dma.local [hbm:s3], $0xF7A  }
0x26: {  	[smem:$0x3F96] =	sst s1;
	(tag) =	ssettag s2;
	_ =	strace s9  }
0x27: {  	s1 =	sld [smem:$0x3FA6]  }
0x28: {  	s2 =	sld [smem:$0x3FA7]  }
0x29: {  	s4 =	sld [smem:$0x3FA9]  }
0x2a: {  	p0 =	seq.s32 s5, $0x0;
	s5 =	sld [smem:$0x3FAA]  }
0x2b: {  	s6 =	sld [smem:$0x3FAB]  }
0x2c: {  	s7 =	sld [smem:$0x3FAC]  }
0x2d: {  	s3 =	simm.s32 $0x108;
	s8 =	sld [smem:$0x3FAD]  }
0x2e: {  	s3 =	simm.s32 @!p0 $0x1082;
	s9 =	sld [smem:$0x3FAE]  }
0x2f: {  	lr =	sadd.s32 s0, s3;
	s0 =	sld [smem:$0x3FA5]  }
0x30: {  	s3 =	sld [smem:$0x3FA8]  }
0x31: {  	[smem:$0x3FB1] =	sst s10  }
0x32: {  	s10 =	sld [smem:$0x3FAF];
	_ =	sdelay $0x3  }
0x33: {  	p0 =	seq.s32 s10, $0x1;
	s10 =	sld [smem:$0x3FB1];
	_ =	sdelay $0x3  }
0x34: {  	[smem:$0x3FB1] =	sst s10  }
0x35: {  	s10 =	sld [smem:$0x3FB0];
	_ =	sdelay $0x3  }
0x36: {  	p1 =	seq.s32 s10, $0x1;
	s10 =	sld [smem:$0x3FB1];
	_ =	sdelay $0x3  }
0x37: {  	[smem:$0x3FB1] =	sst s10  }
0x38: {  	s10 =	sld [smem:$0x3FB2]  }
0x39: {  	_ = 	snop;
	(pc) =	sbr.ind lr, $3  }
0x3a: {  	_ = 	snop  }
0x3b: {  	_ = 	snop  }
0x3c: {  	p2 =	seq.s32 s10, $0x1;
	s10 =	sld [smem:$0x3FB1]  }
0x3d: {  	_ =	shalt  }
0x3e: {  	_ =	shalt  }
0x3f: {  	_ =	shalt  }
0x40: {  	_ =	shalt  }
0x41: {  	_ =	shalt  }
0x42: {  	_ =	shalt  }
0x43: {  	_ =	shalt  }
0x44: {  	_ =	shalt  }
0x45: {  	_ =	shalt  }
0x46: {  	_ =	shalt  }
0x47: {  	_ =	shalt  }
0x48: {  	_ =	shalt  }
0x49: {  	_ =	shalt  }
0x4a: {  	_ =	shalt  }
0x4b: {  	_ =	shalt  }
0x4c: {  	_ =	shalt  }
0x4d: {  	_ =	shalt  }
0x4e: {  	_ =	shalt  }
0x4f: {  	_ =	shalt  }
0x50: {  	_ =	shalt  }
0x51: {  	_ =	shalt  }
0x52: {  	_ =	shalt  }
0x53: {  	_ =	shalt  }
0x54: {  	_ =	shalt  }
0x55: {  	_ =	shalt  }
0x56: {  	_ =	shalt  }
0x57: {  	_ =	shalt  }
0x58: {  	_ =	shalt  }
0x59: {  	_ =	shalt  }
0x5a: {  	_ =	shalt  }
0x5b: {  	_ =	shalt  }
0x5c: {  	_ =	shalt  }
0x5d: {  	_ =	shalt  }
0x5e: {  	_ =	shalt  }
0x5f: {  	_ =	shalt  }
0x60: {  	_ =	shalt  }
0x61: {  	_ =	shalt  }
0x62: {  	_ =	shalt  }
0x63: {  	_ =	shalt  }
0x64: {  	_ =	shalt  }
0x65: {  	_ =	shalt  }
0x66: {  	_ =	shalt  }
0x67: {  	_ =	shalt  }
0x68: {  	_ =	shalt  }
0x69: {  	_ =	shalt  }
0x6a: {  	_ =	shalt  }
0x6b: {  	_ =	shalt  }
0x6c: {  	_ =	shalt  }
0x6d: {  	_ =	shalt  }
0x6e: {  	_ =	shalt  }
0x6f: {  	_ =	shalt  }
0x70: {  	_ =	shalt  }
0x71: {  	_ =	shalt  }
0x72: {  	_ =	shalt  }
0x73: {  	_ =	shalt  }
0x74: {  	_ =	shalt  }
0x75: {  	_ =	shalt  }
0x76: {  	_ =	shalt  }
0x77: {  	_ =	shalt  }
0x78: {  	_ =	shalt  }
0x79: {  	_ =	shalt  }
0x7a: {  	_ =	shalt  }
0x7b: {  	_ =	shalt  }
0x7c: {  	_ =	shalt  }
0x7d: {  	_ =	shalt  }
0x7e: {  	_ =	shalt  }
0x7f: {  	_ =	shalt  }
0x80: {  	_ =	shalt  }
0x81: {  	_ =	shalt  }
0x82: {  	_ =	shalt  }
0x83: {  	_ =	shalt  }
0x84: {  	_ =	shalt  }
0x85: {  	_ =	shalt  }
0x86: {  	_ =	shalt  }
0x87: {  	_ =	shalt  }
.Lfunc_end0:
.L_simem_size_0:
called_computation.2_lowered:
.L_overlay_start_0:
0x88: {  	s2 =	sld [smem:$0x3FD9]  }
0x89: {  	s3 =	sld [smem:$0x3FFE];
	_ =	sdelay $0x1  }
0x8a: {  	s1 =	srdreg.scid  }
0x8b: {  	s0 =	sand.u32 $0x1, s1  }
0x8c: {  	s16 =	sshll.u32 s0, $0xA;
	s2 =	sadd.s32 s3, s2  }
0x8d: {  	s2 =	sadd.s32 s2, s16  }
0x8e: {  	[smem:$0x3FBD] =	sst s2  }
0x8f: {  	_ = 	snop  }
0x90: {  	(tm) =	ssettm $0x1  }
0x91: {  	s17 =	sld [smem:$0x3FFB];
	_ =	sdelay $0x3  }
0x92: {  	_ =	strace s17  }
0x93: {  	s2 =	sld [smem:$0x3FFC];
	_ =	sdelay $0x3  }
0x94: {  	_ =	strace s2  }
0x95: {  	s2 =	sld [smem:$0x3FFD];
	_ =	sdelay $0x3  }
0x96: {  	_ =	strace s2  }
0x97: {  	_ =	strace $0x8FFFFFFF  }
0x98: {  	s18 =	sld [smem:$0x3FDB];
	_ =	sdelay $0x1  }
0x99: {  	s19 =	simm.s32 $_scs_section_size  }
0x9a: {  	s4 =	simm.s32 $_size__tile_overlayer_lowered;
	s5 =	simm.s32 $_tile_overlayer_lowered  }
0x9b: {  	s22 =	simm.s32 $0x1BFF;
	s21 =	sshll.u32 s5, $0x1;
	s2 =	sadd.s32 s19, s18  }
0x9c: {  	s6 =	simm.s32 $0x0;
	s20 =	sshll.u32 s4, $0x1;
	s4 =	sadd.s32 s21, s2  }
0x9d: {  	[timem:s6], [sflag:s22] =	dma.local [hbm:s4], s20  }
0x9e: {  	_ =	swait.ge [sflag:s22], s20  }
0x9f: {  	s3 =	ssub.s32 $0x0, s20;
	[sflag:s22] =	ssyncset.done $0x0  }
0xa0: {  	[sflag:s22] =	ssyncadd.s32 s3;
	_ =	sdelay $0x1  }
0xa1: {  	s23 =	simm.s32 $0x1B8B  }
0xa2: {  	_ =	swait.ge [sflag:s23], $0x1  }
0xa3: {  	[sflag:s23] =	ssyncset.done $0x0  }
0xa4: {  	s25 =	simm.s32 $0x1B8E;
	s24 =	sld [smem:$0x3FFE];
	[sflag:s23] =	ssyncadd.s32 $0xFFFFFFFF  }
0xa5: {  	s26 =	simm.s32 $execute0_lowered;
	[smem:$0x3FD2] =	sst s25  }
0xa6: {  	s4 =	sshll.u32 s26, $0x1;
	_ =	strace $0x8000004C;
	[dreg:$0x1] =	wrdreg $0xFFFFFFFF  }
0xa7: {  	s28 =	simm.s32 $_size_execute0_lowered;
	s2 =	sadd.s32 s2, s4;
	[dreg:$0x0] =	wrdreg $0x0  }
0xa8: {  	s4 =	sshll.u32 s28, $0x1;
	[dreg:$0x2] =	wrdreg s2  }
0xa9: {  	[dreg:$0x3] =	wrdreg s4  }
0xaa: {  	[dreg:$0x4] =	wrdreg $0xC0  }
0xab: {  	_ =	task [dreg:s6], $0x5FFFF  }
0xac: {  	[dreg:$0x1] =	wrdreg $0xFFFFFFFF  }
0xad: {  	[dreg:$0x0] =	wrdreg $0x60  }
0xae: {  	[dreg:$0x2] =	wrdreg s24  }
0xaf: {  	[dreg:$0x3] =	wrdreg $0xA8000  }
0xb0: {  	[dreg:$0x4] =	wrdreg $0x9  }
0xb1: {  	_ =	task.clear_ibuf [dreg:s6], $0x5FFFF;
	_ =	strace $0x9000004C  }
0xb2: {  	s29 =	simm.s32 $0x9;
	_ =	strace $0x8000004E  }
0xb3: {  	_ =	swait.ge [sflag:s29], $0x1  }
0xb4: {  	[sflag:s29] =	ssyncadd.s32 $0xFFFFFFFF  }
0xb5: {  	_ =	strace $0x9000004E  }
0xb6: {  	_ =	sfence  }
0xb7: {  	s30 =	sld [smem:$0x0];
	_ =	sdelay $0x2  }
0xb8: {  	s31 =	sshll.u32 s1, $0xD;
	s1 =	sshrl.u32 s1, $0x2  }
0xb9: {  	s3 =	sand.u32 $0x4000, s31;
	s1 =	sadd.s32 s1, s30  }
0xba: {  	s0 =	sor.u32 s3, s0;
	s1 =	sshll.u32 s1, $0x11  }
0xbb: {  	s0 =	sor.u32 s1, s0  }
0xbc: {  	s0 =	sadd.s32 $0x8F2B, s0  }
0xbd: {  	[sflag:s0] =	ssyncadd.remote.s32 $0x1  }
0xbe: {  	_ =	sfence.sel $0xFFFF  }
0xbf: {  	[dreg:$0x0] =	wrdreg $0xFFFFFFFF;
	(pc) =	sbr.abs _section_cstart, $3  }
0xc0: {  	[dreg:$0x1] =	wrdreg $0xFFFFFFFF  }
0xc1: {  	_ =	task.clear_ibuf [dreg:s6], $0x2FFFF;
	_ =	strace $0x9FFFFFFF  }
0xc2: {  	(tm) =	ssettm $0x7FFFFFFF  }
0xc3: {  	_ =	shalt  }
tec
execute0_lowered:
.L_overlay_start_1:
0x0: {  	(tag) =	ssettag $0x1  }
0x1: {  	s0 =	rddreg [dreg:$0x0]  }
0x2: {  	s1 =	rddreg [dreg:$0x1];
	s2 =	simm.s32 $0x0  }
0x3: {  	s5 =	srdreg.scid;
	s9 =	stileid.u32;
	s28 =	simm.s32 $0x2  }
0x4: {  	s29 =	simm.s32 $0x9380;
	s30 =	simm.s32 $0xA700;
	s31 =	simm.s32 $0xA780  }
0x5: {  	[smem:$0x7FF] =	sst s2;
	s4 =	sadd.s32 $0x16E00, s0;
	s3 =	sadd.s32 $0x2E00, s0  }
0x6: {  	s14 =	sadd.s32 $0xCE00, s0;
	s5 =	sand.u32 $0x1, s5;
	s7 =	smul.u32 $0x4F000, s9  }
0x7: {  	s6 =	sadd.s32 $0x3E600, s0;
	s0 =	sadd.s32 $0x3EE00, s0;
	s13 =	smul.u32 $0x13C00, s9  }
0x8: {  	s19 =	sshll.u32 s9, $0x1;
	_ =	strace $0x8000004D;
	[dreg:$0x3] =	wrdreg s6  }
0x9: {  	s18 =	ssub.s32 $0x2, s5;
	s21 =	sor.u32 s5, s19;
	s5 =	smul.u32 $0x13C000, s5  }
0xa: {  	s8 =	sshrl.u32 s18, $0x1;
	s7 =	sshrl.u32 s7, $0x2;
	s15 =	sadd.s32 $0x4000, s13  }
0xb: {  	s17 =	sadd.s32 $0x8000, s13;
	s10 =	smul.u32 $0x2800, s21;
	s19 =	sadd.s32 $0x10000, s13  }
0xc: {  	s20 =	ssub.s32 s18, s8;
	s6 =	sadd.s32 s7, s1;
	s18 =	sadd.s32 $0xC000, s13  }
0xd: {  	s7 =	sadd.s32 s15, s1;
	s8 =	sadd.s32 s17, s1;
	s21 =	sadd.s32 s13, s5  }
0xe: {  	s15 =	sadd.s32 s5, s15;
	s25 =	sadd.s32 s5, s17;
	s9 =	sadd.s32 s18, s1  }
0xf: {  	s16 =	sshrl.u32 s10, $0x3;
	s10 =	sadd.s32 s19, s1;
	s23 =	sshrl.u32 s21, $0x3  }
0x10: {  	s24 =	sshrl.u32 s15, $0x3;
	s26 =	sadd.s32 s5, s18;
	s5 =	sadd.s32 s5, s19  }
0x11: {  	s20 =	smax.u32 s20, $0x1;
	s21 =	simm.s32 $0x3;
	s11 =	sadd.s32 s3, s16  }
0x12: {  	s22 =	sadd.s32 s14, s16;
	s16 =	sadd.s32 $0x280, s16;
	s15 =	sadd.s32 s0, s23  }
0x13: {  	s18 =	sshrl.u32 s26, $0x3;
	s5 =	sshrl.u32 s5, $0x3;
	[dreg:$0x4] =	wrdreg s11  }
0x14: {  	s23 =	simm.s32 $0x9400;
	s26 =	simm.s32 $0x1;
	[dreg:$0x5] =	wrdreg s22  }
0x15: {  	s3 =	sadd.s32 s3, s16;
	s14 =	sadd.s32 s14, s16;
	s16 =	sadd.s32 s0, s24  }
0x16: {  	s18 =	sadd.s32 s0, s18;
	s19 =	sadd.s32 s0, s5;
	s22 =	simm.s32 $0x8000  }
0x17: {  	s24 =	simm.s32 $0x80;
	[dreg:$0x6] =	wrdreg s3;
	s3 =	sshrl.u32 s25, $0x3  }
0x18: {  	s25 =	simm.s32 $0x4000;
	s17 =	sadd.s32 s0, s3;
	s0 =	simm.s32 $0x0  }
.LBB2_1:
0x19: {  	s3 =	rddreg [dreg:$0x3]  }
0x1a: {  	[tilespmem:s2], [sflag:$0x3] =	stream.linear.gather [hbm4b:s3+s2], $0x4000, $0x38;
	[tilespmem:$0x1E400] =	vst v63  }
0x1b: {  	_ =	swait.ge [sflag:s21], $0x4000  }
0x1c: {  	[sflag:s21] =	ssyncset.done $0x0  }
0x1d: {  	[sflag:s21] =	ssyncadd.s32 $0xFFFFC000  }
0x1e: {  	[spmem:s6] =	stream.linear.scatter [tilespmem:s2], [sflag:$0x3], $0x4000, $0x38;
	[tilespmem:$0x1E400] =	vst v63  }
0x1f: {  	_ =	swait.ge [sflag:s21], $0x4000  }
0x20: {  	[sflag:s21] =	ssyncset.done $0x0  }
0x21: {  	[sflag:s21] =	ssyncadd.s32 $0xFFFFC000  }
0x22: {  	[spmem:s7] =	stream.linear.scatter [tilespmem:s2], [sflag:$0x3], $0x4000, $0x38;
	[tilespmem:$0x1E400] =	vst v63  }
0x23: {  	_ =	swait.ge [sflag:s21], $0x4000  }
0x24: {  	[sflag:s21] =	ssyncset.done $0x0  }
0x25: {  	[sflag:s21] =	ssyncadd.s32 $0xFFFFC000  }
0x26: {  	[spmem:s8] =	stream.linear.scatter [tilespmem:s2], [sflag:$0x3], $0x4000, $0x38;
	[tilespmem:$0x1E400] =	vst v63  }
0x27: {  	_ =	swait.ge [sflag:s21], $0x4000  }
0x28: {  	[sflag:s21] =	ssyncset.done $0x0  }
0x29: {  	[sflag:s21] =	ssyncadd.s32 $0xFFFFC000  }
0x2a: {  	[spmem:s9] =	stream.linear.scatter [tilespmem:s2], [sflag:$0x3], $0x4000, $0x38;
	[tilespmem:$0x1E400] =	vst v63  }
0x2b: {  	_ =	swait.ge [sflag:s21], $0x4000  }
0x2c: {  	[sflag:s21] =	ssyncset.done $0x0  }
0x2d: {  	[sflag:s21] =	ssyncadd.s32 $0xFFFFC000  }
0x2e: {  	[spmem:s10] =	stream.linear.scatter [tilespmem:s2], [sflag:$0x3], $0x3C00, $0x38;
	[tilespmem:$0x1E400] =	vst v63  }
0x2f: {  	_ =	swait.ge [sflag:s21], $0x3C00  }
0x30: {  	[sflag:s21] =	ssyncset.done $0x0  }
0x31: {  	[sflag:s21] =	ssyncadd.s32 $0xFFFFC400  }
0x32: {  	[bflag:$0x0] =	sbarrier.arrive $0xFFFF  }
0x33: {  	s12 =	rddreg [dreg:$0x4]  }
0x34: {  	[tilespmem:s22], [sflag:$0x3] =	stream.linear.gather [hbm4b:s12+s2], $0x1400, $0x38;
	[tilespmem:$0x1E400] =	vst v63  }
0x35: {  	_ =	swait.ge [sflag:s21], $0x1400  }
0x36: {  	[sflag:s21] =	ssyncset.done $0x0  }
0x37: {  	s13 =	rddreg [dreg:$0x5];
	[sflag:s21] =	ssyncadd.s32 $0xFFFFEC00  }
0x38: {  	[tilespmem:s23], [sflag:$0x3] =	stream.linear.gather [hbm4b:s13+s2], $0x1400, $0x38;
	[tilespmem:$0x1E400] =	vst v63  }
0x39: {  	_ =	swait.ge [sflag:s21], $0x1400  }
0x3a: {  	[sflag:s21] =	ssyncset.done $0x0  }
0x3b: {  	[sflag:s21] =	ssyncadd.s32 $0xFFFFEC00  }
0x3c: {  	[tilespmem:s2], [sflag:$0x1] =	stream.indirect.gather [hbm4b:s4+s24], $0x80, s22, s24, $0xb8;
	[tilespmem:$0x1E400] =	vst v63  }
0x3d: {  	s5 =	simm.s32 $0x8080  }
0x3e: {  	[tilespmem:s25], [sflag:$0x2] =	stream.indirect.gather [hbm4b:s4+s24], $0x80, s5, s24, $0xb8;
	[tilespmem:$0x1E400] =	vst v63  }
0x3f: {  	_ =	swait.ge [sflag:s26], $0x4000  }
0x40: {  	[sflag:s26] =	ssyncset.done $0x0  }
0x41: {  	s11 =	simm.s32 $0x9400;
	[sflag:s26] =	ssyncadd.s32 $0xFFFFC000  }
0x42: {  	[spmem:s1] =	stream.indirect.scatter.add.f32 [tilespmem:s2], [sflag:$0x3], $0x80, s11, s24, $0xb8;
	[tilespmem:$0x1E400] =	vst v63  }
0x43: {  	_ =	swait.ge [sflag:s21], $0x4000  }
0x44: {  	[sflag:s21] =	ssyncset.done $0x0  }
0x45: {  	s12 =	simm.s32 $0x8100;
	[sflag:s21] =	ssyncadd.s32 $0xFFFFC000  }
0x46: {  	[tilespmem:s2], [sflag:$0x1] =	stream.indirect.gather [hbm4b:s4+s24], $0x80, s12, s24, $0xb8;
	[tilespmem:$0x1E400] =	vst v63  }
0x47: {  	_ =	swait.ge [sflag:s28], $0x4000  }
0x48: {  	[sflag:s28] =	ssyncset.done $0x0  }
0x49: {  	s13 =	simm.s32 $0x9480;
	[sflag:s28] =	ssyncadd.s32 $0xFFFFC000  }
0x4a: {  	[spmem:s1] =	stream.indirect.scatter.add.f32 [tilespmem:s25], [sflag:$0x3], $0x80, s13, s24, $0xb8;
	[tilespmem:$0x1E400] =	vst v63  }
0x4b: {  	_ =	swait.ge [sflag:s21], $0x4000  }
0x4c: {  	s3 =	simm.s32 $0x100;
	s5 =	simm.s32 $0x800;
	[sflag:s21] =	ssyncset.done $0x0  }
.LBB2_2:
0x4d: {  	s11 =	sadd.s32 $0x8080, s3  }
0x4e: {  	[sflag:s21] =	ssyncadd.s32 $0xFFFFC000;
	s12 =	smov.u32 s5;
	s13 =	sadd.s32 $0x400, s5  }
0x4f: {  	[tilespmem:s25], [sflag:$0x2] =	stream.indirect.gather [hbm4b:s4+s24], $0x80, s11, s24, $0xb8;
	[tilespmem:$0x1E400] =	vst v63  }
0x50: {  	p0 =	sne.s32 s5, $0x4800;
	_ =	swait.ge [sflag:s26], $0x4000  }
0x51: {  	[sflag:s26] =	ssyncset.done $0x0  }
0x52: {  	s5 =	sadd.s32 $0x9400, s3;
	[sflag:s26] =	ssyncadd.s32 $0xFFFFC000  }
0x53: {  	[spmem:s1] =	stream.indirect.scatter.add.f32 [tilespmem:s2], [sflag:$0x3], $0x80, s5, s24, $0xb8;
	[tilespmem:$0x1E400] =	vst v63  }
0x54: {  	_ =	swait.ge [sflag:s21], $0x4000  }
0x55: {  	[sflag:s21] =	ssyncset.done $0x0  }
0x56: {  	s5 =	sadd.s32 $0x8100, s3;
	[sflag:s21] =	ssyncadd.s32 $0xFFFFC000  }
0x57: {  	[tilespmem:s2], [sflag:$0x1] =	stream.indirect.gather [hbm4b:s4+s24], $0x80, s5, s24, $0xb8;
	[tilespmem:$0x1E400] =	vst v63  }
0x58: {  	_ =	swait.ge [sflag:s28], $0x4000  }
.Ltmp0:
0x59: {  	[sflag:s28] =	ssyncset.done $0x0;
	(pc) =	sbr.rel @p0 .LBB2_2-.Ltmp0, $4  }
0x5a: {  	s3 =	sadd.s32 $0x9480, s3;
	[sflag:s28] =	ssyncadd.s32 $0xFFFFC000  }
0x5b: {  	[spmem:s1] =	stream.indirect.scatter.add.f32 [tilespmem:s25], [sflag:$0x3], $0x80, s3, s24, $0xb8;
	[tilespmem:$0x1E400] =	vst v63  }
0x5c: {  	_ =	swait.ge [sflag:s21], $0x4000  }
0x5d: {  	s5 =	smov.u32 s13;
	s3 =	sshra.s32 s12, $0x2;
	[sflag:s21] =	ssyncset.done $0x0  }
0x5e: {  	s5 =	sadd.s32 $0x8080, s3;
	[sflag:s21] =	ssyncadd.s32 $0xFFFFC000  }
0x5f: {  	[tilespmem:s25], [sflag:$0x2] =	stream.indirect.gather [hbm4b:s4+s24], $0x80, s5, s24, $0xb8;
	[tilespmem:$0x1E400] =	vst v63  }
0x60: {  	_ =	swait.ge [sflag:s26], $0x4000  }
0x61: {  	[sflag:s26] =	ssyncset.done $0x0  }
0x62: {  	s12 =	sadd.s32 $0x9400, s3;
	[sflag:s26] =	ssyncadd.s32 $0xFFFFC000  }
0x63: {  	[spmem:s1] =	stream.indirect.scatter.add.f32 [tilespmem:s2], [sflag:$0x3], $0x80, s12, s24, $0xb8;
	[tilespmem:$0x1E400] =	vst v63  }
0x64: {  	_ =	swait.ge [sflag:s21], $0x4000  }
0x65: {  	[sflag:s21] =	ssyncset.done $0x0  }
0x66: {  	s13 =	sadd.s32 $0x8100, s3;
	[sflag:s21] =	ssyncadd.s32 $0xFFFFC000  }
0x67: {  	[tilespmem:s2], [sflag:$0x1] =	stream.indirect.gather [hbm4b:s4+s24], $0x80, s13, s24, $0xb8;
	[tilespmem:$0x1E400] =	vst v63  }
0x68: {  	_ =	swait.ge [sflag:s28], $0x4000  }
0x69: {  	[sflag:s28] =	ssyncset.done $0x0  }
0x6a: {  	s11 =	sadd.s32 $0x9480, s3;
	[sflag:s28] =	ssyncadd.s32 $0xFFFFC000  }
0x6b: {  	[spmem:s1] =	stream.indirect.scatter.add.f32 [tilespmem:s25], [sflag:$0x3], $0x80, s11, s24, $0xb8;
	[tilespmem:$0x1E400] =	vst v63  }
0x6c: {  	_ =	swait.ge [sflag:s21], $0x4000  }
0x6d: {  	[sflag:s21] =	ssyncset.done $0x0  }
0x6e: {  	[sflag:s21] =	ssyncadd.s32 $0xFFFFC000  }
0x6f: {  	[tilespmem:s25], [sflag:$0x2] =	stream.indirect.gather [hbm4b:s4+s24], $0x80, s29, s24, $0xb8;
	[tilespmem:$0x1E400] =	vst v63  }
0x70: {  	_ =	swait.ge [sflag:s26], $0x4000  }
0x71: {  	[sflag:s26] =	ssyncset.done $0x0  }
0x72: {  	s12 =	simm.s32 $0x0;
	[sflag:s26] =	ssyncadd.s32 $0xFFFFC000  }
0x73: {  	[spmem:s1] =	stream.indirect.scatter.add.f32 [tilespmem:s12], [sflag:$0x3], $0x80, s30, s24, $0xb8;
	[tilespmem:$0x1E400] =	vst v63  }
0x74: {  	_ =	swait.ge [sflag:s21], $0x4000  }
0x75: {  	[sflag:s21] =	ssyncset.done $0x0  }
0x76: {  	[sflag:s21] =	ssyncadd.s32 $0xFFFFC000  }
0x77: {  	_ =	swait.ge [sflag:s28], $0x4000  }
0x78: {  	[sflag:s28] =	ssyncset.done $0x0  }
0x79: {  	[sflag:s28] =	ssyncadd.s32 $0xFFFFC000  }
0x7a: {  	[spmem:s1] =	stream.indirect.scatter.add.f32 [tilespmem:s25], [sflag:$0x3], $0x80, s31, s24, $0xb8;
	[tilespmem:$0x1E400] =	vst v63  }
0x7b: {  	_ =	swait.ge [sflag:s21], $0x4000  }
0x7c: {  	[sflag:s21] =	ssyncset.done $0x0  }
0x7d: {  	s13 =	rddreg [dreg:$0x6];
	[sflag:s21] =	ssyncadd.s32 $0xFFFFC000  }
0x7e: {  	[tilespmem:s22], [sflag:$0x3] =	stream.linear.gather [hbm4b:s13+s12], $0x1400, $0x38;
	[tilespmem:$0x1E400] =	vst v63  }
0x7f: {  	_ =	swait.ge [sflag:s21], $0x1400  }
0x80: {  	[sflag:s21] =	ssyncset.done $0x0  }
0x81: {  	[sflag:s21] =	ssyncadd.s32 $0xFFFFEC00  }
0x82: {  	[tilespmem:s23], [sflag:$0x3] =	stream.linear.gather [hbm4b:s14+s12], $0x1400, $0x38;
	[tilespmem:$0x1E400] =	vst v63  }
0x83: {  	_ =	swait.ge [sflag:s21], $0x1400  }
0x84: {  	[sflag:s21] =	ssyncset.done $0x0  }
0x85: {  	[sflag:s21] =	ssyncadd.s32 $0xFFFFEC00  }
0x86: {  	[tilespmem:s12], [sflag:$0x1] =	stream.indirect.gather [hbm4b:s4+s24], $0x80, s22, s24, $0xb8;
	[tilespmem:$0x1E400] =	vst v63  }
0x87: {  	s5 =	simm.s32 $0x8080  }
0x88: {  	[tilespmem:s25], [sflag:$0x2] =	stream.indirect.gather [hbm4b:s4+s24], $0x80, s5, s24, $0xb8;
	[tilespmem:$0x1E400] =	vst v63  }
0x89: {  	_ =	swait.ge [sflag:s26], $0x4000  }
0x8a: {  	[sflag:s26] =	ssyncset.done $0x0  }
0x8b: {  	s11 =	simm.s32 $0x9400;
	[sflag:s26] =	ssyncadd.s32 $0xFFFFC000  }
0x8c: {  	[spmem:s1] =	stream.indirect.scatter.add.f32 [tilespmem:s2], [sflag:$0x3], $0x80, s11, s24, $0xb8;
	[tilespmem:$0x1E400] =	vst v63  }
0x8d: {  	_ =	swait.ge [sflag:s21], $0x4000  }
0x8e: {  	[sflag:s21] =	ssyncset.done $0x0  }
0x8f: {  	s12 =	simm.s32 $0x8100;
	[sflag:s21] =	ssyncadd.s32 $0xFFFFC000  }
0x90: {  	[tilespmem:s2], [sflag:$0x1] =	stream.indirect.gather [hbm4b:s4+s24], $0x80, s12, s24, $0xb8;
	[tilespmem:$0x1E400] =	vst v63  }
0x91: {  	_ =	swait.ge [sflag:s28], $0x4000  }
0x92: {  	[sflag:s28] =	ssyncset.done $0x0  }
0x93: {  	s13 =	simm.s32 $0x9480;
	[sflag:s28] =	ssyncadd.s32 $0xFFFFC000  }
0x94: {  	[spmem:s1] =	stream.indirect.scatter.add.f32 [tilespmem:s25], [sflag:$0x3], $0x80, s13, s24, $0xb8;
	[tilespmem:$0x1E400] =	vst v63  }
0x95: {  	_ =	swait.ge [sflag:s21], $0x4000  }
0x96: {  	s3 =	simm.s32 $0x100;
	s5 =	simm.s32 $0x800;
	[sflag:s21] =	ssyncset.done $0x0  }
.LBB2_4:
0x97: {  	s11 =	sadd.s32 $0x8080, s3  }
0x98: {  	[sflag:s21] =	ssyncadd.s32 $0xFFFFC000;
	s12 =	smov.u32 s5;
	s13 =	sadd.s32 $0x400, s5  }
0x99: {  	[tilespmem:s25], [sflag:$0x2] =	stream.indirect.gather [hbm4b:s4+s24], $0x80, s11, s24, $0xb8;
	[tilespmem:$0x1E400] =	vst v63  }
0x9a: {  	p0 =	sne.s32 s5, $0x4800;
	_ =	swait.ge [sflag:s26], $0x4000  }
0x9b: {  	[sflag:s26] =	ssyncset.done $0x0  }
0x9c: {  	s5 =	sadd.s32 $0x9400, s3;
	[sflag:s26] =	ssyncadd.s32 $0xFFFFC000  }
0x9d: {  	[spmem:s1] =	stream.indirect.scatter.add.f32 [tilespmem:s2], [sflag:$0x3], $0x80, s5, s24, $0xb8;
	[tilespmem:$0x1E400] =	vst v63  }
0x9e: {  	_ =	swait.ge [sflag:s21], $0x4000  }
0x9f: {  	[sflag:s21] =	ssyncset.done $0x0  }
0xa0: {  	s5 =	sadd.s32 $0x8100, s3;
	[sflag:s21] =	ssyncadd.s32 $0xFFFFC000  }
0xa1: {  	[tilespmem:s2], [sflag:$0x1] =	stream.indirect.gather [hbm4b:s4+s24], $0x80, s5, s24, $0xb8;
	[tilespmem:$0x1E400] =	vst v63  }
0xa2: {  	_ =	swait.ge [sflag:s28], $0x4000  }
.Ltmp1:
0xa3: {  	[sflag:s28] =	ssyncset.done $0x0;
	(pc) =	sbr.rel @p0 .LBB2_4-.Ltmp1, $4  }
0xa4: {  	s3 =	sadd.s32 $0x9480, s3;
	[sflag:s28] =	ssyncadd.s32 $0xFFFFC000  }
0xa5: {  	[spmem:s1] =	stream.indirect.scatter.add.f32 [tilespmem:s25], [sflag:$0x3], $0x80, s3, s24, $0xb8;
	[tilespmem:$0x1E400] =	vst v63  }
0xa6: {  	_ =	swait.ge [sflag:s21], $0x4000  }
0xa7: {  	s5 =	smov.u32 s13;
	s3 =	sshra.s32 s12, $0x2;
	[sflag:s21] =	ssyncset.done $0x0  }
0xa8: {  	s5 =	sadd.s32 $0x8080, s3;
	[sflag:s21] =	ssyncadd.s32 $0xFFFFC000  }
0xa9: {  	[tilespmem:s25], [sflag:$0x2] =	stream.indirect.gather [hbm4b:s4+s24], $0x80, s5, s24, $0xb8;
	[tilespmem:$0x1E400] =	vst v63  }
0xaa: {  	_ =	swait.ge [sflag:s26], $0x4000  }
0xab: {  	[sflag:s26] =	ssyncset.done $0x0  }
0xac: {  	s11 =	sadd.s32 $0x9400, s3;
	[sflag:s26] =	ssyncadd.s32 $0xFFFFC000  }
0xad: {  	[spmem:s1] =	stream.indirect.scatter.add.f32 [tilespmem:s2], [sflag:$0x3], $0x80, s11, s24, $0xb8;
	[tilespmem:$0x1E400] =	vst v63  }
0xae: {  	_ =	swait.ge [sflag:s21], $0x4000  }
0xaf: {  	[sflag:s21] =	ssyncset.done $0x0  }
0xb0: {  	s12 =	sadd.s32 $0x8100, s3;
	[sflag:s21] =	ssyncadd.s32 $0xFFFFC000  }
0xb1: {  	[tilespmem:s2], [sflag:$0x1] =	stream.indirect.gather [hbm4b:s4+s24], $0x80, s12, s24, $0xb8;
	[tilespmem:$0x1E400] =	vst v63  }
0xb2: {  	_ =	swait.ge [sflag:s28], $0x4000  }
0xb3: {  	[sflag:s28] =	ssyncset.done $0x0  }
0xb4: {  	s13 =	sadd.s32 $0x9480, s3;
	[sflag:s28] =	ssyncadd.s32 $0xFFFFC000  }
0xb5: {  	[spmem:s1] =	stream.indirect.scatter.add.f32 [tilespmem:s25], [sflag:$0x3], $0x80, s13, s24, $0xb8;
	[tilespmem:$0x1E400] =	vst v63  }
0xb6: {  	_ =	swait.ge [sflag:s21], $0x4000  }
0xb7: {  	[sflag:s21] =	ssyncset.done $0x0  }
0xb8: {  	[sflag:s21] =	ssyncadd.s32 $0xFFFFC000  }
0xb9: {  	[tilespmem:s25], [sflag:$0x2] =	stream.indirect.gather [hbm4b:s4+s24], $0x80, s29, s24, $0xb8;
	[tilespmem:$0x1E400] =	vst v63  }
0xba: {  	_ =	swait.ge [sflag:s26], $0x4000  }
0xbb: {  	[sflag:s26] =	ssyncset.done $0x0  }
0xbc: {  	[sflag:s26] =	ssyncadd.s32 $0xFFFFC000  }
0xbd: {  	[spmem:s1] =	stream.indirect.scatter.add.f32 [tilespmem:s2], [sflag:$0x3], $0x80, s30, s24, $0xb8;
	[tilespmem:$0x1E400] =	vst v63  }
0xbe: {  	_ =	swait.ge [sflag:s21], $0x4000  }
0xbf: {  	[sflag:s21] =	ssyncset.done $0x0  }
0xc0: {  	[sflag:s21] =	ssyncadd.s32 $0xFFFFC000  }
0xc1: {  	_ =	swait.ge [sflag:s28], $0x4000  }
0xc2: {  	[sflag:s28] =	ssyncset.done $0x0  }
0xc3: {  	[sflag:s28] =	ssyncadd.s32 $0xFFFFC000  }
0xc4: {  	[spmem:s1] =	stream.indirect.scatter.add.f32 [tilespmem:s25], [sflag:$0x3], $0x80, s31, s24, $0xb8;
	[tilespmem:$0x1E400] =	vst v63  }
0xc5: {  	_ =	swait.ge [sflag:s21], $0x4000  }
0xc6: {  	[sflag:s21] =	ssyncset.done $0x0  }
0xc7: {  	[sflag:s21] =	ssyncadd.s32 $0xFFFFC000  }
0xc8: {  	[bflag:$0x0] =	sbarrier.arrive $0xFFFF  }
0xc9: {  	[tilespmem:s2], [sflag:$0x3] =	stream.linear.gather [spmem:s6], $0x4000, $0x38;
	[tilespmem:$0x1E400] =	vst v63  }
0xca: {  	_ =	swait.ge [sflag:s21], $0x4000  }
0xcb: {  	[sflag:s21] =	ssyncset.done $0x0  }
0xcc: {  	[sflag:s21] =	ssyncadd.s32 $0xFFFFC000  }
0xcd: {  	[hbm4b:s15+s2] =	stream.linear.scatter [tilespmem:s2], [sflag:$0x1], $0x4000, $0x38;
	[tilespmem:$0x1E400] =	vst v63  }
0xce: {  	_ = 	snop  }
0xcf: {  	[tilespmem:s25], [sflag:$0x3] =	stream.linear.gather [spmem:s7], $0x4000, $0x38;
	[tilespmem:$0x1E400] =	vst v63  }
0xd0: {  	_ =	swait.ge [sflag:s21], $0x4000  }
0xd1: {  	[sflag:s21] =	ssyncset.done $0x0  }
0xd2: {  	[sflag:s21] =	ssyncadd.s32 $0xFFFFC000  }
0xd3: {  	[hbm4b:s16+s2] =	stream.linear.scatter [tilespmem:s25], [sflag:$0x2], $0x4000, $0x38;
	[tilespmem:$0x1E400] =	vst v63  }
0xd4: {  	_ =	swait.ge [sflag:s26], $0x4000  }
0xd5: {  	[sflag:s26] =	ssyncset.done $0x0  }
0xd6: {  	[sflag:s26] =	ssyncadd.s32 $0xFFFFC000  }
0xd7: {  	[tilespmem:s2], [sflag:$0x3] =	stream.linear.gather [spmem:s8], $0x4000, $0x38;
	[tilespmem:$0x1E400] =	vst v63  }
0xd8: {  	_ =	swait.ge [sflag:s21], $0x4000  }
0xd9: {  	[sflag:s21] =	ssyncset.done $0x0  }
0xda: {  	[sflag:s21] =	ssyncadd.s32 $0xFFFFC000  }
0xdb: {  	[hbm4b:s17+s2] =	stream.linear.scatter [tilespmem:s2], [sflag:$0x1], $0x4000, $0x38;
	[tilespmem:$0x1E400] =	vst v63  }
0xdc: {  	_ =	swait.ge [sflag:s28], $0x4000  }
0xdd: {  	[sflag:s28] =	ssyncset.done $0x0  }
0xde: {  	[sflag:s28] =	ssyncadd.s32 $0xFFFFC000  }
0xdf: {  	[tilespmem:s25], [sflag:$0x3] =	stream.linear.gather [spmem:s9], $0x4000, $0x38;
	[tilespmem:$0x1E400] =	vst v63  }
0xe0: {  	_ =	swait.ge [sflag:s21], $0x4000  }
0xe1: {  	[sflag:s21] =	ssyncset.done $0x0  }
0xe2: {  	[sflag:s21] =	ssyncadd.s32 $0xFFFFC000  }
0xe3: {  	[hbm4b:s18+s2] =	stream.linear.scatter [tilespmem:s25], [sflag:$0x2], $0x4000, $0x38;
	[tilespmem:$0x1E400] =	vst v63  }
0xe4: {  	_ =	swait.ge [sflag:s26], $0x4000  }
0xe5: {  	[sflag:s26] =	ssyncset.done $0x0  }
0xe6: {  	[sflag:s26] =	ssyncadd.s32 $0xFFFFC000  }
0xe7: {  	[tilespmem:s2], [sflag:$0x3] =	stream.linear.gather [spmem:s10], $0x3C00, $0x38;
	[tilespmem:$0x1E400] =	vst v63  }
0xe8: {  	_ =	swait.ge [sflag:s21], $0x3C00  }
0xe9: {  	[sflag:s21] =	ssyncset.done $0x0  }
0xea: {  	s0 =	sadd.s32 $0x1, s0;
	[sflag:s21] =	ssyncadd.s32 $0xFFFFC400  }
0xeb: {  	[hbm4b:s19+s2] =	stream.linear.scatter [tilespmem:s2], [sflag:$0x1], $0x3C00, $0x38;
	[tilespmem:$0x1E400] =	vst v63  }
0xec: {  	p0 =	sne.s32 s0, s20;
	_ =	swait.ge [sflag:s28], $0x4000  }
.Ltmp2:
0xed: {  	[sflag:s28] =	ssyncset.done $0x0;
	(pc) =	sbr.rel @p0 .LBB2_1-.Ltmp2, $4  }
0xee: {  	[sflag:s28] =	ssyncadd.s32 $0xFFFFC000  }
0xef: {  	_ =	swait.ge [sflag:s26], $0x3C00  }
0xf0: {  	[sflag:s26] =	ssyncset.done $0x0  }
0xf1: {  	[sflag:s26] =	ssyncadd.s32 $0xFFFFC400  }
0xf2: {  	_ =	sfence.sel $0x180000  }
0xf3: {  	[bflag:$0x0] =	sbarrier.arrive $0xFFFF  }
0xf4: {  	_ =	strace $0x9000004D  }
0xf5: {  	s0 =	stileid.u32;
	[bflag:$0x2] =	sbarrier.arrive $0xFFFF  }
0xf6: {  	p0 =	sne.s32 s0, $0x0;
	s0 =	rddreg [dreg:$0x2]  }
0xf7: {  	s0 =	sadd.s32 @!p0 $0x100000, s0  }
0xf8: {  	[sflag:s0] =	ssyncadd.tile.s32 @!p0 $0x1;
	_ =	shalt  }
.Lfunc_end2:
_tile_overlayer_lowered:
.L_overlay_start_2:
0xf9: {  	(tag) =	ssettag $0x2  }
0xfa: {  	s0 =	rddreg [dreg:$0x0];
	s2 =	stileid.u32  }
0xfb: {  	s1 =	rddreg [dreg:$0x1];
	p0 =	sne.s32 s2, $0x0  }
0xfc: {  	s3 =	rddreg [dreg:$0x2];
	[bflag:$0x3] =	sbarrier.arrive $0xFFFF;
	s2 =	simm.s32 @!p0 $0x1C03  }
0xfd: {  	[timem:s3], [sflag:s2] =	dma.local @!p0 [hbm:s0], s1  }
0xfe: {  	s0 =	simm.s32 @!p0 $0x3  }
0xff: {  	_ =	swait.ge @!p0 [sflag:s0], s1  }
0x100: {  	s1 =	ssub.s32 @!p0 $0x0, s1;
	[sflag:s0] =	ssyncset.done @!p0 $0x0  }
0x101: {  	[sflag:s0] =	ssyncadd.s32 @!p0 s1  }
0x102: {  	[bflag:$0x3] =	sbarrier.arrive $0xFFFF  }
0x103: {  	_ =	shalt  }

// kernel: kernel.8.cloned.1.call-start
scs
__scs_entry_jumppad:
0x0: {  	(pc) =	sbr.rel $0x88, $3  }
0x1: {  	(tag) =	ssettag $0x0;
	lr =	simm.s32 $0x1  }
0x2: {  	[smem:$0x3F96] =	sst lr;
	_ =	strace $0xD0000000  }
0x3: {  	_ = 	snop  }
0x4: {  	_ = 	snop  }
0x5: {  	_ = 	snop  }
0x6: {  	_ = 	snop  }
0x7: {  	_ = 	snop  }
__scs_overlays_trampoline_lowered:
0x8: {  	[smem:$0x3FA5] =	sst s0  }
0x9: {  	[smem:$0x3FA6] =	sst s1  }
0xa: {  	[smem:$0x3FA7] =	sst s2  }
0xb: {  	[smem:$0x3FA8] =	sst s3  }
0xc: {  	[smem:$0x3FA9] =	sst s4  }
0xd: {  	[smem:$0x3FAA] =	sst s5  }
0xe: {  	[smem:$0x3FAB] =	sst s6  }
0xf: {  	[smem:$0x3FAC] =	sst s7  }
0x10: {  	[smem:$0x3FAD] =	sst s8  }
0x11: {  	[smem:$0x3FAE] =	sst s9;
	s0 =	simm.s32 @!p0 $0x0  }
0x12: {  	s1 =	sld [smem:$0x3F94];
	s0 =	simm.s32 @p0 $0x1  }
0x13: {  	[smem:$0x3FAF] =	sst s0;
	s0 =	simm.s32 @!p1 $0x0  }
0x14: {  	s2 =	sld [smem:$0x3F93];
	s0 =	simm.s32 @p1 $0x1  }
0x15: {  	[smem:$0x3FB0] =	sst s0;
	s0 =	simm.s32 @!p2 $0x0  }
0x16: {  	s3 =	sld [smem:$0x3FDB];
	s0 =	simm.s32 @p2 $0x1  }
0x17: {  	s4 =	simm.s32 $0x1BF5;
	[smem:$0x3FB2] =	sst s0  }
0x18: {  	s0 =	sld [smem:$0x3F95];
	_ =	swait.ge [sflag:s4], $0x0  }
0x19: {  	s7 =	sld [smem:$0x3F96]  }
0x1a: {  	s8 =	sadd.s32 $0xFFFFE003, lr  }
0x1b: {  	s9 =	sadd.s32 $0xFFFFFEF7, lr;
	s5 =	simm.s32 $0xFFFFFFFF;
	p2 =	slt.u32 s8, $0xFFFFF086  }
0x1c: {  	p1 =	slt.u32 s9, $0xF7A;
	s5 =	simm.s32 @!p2 $0x0  }
0x1d: {  	s5 =	simm.s32 @p1 $0x1;
	p0 =	seq.s32 s7, s2  }
0x1e: {  	s7 =	smul.u32 @!p0 $0xF7A, s2;
	p2 =	seq.s32 @!p0 s5, $0x0  }
0x1f: {  	s9 =	smul.u32 $0xF7A, s1;
	s8 =	simm.s32 @!p0 $0x1BF5;
	p2 =	por !p2, p0  }
0x20: {  	[sflag:s8] =	ssyncset.s32 @!p0 $0xFFFFF086;
	s6 =	sadd.s32 @!p0 s3, s7;
	s7 =	simm.s32 @!p0 $0x108  }
0x21: {  	s3 =	sadd.s32 s3, s9;
	s6 =	sadd.s32 @!p0 $0x88, s6;
	s7 =	simm.s32 @p2 $0x1082  }
0x22: {  	[simem:s7], [sflag:s8] =	dma.local @!p0 [hbm:s6], $0xF7A  }
0x23: {  	s9 =	sor.u32 $0xD0000000, s2;
	s6 =	simm.s32 $0x108;
	_ =	swait.ge @!p0 [sflag:s8], $0x0  }
0x24: {  	s3 =	sadd.s32 $0x88, s3;
	s6 =	simm.s32 @!p1 $0x1082;
	[sflag:s4] =	ssyncset.s32 $0xFFFFF086  }
0x25: {  	[simem:s6], [sflag:s4] =	dma.local [hbm:s3], $0xF7A  }
0x26: {  	[smem:$0x3F96] =	sst s1;
	(tag) =	ssettag s2;
	_ =	strace s9  }
0x27: {  	s1 =	sld [smem:$0x3FA6]  }
0x28: {  	s2 =	sld [smem:$0x3FA7]  }
0x29: {  	s4 =	sld [smem:$0x3FA9]  }
0x2a: {  	p0 =	seq.s32 s5, $0x0;
	s5 =	sld [smem:$0x3FAA]  }
0x2b: {  	s6 =	sld [smem:$0x3FAB]  }
0x2c: {  	s7 =	sld [smem:$0x3FAC]  }
0x2d: {  	s3 =	simm.s32 $0x108;
	s8 =	sld [smem:$0x3FAD]  }
0x2e: {  	s3 =	simm.s32 @!p0 $0x1082;
	s9 =	sld [smem:$0x3FAE]  }
0x2f: {  	lr =	sadd.s32 s0, s3;
	s0 =	sld [smem:$0x3FA5]  }
0x30: {  	s3 =	sld [smem:$0x3FA8]  }
0x31: {  	[smem:$0x3FB1] =	sst s10  }
0x32: {  	s10 =	sld [smem:$0x3FAF];
	_ =	sdelay $0x3  }
0x33: {  	p0 =	seq.s32 s10, $0x1;
	s10 =	sld [smem:$0x3FB1];
	_ =	sdelay $0x3  }
0x34: {  	[smem:$0x3FB1] =	sst s10  }
0x35: {  	s10 =	sld [smem:$0x3FB0];
	_ =	sdelay $0x3  }
0x36: {  	p1 =	seq.s32 s10, $0x1;
	s10 =	sld [smem:$0x3FB1];
	_ =	sdelay $0x3  }
0x37: {  	[smem:$0x3FB1] =	sst s10  }
0x38: {  	s10 =	sld [smem:$0x3FB2]  }
0x39: {  	_ = 	snop;
	(pc) =	sbr.ind lr, $3  }
0x3a: {  	_ = 	snop  }
0x3b: {  	_ = 	snop  }
0x3c: {  	p2 =	seq.s32 s10, $0x1;
	s10 =	sld [smem:$0x3FB1]  }
0x3d: {  	_ =	shalt  }
0x3e: {  	_ =	shalt  }
0x3f: {  	_ =	shalt  }
0x40: {  	_ =	shalt  }
0x41: {  	_ =	shalt  }
0x42: {  	_ =	shalt  }
0x43: {  	_ =	shalt  }
0x44: {  	_ =	shalt  }
0x45: {  	_ =	shalt  }
0x46: {  	_ =	shalt  }
0x47: {  	_ =	shalt  }
0x48: {  	_ =	shalt  }
0x49: {  	_ =	shalt  }
0x4a: {  	_ =	shalt  }
0x4b: {  	_ =	shalt  }
0x4c: {  	_ =	shalt  }
0x4d: {  	_ =	shalt  }
0x4e: {  	_ =	shalt  }
0x4f: {  	_ =	shalt  }
0x50: {  	_ =	shalt  }
0x51: {  	_ =	shalt  }
0x52: {  	_ =	shalt  }
0x53: {  	_ =	shalt  }
0x54: {  	_ =	shalt  }
0x55: {  	_ =	shalt  }
0x56: {  	_ =	shalt  }
0x57: {  	_ =	shalt  }
0x58: {  	_ =	shalt  }
0x59: {  	_ =	shalt  }
0x5a: {  	_ =	shalt  }
0x5b: {  	_ =	shalt  }
0x5c: {  	_ =	shalt  }
0x5d: {  	_ =	shalt  }
0x5e: {  	_ =	shalt  }
0x5f: {  	_ =	shalt  }
0x60: {  	_ =	shalt  }
0x61: {  	_ =	shalt  }
0x62: {  	_ =	shalt  }
0x63: {  	_ =	shalt  }
0x64: {  	_ =	shalt  }
0x65: {  	_ =	shalt  }
0x66: {  	_ =	shalt  }
0x67: {  	_ =	shalt  }
0x68: {  	_ =	shalt  }
0x69: {  	_ =	shalt  }
0x6a: {  	_ =	shalt  }
0x6b: {  	_ =	shalt  }
0x6c: {  	_ =	shalt  }
0x6d: {  	_ =	shalt  }
0x6e: {  	_ =	shalt  }
0x6f: {  	_ =	shalt  }
0x70: {  	_ =	shalt  }
0x71: {  	_ =	shalt  }
0x72: {  	_ =	shalt  }
0x73: {  	_ =	shalt  }
0x74: {  	_ =	shalt  }
0x75: {  	_ =	shalt  }
0x76: {  	_ =	shalt  }
0x77: {  	_ =	shalt  }
0x78: {  	_ =	shalt  }
0x79: {  	_ =	shalt  }
0x7a: {  	_ =	shalt  }
0x7b: {  	_ =	shalt  }
0x7c: {  	_ =	shalt  }
0x7d: {  	_ =	shalt  }
0x7e: {  	_ =	shalt  }
0x7f: {  	_ =	shalt  }
0x80: {  	_ =	shalt  }
0x81: {  	_ =	shalt  }
0x82: {  	_ =	shalt  }
0x83: {  	_ =	shalt  }
0x84: {  	_ =	shalt  }
0x85: {  	_ =	shalt  }
0x86: {  	_ =	shalt  }
0x87: {  	_ =	shalt  }
.Lfunc_end0:
.L_simem_size_0:
called_computation_lowered:
.L_overlay_start_0:
0x88: {  	s2 =	sld [smem:$0x3FD9]  }
0x89: {  	s3 =	sld [smem:$0x3FFE];
	_ =	sdelay $0x1  }
0x8a: {  	s1 =	srdreg.scid  }
0x8b: {  	s0 =	sand.u32 $0x1, s1  }
0x8c: {  	s16 =	sshll.u32 s0, $0xA;
	s2 =	sadd.s32 s3, s2  }
0x8d: {  	s2 =	sadd.s32 s2, s16  }
0x8e: {  	[smem:$0x3FBD] =	sst s2  }
0x8f: {  	_ = 	snop  }
0x90: {  	(tm) =	ssettm $0x1  }
0x91: {  	s17 =	sld [smem:$0x3FFB];
	_ =	sdelay $0x3  }
0x92: {  	_ =	strace s17  }
0x93: {  	s2 =	sld [smem:$0x3FFC];
	_ =	sdelay $0x3  }
0x94: {  	_ =	strace s2  }
0x95: {  	s2 =	sld [smem:$0x3FFD];
	_ =	sdelay $0x3  }
0x96: {  	_ =	strace s2  }
0x97: {  	_ =	strace $0x8FFFFFFF  }
0x98: {  	s18 =	sld [smem:$0x3FDB];
	_ =	sdelay $0x1  }
0x99: {  	s19 =	simm.s32 $_scs_section_size  }
0x9a: {  	s4 =	simm.s32 $_size__tile_overlayer_lowered;
	s5 =	simm.s32 $_tile_overlayer_lowered  }
0x9b: {  	s22 =	simm.s32 $0x1BFF;
	s21 =	sshll.u32 s5, $0x1;
	s2 =	sadd.s32 s19, s18  }
0x9c: {  	s6 =	simm.s32 $0x0;
	s20 =	sshll.u32 s4, $0x1;
	s4 =	sadd.s32 s21, s2  }
0x9d: {  	[timem:s6], [sflag:s22] =	dma.local [hbm:s4], s20  }
0x9e: {  	_ =	swait.ge [sflag:s22], s20  }
0x9f: {  	s3 =	ssub.s32 $0x0, s20;
	[sflag:s22] =	ssyncset.done $0x0  }
0xa0: {  	[sflag:s22] =	ssyncadd.s32 s3;
	_ =	sdelay $0x1  }
0xa1: {  	s23 =	simm.s32 $0x1B8B  }
0xa2: {  	_ =	swait.ge [sflag:s23], $0x1  }
0xa3: {  	[sflag:s23] =	ssyncset.done $0x0  }
0xa4: {  	s25 =	simm.s32 $0x1B8E;
	s24 =	sld [smem:$0x3FFE];
	[sflag:s23] =	ssyncadd.s32 $0xFFFFFFFF  }
0xa5: {  	s26 =	simm.s32 $execute0_lowered;
	[smem:$0x3FD2] =	sst s25  }
0xa6: {  	s4 =	sshll.u32 s26, $0x1;
	_ =	strace $0x80000046;
	[dreg:$0x1] =	wrdreg $0xFFFFFFFF  }
0xa7: {  	s28 =	simm.s32 $_size_execute0_lowered;
	s2 =	sadd.s32 s2, s4;
	[dreg:$0x0] =	wrdreg $0x0  }
0xa8: {  	s4 =	sshll.u32 s28, $0x1;
	[dreg:$0x2] =	wrdreg s2  }
0xa9: {  	[dreg:$0x3] =	wrdreg s4  }
0xaa: {  	[dreg:$0x4] =	wrdreg $0xC0  }
0xab: {  	_ =	task [dreg:s6], $0x5FFFF  }
0xac: {  	[dreg:$0x1] =	wrdreg $0xFFFFFFFF  }
0xad: {  	[dreg:$0x0] =	wrdreg $0x60  }
0xae: {  	[dreg:$0x2] =	wrdreg s24  }
0xaf: {  	[dreg:$0x3] =	wrdreg $0x2B000  }
0xb0: {  	[dreg:$0x4] =	wrdreg $0x9  }
0xb1: {  	_ =	task.clear_ibuf [dreg:s6], $0x5FFFF;
	_ =	strace $0x90000046  }
0xb2: {  	s29 =	simm.s32 $0x9;
	_ =	strace $0x80000048  }
0xb3: {  	_ =	swait.ge [sflag:s29], $0x1  }
0xb4: {  	[sflag:s29] =	ssyncadd.s32 $0xFFFFFFFF  }
0xb5: {  	_ =	strace $0x90000048  }
0xb6: {  	_ =	sfence  }
0xb7: {  	s30 =	sld [smem:$0x0];
	_ =	sdelay $0x2  }
0xb8: {  	s31 =	sshll.u32 s1, $0xD;
	s1 =	sshrl.u32 s1, $0x2  }
0xb9: {  	s3 =	sand.u32 $0x4000, s31;
	s1 =	sadd.s32 s1, s30  }
0xba: {  	s0 =	sor.u32 s3, s0;
	s1 =	sshll.u32 s1, $0x11  }
0xbb: {  	s0 =	sor.u32 s1, s0  }
0xbc: {  	s0 =	sadd.s32 $0x8F2B, s0  }
0xbd: {  	[sflag:s0] =	ssyncadd.remote.s32 $0x1  }
0xbe: {  	_ =	sfence.sel $0xFFFF  }
0xbf: {  	[dreg:$0x0] =	wrdreg $0xFFFFFFFF;
	(pc) =	sbr.abs _section_cstart, $3  }
0xc0: {  	[dreg:$0x1] =	wrdreg $0xFFFFFFFF  }
0xc1: {  	_ =	task.clear_ibuf [dreg:s6], $0x2FFFF;
	_ =	strace $0x9FFFFFFF  }
0xc2: {  	(tm) =	ssettm $0x7FFFFFFF  }
0xc3: {  	_ =	shalt  }
tec
execute0_lowered:
.L_overlay_start_1:
0x0: {  	(tag) =	ssettag $0x1  }
0x1: {  	s4 =	rddreg [dreg:$0x0]  }
0x2: {  	s2 =	rddreg [dreg:$0x1];
	s3 =	srdreg.scid  }
0x3: {  	s1 =	stileid.u32;
	s0 =	rddreg [dreg:$0x2];
	s10 =	simm.s32 $0x300  }
0x4: {  	s11 =	simm.s32 $0x1;
	s5 =	sand.u32 $0x1, s3;
	s6 =	smul.u32 $0x278, s1  }
0x5: {  	s3 =	simm.s32 $0x0;
	s7 =	sshll.u32 s1, $0x1;
	s8 =	smul.u32 $0x2780, s5  }
0x6: {  	s12 =	simm.s32 $0x0;
	[smem:$0x7FF] =	sst s3;
	s7 =	sor.u32 s5, s7  }
0x7: {  	s5 =	ssub.s32 $0x2, s5;
	s7 =	smul.u32 $0x500, s7;
	s8 =	sadd.s32 s6, s8  }
0x8: {  	_ =	strace $0x80000047;
	s9 =	sshrl.u32 s5, $0x1;
	s8 =	sshrl.u32 s8, $0x3  }
0x9: {  	s9 =	ssub.s32 s5, s9;
	s7 =	sadd.s32 s7, s4;
	s8 =	sadd.s32 s8, s4  }
0xa: {  	s4 =	sadd.s32 s6, s2;
	s5 =	sadd.s32 $0xCE00, s7;
	s7 =	smax.u32 s9, $0x1  }
0xb: {  	v0 =	vimm.f32 $0.0e+00;
	v1 =	vimm.f32 $1.000000000e+00;
	s9 =	simm.s32 $0x2;
	s6 =	sadd.s32 $0x16E00, s8;
	s8 =	simm.s32 $0x80  }
.LBB2_1:
0xc: {  	[tilespmem:$0x80] =	vst v0  }
0xd: {  	[tilespmem:$0x90] =	vst v0  }
0xe: {  	[tilespmem:$0xA0] =	vst v0  }
0xf: {  	[tilespmem:$0xB0] =	vst v0  }
0x10: {  	[tilespmem:$0xC0] =	vst v0  }
0x11: {  	[tilespmem:$0xD0] =	vst v0  }
0x12: {  	[tilespmem:$0xE0] =	vst v0  }
0x13: {  	[tilespmem:$0xF0] =	vst v0  }
0x14: {  	[tilespmem:$0x100] =	vst v0  }
0x15: {  	[tilespmem:$0x110] =	vst v0  }
0x16: {  	[tilespmem:$0x120] =	vst v0  }
0x17: {  	[tilespmem:$0x130] =	vst v0  }
0x18: {  	[tilespmem:$0x140] =	vst v0  }
0x19: {  	[tilespmem:$0x150] =	vst v0  }
0x1a: {  	[tilespmem:$0x160] =	vst v0  }
0x1b: {  	[tilespmem:$0x170] =	vst v0  }
0x1c: {  	[tilespmem:$0x180] =	vst v0  }
0x1d: {  	[tilespmem:$0x190] =	vst v0  }
0x1e: {  	[tilespmem:$0x1A0] =	vst v0  }
0x1f: {  	[tilespmem:$0x1B0] =	vst v0  }
0x20: {  	[tilespmem:$0x1C0] =	vst v0  }
0x21: {  	[tilespmem:$0x1D0] =	vst v0  }
0x22: {  	[tilespmem:$0x1E0] =	vst v0  }
0x23: {  	[tilespmem:$0x1F0] =	vst v0  }
0x24: {  	[tilespmem:$0x200] =	vst v0  }
0x25: {  	[tilespmem:$0x210] =	vst v0  }
0x26: {  	[tilespmem:$0x220] =	vst v0  }
0x27: {  	[tilespmem:$0x230] =	vst v0  }
0x28: {  	[tilespmem:$0x240] =	vst v0  }
0x29: {  	[tilespmem:$0x250] =	vst v0  }
0x2a: {  	[tilespmem:$0x260] =	vst v0  }
0x2b: {  	[tilespmem:$0x270] =	vst v0  }
0x2c: {  	[tilespmem:$0x280] =	vst v0  }
0x2d: {  	[tilespmem:$0x290] =	vst v0  }
0x2e: {  	[tilespmem:$0x2A0] =	vst v0  }
0x2f: {  	[tilespmem:$0x2B0] =	vst v0  }
0x30: {  	[tilespmem:$0x2C0] =	vst v0  }
0x31: {  	[tilespmem:$0x2D0] =	vst v0  }
0x32: {  	[tilespmem:$0x2E0] =	vst v0  }
0x33: {  	[tilespmem:$0x2F0] =	vst v0  }
0x34: {  	[tilespmem:$0x0] =	vst v1  }
0x35: {  	[tilespmem:$0x10] =	vst v1  }
0x36: {  	[tilespmem:$0x20] =	vst v1  }
0x37: {  	[tilespmem:$0x30] =	vst v1  }
0x38: {  	[tilespmem:$0x40] =	vst v1  }
0x39: {  	[tilespmem:$0x50] =	vst v1  }
0x3a: {  	[tilespmem:$0x60] =	vst v1  }
0x3b: {  	[tilespmem:$0x70] =	vst v1  }
0x3c: {  	[spmem:s4] =	stream.linear.scatter [tilespmem:s8], [sflag:$0x2], $0x278, $0x38;
	[tilespmem:$0x2D78] =	vst v63  }
0x3d: {  	_ =	swait.ge [sflag:s9], $0x278  }
0x3e: {  	[sflag:s9] =	ssyncset.done $0x0  }
0x3f: {  	[sflag:s9] =	ssyncadd.s32 $0xFFFFFD88  }
0x40: {  	[tilespmem:s10], [sflag:$0x2] =	stream.linear.gather [hbm4b:s5+s3], $0x2800, $0x38;
	[tilespmem:$0x2D78] =	vst v63  }
0x41: {  	_ =	swait.ge [sflag:s9], $0x2800  }
0x42: {  	[sflag:s9] =	ssyncset.done $0x0  }
0x43: {  	[sflag:s9] =	ssyncadd.s32 $0xFFFFD800  }
0x44: {  	s13 =	simm.s32 $0x0;
	[bflag:$0x0] =	sbarrier.arrive $0xFFFF  }
.LBB2_2:
0x45: {  	p0 =	sne.s32 s13, $0x9E00  }
.Ltmp0:
0x46: {  	_ = 	snop;
	(pc) =	sbr.rel @p0 .LBB2_2-.Ltmp0, $4  }
0x47: {  	_ = 	snop  }
0x48: {  	s14 =	sshra.s32 s13, $0x2  }
0x49: {  	s13 =	sadd.s32 $0x200, s13;
	s14 =	sadd.s32 $0x300, s14  }
0x4a: {  	[spmem:s2] =	stream.indirect.scatter.add.f32 [tilespmem:s3], [sflag:$0x1], $0x1, s14, s8, $0xb8;
	[tilespmem:$0x2D78] =	vst v63  }
0x4b: {  	_ =	swait.ge [sflag:s11], $0x80  }
0x4c: {  	s13 =	simm.s32 $0x4F;
	[sflag:s11] =	ssyncset.done $0x0  }
.LBB2_4:
0x4d: {  	p0 =	sne.s32 s13, $0x1;
	s13 =	sadd.s32 $0xFFFFFFFF, s13;
	[sflag:s11] =	ssyncadd.s32 $0xFFFFFF80  }
.Ltmp1:
0x4e: {  	(pc) =	sbr.rel @p0 .LBB2_4-.Ltmp1, $3  }
0x4f: {  	_ =	sdelay $0x1  }
0x50: {  	_ =	swait.ge [sflag:s11], $0x80  }
0x51: {  	[sflag:s11] =	ssyncset.done $0x0  }
0x52: {  	[sflag:s11] =	ssyncadd.s32 $0xFFFFFF80  }
0x53: {  	[bflag:$0x0] =	sbarrier.arrive $0xFFFF  }
0x54: {  	[tilespmem:s8], [sflag:$0x2] =	stream.linear.gather [spmem:s4], $0x278, $0x38;
	[tilespmem:$0x2D78] =	vst v63  }
0x55: {  	s12 =	sadd.s32 $0x1, s12;
	_ =	swait.ge [sflag:s9], $0x278  }
0x56: {  	p0 =	sne.s32 s12, s7;
	[sflag:s9] =	ssyncset.done $0x0  }
.Ltmp2:
0x57: {  	[sflag:s9] =	ssyncadd.s32 $0xFFFFFD88;
	(pc) =	sbr.rel @p0 .LBB2_1-.Ltmp2, $4  }
0x58: {  	[hbm4b:s6+s3] =	stream.linear.scatter [tilespmem:s8], [sflag:$0x2], $0x278, $0x38;
	[tilespmem:$0x2D78] =	vst v63  }
0x59: {  	_ =	swait.ge [sflag:s9], $0x278  }
0x5a: {  	[sflag:s9] =	ssyncset.done $0x0  }
0x5b: {  	[sflag:s9] =	ssyncadd.s32 $0xFFFFFD88  }
0x5c: {  	_ =	sfence.sel $0x180000  }
0x5d: {  	[bflag:$0x0] =	sbarrier.arrive $0xFFFF  }
0x5e: {  	p0 =	sne.s32 s1, $0x0;
	_ =	strace $0x90000047  }
0x5f: {  	s0 =	sadd.s32 @!p0 $0x100000, s0;
	[bflag:$0x2] =	sbarrier.arrive $0xFFFF  }
0x60: {  	[sflag:s0] =	ssyncadd.tile.s32 @!p0 $0x1;
	_ =	shalt  }
.Lfunc_end2:
_tile_overlayer_lowered:
.L_overlay_start_2:
0x61: {  	(tag) =	ssettag $0x2  }
0x62: {  	s0 =	rddreg [dreg:$0x0];
	s2 =	stileid.u32  }
0x63: {  	s1 =	rddreg [dreg:$0x1];
	p0 =	sne.s32 s2, $0x0  }
0x64: {  	s3 =	rddreg [dreg:$0x2];
	[bflag:$0x3] =	sbarrier.arrive $0xFFFF;
	s2 =	simm.s32 @!p0 $0x1C02  }
0x65: {  	[timem:s3], [sflag:s2] =	dma.local @!p0 [hbm:s0], s1  }
0x66: {  	s0 =	simm.s32 @!p0 $0x2  }
0x67: {  	_ =	swait.ge @!p0 [sflag:s0], s1  }
0x68: {  	s1 =	ssub.s32 @!p0 $0x0, s1;
	[sflag:s0] =	ssyncset.done @!p0 $0x0  }
0x69: {  	[sflag:s0] =	ssyncadd.s32 @!p0 s1  }
0x6a: {  	[bflag:$0x3] =	sbarrier.arrive $0xFFFF  }
0x6b: {  	_ =	shalt  }

</sc_bundles>
